<compile_context>
chip_gen: v7x
topology: tpu7x:2x2x1
jax: 0.10.2.dev20260603
libtpu: 0.0.44.dev20260713+nightly
codegen_flags: <defaults>
</compile_context>

<pallas_src>
import functools

import jax
import jax.numpy as jnp
from jax import lax
from jax.experimental import pallas as pl
from jax.experimental.pallas import tpu as pltpu
from jax.experimental.pallas import tpu_sc as plsc

N = 100000
D = 128
NC = 2
NS = 16
NW = NC * NS
C = 128
BPW = N // NW
CPW = BPW // C
CTAIL = BPW - CPW * C
BPW_S = 3136
NST = NW * BPW_S

T1_ROWS = 120 * 16
T2_ROWS = 16 * 16 * 8
T3_ROWS = 1408
NUM_GROUPS = 3



def _build_body(w0_ref, w2p_ref, w3_ref, w6p_ref, w4_ref,
                w7_ref, w8p_ref, w1_ref, w5_ref, t1_ref, t2_ref, t3_ref):
    w2pv = w2p_ref[...]
    t1_ref[...] = jnp.concatenate(
        [w0_ref[min(a, 118):min(a, 118) + 1, :] + w2pv
         for a in range(120)], axis=0)
    w4v = w4_ref[...]
    inner128 = jnp.concatenate(
        [w6p_ref[j:j + 1, :] + w4v for j in range(16)], axis=0)
    t2_ref[...] = jnp.concatenate(
        [w3_ref[i:i + 1, :] + inner128 for i in range(16)], axis=0)
    inner8 = jnp.concatenate(
        [w1_ref[a:a + 1, :] + w5_ref[b:b + 1, :]
         for a in range(4) for b in range(2)], axis=0)
    mid = jnp.concatenate(
        [w8p_ref[j:j + 1, :] + inner8 for j in range(13)], axis=0)
    t3_ref[...] = jnp.concatenate(
        [w7_ref[i:i + 1, :] + mid for i in range(13)]
        + [jnp.zeros((T3_ROWS - 13 * 104, D), jnp.float32)], axis=0)


def _build_tables(w0, w2p, w3, w6p, w4, w7, w8p, w1, w5):
    return pl.pallas_call(
        _build_body,
        out_shape=[
            jax.ShapeDtypeStruct((T1_ROWS, D), jnp.float32),
            jax.ShapeDtypeStruct((T2_ROWS, D), jnp.float32),
            jax.ShapeDtypeStruct((T3_ROWS, D), jnp.float32),
        ],
    )(w0, w2p, w3, w6p, w4, w7, w8p, w1, w5)



def _embed_body(idx_hbm, t1, t2, t3, out_hbm,
                idx_v, cidx_v, acc0, acc1, acc2, spm1, spm2, spm3,
                sem_g0, sem_g1, sem_g2, sem_o0, sem_o1, sem_o2):
    accs = (acc0, acc1, acc2)
    gsems = (sem_g0, sem_g1, sem_g2)
    osems = (sem_o0, sem_o1, sem_o2)
    sid = lax.axis_index("s")
    wid = sid * NC + lax.axis_index("c")
    base = wid * BPW

    tables = (spm1, spm2, spm3)
    for t_hbm, t_spm, rows in ((t1, spm1, T1_ROWS // NS),
                               (t2, spm2, T2_ROWS // NS),
                               (t3, spm3, T3_ROWS // NS)):
        pltpu.sync_copy(t_hbm.at[pl.ds(sid * rows, rows)],
                        t_spm.at[pl.ds(sid * rows, rows)])

    for f in range(9):
        pltpu.sync_copy(idx_hbm.at[pl.ds(f * NST + wid * BPW_S, BPW_S)],
                        idx_v.at[pl.ds(f * BPW_S, BPW_S)])

    plsc.subcore_barrier()

    def cidx_body(j, carry):
        o = j * 16
        i0 = idx_v[pl.ds(0 * BPW_S + o, 16)]
        i2 = idx_v[pl.ds(2 * BPW_S + o, 16)]
        cidx_v[pl.ds(0 * BPW_S + o, 16)] = i0 * 16 + i2
        i3 = idx_v[pl.ds(3 * BPW_S + o, 16)]
        i6 = idx_v[pl.ds(6 * BPW_S + o, 16)]
        i4 = idx_v[pl.ds(4 * BPW_S + o, 16)]
        cidx_v[pl.ds(1 * BPW_S + o, 16)] = i3 * 128 + i6 * 8 + i4
        i7 = idx_v[pl.ds(7 * BPW_S + o, 16)]
        i8 = idx_v[pl.ds(8 * BPW_S + o, 16)]
        i1 = idx_v[pl.ds(1 * BPW_S + o, 16)]
        i5 = idx_v[pl.ds(5 * BPW_S + o, 16)]
        cidx_v[pl.ds(2 * BPW_S + o, 16)] = i7 * 104 + i8 * 8 + i1 * 2 + i5
        return carry

    lax.fori_loop(0, BPW_S // 16, cidx_body, 0)

    tables_hbm = (t1, t2, t3)

    def fire_g(g, c, buf, add, n):
        cb = c * C
        src = tables_hbm if c % 3 == 2 else tables
        return pltpu.async_copy(
            src[g].at[cidx_v.at[pl.ds(g * BPW_S + cb, n)]],
            accs[buf].at[pl.ds(0, n)], gsems[buf], add=add)

    nchunks = CPW + 1
    sizes = [C] * CPW + [CTAIL]
    NB = 3
    out_descs = [None] * NB
    f0_descs = [None] * NB
    adds_descs = [None] * nchunks

    def fire_out(c):
        cb = c * C
        return pltpu.async_copy(
            accs[c % NB].at[pl.ds(0, sizes[c])],
            out_hbm.at[pl.ds(base + cb, sizes[c])], osems[c % NB])

    f0_descs[0] = fire_g(0, 0, 0 % NB, False, sizes[0])
    for c in range(nchunks):
        buf = c % NB
        f0_descs[buf].wait()
        adds_descs[c] = [fire_g(g, c, buf, True, sizes[c])
                         for g in range(1, NUM_GROUPS)]
        if c + 1 < nchunks:
            b1 = (c + 1) % NB
            if out_descs[b1] is not None:
                out_descs[b1].wait()
            f0_descs[b1] = fire_g(0, c + 1, b1, False, sizes[c + 1])
        if c >= 1:
            for d in adds_descs[c - 1]:
                d.wait()
            out_descs[(c - 1) % NB] = fire_out(c - 1)
    for d in adds_descs[nchunks - 1]:
        d.wait()
    out_descs[(nchunks - 1) % NB] = fire_out(nchunks - 1)
    for d in out_descs:
        if d is not None:
            d.wait()


_embed = functools.partial(
    pl.kernel,
    out_type=jax.ShapeDtypeStruct((N, D), jnp.float32),
    mesh=plsc.VectorSubcoreMesh(core_axis_name="c", subcore_axis_name="s"),
    compiler_params=pltpu.CompilerParams(use_tc_tiling_on_sc=False),
    scratch_types=[
        pltpu.VMEM((9 * BPW_S,), jnp.int32),
        pltpu.VMEM((NUM_GROUPS * BPW_S,), jnp.int32),
        pltpu.VMEM((C, D), jnp.float32),
        pltpu.VMEM((C, D), jnp.float32),
        pltpu.VMEM((C, D), jnp.float32),
        pltpu.MemorySpace.VMEM_SHARED((T1_ROWS, D), jnp.float32),
        pltpu.MemorySpace.VMEM_SHARED((T2_ROWS, D), jnp.float32),
        pltpu.MemorySpace.VMEM_SHARED((T3_ROWS, D), jnp.float32),
        pltpu.SemaphoreType.DMA,
        pltpu.SemaphoreType.DMA,
        pltpu.SemaphoreType.DMA,
        pltpu.SemaphoreType.DMA,
        pltpu.SemaphoreType.DMA,
        pltpu.SemaphoreType.DMA,
    ],
)(_embed_body)


def kernel(idx_atomic_num, W_atomic_num, idx_chiral_tag, W_chiral_tag,
           idx_degree, W_degree, idx_formal_charge, W_formal_charge,
           idx_hybridization, W_hybridization, idx_is_aromatic, W_is_aromatic,
           idx_total_numHs, W_total_numHs, idx_explicit_valence,
           W_explicit_valence, idx_implicit_valence, W_implicit_valence):
    idxs = (idx_atomic_num, idx_chiral_tag, idx_degree, idx_formal_charge,
            idx_hybridization, idx_is_aromatic, idx_total_numHs,
            idx_explicit_valence, idx_implicit_valence)
    w0 = W_atomic_num[:119]
    w2p = jnp.pad(W_degree[:11], ((0, 5), (0, 0)))
    w3 = W_formal_charge[:16]
    w6p = jnp.pad(W_total_numHs[:9], ((0, 7), (0, 0)))
    w4 = W_hybridization[:8]
    w7 = W_explicit_valence[:13]
    w8p = jnp.pad(W_implicit_valence[:13], ((0, 3), (0, 0)))
    w1 = W_chiral_tag[:4]
    w5 = W_is_aromatic[:2]

    t1, t2, t3 = _build_tables(w0, w2p, w3, w6p, w4, w7, w8p, w1, w5)

    idx_stack = jnp.concatenate(
        [jnp.pad(i.astype(jnp.int32).reshape(NW, BPW),
                 ((0, 0), (0, BPW_S - BPW))).reshape(-1) for i in idxs])
    return _embed(idx_stack, t1, t2, t3)

# --- scband reference (transcript-rebuilt; emitter-appended) ---
"""Pipeline reference for scband-features-embedding-87754771792383 (READ-ONLY COPY).

The authoritative reference and input builder live on the scoring server;
editing this copy changes nothing except your own understanding.
"""

import jax, jax.numpy as jnp
import numpy as np

FEATS = {"atomic_num": 119, "chiral_tag": 4, "degree": 11, "formal_charge": 16, "hybridization": 8, "is_aromatic": 2, "total_numHs": 9, "explicit_valence": 13, "implicit_valence": 13}
N = 100000
EMBED_DIM = 128
FEAT_PADDING = 5


def setup_inputs(seed: int = 0) -> dict:
    key = jax.random.key(seed)
    inp = {}
    for i, (name, vocab) in enumerate(FEATS.items()):
        k_idx = jax.random.fold_in(key, i)
        inp["idx_" + name] = jax.random.randint(k_idx, (N,), 0, vocab, dtype=jnp.int64 if jax.config.jax_enable_x64 else jnp.int32)
        num_embeddings = vocab + FEAT_PADDING
        # Xavier uniform init, matching nn.init.xavier_uniform_
        limit = float(np.sqrt(6.0 / (num_embeddings + EMBED_DIM)))
        k_w = jax.random.fold_in(key, 1000 + i)
        inp["W_" + name] = jax.random.uniform(k_w, (num_embeddings, EMBED_DIM), minval=-limit, maxval=limit, dtype=jnp.float32)
    return inp


def reference(
    idx_atomic_num, W_atomic_num,
    idx_chiral_tag, W_chiral_tag,
    idx_degree, W_degree,
    idx_formal_charge, W_formal_charge,
    idx_hybridization, W_hybridization,
    idx_is_aromatic, W_is_aromatic,
    idx_total_numHs, W_total_numHs,
    idx_explicit_valence, W_explicit_valence,
    idx_implicit_valence, W_implicit_valence,
) -> jnp.ndarray:
    # Faithful translation of FeaturesEmbedding.forward: sum of per-feature
    # embedding lookups into a single (num_elements, embed_dim) tensor.
    kwargs = {
        "idx_atomic_num": idx_atomic_num, "W_atomic_num": W_atomic_num,
        "idx_chiral_tag": idx_chiral_tag, "W_chiral_tag": W_chiral_tag,
        "idx_degree": idx_degree, "W_degree": W_degree,
        "idx_formal_charge": idx_formal_charge, "W_formal_charge": W_formal_charge,
        "idx_hybridization": idx_hybridization, "W_hybridization": W_hybridization,
        "idx_is_aromatic": idx_is_aromatic, "W_is_aromatic": W_is_aromatic,
        "idx_total_numHs": idx_total_numHs, "W_total_numHs": W_total_numHs,
        "idx_explicit_valence": idx_explicit_valence, "W_explicit_valence": W_explicit_valence,
        "idx_implicit_valence": idx_implicit_valence, "W_implicit_valence": W_implicit_valence,
    }
    out = jnp.zeros((N, EMBED_DIM), dtype=jnp.float32)
    for name in FEATS:
        W = kwargs["W_" + name]
        idx = kwargs["idx_" + name]
        out = out + jnp.take(W, idx, axis=0)
    return out

if __name__ == "__main__":
    import jax
    _d = setup_inputs()
    print(jax.jit(kernel)(*tuple(_d.values())))

</pallas_src>

<mosaic_0001>
#map = affine_map<(d0, d1) -> (0)>
#map1 = affine_map<(d0, d1) -> (0, 0)>
module attributes {stable_mosaic.version = 14 : i64} {
  func.func @_embed_body(%arg0: i32, %arg1: i32, %arg2: memref<903168xi32, #tpu.memory_space<hbm>>, %arg3: memref<1920x128xf32, #tpu.memory_space<hbm>>, %arg4: memref<2048x128xf32, #tpu.memory_space<hbm>>, %arg5: memref<1408x128xf32, #tpu.memory_space<hbm>>, %arg6: memref<100000x128xf32, #tpu.memory_space<hbm>>, %arg7: memref<28224xi32, #tpu.memory_space<vmem>>, %arg8: memref<9408xi32, #tpu.memory_space<vmem>>, %arg9: memref<128x128xf32, #tpu.memory_space<vmem>>, %arg10: memref<128x128xf32, #tpu.memory_space<vmem>>, %arg11: memref<128x128xf32, #tpu.memory_space<vmem>>, %arg12: memref<1920x128xf32, #tpu.memory_space<vmem_shared>>, %arg13: memref<2048x128xf32, #tpu.memory_space<vmem_shared>>, %arg14: memref<1408x128xf32, #tpu.memory_space<vmem_shared>>, %arg15: memref<!tpu.dma_semaphore, #tpu.memory_space<semaphore_mem>>, %arg16: memref<!tpu.dma_semaphore, #tpu.memory_space<semaphore_mem>>, %arg17: memref<!tpu.dma_semaphore, #tpu.memory_space<semaphore_mem>>, %arg18: memref<!tpu.dma_semaphore, #tpu.memory_space<semaphore_mem>>, %arg19: memref<!tpu.dma_semaphore, #tpu.memory_space<semaphore_mem>>, %arg20: memref<!tpu.dma_semaphore, #tpu.memory_space<semaphore_mem>>) attributes {dimension_semantics = [#tpu.dimension_semantics<core_parallel>, #tpu.dimension_semantics<subcore_parallel>], iteration_bounds = array<i64: 2, 16>, scalar_prefetch = 0 : i64, scratch_operands = 14 : i64, tpu.core_type = #tpu.core_type<sc_vector_subcore>, window_params = [{transform_indices = #map}, {transform_indices = #map1}, {transform_indices = #map1}, {transform_indices = #map1}, {transform_indices = #map1}]} {
    %mul3A = arith.constant 2 : i32
    %mul3A_0 = arith.muli %arg1, %mul3A : i32
    %add3A = arith.addi %mul3A_0, %arg0 : i32
    %mul3A_1 = arith.constant 3125 : i32
    %mul3A_2 = arith.muli %add3A, %mul3A_1 : i32
    %mul3A_3 = arith.constant 120 : i32
    %mul3A_4 = arith.muli %arg1, %mul3A_3 : i32
    %mul3A_5 = arith.constant 120 : i32
    %mul3A_6 = arith.muli %arg1, %mul3A_5 : i32
    "tpu.region"() ({
      %run_scoped3A = tpu.sem_alloc : memref<!tpu.dma_semaphore, #tpu.memory_space<semaphore_mem>>
      %dma_start3A_1804 = arith.constant 0 : i32
      %dma_start3A_1805 = tpu.memref_slice %arg12[%mul3A_6, %dma_start3A_1804] : memref<1920x128xf32, #tpu.memory_space<vmem_shared>> -> memref<120x128xf32, #tpu.memory_space<vmem_shared>>
      %dma_start3A_1806 = arith.constant 0 : i32
      %dma_start3A_1807 = tpu.memref_slice %arg3[%mul3A_4, %dma_start3A_1806] : memref<1920x128xf32, #tpu.memory_space<hbm>> -> memref<120x128xf32, #tpu.memory_space<hbm>>
      tpu.enqueue_dma source(%dma_start3A_1807 : memref<120x128xf32, #tpu.memory_space<hbm>>) target(%dma_start3A_1805 : memref<120x128xf32, #tpu.memory_space<vmem_shared>>) target_semaphore(%run_scoped3A : memref<!tpu.dma_semaphore, #tpu.memory_space<semaphore_mem>>)
      %dma_wait3A_1808 = arith.constant 0 : i32
      %dma_wait3A_1809 = tpu.memref_slice %arg12[%mul3A_6, %dma_wait3A_1808] : memref<1920x128xf32, #tpu.memory_space<vmem_shared>> -> memref<120x128xf32, #tpu.memory_space<vmem_shared>>
      %dma_wait3A_1810 = arith.constant 0 : i32
      %dma_wait3A_1811 = tpu.memref_slice %arg3[%mul3A_4, %dma_wait3A_1810] : memref<1920x128xf32, #tpu.memory_space<hbm>> -> memref<120x128xf32, #tpu.memory_space<hbm>>
      tpu.wait_dma2 semaphore(%run_scoped3A : memref<!tpu.dma_semaphore, #tpu.memory_space<semaphore_mem>>) src(%dma_wait3A_1811 : memref<120x128xf32, #tpu.memory_space<hbm>>) dst(%dma_wait3A_1809 : memref<120x128xf32, #tpu.memory_space<vmem_shared>>)
      tpu.yield
    }) : () -> ()
    %mul3A_7 = arith.constant 128 : i32
    %mul3A_8 = arith.muli %arg1, %mul3A_7 : i32
    %mul3A_9 = arith.constant 128 : i32
    %mul3A_10 = arith.muli %arg1, %mul3A_9 : i32
    "tpu.region"() ({
      %run_scoped3A = tpu.sem_alloc : memref<!tpu.dma_semaphore, #tpu.memory_space<semaphore_mem>>
      %dma_start3A_1804 = arith.constant 0 : i32
      %dma_start3A_1805 = tpu.memref_slice %arg13[%mul3A_10, %dma_start3A_1804] : memref<2048x128xf32, #tpu.memory_space<vmem_shared>> -> memref<128x128xf32, #tpu.memory_space<vmem_shared>>
      %dma_start3A_1806 = arith.constant 0 : i32
      %dma_start3A_1807 = tpu.memref_slice %arg4[%mul3A_8, %dma_start3A_1806] : memref<2048x128xf32, #tpu.memory_space<hbm>> -> memref<128x128xf32, #tpu.memory_space<hbm>>
      tpu.enqueue_dma source(%dma_start3A_1807 : memref<128x128xf32, #tpu.memory_space<hbm>>) target(%dma_start3A_1805 : memref<128x128xf32, #tpu.memory_space<vmem_shared>>) target_semaphore(%run_scoped3A : memref<!tpu.dma_semaphore, #tpu.memory_space<semaphore_mem>>)
      %dma_wait3A_1808 = arith.constant 0 : i32
      %dma_wait3A_1809 = tpu.memref_slice %arg13[%mul3A_10, %dma_wait3A_1808] : memref<2048x128xf32, #tpu.memory_space<vmem_shared>> -> memref<128x128xf32, #tpu.memory_space<vmem_shared>>
      %dma_wait3A_1810 = arith.constant 0 : i32
      %dma_wait3A_1811 = tpu.memref_slice %arg4[%mul3A_8, %dma_wait3A_1810] : memref<2048x128xf32, #tpu.memory_space<hbm>> -> memref<128x128xf32, #tpu.memory_space<hbm>>
      tpu.wait_dma2 semaphore(%run_scoped3A : memref<!tpu.dma_semaphore, #tpu.memory_space<semaphore_mem>>) src(%dma_wait3A_1811 : memref<128x128xf32, #tpu.memory_space<hbm>>) dst(%dma_wait3A_1809 : memref<128x128xf32, #tpu.memory_space<vmem_shared>>)
      tpu.yield
    }) : () -> ()
    %mul3A_11 = arith.constant 88 : i32
    %mul3A_12 = arith.muli %arg1, %mul3A_11 : i32
    %mul3A_13 = arith.constant 88 : i32
    %mul3A_14 = arith.muli %arg1, %mul3A_13 : i32
    "tpu.region"() ({
      %run_scoped3A = tpu.sem_alloc : memref<!tpu.dma_semaphore, #tpu.memory_space<semaphore_mem>>
      %dma_start3A_1804 = arith.constant 0 : i32
      %dma_start3A_1805 = tpu.memref_slice %arg14[%mul3A_14, %dma_start3A_1804] : memref<1408x128xf32, #tpu.memory_space<vmem_shared>> -> memref<88x128xf32, #tpu.memory_space<vmem_shared>>
      %dma_start3A_1806 = arith.constant 0 : i32
      %dma_start3A_1807 = tpu.memref_slice %arg5[%mul3A_12, %dma_start3A_1806] : memref<1408x128xf32, #tpu.memory_space<hbm>> -> memref<88x128xf32, #tpu.memory_space<hbm>>
      tpu.enqueue_dma source(%dma_start3A_1807 : memref<88x128xf32, #tpu.memory_space<hbm>>) target(%dma_start3A_1805 : memref<88x128xf32, #tpu.memory_space<vmem_shared>>) target_semaphore(%run_scoped3A : memref<!tpu.dma_semaphore, #tpu.memory_space<semaphore_mem>>)
      %dma_wait3A_1808 = arith.constant 0 : i32
      %dma_wait3A_1809 = tpu.memref_slice %arg14[%mul3A_14, %dma_wait3A_1808] : memref<1408x128xf32, #tpu.memory_space<vmem_shared>> -> memref<88x128xf32, #tpu.memory_space<vmem_shared>>
      %dma_wait3A_1810 = arith.constant 0 : i32
      %dma_wait3A_1811 = tpu.memref_slice %arg5[%mul3A_12, %dma_wait3A_1810] : memref<1408x128xf32, #tpu.memory_space<hbm>> -> memref<88x128xf32, #tpu.memory_space<hbm>>
      tpu.wait_dma2 semaphore(%run_scoped3A : memref<!tpu.dma_semaphore, #tpu.memory_space<semaphore_mem>>) src(%dma_wait3A_1811 : memref<88x128xf32, #tpu.memory_space<hbm>>) dst(%dma_wait3A_1809 : memref<88x128xf32, #tpu.memory_space<vmem_shared>>)
      tpu.yield
    }) : () -> ()
    %mul3A_15 = arith.constant 3136 : i32
    %mul3A_16 = arith.muli %add3A, %mul3A_15 : i32
    %add3A_17 = arith.constant 0 : i32
    %add3A_18 = arith.addi %add3A_17, %mul3A_16 : i32
    "tpu.region"() ({
      %run_scoped3A = tpu.sem_alloc : memref<!tpu.dma_semaphore, #tpu.memory_space<semaphore_mem>>
      %dma_start3A_1804 = arith.constant 0 : i32
      %dma_start3A_1805 = tpu.memref_slice %arg7[%dma_start3A_1804] : memref<28224xi32, #tpu.memory_space<vmem>> -> memref<3136xi32, #tpu.memory_space<vmem>>
      %dma_start3A_1806 = tpu.memref_slice %arg2[%add3A_18] : memref<903168xi32, #tpu.memory_space<hbm>> -> memref<3136xi32, #tpu.memory_space<hbm>>
      %dma_start3A_1807 = arith.constant 0 : i32
      %dma_start3A_1808 = tpu.memref_slice %arg7[%dma_start3A_1807] : memref<28224xi32, #tpu.memory_space<vmem>> -> memref<3136xi32, #tpu.memory_space<vmem>>
      %dma_start3A_1809 = tpu.memref_slice %arg2[%add3A_18] : memref<903168xi32, #tpu.memory_space<hbm>> -> memref<3136xi32, #tpu.memory_space<hbm>>
      tpu.enqueue_dma source(%dma_start3A_1809 : memref<3136xi32, #tpu.memory_space<hbm>>) target(%dma_start3A_1808 : memref<3136xi32, #tpu.memory_space<vmem>>) target_semaphore(%run_scoped3A : memref<!tpu.dma_semaphore, #tpu.memory_space<semaphore_mem>>)
      %dma_wait3A_1810 = arith.constant 0 : i32
      %dma_wait3A_1811 = tpu.memref_slice %arg7[%dma_wait3A_1810] : memref<28224xi32, #tpu.memory_space<vmem>> -> memref<3136xi32, #tpu.memory_space<vmem>>
      %dma_wait3A_1812 = tpu.memref_slice %arg2[%add3A_18] : memref<903168xi32, #tpu.memory_space<hbm>> -> memref<3136xi32, #tpu.memory_space<hbm>>
      %dma_wait3A_1813 = arith.constant 0 : i32
      %dma_wait3A_1814 = tpu.memref_slice %arg7[%dma_wait3A_1813] : memref<28224xi32, #tpu.memory_space<vmem>> -> memref<3136xi32, #tpu.memory_space<vmem>>
      %dma_wait3A_1815 = tpu.memref_slice %arg2[%add3A_18] : memref<903168xi32, #tpu.memory_space<hbm>> -> memref<3136xi32, #tpu.memory_space<hbm>>
      tpu.wait_dma2 semaphore(%run_scoped3A : memref<!tpu.dma_semaphore, #tpu.memory_space<semaphore_mem>>) src(%dma_wait3A_1815 : memref<3136xi32, #tpu.memory_space<hbm>>) dst(%dma_wait3A_1814 : memref<3136xi32, #tpu.memory_space<vmem>>)
      tpu.yield
    }) : () -> ()
    %mul3A_19 = arith.constant 3136 : i32
    %mul3A_20 = arith.muli %add3A, %mul3A_19 : i32
    %add3A_21 = arith.constant 100352 : i32
    %add3A_22 = arith.addi %add3A_21, %mul3A_20 : i32
    "tpu.region"() ({
      %run_scoped3A = tpu.sem_alloc : memref<!tpu.dma_semaphore, #tpu.memory_space<semaphore_mem>>
      %dma_start3A_1804 = arith.constant 3136 : i32
      %dma_start3A_1805 = tpu.memref_slice %arg7[%dma_start3A_1804] : memref<28224xi32, #tpu.memory_space<vmem>> -> memref<3136xi32, #tpu.memory_space<vmem>>
      %dma_start3A_1806 = tpu.memref_slice %arg2[%add3A_22] : memref<903168xi32, #tpu.memory_space<hbm>> -> memref<3136xi32, #tpu.memory_space<hbm>>
      %dma_start3A_1807 = arith.constant 3136 : i32
      %dma_start3A_1808 = tpu.memref_slice %arg7[%dma_start3A_1807] : memref<28224xi32, #tpu.memory_space<vmem>> -> memref<3136xi32, #tpu.memory_space<vmem>>
      %dma_start3A_1809 = tpu.memref_slice %arg2[%add3A_22] : memref<903168xi32, #tpu.memory_space<hbm>> -> memref<3136xi32, #tpu.memory_space<hbm>>
      tpu.enqueue_dma source(%dma_start3A_1809 : memref<3136xi32, #tpu.memory_space<hbm>>) target(%dma_start3A_1808 : memref<3136xi32, #tpu.memory_space<vmem>>) target_semaphore(%run_scoped3A : memref<!tpu.dma_semaphore, #tpu.memory_space<semaphore_mem>>)
      %dma_wait3A_1810 = arith.constant 3136 : i32
      %dma_wait3A_1811 = tpu.memref_slice %arg7[%dma_wait3A_1810] : memref<28224xi32, #tpu.memory_space<vmem>> -> memref<3136xi32, #tpu.memory_space<vmem>>
      %dma_wait3A_1812 = tpu.memref_slice %arg2[%add3A_22] : memref<903168xi32, #tpu.memory_space<hbm>> -> memref<3136xi32, #tpu.memory_space<hbm>>
      %dma_wait3A_1813 = arith.constant 3136 : i32
      %dma_wait3A_1814 = tpu.memref_slice %arg7[%dma_wait3A_1813] : memref<28224xi32, #tpu.memory_space<vmem>> -> memref<3136xi32, #tpu.memory_space<vmem>>
      %dma_wait3A_1815 = tpu.memref_slice %arg2[%add3A_22] : memref<903168xi32, #tpu.memory_space<hbm>> -> memref<3136xi32, #tpu.memory_space<hbm>>
      tpu.wait_dma2 semaphore(%run_scoped3A : memref<!tpu.dma_semaphore, #tpu.memory_space<semaphore_mem>>) src(%dma_wait3A_1815 : memref<3136xi32, #tpu.memory_space<hbm>>) dst(%dma_wait3A_1814 : memref<3136xi32, #tpu.memory_space<vmem>>)
      tpu.yield
    }) : () -> ()
    %mul3A_23 = arith.constant 3136 : i32
    %mul3A_24 = arith.muli %add3A, %mul3A_23 : i32
    %add3A_25 = arith.constant 200704 : i32
    %add3A_26 = arith.addi %add3A_25, %mul3A_24 : i32
    "tpu.region"() ({
      %run_scoped3A = tpu.sem_alloc : memref<!tpu.dma_semaphore, #tpu.memory_space<semaphore_mem>>
      %dma_start3A_1804 = arith.constant 6272 : i32
      %dma_start3A_1805 = tpu.memref_slice %arg7[%dma_start3A_1804] : memref<28224xi32, #tpu.memory_space<vmem>> -> memref<3136xi32, #tpu.memory_space<vmem>>
      %dma_start3A_1806 = tpu.memref_slice %arg2[%add3A_26] : memref<903168xi32, #tpu.memory_space<hbm>> -> memref<3136xi32, #tpu.memory_space<hbm>>
      %dma_start3A_1807 = arith.constant 6272 : i32
      %dma_start3A_1808 = tpu.memref_slice %arg7[%dma_start3A_1807] : memref<28224xi32, #tpu.memory_space<vmem>> -> memref<3136xi32, #tpu.memory_space<vmem>>
      %dma_start3A_1809 = tpu.memref_slice %arg2[%add3A_26] : memref<903168xi32, #tpu.memory_space<hbm>> -> memref<3136xi32, #tpu.memory_space<hbm>>
      tpu.enqueue_dma source(%dma_start3A_1809 : memref<3136xi32, #tpu.memory_space<hbm>>) target(%dma_start3A_1808 : memref<3136xi32, #tpu.memory_space<vmem>>) target_semaphore(%run_scoped3A : memref<!tpu.dma_semaphore, #tpu.memory_space<semaphore_mem>>)
      %dma_wait3A_1810 = arith.constant 6272 : i32
      %dma_wait3A_1811 = tpu.memref_slice %arg7[%dma_wait3A_1810] : memref<28224xi32, #tpu.memory_space<vmem>> -> memref<3136xi32, #tpu.memory_space<vmem>>
      %dma_wait3A_1812 = tpu.memref_slice %arg2[%add3A_26] : memref<903168xi32, #tpu.memory_space<hbm>> -> memref<3136xi32, #tpu.memory_space<hbm>>
      %dma_wait3A_1813 = arith.constant 6272 : i32
      %dma_wait3A_1814 = tpu.memref_slice %arg7[%dma_wait3A_1813] : memref<28224xi32, #tpu.memory_space<vmem>> -> memref<3136xi32, #tpu.memory_space<vmem>>
      %dma_wait3A_1815 = tpu.memref_slice %arg2[%add3A_26] : memref<903168xi32, #tpu.memory_space<hbm>> -> memref<3136xi32, #tpu.memory_space<hbm>>
      tpu.wait_dma2 semaphore(%run_scoped3A : memref<!tpu.dma_semaphore, #tpu.memory_space<semaphore_mem>>) src(%dma_wait3A_1815 : memref<3136xi32, #tpu.memory_space<hbm>>) dst(%dma_wait3A_1814 : memref<3136xi32, #tpu.memory_space<vmem>>)
      tpu.yield
    }) : () -> ()
    %mul3A_27 = arith.constant 3136 : i32
    %mul3A_28 = arith.muli %add3A, %mul3A_27 : i32
    %add3A_29 = arith.constant 301056 : i32
    %add3A_30 = arith.addi %add3A_29, %mul3A_28 : i32
    "tpu.region"() ({
      %run_scoped3A = tpu.sem_alloc : memref<!tpu.dma_semaphore, #tpu.memory_space<semaphore_mem>>
      %dma_start3A_1804 = arith.constant 9408 : i32
      %dma_start3A_1805 = tpu.memref_slice %arg7[%dma_start3A_1804] : memref<28224xi32, #tpu.memory_space<vmem>> -> memref<3136xi32, #tpu.memory_space<vmem>>
      %dma_start3A_1806 = tpu.memref_slice %arg2[%add3A_30] : memref<903168xi32, #tpu.memory_space<hbm>> -> memref<3136xi32, #tpu.memory_space<hbm>>
      %dma_start3A_1807 = arith.constant 9408 : i32
      %dma_start3A_1808 = tpu.memref_slice %arg7[%dma_start3A_1807] : memref<28224xi32, #tpu.memory_space<vmem>> -> memref<3136xi32, #tpu.memory_space<vmem>>
      %dma_start3A_1809 = tpu.memref_slice %arg2[%add3A_30] : memref<903168xi32, #tpu.memory_space<hbm>> -> memref<3136xi32, #tpu.memory_space<hbm>>
      tpu.enqueue_dma source(%dma_start3A_1809 : memref<3136xi32, #tpu.memory_space<hbm>>) target(%dma_start3A_1808 : memref<3136xi32, #tpu.memory_space<vmem>>) target_semaphore(%run_scoped3A : memref<!tpu.dma_semaphore, #tpu.memory_space<semaphore_mem>>)
      %dma_wait3A_1810 = arith.constant 9408 : i32
      %dma_wait3A_1811 = tpu.memref_slice %arg7[%dma_wait3A_1810] : memref<28224xi32, #tpu.memory_space<vmem>> -> memref<3136xi32, #tpu.memory_space<vmem>>
      %dma_wait3A_1812 = tpu.memref_slice %arg2[%add3A_30] : memref<903168xi32, #tpu.memory_space<hbm>> -> memref<3136xi32, #tpu.memory_space<hbm>>
      %dma_wait3A_1813 = arith.constant 9408 : i32
      %dma_wait3A_1814 = tpu.memref_slice %arg7[%dma_wait3A_1813] : memref<28224xi32, #tpu.memory_space<vmem>> -> memref<3136xi32, #tpu.memory_space<vmem>>
      %dma_wait3A_1815 = tpu.memref_slice %arg2[%add3A_30] : memref<903168xi32, #tpu.memory_space<hbm>> -> memref<3136xi32, #tpu.memory_space<hbm>>
      tpu.wait_dma2 semaphore(%run_scoped3A : memref<!tpu.dma_semaphore, #tpu.memory_space<semaphore_mem>>) src(%dma_wait3A_1815 : memref<3136xi32, #tpu.memory_space<hbm>>) dst(%dma_wait3A_1814 : memref<3136xi32, #tpu.memory_space<vmem>>)
      tpu.yield
    }) : () -> ()
    %mul3A_31 = arith.constant 3136 : i32
    %mul3A_32 = arith.muli %add3A, %mul3A_31 : i32
    %add3A_33 = arith.constant 401408 : i32
    %add3A_34 = arith.addi %add3A_33, %mul3A_32 : i32
    "tpu.region"() ({
      %run_scoped3A = tpu.sem_alloc : memref<!tpu.dma_semaphore, #tpu.memory_space<semaphore_mem>>
      %dma_start3A_1804 = arith.constant 12544 : i32
      %dma_start3A_1805 = tpu.memref_slice %arg7[%dma_start3A_1804] : memref<28224xi32, #tpu.memory_space<vmem>> -> memref<3136xi32, #tpu.memory_space<vmem>>
      %dma_start3A_1806 = tpu.memref_slice %arg2[%add3A_34] : memref<903168xi32, #tpu.memory_space<hbm>> -> memref<3136xi32, #tpu.memory_space<hbm>>
      %dma_start3A_1807 = arith.constant 12544 : i32
      %dma_start3A_1808 = tpu.memref_slice %arg7[%dma_start3A_1807] : memref<28224xi32, #tpu.memory_space<vmem>> -> memref<3136xi32, #tpu.memory_space<vmem>>
      %dma_start3A_1809 = tpu.memref_slice %arg2[%add3A_34] : memref<903168xi32, #tpu.memory_space<hbm>> -> memref<3136xi32, #tpu.memory_space<hbm>>
      tpu.enqueue_dma source(%dma_start3A_1809 : memref<3136xi32, #tpu.memory_space<hbm>>) target(%dma_start3A_1808 : memref<3136xi32, #tpu.memory_space<vmem>>) target_semaphore(%run_scoped3A : memref<!tpu.dma_semaphore, #tpu.memory_space<semaphore_mem>>)
      %dma_wait3A_1810 = arith.constant 12544 : i32
      %dma_wait3A_1811 = tpu.memref_slice %arg7[%dma_wait3A_1810] : memref<28224xi32, #tpu.memory_space<vmem>> -> memref<3136xi32, #tpu.memory_space<vmem>>
      %dma_wait3A_1812 = tpu.memref_slice %arg2[%add3A_34] : memref<903168xi32, #tpu.memory_space<hbm>> -> memref<3136xi32, #tpu.memory_space<hbm>>
      %dma_wait3A_1813 = arith.constant 12544 : i32
      %dma_wait3A_1814 = tpu.memref_slice %arg7[%dma_wait3A_1813] : memref<28224xi32, #tpu.memory_space<vmem>> -> memref<3136xi32, #tpu.memory_space<vmem>>
      %dma_wait3A_1815 = tpu.memref_slice %arg2[%add3A_34] : memref<903168xi32, #tpu.memory_space<hbm>> -> memref<3136xi32, #tpu.memory_space<hbm>>
      tpu.wait_dma2 semaphore(%run_scoped3A : memref<!tpu.dma_semaphore, #tpu.memory_space<semaphore_mem>>) src(%dma_wait3A_1815 : memref<3136xi32, #tpu.memory_space<hbm>>) dst(%dma_wait3A_1814 : memref<3136xi32, #tpu.memory_space<vmem>>)
      tpu.yield
    }) : () -> ()
    %mul3A_35 = arith.constant 3136 : i32
    %mul3A_36 = arith.muli %add3A, %mul3A_35 : i32
    %add3A_37 = arith.constant 501760 : i32
    %add3A_38 = arith.addi %add3A_37, %mul3A_36 : i32
    "tpu.region"() ({
      %run_scoped3A = tpu.sem_alloc : memref<!tpu.dma_semaphore, #tpu.memory_space<semaphore_mem>>
      %dma_start3A_1804 = arith.constant 15680 : i32
      %dma_start3A_1805 = tpu.memref_slice %arg7[%dma_start3A_1804] : memref<28224xi32, #tpu.memory_space<vmem>> -> memref<3136xi32, #tpu.memory_space<vmem>>
      %dma_start3A_1806 = tpu.memref_slice %arg2[%add3A_38] : memref<903168xi32, #tpu.memory_space<hbm>> -> memref<3136xi32, #tpu.memory_space<hbm>>
      %dma_start3A_1807 = arith.constant 15680 : i32
      %dma_start3A_1808 = tpu.memref_slice %arg7[%dma_start3A_1807] : memref<28224xi32, #tpu.memory_space<vmem>> -> memref<3136xi32, #tpu.memory_space<vmem>>
      %dma_start3A_1809 = tpu.memref_slice %arg2[%add3A_38] : memref<903168xi32, #tpu.memory_space<hbm>> -> memref<3136xi32, #tpu.memory_space<hbm>>
      tpu.enqueue_dma source(%dma_start3A_1809 : memref<3136xi32, #tpu.memory_space<hbm>>) target(%dma_start3A_1808 : memref<3136xi32, #tpu.memory_space<vmem>>) target_semaphore(%run_scoped3A : memref<!tpu.dma_semaphore, #tpu.memory_space<semaphore_mem>>)
      %dma_wait3A_1810 = arith.constant 15680 : i32
      %dma_wait3A_1811 = tpu.memref_slice %arg7[%dma_wait3A_1810] : memref<28224xi32, #tpu.memory_space<vmem>> -> memref<3136xi32, #tpu.memory_space<vmem>>
      %dma_wait3A_1812 = tpu.memref_slice %arg2[%add3A_38] : memref<903168xi32, #tpu.memory_space<hbm>> -> memref<3136xi32, #tpu.memory_space<hbm>>
      %dma_wait3A_1813 = arith.constant 15680 : i32
      %dma_wait3A_1814 = tpu.memref_slice %arg7[%dma_wait3A_1813] : memref<28224xi32, #tpu.memory_space<vmem>> -> memref<3136xi32, #tpu.memory_space<vmem>>
      %dma_wait3A_1815 = tpu.memref_slice %arg2[%add3A_38] : memref<903168xi32, #tpu.memory_space<hbm>> -> memref<3136xi32, #tpu.memory_space<hbm>>
      tpu.wait_dma2 semaphore(%run_scoped3A : memref<!tpu.dma_semaphore, #tpu.memory_space<semaphore_mem>>) src(%dma_wait3A_1815 : memref<3136xi32, #tpu.memory_space<hbm>>) dst(%dma_wait3A_1814 : memref<3136xi32, #tpu.memory_space<vmem>>)
      tpu.yield
    }) : () -> ()
    %mul3A_39 = arith.constant 3136 : i32
    %mul3A_40 = arith.muli %add3A, %mul3A_39 : i32
    %add3A_41 = arith.constant 602112 : i32
    %add3A_42 = arith.addi %add3A_41, %mul3A_40 : i32
    "tpu.region"() ({
      %run_scoped3A = tpu.sem_alloc : memref<!tpu.dma_semaphore, #tpu.memory_space<semaphore_mem>>
      %dma_start3A_1804 = arith.constant 18816 : i32
      %dma_start3A_1805 = tpu.memref_slice %arg7[%dma_start3A_1804] : memref<28224xi32, #tpu.memory_space<vmem>> -> memref<3136xi32, #tpu.memory_space<vmem>>
      %dma_start3A_1806 = tpu.memref_slice %arg2[%add3A_42] : memref<903168xi32, #tpu.memory_space<hbm>> -> memref<3136xi32, #tpu.memory_space<hbm>>
      %dma_start3A_1807 = arith.constant 18816 : i32
      %dma_start3A_1808 = tpu.memref_slice %arg7[%dma_start3A_1807] : memref<28224xi32, #tpu.memory_space<vmem>> -> memref<3136xi32, #tpu.memory_space<vmem>>
      %dma_start3A_1809 = tpu.memref_slice %arg2[%add3A_42] : memref<903168xi32, #tpu.memory_space<hbm>> -> memref<3136xi32, #tpu.memory_space<hbm>>
      tpu.enqueue_dma source(%dma_start3A_1809 : memref<3136xi32, #tpu.memory_space<hbm>>) target(%dma_start3A_1808 : memref<3136xi32, #tpu.memory_space<vmem>>) target_semaphore(%run_scoped3A : memref<!tpu.dma_semaphore, #tpu.memory_space<semaphore_mem>>)
      %dma_wait3A_1810 = arith.constant 18816 : i32
      %dma_wait3A_1811 = tpu.memref_slice %arg7[%dma_wait3A_1810] : memref<28224xi32, #tpu.memory_space<vmem>> -> memref<3136xi32, #tpu.memory_space<vmem>>
      %dma_wait3A_1812 = tpu.memref_slice %arg2[%add3A_42] : memref<903168xi32, #tpu.memory_space<hbm>> -> memref<3136xi32, #tpu.memory_space<hbm>>
      %dma_wait3A_1813 = arith.constant 18816 : i32
      %dma_wait3A_1814 = tpu.memref_slice %arg7[%dma_wait3A_1813] : memref<28224xi32, #tpu.memory_space<vmem>> -> memref<3136xi32, #tpu.memory_space<vmem>>
      %dma_wait3A_1815 = tpu.memref_slice %arg2[%add3A_42] : memref<903168xi32, #tpu.memory_space<hbm>> -> memref<3136xi32, #tpu.memory_space<hbm>>
      tpu.wait_dma2 semaphore(%run_scoped3A : memref<!tpu.dma_semaphore, #tpu.memory_space<semaphore_mem>>) src(%dma_wait3A_1815 : memref<3136xi32, #tpu.memory_space<hbm>>) dst(%dma_wait3A_1814 : memref<3136xi32, #tpu.memory_space<vmem>>)
      tpu.yield
    }) : () -> ()
    %mul3A_43 = arith.constant 3136 : i32
    %mul3A_44 = arith.muli %add3A, %mul3A_43 : i32
    %add3A_45 = arith.constant 702464 : i32
    %add3A_46 = arith.addi %add3A_45, %mul3A_44 : i32
    "tpu.region"() ({
      %run_scoped3A = tpu.sem_alloc : memref<!tpu.dma_semaphore, #tpu.memory_space<semaphore_mem>>
      %dma_start3A_1804 = arith.constant 21952 : i32
      %dma_start3A_1805 = tpu.memref_slice %arg7[%dma_start3A_1804] : memref<28224xi32, #tpu.memory_space<vmem>> -> memref<3136xi32, #tpu.memory_space<vmem>>
      %dma_start3A_1806 = tpu.memref_slice %arg2[%add3A_46] : memref<903168xi32, #tpu.memory_space<hbm>> -> memref<3136xi32, #tpu.memory_space<hbm>>
      %dma_start3A_1807 = arith.constant 21952 : i32
      %dma_start3A_1808 = tpu.memref_slice %arg7[%dma_start3A_1807] : memref<28224xi32, #tpu.memory_space<vmem>> -> memref<3136xi32, #tpu.memory_space<vmem>>
      %dma_start3A_1809 = tpu.memref_slice %arg2[%add3A_46] : memref<903168xi32, #tpu.memory_space<hbm>> -> memref<3136xi32, #tpu.memory_space<hbm>>
      tpu.enqueue_dma source(%dma_start3A_1809 : memref<3136xi32, #tpu.memory_space<hbm>>) target(%dma_start3A_1808 : memref<3136xi32, #tpu.memory_space<vmem>>) target_semaphore(%run_scoped3A : memref<!tpu.dma_semaphore, #tpu.memory_space<semaphore_mem>>)
      %dma_wait3A_1810 = arith.constant 21952 : i32
      %dma_wait3A_1811 = tpu.memref_slice %arg7[%dma_wait3A_1810] : memref<28224xi32, #tpu.memory_space<vmem>> -> memref<3136xi32, #tpu.memory_space<vmem>>
      %dma_wait3A_1812 = tpu.memref_slice %arg2[%add3A_46] : memref<903168xi32, #tpu.memory_space<hbm>> -> memref<3136xi32, #tpu.memory_space<hbm>>
      %dma_wait3A_1813 = arith.constant 21952 : i32
      %dma_wait3A_1814 = tpu.memref_slice %arg7[%dma_wait3A_1813] : memref<28224xi32, #tpu.memory_space<vmem>> -> memref<3136xi32, #tpu.memory_space<vmem>>
      %dma_wait3A_1815 = tpu.memref_slice %arg2[%add3A_46] : memref<903168xi32, #tpu.memory_space<hbm>> -> memref<3136xi32, #tpu.memory_space<hbm>>
      tpu.wait_dma2 semaphore(%run_scoped3A : memref<!tpu.dma_semaphore, #tpu.memory_space<semaphore_mem>>) src(%dma_wait3A_1815 : memref<3136xi32, #tpu.memory_space<hbm>>) dst(%dma_wait3A_1814 : memref<3136xi32, #tpu.memory_space<vmem>>)
      tpu.yield
    }) : () -> ()
    %mul3A_47 = arith.constant 3136 : i32
    %mul3A_48 = arith.muli %add3A, %mul3A_47 : i32
    %add3A_49 = arith.constant 802816 : i32
    %add3A_50 = arith.addi %add3A_49, %mul3A_48 : i32
    "tpu.region"() ({
      %run_scoped3A = tpu.sem_alloc : memref<!tpu.dma_semaphore, #tpu.memory_space<semaphore_mem>>
      %dma_start3A_1804 = arith.constant 25088 : i32
      %dma_start3A_1805 = tpu.memref_slice %arg7[%dma_start3A_1804] : memref<28224xi32, #tpu.memory_space<vmem>> -> memref<3136xi32, #tpu.memory_space<vmem>>
      %dma_start3A_1806 = tpu.memref_slice %arg2[%add3A_50] : memref<903168xi32, #tpu.memory_space<hbm>> -> memref<3136xi32, #tpu.memory_space<hbm>>
      %dma_start3A_1807 = arith.constant 25088 : i32
      %dma_start3A_1808 = tpu.memref_slice %arg7[%dma_start3A_1807] : memref<28224xi32, #tpu.memory_space<vmem>> -> memref<3136xi32, #tpu.memory_space<vmem>>
      %dma_start3A_1809 = tpu.memref_slice %arg2[%add3A_50] : memref<903168xi32, #tpu.memory_space<hbm>> -> memref<3136xi32, #tpu.memory_space<hbm>>
      tpu.enqueue_dma source(%dma_start3A_1809 : memref<3136xi32, #tpu.memory_space<hbm>>) target(%dma_start3A_1808 : memref<3136xi32, #tpu.memory_space<vmem>>) target_semaphore(%run_scoped3A : memref<!tpu.dma_semaphore, #tpu.memory_space<semaphore_mem>>)
      %dma_wait3A_1810 = arith.constant 25088 : i32
      %dma_wait3A_1811 = tpu.memref_slice %arg7[%dma_wait3A_1810] : memref<28224xi32, #tpu.memory_space<vmem>> -> memref<3136xi32, #tpu.memory_space<vmem>>
      %dma_wait3A_1812 = tpu.memref_slice %arg2[%add3A_50] : memref<903168xi32, #tpu.memory_space<hbm>> -> memref<3136xi32, #tpu.memory_space<hbm>>
      %dma_wait3A_1813 = arith.constant 25088 : i32
      %dma_wait3A_1814 = tpu.memref_slice %arg7[%dma_wait3A_1813] : memref<28224xi32, #tpu.memory_space<vmem>> -> memref<3136xi32, #tpu.memory_space<vmem>>
      %dma_wait3A_1815 = tpu.memref_slice %arg2[%add3A_50] : memref<903168xi32, #tpu.memory_space<hbm>> -> memref<3136xi32, #tpu.memory_space<hbm>>
      tpu.wait_dma2 semaphore(%run_scoped3A : memref<!tpu.dma_semaphore, #tpu.memory_space<semaphore_mem>>) src(%dma_wait3A_1815 : memref<3136xi32, #tpu.memory_space<hbm>>) dst(%dma_wait3A_1814 : memref<3136xi32, #tpu.memory_space<vmem>>)
      tpu.yield
    }) : () -> ()
    %barrier3A = arith.constant 0 : index
    tpu.barrier barrier_id(%barrier3A)
    %scan3A = arith.constant 0 : i32
    %scan3A_51 = arith.constant 0 : i32
    %scan3A_52 = arith.constant 196 : i32
    %scan3A_53 = arith.addi %scan3A_51, %scan3A_52 : i32
    %scan3A_54 = arith.constant 1 : i32
    scf.for %scan3A_1804 = %scan3A_51 to %scan3A_53 step %scan3A_54  : i32 {
      %mul3A_1805 = arith.constant 16 : i32
      %mul3A_1806 = arith.muli %scan3A_1804, %mul3A_1805 : i32
      %add3A_1807 = arith.constant 0 : i32
      %add3A_1808 = arith.addi %add3A_1807, %mul3A_1806 : i32
      %get3A = arith.index_cast %add3A_1808 : i32 to index
      %get3A_1809 = tpu.vector_load %arg7[%get3A] {strides = array<i32>} : memref<28224xi32, #tpu.memory_space<vmem>>, vector<16xi32>,
      %get3A_1810 = vector.shape_cast %get3A_1809 : vector<16xi32> to vector<16xi32>
      %add3A_1811 = arith.constant 6272 : i32
      %add3A_1812 = arith.addi %add3A_1811, %mul3A_1806 : i32
      %get3A_1813 = arith.index_cast %add3A_1812 : i32 to index
      %get3A_1814 = tpu.vector_load %arg7[%get3A_1813] {strides = array<i32>} : memref<28224xi32, #tpu.memory_space<vmem>>, vector<16xi32>,
      %get3A_1815 = vector.shape_cast %get3A_1814 : vector<16xi32> to vector<16xi32>
      %mul3A_1816 = arith.constant 16 : i32
      %mul3A_1817 = vector.broadcast %mul3A_1816 : i32 to vector<16xi32>
      %mul3A_1818 = arith.muli %get3A_1810, %mul3A_1817 : vector<16xi32>
      %add3A_1819 = arith.addi %mul3A_1818, %get3A_1815 : vector<16xi32>
      %add3A_1820 = arith.constant 0 : i32
      %add3A_1821 = arith.addi %add3A_1820, %mul3A_1806 : i32
      %swap3A = arith.index_cast %add3A_1821 : i32 to index
      %swap3A_1822 = tpu.vector_load %arg8[%swap3A] {strides = array<i32>} : memref<9408xi32, #tpu.memory_space<vmem>>, vector<16xi32>,
      %swap3A_1823 = vector.shape_cast %swap3A_1822 : vector<16xi32> to vector<16xi32>
      %swap3A_1824 = vector.shape_cast %add3A_1819 : vector<16xi32> to vector<16xi32>
      tpu.vector_store %arg8[%swap3A], %swap3A_1824 {strides = array<i32>} : memref<9408xi32, #tpu.memory_space<vmem>>, vector<16xi32>,
      %add3A_1825 = arith.constant 9408 : i32
      %add3A_1826 = arith.addi %add3A_1825, %mul3A_1806 : i32
      %get3A_1827 = arith.index_cast %add3A_1826 : i32 to index
      %get3A_1828 = tpu.vector_load %arg7[%get3A_1827] {strides = array<i32>} : memref<28224xi32, #tpu.memory_space<vmem>>, vector<16xi32>,
      %get3A_1829 = vector.shape_cast %get3A_1828 : vector<16xi32> to vector<16xi32>
      %add3A_1830 = arith.constant 18816 : i32
      %add3A_1831 = arith.addi %add3A_1830, %mul3A_1806 : i32
      %get3A_1832 = arith.index_cast %add3A_1831 : i32 to index
      %get3A_1833 = tpu.vector_load %arg7[%get3A_1832] {strides = array<i32>} : memref<28224xi32, #tpu.memory_space<vmem>>, vector<16xi32>,
      %get3A_1834 = vector.shape_cast %get3A_1833 : vector<16xi32> to vector<16xi32>
      %add3A_1835 = arith.constant 12544 : i32
      %add3A_1836 = arith.addi %add3A_1835, %mul3A_1806 : i32
      %get3A_1837 = arith.index_cast %add3A_1836 : i32 to index
      %get3A_1838 = tpu.vector_load %arg7[%get3A_1837] {strides = array<i32>} : memref<28224xi32, #tpu.memory_space<vmem>>, vector<16xi32>,
      %get3A_1839 = vector.shape_cast %get3A_1838 : vector<16xi32> to vector<16xi32>
      %mul3A_1840 = arith.constant 128 : i32
      %mul3A_1841 = vector.broadcast %mul3A_1840 : i32 to vector<16xi32>
      %mul3A_1842 = arith.muli %get3A_1829, %mul3A_1841 : vector<16xi32>
      %mul3A_1843 = arith.constant 8 : i32
      %mul3A_1844 = vector.broadcast %mul3A_1843 : i32 to vector<16xi32>
      %mul3A_1845 = arith.muli %get3A_1834, %mul3A_1844 : vector<16xi32>
      %add3A_1846 = arith.addi %mul3A_1842, %mul3A_1845 : vector<16xi32>
      %add3A_1847 = arith.addi %add3A_1846, %get3A_1839 : vector<16xi32>
      %add3A_1848 = arith.constant 3136 : i32
      %add3A_1849 = arith.addi %add3A_1848, %mul3A_1806 : i32
      %swap3A_1850 = arith.index_cast %add3A_1849 : i32 to index
      %swap3A_1851 = tpu.vector_load %arg8[%swap3A_1850] {strides = array<i32>} : memref<9408xi32, #tpu.memory_space<vmem>>, vector<16xi32>,
      %swap3A_1852 = vector.shape_cast %swap3A_1851 : vector<16xi32> to vector<16xi32>
      %swap3A_1853 = vector.shape_cast %add3A_1847 : vector<16xi32> to vector<16xi32>
      tpu.vector_store %arg8[%swap3A_1850], %swap3A_1853 {strides = array<i32>} : memref<9408xi32, #tpu.memory_space<vmem>>, vector<16xi32>,
      %add3A_1854 = arith.constant 21952 : i32
      %add3A_1855 = arith.addi %add3A_1854, %mul3A_1806 : i32
      %get3A_1856 = arith.index_cast %add3A_1855 : i32 to index
      %get3A_1857 = tpu.vector_load %arg7[%get3A_1856] {strides = array<i32>} : memref<28224xi32, #tpu.memory_space<vmem>>, vector<16xi32>,
      %get3A_1858 = vector.shape_cast %get3A_1857 : vector<16xi32> to vector<16xi32>
      %add3A_1859 = arith.constant 25088 : i32
      %add3A_1860 = arith.addi %add3A_1859, %mul3A_1806 : i32
      %get3A_1861 = arith.index_cast %add3A_1860 : i32 to index
      %get3A_1862 = tpu.vector_load %arg7[%get3A_1861] {strides = array<i32>} : memref<28224xi32, #tpu.memory_space<vmem>>, vector<16xi32>,
      %get3A_1863 = vector.shape_cast %get3A_1862 : vector<16xi32> to vector<16xi32>
      %add3A_1864 = arith.constant 3136 : i32
      %add3A_1865 = arith.addi %add3A_1864, %mul3A_1806 : i32
      %get3A_1866 = arith.index_cast %add3A_1865 : i32 to index
      %get3A_1867 = tpu.vector_load %arg7[%get3A_1866] {strides = array<i32>} : memref<28224xi32, #tpu.memory_space<vmem>>, vector<16xi32>,
      %get3A_1868 = vector.shape_cast %get3A_1867 : vector<16xi32> to vector<16xi32>
      %add3A_1869 = arith.constant 15680 : i32
      %add3A_1870 = arith.addi %add3A_1869, %mul3A_1806 : i32
      %get3A_1871 = arith.index_cast %add3A_1870 : i32 to index
      %get3A_1872 = tpu.vector_load %arg7[%get3A_1871] {strides = array<i32>} : memref<28224xi32, #tpu.memory_space<vmem>>, vector<16xi32>,
      %get3A_1873 = vector.shape_cast %get3A_1872 : vector<16xi32> to vector<16xi32>
      %mul3A_1874 = arith.constant 104 : i32
      %mul3A_1875 = vector.broadcast %mul3A_1874 : i32 to vector<16xi32>
      %mul3A_1876 = arith.muli %get3A_1858, %mul3A_1875 : vector<16xi32>
      %mul3A_1877 = arith.constant 8 : i32
      %mul3A_1878 = vector.broadcast %mul3A_1877 : i32 to vector<16xi32>
      %mul3A_1879 = arith.muli %get3A_1863, %mul3A_1878 : vector<16xi32>
      %add3A_1880 = arith.addi %mul3A_1876, %mul3A_1879 : vector<16xi32>
      %mul3A_1881 = arith.constant 2 : i32
      %mul3A_1882 = vector.broadcast %mul3A_1881 : i32 to vector<16xi32>
      %mul3A_1883 = arith.muli %get3A_1868, %mul3A_1882 : vector<16xi32>
      %add3A_1884 = arith.addi %add3A_1880, %mul3A_1883 : vector<16xi32>
      %add3A_1885 = arith.addi %add3A_1884, %get3A_1873 : vector<16xi32>
      %add3A_1886 = arith.constant 6272 : i32
      %add3A_1887 = arith.addi %add3A_1886, %mul3A_1806 : i32
      %swap3A_1888 = arith.index_cast %add3A_1887 : i32 to index
      %swap3A_1889 = tpu.vector_load %arg8[%swap3A_1888] {strides = array<i32>} : memref<9408xi32, #tpu.memory_space<vmem>>, vector<16xi32>,
      %swap3A_1890 = vector.shape_cast %swap3A_1889 : vector<16xi32> to vector<16xi32>
      %swap3A_1891 = vector.shape_cast %add3A_1885 : vector<16xi32> to vector<16xi32>
      tpu.vector_store %arg8[%swap3A_1888], %swap3A_1891 {strides = array<i32>} : memref<9408xi32, #tpu.memory_space<vmem>>, vector<16xi32>,
    }
    %scan3A_55 = arith.constant 196 : i32
    %dma_start3A = arith.constant 0 : i32
    %dma_start3A_56 = arith.constant 0 : i32
    %dma_start3A_57 = tpu.memref_slice %arg9[%dma_start3A, %dma_start3A_56] : memref<128x128xf32, #tpu.memory_space<vmem>> -> memref<128x128xf32, #tpu.memory_space<vmem>>
    %dma_start3A_58 = arith.constant 0 : i32
    %dma_start3A_59 = tpu.memref_slice %arg8[%dma_start3A_58] : memref<9408xi32, #tpu.memory_space<vmem>> -> memref<128xi32, #tpu.memory_space<vmem>>
    %dma_start3A_60 = arith.constant 0 : i32
    %dma_start3A_61 = arith.constant 0 : i32
    %dma_start3A_62 = tpu.memref_slice %arg12[%dma_start3A_60, %dma_start3A_61] : memref<1920x128xf32, #tpu.memory_space<vmem_shared>> -> memref<1920x128xf32, #tpu.memory_space<vmem_shared>>
    tpu.enqueue_indirect_dma source(%dma_start3A_62 : memref<1920x128xf32, #tpu.memory_space<vmem_shared>>) target(%dma_start3A_57 : memref<128x128xf32, #tpu.memory_space<vmem>>) offsets(%dma_start3A_59 : memref<128xi32, #tpu.memory_space<vmem>>) semaphore(%arg15 : memref<!tpu.dma_semaphore, #tpu.memory_space<semaphore_mem>>)
    %dma_wait3A = arith.constant 0 : i32
    %dma_wait3A_63 = arith.constant 0 : i32
    %dma_wait3A_64 = tpu.memref_slice %arg9[%dma_wait3A, %dma_wait3A_63] : memref<128x128xf32, #tpu.memory_space<vmem>> -> memref<128x128xf32, #tpu.memory_space<vmem>>
    %dma_wait3A_65 = arith.constant 0 : i32
    %dma_wait3A_66 = tpu.memref_slice %arg8[%dma_wait3A_65] : memref<9408xi32, #tpu.memory_space<vmem>> -> memref<128xi32, #tpu.memory_space<vmem>>
    %dma_wait3A_67 = arith.constant 0 : i32
    %dma_wait3A_68 = arith.constant 0 : i32
    %dma_wait3A_69 = tpu.memref_slice %arg12[%dma_wait3A_67, %dma_wait3A_68] : memref<1920x128xf32, #tpu.memory_space<vmem_shared>> -> memref<1920x128xf32, #tpu.memory_space<vmem_shared>>
    tpu.wait_indirect_dma semaphore(%arg15 : memref<!tpu.dma_semaphore, #tpu.memory_space<semaphore_mem>>) src(%dma_wait3A_69 : memref<1920x128xf32, #tpu.memory_space<vmem_shared>>) dst(%dma_wait3A_64 : memref<128x128xf32, #tpu.memory_space<vmem>>)
    %dma_start3A_70 = arith.constant 0 : i32
    %dma_start3A_71 = arith.constant 0 : i32
    %dma_start3A_72 = tpu.memref_slice %arg9[%dma_start3A_70, %dma_start3A_71] : memref<128x128xf32, #tpu.memory_space<vmem>> -> memref<128x128xf32, #tpu.memory_space<vmem>>
    %dma_start3A_73 = arith.constant 3136 : i32
    %dma_start3A_74 = tpu.memref_slice %arg8[%dma_start3A_73] : memref<9408xi32, #tpu.memory_space<vmem>> -> memref<128xi32, #tpu.memory_space<vmem>>
    %dma_start3A_75 = arith.constant 0 : i32
    %dma_start3A_76 = arith.constant 0 : i32
    %dma_start3A_77 = tpu.memref_slice %arg13[%dma_start3A_75, %dma_start3A_76] : memref<2048x128xf32, #tpu.memory_space<vmem_shared>> -> memref<2048x128xf32, #tpu.memory_space<vmem_shared>>
    tpu.enqueue_indirect_dma source(%dma_start3A_77 : memref<2048x128xf32, #tpu.memory_space<vmem_shared>>) target(%dma_start3A_72 : memref<128x128xf32, #tpu.memory_space<vmem>>) offsets(%dma_start3A_74 : memref<128xi32, #tpu.memory_space<vmem>>) semaphore(%arg15 : memref<!tpu.dma_semaphore, #tpu.memory_space<semaphore_mem>>) {add = true}
    %dma_start3A_78 = arith.constant 0 : i32
    %dma_start3A_79 = arith.constant 0 : i32
    %dma_start3A_80 = tpu.memref_slice %arg9[%dma_start3A_78, %dma_start3A_79] : memref<128x128xf32, #tpu.memory_space<vmem>> -> memref<128x128xf32, #tpu.memory_space<vmem>>
    %dma_start3A_81 = arith.constant 6272 : i32
    %dma_start3A_82 = tpu.memref_slice %arg8[%dma_start3A_81] : memref<9408xi32, #tpu.memory_space<vmem>> -> memref<128xi32, #tpu.memory_space<vmem>>
    %dma_start3A_83 = arith.constant 0 : i32
    %dma_start3A_84 = arith.constant 0 : i32
    %dma_start3A_85 = tpu.memref_slice %arg14[%dma_start3A_83, %dma_start3A_84] : memref<1408x128xf32, #tpu.memory_space<vmem_shared>> -> memref<1408x128xf32, #tpu.memory_space<vmem_shared>>
    tpu.enqueue_indirect_dma source(%dma_start3A_85 : memref<1408x128xf32, #tpu.memory_space<vmem_shared>>) target(%dma_start3A_80 : memref<128x128xf32, #tpu.memory_space<vmem>>) offsets(%dma_start3A_82 : memref<128xi32, #tpu.memory_space<vmem>>) semaphore(%arg15 : memref<!tpu.dma_semaphore, #tpu.memory_space<semaphore_mem>>) {add = true}
    %dma_start3A_86 = arith.constant 0 : i32
    %dma_start3A_87 = arith.constant 0 : i32
    %dma_start3A_88 = tpu.memref_slice %arg10[%dma_start3A_86, %dma_start3A_87] : memref<128x128xf32, #tpu.memory_space<vmem>> -> memref<128x128xf32, #tpu.memory_space<vmem>>
    %dma_start3A_89 = arith.constant 128 : i32
    %dma_start3A_90 = tpu.memref_slice %arg8[%dma_start3A_89] : memref<9408xi32, #tpu.memory_space<vmem>> -> memref<128xi32, #tpu.memory_space<vmem>>
    %dma_start3A_91 = arith.constant 0 : i32
    %dma_start3A_92 = arith.constant 0 : i32
    %dma_start3A_93 = tpu.memref_slice %arg12[%dma_start3A_91, %dma_start3A_92] : memref<1920x128xf32, #tpu.memory_space<vmem_shared>> -> memref<1920x128xf32, #tpu.memory_space<vmem_shared>>
    tpu.enqueue_indirect_dma source(%dma_start3A_93 : memref<1920x128xf32, #tpu.memory_space<vmem_shared>>) target(%dma_start3A_88 : memref<128x128xf32, #tpu.memory_space<vmem>>) offsets(%dma_start3A_90 : memref<128xi32, #tpu.memory_space<vmem>>) semaphore(%arg16 : memref<!tpu.dma_semaphore, #tpu.memory_space<semaphore_mem>>)
    %dma_wait3A_94 = arith.constant 0 : i32
    %dma_wait3A_95 = arith.constant 0 : i32
    %dma_wait3A_96 = tpu.memref_slice %arg10[%dma_wait3A_94, %dma_wait3A_95] : memref<128x128xf32, #tpu.memory_space<vmem>> -> memref<128x128xf32, #tpu.memory_space<vmem>>
    %dma_wait3A_97 = arith.constant 128 : i32
    %dma_wait3A_98 = tpu.memref_slice %arg8[%dma_wait3A_97] : memref<9408xi32, #tpu.memory_space<vmem>> -> memref<128xi32, #tpu.memory_space<vmem>>
    %dma_wait3A_99 = arith.constant 0 : i32
    %dma_wait3A_100 = arith.constant 0 : i32
    %dma_wait3A_101 = tpu.memref_slice %arg12[%dma_wait3A_99, %dma_wait3A_100] : memref<1920x128xf32, #tpu.memory_space<vmem_shared>> -> memref<1920x128xf32, #tpu.memory_space<vmem_shared>>
    tpu.wait_indirect_dma semaphore(%arg16 : memref<!tpu.dma_semaphore, #tpu.memory_space<semaphore_mem>>) src(%dma_wait3A_101 : memref<1920x128xf32, #tpu.memory_space<vmem_shared>>) dst(%dma_wait3A_96 : memref<128x128xf32, #tpu.memory_space<vmem>>)
    %dma_start3A_102 = arith.constant 0 : i32
    %dma_start3A_103 = arith.constant 0 : i32
    %dma_start3A_104 = tpu.memref_slice %arg10[%dma_start3A_102, %dma_start3A_103] : memref<128x128xf32, #tpu.memory_space<vmem>> -> memref<128x128xf32, #tpu.memory_space<vmem>>
    %dma_start3A_105 = arith.constant 3264 : i32
    %dma_start3A_106 = tpu.memref_slice %arg8[%dma_start3A_105] : memref<9408xi32, #tpu.memory_space<vmem>> -> memref<128xi32, #tpu.memory_space<vmem>>
    %dma_start3A_107 = arith.constant 0 : i32
    %dma_start3A_108 = arith.constant 0 : i32
    %dma_start3A_109 = tpu.memref_slice %arg13[%dma_start3A_107, %dma_start3A_108] : memref<2048x128xf32, #tpu.memory_space<vmem_shared>> -> memref<2048x128xf32, #tpu.memory_space<vmem_shared>>
    tpu.enqueue_indirect_dma source(%dma_start3A_109 : memref<2048x128xf32, #tpu.memory_space<vmem_shared>>) target(%dma_start3A_104 : memref<128x128xf32, #tpu.memory_space<vmem>>) offsets(%dma_start3A_106 : memref<128xi32, #tpu.memory_space<vmem>>) semaphore(%arg16 : memref<!tpu.dma_semaphore, #tpu.memory_space<semaphore_mem>>) {add = true}
    %dma_start3A_110 = arith.constant 0 : i32
    %dma_start3A_111 = arith.constant 0 : i32
    %dma_start3A_112 = tpu.memref_slice %arg10[%dma_start3A_110, %dma_start3A_111] : memref<128x128xf32, #tpu.memory_space<vmem>> -> memref<128x128xf32, #tpu.memory_space<vmem>>
    %dma_start3A_113 = arith.constant 6400 : i32
    %dma_start3A_114 = tpu.memref_slice %arg8[%dma_start3A_113] : memref<9408xi32, #tpu.memory_space<vmem>> -> memref<128xi32, #tpu.memory_space<vmem>>
    %dma_start3A_115 = arith.constant 0 : i32
    %dma_start3A_116 = arith.constant 0 : i32
    %dma_start3A_117 = tpu.memref_slice %arg14[%dma_start3A_115, %dma_start3A_116] : memref<1408x128xf32, #tpu.memory_space<vmem_shared>> -> memref<1408x128xf32, #tpu.memory_space<vmem_shared>>
    tpu.enqueue_indirect_dma source(%dma_start3A_117 : memref<1408x128xf32, #tpu.memory_space<vmem_shared>>) target(%dma_start3A_112 : memref<128x128xf32, #tpu.memory_space<vmem>>) offsets(%dma_start3A_114 : memref<128xi32, #tpu.memory_space<vmem>>) semaphore(%arg16 : memref<!tpu.dma_semaphore, #tpu.memory_space<semaphore_mem>>) {add = true}
    %dma_start3A_118 = arith.constant 0 : i32
    %dma_start3A_119 = arith.constant 0 : i32
    %dma_start3A_120 = tpu.memref_slice %arg11[%dma_start3A_118, %dma_start3A_119] : memref<128x128xf32, #tpu.memory_space<vmem>> -> memref<128x128xf32, #tpu.memory_space<vmem>>
    %dma_start3A_121 = arith.constant 256 : i32
    %dma_start3A_122 = tpu.memref_slice %arg8[%dma_start3A_121] : memref<9408xi32, #tpu.memory_space<vmem>> -> memref<128xi32, #tpu.memory_space<vmem>>
    %dma_start3A_123 = arith.constant 0 : i32
    %dma_start3A_124 = arith.constant 0 : i32
    %dma_start3A_125 = tpu.memref_slice %arg3[%dma_start3A_123, %dma_start3A_124] : memref<1920x128xf32, #tpu.memory_space<hbm>> -> memref<1920x128xf32, #tpu.memory_space<hbm>>
    tpu.enqueue_indirect_dma source(%dma_start3A_125 : memref<1920x128xf32, #tpu.memory_space<hbm>>) target(%dma_start3A_120 : memref<128x128xf32, #tpu.memory_space<vmem>>) offsets(%dma_start3A_122 : memref<128xi32, #tpu.memory_space<vmem>>) semaphore(%arg17 : memref<!tpu.dma_semaphore, #tpu.memory_space<semaphore_mem>>)
    %dma_wait3A_126 = arith.constant 0 : i32
    %dma_wait3A_127 = arith.constant 0 : i32
    %dma_wait3A_128 = tpu.memref_slice %arg9[%dma_wait3A_126, %dma_wait3A_127] : memref<128x128xf32, #tpu.memory_space<vmem>> -> memref<128x128xf32, #tpu.memory_space<vmem>>
    %dma_wait3A_129 = arith.constant 3136 : i32
    %dma_wait3A_130 = tpu.memref_slice %arg8[%dma_wait3A_129] : memref<9408xi32, #tpu.memory_space<vmem>> -> memref<128xi32, #tpu.memory_space<vmem>>
    %dma_wait3A_131 = arith.constant 0 : i32
    %dma_wait3A_132 = arith.constant 0 : i32
    %dma_wait3A_133 = tpu.memref_slice %arg13[%dma_wait3A_131, %dma_wait3A_132] : memref<2048x128xf32, #tpu.memory_space<vmem_shared>> -> memref<2048x128xf32, #tpu.memory_space<vmem_shared>>
    tpu.wait_indirect_dma semaphore(%arg15 : memref<!tpu.dma_semaphore, #tpu.memory_space<semaphore_mem>>) src(%dma_wait3A_133 : memref<2048x128xf32, #tpu.memory_space<vmem_shared>>) dst(%dma_wait3A_128 : memref<128x128xf32, #tpu.memory_space<vmem>>)
    %dma_wait3A_134 = arith.constant 0 : i32
    %dma_wait3A_135 = arith.constant 0 : i32
    %dma_wait3A_136 = tpu.memref_slice %arg9[%dma_wait3A_134, %dma_wait3A_135] : memref<128x128xf32, #tpu.memory_space<vmem>> -> memref<128x128xf32, #tpu.memory_space<vmem>>
    %dma_wait3A_137 = arith.constant 6272 : i32
    %dma_wait3A_138 = tpu.memref_slice %arg8[%dma_wait3A_137] : memref<9408xi32, #tpu.memory_space<vmem>> -> memref<128xi32, #tpu.memory_space<vmem>>
    %dma_wait3A_139 = arith.constant 0 : i32
    %dma_wait3A_140 = arith.constant 0 : i32
    %dma_wait3A_141 = tpu.memref_slice %arg14[%dma_wait3A_139, %dma_wait3A_140] : memref<1408x128xf32, #tpu.memory_space<vmem_shared>> -> memref<1408x128xf32, #tpu.memory_space<vmem_shared>>
    tpu.wait_indirect_dma semaphore(%arg15 : memref<!tpu.dma_semaphore, #tpu.memory_space<semaphore_mem>>) src(%dma_wait3A_141 : memref<1408x128xf32, #tpu.memory_space<vmem_shared>>) dst(%dma_wait3A_136 : memref<128x128xf32, #tpu.memory_space<vmem>>)
    %add3A_142 = arith.constant 0 : i32
    %add3A_143 = arith.addi %mul3A_2, %add3A_142 : i32
    %dma_start3A_144 = arith.constant 0 : i32
    %dma_start3A_145 = arith.constant 0 : i32
    %dma_start3A_146 = tpu.memref_slice %arg9[%dma_start3A_144, %dma_start3A_145] : memref<128x128xf32, #tpu.memory_space<vmem>> -> memref<128x128xf32, #tpu.memory_space<vmem>>
    %dma_start3A_147 = arith.constant 0 : i32
    %dma_start3A_148 = tpu.memref_slice %arg6[%add3A_143, %dma_start3A_147] : memref<100000x128xf32, #tpu.memory_space<hbm>> -> memref<128x128xf32, #tpu.memory_space<hbm>>
    %dma_start3A_149 = arith.constant 0 : i32
    %dma_start3A_150 = tpu.memref_slice %arg6[%add3A_143, %dma_start3A_149] : memref<100000x128xf32, #tpu.memory_space<hbm>> -> memref<128x128xf32, #tpu.memory_space<hbm>>
    %dma_start3A_151 = arith.constant 0 : i32
    %dma_start3A_152 = arith.constant 0 : i32
    %dma_start3A_153 = tpu.memref_slice %arg9[%dma_start3A_151, %dma_start3A_152] : memref<128x128xf32, #tpu.memory_space<vmem>> -> memref<128x128xf32, #tpu.memory_space<vmem>>
    tpu.enqueue_dma source(%dma_start3A_153 : memref<128x128xf32, #tpu.memory_space<vmem>>) target(%dma_start3A_150 : memref<128x128xf32, #tpu.memory_space<hbm>>) target_semaphore(%arg18 : memref<!tpu.dma_semaphore, #tpu.memory_space<semaphore_mem>>)
    %dma_wait3A_154 = arith.constant 0 : i32
    %dma_wait3A_155 = arith.constant 0 : i32
    %dma_wait3A_156 = tpu.memref_slice %arg11[%dma_wait3A_154, %dma_wait3A_155] : memref<128x128xf32, #tpu.memory_space<vmem>> -> memref<128x128xf32, #tpu.memory_space<vmem>>
    %dma_wait3A_157 = arith.constant 256 : i32
    %dma_wait3A_158 = tpu.memref_slice %arg8[%dma_wait3A_157] : memref<9408xi32, #tpu.memory_space<vmem>> -> memref<128xi32, #tpu.memory_space<vmem>>
    %dma_wait3A_159 = arith.constant 0 : i32
    %dma_wait3A_160 = arith.constant 0 : i32
    %dma_wait3A_161 = tpu.memref_slice %arg3[%dma_wait3A_159, %dma_wait3A_160] : memref<1920x128xf32, #tpu.memory_space<hbm>> -> memref<1920x128xf32, #tpu.memory_space<hbm>>
    tpu.wait_indirect_dma semaphore(%arg17 : memref<!tpu.dma_semaphore, #tpu.memory_space<semaphore_mem>>) src(%dma_wait3A_161 : memref<1920x128xf32, #tpu.memory_space<hbm>>) dst(%dma_wait3A_156 : memref<128x128xf32, #tpu.memory_space<vmem>>)
    %dma_start3A_162 = arith.constant 0 : i32
    %dma_start3A_163 = arith.constant 0 : i32
    %dma_start3A_164 = tpu.memref_slice %arg11[%dma_start3A_162, %dma_start3A_163] : memref<128x128xf32, #tpu.memory_space<vmem>> -> memref<128x128xf32, #tpu.memory_space<vmem>>
    %dma_start3A_165 = arith.constant 3392 : i32
    %dma_start3A_166 = tpu.memref_slice %arg8[%dma_start3A_165] : memref<9408xi32, #tpu.memory_space<vmem>> -> memref<128xi32, #tpu.memory_space<vmem>>
    %dma_start3A_167 = arith.constant 0 : i32
    %dma_start3A_168 = arith.constant 0 : i32
    %dma_start3A_169 = tpu.memref_slice %arg4[%dma_start3A_167, %dma_start3A_168] : memref<2048x128xf32, #tpu.memory_space<hbm>> -> memref<2048x128xf32, #tpu.memory_space<hbm>>
    tpu.enqueue_indirect_dma source(%dma_start3A_169 : memref<2048x128xf32, #tpu.memory_space<hbm>>) target(%dma_start3A_164 : memref<128x128xf32, #tpu.memory_space<vmem>>) offsets(%dma_start3A_166 : memref<128xi32, #tpu.memory_space<vmem>>) semaphore(%arg17 : memref<!tpu.dma_semaphore, #tpu.memory_space<semaphore_mem>>) {add = true}
    %dma_start3A_170 = arith.constant 0 : i32
    %dma_start3A_171 = arith.constant 0 : i32
    %dma_start3A_172 = tpu.memref_slice %arg11[%dma_start3A_170, %dma_start3A_171] : memref<128x128xf32, #tpu.memory_space<vmem>> -> memref<128x128xf32, #tpu.memory_space<vmem>>
    %dma_start3A_173 = arith.constant 6528 : i32
    %dma_start3A_174 = tpu.memref_slice %arg8[%dma_start3A_173] : memref<9408xi32, #tpu.memory_space<vmem>> -> memref<128xi32, #tpu.memory_space<vmem>>
    %dma_start3A_175 = arith.constant 0 : i32
    %dma_start3A_176 = arith.constant 0 : i32
    %dma_start3A_177 = tpu.memref_slice %arg5[%dma_start3A_175, %dma_start3A_176] : memref<1408x128xf32, #tpu.memory_space<hbm>> -> memref<1408x128xf32, #tpu.memory_space<hbm>>
    tpu.enqueue_indirect_dma source(%dma_start3A_177 : memref<1408x128xf32, #tpu.memory_space<hbm>>) target(%dma_start3A_172 : memref<128x128xf32, #tpu.memory_space<vmem>>) offsets(%dma_start3A_174 : memref<128xi32, #tpu.memory_space<vmem>>) semaphore(%arg17 : memref<!tpu.dma_semaphore, #tpu.memory_space<semaphore_mem>>) {add = true}
    %dma_wait3A_178 = arith.constant 0 : i32
    %dma_wait3A_179 = arith.constant 0 : i32
    %dma_wait3A_180 = tpu.memref_slice %arg9[%dma_wait3A_178, %dma_wait3A_179] : memref<128x128xf32, #tpu.memory_space<vmem>> -> memref<128x128xf32, #tpu.memory_space<vmem>>
    %dma_wait3A_181 = arith.constant 0 : i32
    %dma_wait3A_182 = tpu.memref_slice %arg6[%add3A_143, %dma_wait3A_181] : memref<100000x128xf32, #tpu.memory_space<hbm>> -> memref<128x128xf32, #tpu.memory_space<hbm>>
    %dma_wait3A_183 = arith.constant 0 : i32
    %dma_wait3A_184 = tpu.memref_slice %arg6[%add3A_143, %dma_wait3A_183] : memref<100000x128xf32, #tpu.memory_space<hbm>> -> memref<128x128xf32, #tpu.memory_space<hbm>>
    %dma_wait3A_185 = arith.constant 0 : i32
    %dma_wait3A_186 = arith.constant 0 : i32
    %dma_wait3A_187 = tpu.memref_slice %arg9[%dma_wait3A_185, %dma_wait3A_186] : memref<128x128xf32, #tpu.memory_space<vmem>> -> memref<128x128xf32, #tpu.memory_space<vmem>>
    tpu.wait_dma2 semaphore(%arg18 : memref<!tpu.dma_semaphore, #tpu.memory_space<semaphore_mem>>) src(%dma_wait3A_187 : memref<128x128xf32, #tpu.memory_space<vmem>>) dst(%dma_wait3A_184 : memref<128x128xf32, #tpu.memory_space<hbm>>)
    %dma_start3A_188 = arith.constant 0 : i32
    %dma_start3A_189 = arith.constant 0 : i32
    %dma_start3A_190 = tpu.memref_slice %arg9[%dma_start3A_188, %dma_start3A_189] : memref<128x128xf32, #tpu.memory_space<vmem>> -> memref<128x128xf32, #tpu.memory_space<vmem>>
    %dma_start3A_191 = arith.constant 384 : i32
    %dma_start3A_192 = tpu.memref_slice %arg8[%dma_start3A_191] : memref<9408xi32, #tpu.memory_space<vmem>> -> memref<128xi32, #tpu.memory_space<vmem>>
    %dma_start3A_193 = arith.constant 0 : i32
    %dma_start3A_194 = arith.constant 0 : i32
    %dma_start3A_195 = tpu.memref_slice %arg12[%dma_start3A_193, %dma_start3A_194] : memref<1920x128xf32, #tpu.memory_space<vmem_shared>> -> memref<1920x128xf32, #tpu.memory_space<vmem_shared>>
    tpu.enqueue_indirect_dma source(%dma_start3A_195 : memref<1920x128xf32, #tpu.memory_space<vmem_shared>>) target(%dma_start3A_190 : memref<128x128xf32, #tpu.memory_space<vmem>>) offsets(%dma_start3A_192 : memref<128xi32, #tpu.memory_space<vmem>>) semaphore(%arg15 : memref<!tpu.dma_semaphore, #tpu.memory_space<semaphore_mem>>)
    %dma_wait3A_196 = arith.constant 0 : i32
    %dma_wait3A_197 = arith.constant 0 : i32
    %dma_wait3A_198 = tpu.memref_slice %arg10[%dma_wait3A_196, %dma_wait3A_197] : memref<128x128xf32, #tpu.memory_space<vmem>> -> memref<128x128xf32, #tpu.memory_space<vmem>>
    %dma_wait3A_199 = arith.constant 3264 : i32
    %dma_wait3A_200 = tpu.memref_slice %arg8[%dma_wait3A_199] : memref<9408xi32, #tpu.memory_space<vmem>> -> memref<128xi32, #tpu.memory_space<vmem>>
    %dma_wait3A_201 = arith.constant 0 : i32
    %dma_wait3A_202 = arith.constant 0 : i32
    %dma_wait3A_203 = tpu.memref_slice %arg13[%dma_wait3A_201, %dma_wait3A_202] : memref<2048x128xf32, #tpu.memory_space<vmem_shared>> -> memref<2048x128xf32, #tpu.memory_space<vmem_shared>>
    tpu.wait_indirect_dma semaphore(%arg16 : memref<!tpu.dma_semaphore, #tpu.memory_space<semaphore_mem>>) src(%dma_wait3A_203 : memref<2048x128xf32, #tpu.memory_space<vmem_shared>>) dst(%dma_wait3A_198 : memref<128x128xf32, #tpu.memory_space<vmem>>)
    %dma_wait3A_204 = arith.constant 0 : i32
    %dma_wait3A_205 = arith.constant 0 : i32
    %dma_wait3A_206 = tpu.memref_slice %arg10[%dma_wait3A_204, %dma_wait3A_205] : memref<128x128xf32, #tpu.memory_space<vmem>> -> memref<128x128xf32, #tpu.memory_space<vmem>>
    %dma_wait3A_207 = arith.constant 6400 : i32
    %dma_wait3A_208 = tpu.memref_slice %arg8[%dma_wait3A_207] : memref<9408xi32, #tpu.memory_space<vmem>> -> memref<128xi32, #tpu.memory_space<vmem>>
    %dma_wait3A_209 = arith.constant 0 : i32
    %dma_wait3A_210 = arith.constant 0 : i32
    %dma_wait3A_211 = tpu.memref_slice %arg14[%dma_wait3A_209, %dma_wait3A_210] : memref<1408x128xf32, #tpu.memory_space<vmem_shared>> -> memref<1408x128xf32, #tpu.memory_space<vmem_shared>>
    tpu.wait_indirect_dma semaphore(%arg16 : memref<!tpu.dma_semaphore, #tpu.memory_space<semaphore_mem>>) src(%dma_wait3A_211 : memref<1408x128xf32, #tpu.memory_space<vmem_shared>>) dst(%dma_wait3A_206 : memref<128x128xf32, #tpu.memory_space<vmem>>)
    %add3A_212 = arith.constant 128 : i32
    %add3A_213 = arith.addi %mul3A_2, %add3A_212 : i32
    %dma_start3A_214 = arith.constant 0 : i32
    %dma_start3A_215 = arith.constant 0 : i32
    %dma_start3A_216 = tpu.memref_slice %arg10[%dma_start3A_214, %dma_start3A_215] : memref<128x128xf32, #tpu.memory_space<vmem>> -> memref<128x128xf32, #tpu.memory_space<vmem>>
    %dma_start3A_217 = arith.constant 0 : i32
    %dma_start3A_218 = tpu.memref_slice %arg6[%add3A_213, %dma_start3A_217] : memref<100000x128xf32, #tpu.memory_space<hbm>> -> memref<128x128xf32, #tpu.memory_space<hbm>>
    %dma_start3A_219 = arith.constant 0 : i32
    %dma_start3A_220 = tpu.memref_slice %arg6[%add3A_213, %dma_start3A_219] : memref<100000x128xf32, #tpu.memory_space<hbm>> -> memref<128x128xf32, #tpu.memory_space<hbm>>
    %dma_start3A_221 = arith.constant 0 : i32
    %dma_start3A_222 = arith.constant 0 : i32
    %dma_start3A_223 = tpu.memref_slice %arg10[%dma_start3A_221, %dma_start3A_222] : memref<128x128xf32, #tpu.memory_space<vmem>> -> memref<128x128xf32, #tpu.memory_space<vmem>>
    tpu.enqueue_dma source(%dma_start3A_223 : memref<128x128xf32, #tpu.memory_space<vmem>>) target(%dma_start3A_220 : memref<128x128xf32, #tpu.memory_space<hbm>>) target_semaphore(%arg19 : memref<!tpu.dma_semaphore, #tpu.memory_space<semaphore_mem>>)
    %dma_wait3A_224 = arith.constant 0 : i32
    %dma_wait3A_225 = arith.constant 0 : i32
    %dma_wait3A_226 = tpu.memref_slice %arg9[%dma_wait3A_224, %dma_wait3A_225] : memref<128x128xf32, #tpu.memory_space<vmem>> -> memref<128x128xf32, #tpu.memory_space<vmem>>
    %dma_wait3A_227 = arith.constant 384 : i32
    %dma_wait3A_228 = tpu.memref_slice %arg8[%dma_wait3A_227] : memref<9408xi32, #tpu.memory_space<vmem>> -> memref<128xi32, #tpu.memory_space<vmem>>
    %dma_wait3A_229 = arith.constant 0 : i32
    %dma_wait3A_230 = arith.constant 0 : i32
    %dma_wait3A_231 = tpu.memref_slice %arg12[%dma_wait3A_229, %dma_wait3A_230] : memref<1920x128xf32, #tpu.memory_space<vmem_shared>> -> memref<1920x128xf32, #tpu.memory_space<vmem_shared>>
    tpu.wait_indirect_dma semaphore(%arg15 : memref<!tpu.dma_semaphore, #tpu.memory_space<semaphore_mem>>) src(%dma_wait3A_231 : memref<1920x128xf32, #tpu.memory_space<vmem_shared>>) dst(%dma_wait3A_226 : memref<128x128xf32, #tpu.memory_space<vmem>>)
    %dma_start3A_232 = arith.constant 0 : i32
    %dma_start3A_233 = arith.constant 0 : i32
    %dma_start3A_234 = tpu.memref_slice %arg9[%dma_start3A_232, %dma_start3A_233] : memref<128x128xf32, #tpu.memory_space<vmem>> -> memref<128x128xf32, #tpu.memory_space<vmem>>
    %dma_start3A_235 = arith.constant 3520 : i32
    %dma_start3A_236 = tpu.memref_slice %arg8[%dma_start3A_235] : memref<9408xi32, #tpu.memory_space<vmem>> -> memref<128xi32, #tpu.memory_space<vmem>>
    %dma_start3A_237 = arith.constant 0 : i32
    %dma_start3A_238 = arith.constant 0 : i32
    %dma_start3A_239 = tpu.memref_slice %arg13[%dma_start3A_237, %dma_start3A_238] : memref<2048x128xf32, #tpu.memory_space<vmem_shared>> -> memref<2048x128xf32, #tpu.memory_space<vmem_shared>>
    tpu.enqueue_indirect_dma source(%dma_start3A_239 : memref<2048x128xf32, #tpu.memory_space<vmem_shared>>) target(%dma_start3A_234 : memref<128x128xf32, #tpu.memory_space<vmem>>) offsets(%dma_start3A_236 : memref<128xi32, #tpu.memory_space<vmem>>) semaphore(%arg15 : memref<!tpu.dma_semaphore, #tpu.memory_space<semaphore_mem>>) {add = true}
    %dma_start3A_240 = arith.constant 0 : i32
    %dma_start3A_241 = arith.constant 0 : i32
    %dma_start3A_242 = tpu.memref_slice %arg9[%dma_start3A_240, %dma_start3A_241] : memref<128x128xf32, #tpu.memory_space<vmem>> -> memref<128x128xf32, #tpu.memory_space<vmem>>
    %dma_start3A_243 = arith.constant 6656 : i32
    %dma_start3A_244 = tpu.memref_slice %arg8[%dma_start3A_243] : memref<9408xi32, #tpu.memory_space<vmem>> -> memref<128xi32, #tpu.memory_space<vmem>>
    %dma_start3A_245 = arith.constant 0 : i32
    %dma_start3A_246 = arith.constant 0 : i32
    %dma_start3A_247 = tpu.memref_slice %arg14[%dma_start3A_245, %dma_start3A_246] : memref<1408x128xf32, #tpu.memory_space<vmem_shared>> -> memref<1408x128xf32, #tpu.memory_space<vmem_shared>>
    tpu.enqueue_indirect_dma source(%dma_start3A_247 : memref<1408x128xf32, #tpu.memory_space<vmem_shared>>) target(%dma_start3A_242 : memref<128x128xf32, #tpu.memory_space<vmem>>) offsets(%dma_start3A_244 : memref<128xi32, #tpu.memory_space<vmem>>) semaphore(%arg15 : memref<!tpu.dma_semaphore, #tpu.memory_space<semaphore_mem>>) {add = true}
    %dma_wait3A_248 = arith.constant 0 : i32
    %dma_wait3A_249 = arith.constant 0 : i32
    %dma_wait3A_250 = tpu.memref_slice %arg10[%dma_wait3A_248, %dma_wait3A_249] : memref<128x128xf32, #tpu.memory_space<vmem>> -> memref<128x128xf32, #tpu.memory_space<vmem>>
    %dma_wait3A_251 = arith.constant 0 : i32
    %dma_wait3A_252 = tpu.memref_slice %arg6[%add3A_213, %dma_wait3A_251] : memref<100000x128xf32, #tpu.memory_space<hbm>> -> memref<128x128xf32, #tpu.memory_space<hbm>>
    %dma_wait3A_253 = arith.constant 0 : i32
    %dma_wait3A_254 = tpu.memref_slice %arg6[%add3A_213, %dma_wait3A_253] : memref<100000x128xf32, #tpu.memory_space<hbm>> -> memref<128x128xf32, #tpu.memory_space<hbm>>
    %dma_wait3A_255 = arith.constant 0 : i32
    %dma_wait3A_256 = arith.constant 0 : i32
    %dma_wait3A_257 = tpu.memref_slice %arg10[%dma_wait3A_255, %dma_wait3A_256] : memref<128x128xf32, #tpu.memory_space<vmem>> -> memref<128x128xf32, #tpu.memory_space<vmem>>
    tpu.wait_dma2 semaphore(%arg19 : memref<!tpu.dma_semaphore, #tpu.memory_space<semaphore_mem>>) src(%dma_wait3A_257 : memref<128x128xf32, #tpu.memory_space<vmem>>) dst(%dma_wait3A_254 : memref<128x128xf32, #tpu.memory_space<hbm>>)
    %dma_start3A_258 = arith.constant 0 : i32
    %dma_start3A_259 = arith.constant 0 : i32
    %dma_start3A_260 = tpu.memref_slice %arg10[%dma_start3A_258, %dma_start3A_259] : memref<128x128xf32, #tpu.memory_space<vmem>> -> memref<128x128xf32, #tpu.memory_space<vmem>>
    %dma_start3A_261 = arith.constant 512 : i32
    %dma_start3A_262 = tpu.memref_slice %arg8[%dma_start3A_261] : memref<9408xi32, #tpu.memory_space<vmem>> -> memref<128xi32, #tpu.memory_space<vmem>>
    %dma_start3A_263 = arith.constant 0 : i32
    %dma_start3A_264 = arith.constant 0 : i32
    %dma_start3A_265 = tpu.memref_slice %arg12[%dma_start3A_263, %dma_start3A_264] : memref<1920x128xf32, #tpu.memory_space<vmem_shared>> -> memref<1920x128xf32, #tpu.memory_space<vmem_shared>>
    tpu.enqueue_indirect_dma source(%dma_start3A_265 : memref<1920x128xf32, #tpu.memory_space<vmem_shared>>) target(%dma_start3A_260 : memref<128x128xf32, #tpu.memory_space<vmem>>) offsets(%dma_start3A_262 : memref<128xi32, #tpu.memory_space<vmem>>) semaphore(%arg16 : memref<!tpu.dma_semaphore, #tpu.memory_space<semaphore_mem>>)
    %dma_wait3A_266 = arith.constant 0 : i32
    %dma_wait3A_267 = arith.constant 0 : i32
    %dma_wait3A_268 = tpu.memref_slice %arg11[%dma_wait3A_266, %dma_wait3A_267] : memref<128x128xf32, #tpu.memory_space<vmem>> -> memref<128x128xf32, #tpu.memory_space<vmem>>
    %dma_wait3A_269 = arith.constant 3392 : i32
    %dma_wait3A_270 = tpu.memref_slice %arg8[%dma_wait3A_269] : memref<9408xi32, #tpu.memory_space<vmem>> -> memref<128xi32, #tpu.memory_space<vmem>>
    %dma_wait3A_271 = arith.constant 0 : i32
    %dma_wait3A_272 = arith.constant 0 : i32
    %dma_wait3A_273 = tpu.memref_slice %arg4[%dma_wait3A_271, %dma_wait3A_272] : memref<2048x128xf32, #tpu.memory_space<hbm>> -> memref<2048x128xf32, #tpu.memory_space<hbm>>
    tpu.wait_indirect_dma semaphore(%arg17 : memref<!tpu.dma_semaphore, #tpu.memory_space<semaphore_mem>>) src(%dma_wait3A_273 : memref<2048x128xf32, #tpu.memory_space<hbm>>) dst(%dma_wait3A_268 : memref<128x128xf32, #tpu.memory_space<vmem>>)
    %dma_wait3A_274 = arith.constant 0 : i32
    %dma_wait3A_275 = arith.constant 0 : i32
    %dma_wait3A_276 = tpu.memref_slice %arg11[%dma_wait3A_274, %dma_wait3A_275] : memref<128x128xf32, #tpu.memory_space<vmem>> -> memref<128x128xf32, #tpu.memory_space<vmem>>
    %dma_wait3A_277 = arith.constant 6528 : i32
    %dma_wait3A_278 = tpu.memref_slice %arg8[%dma_wait3A_277] : memref<9408xi32, #tpu.memory_space<vmem>> -> memref<128xi32, #tpu.memory_space<vmem>>
    %dma_wait3A_279 = arith.constant 0 : i32
    %dma_wait3A_280 = arith.constant 0 : i32
    %dma_wait3A_281 = tpu.memref_slice %arg5[%dma_wait3A_279, %dma_wait3A_280] : memref<1408x128xf32, #tpu.memory_space<hbm>> -> memref<1408x128xf32, #tpu.memory_space<hbm>>
    tpu.wait_indirect_dma semaphore(%arg17 : memref<!tpu.dma_semaphore, #tpu.memory_space<semaphore_mem>>) src(%dma_wait3A_281 : memref<1408x128xf32, #tpu.memory_space<hbm>>) dst(%dma_wait3A_276 : memref<128x128xf32, #tpu.memory_space<vmem>>)
    %add3A_282 = arith.constant 256 : i32
    %add3A_283 = arith.addi %mul3A_2, %add3A_282 : i32
    %dma_start3A_284 = arith.constant 0 : i32
    %dma_start3A_285 = arith.constant 0 : i32
    %dma_start3A_286 = tpu.memref_slice %arg11[%dma_start3A_284, %dma_start3A_285] : memref<128x128xf32, #tpu.memory_space<vmem>> -> memref<128x128xf32, #tpu.memory_space<vmem>>
    %dma_start3A_287 = arith.constant 0 : i32
    %dma_start3A_288 = tpu.memref_slice %arg6[%add3A_283, %dma_start3A_287] : memref<100000x128xf32, #tpu.memory_space<hbm>> -> memref<128x128xf32, #tpu.memory_space<hbm>>
    %dma_start3A_289 = arith.constant 0 : i32
    %dma_start3A_290 = tpu.memref_slice %arg6[%add3A_283, %dma_start3A_289] : memref<100000x128xf32, #tpu.memory_space<hbm>> -> memref<128x128xf32, #tpu.memory_space<hbm>>
    %dma_start3A_291 = arith.constant 0 : i32
    %dma_start3A_292 = arith.constant 0 : i32
    %dma_start3A_293 = tpu.memref_slice %arg11[%dma_start3A_291, %dma_start3A_292] : memref<128x128xf32, #tpu.memory_space<vmem>> -> memref<128x128xf32, #tpu.memory_space<vmem>>
    tpu.enqueue_dma source(%dma_start3A_293 : memref<128x128xf32, #tpu.memory_space<vmem>>) target(%dma_start3A_290 : memref<128x128xf32, #tpu.memory_space<hbm>>) target_semaphore(%arg20 : memref<!tpu.dma_semaphore, #tpu.memory_space<semaphore_mem>>)
    %dma_wait3A_294 = arith.constant 0 : i32
    %dma_wait3A_295 = arith.constant 0 : i32
    %dma_wait3A_296 = tpu.memref_slice %arg10[%dma_wait3A_294, %dma_wait3A_295] : memref<128x128xf32, #tpu.memory_space<vmem>> -> memref<128x128xf32, #tpu.memory_space<vmem>>
    %dma_wait3A_297 = arith.constant 512 : i32
    %dma_wait3A_298 = tpu.memref_slice %arg8[%dma_wait3A_297] : memref<9408xi32, #tpu.memory_space<vmem>> -> memref<128xi32, #tpu.memory_space<vmem>>
    %dma_wait3A_299 = arith.constant 0 : i32
    %dma_wait3A_300 = arith.constant 0 : i32
    %dma_wait3A_301 = tpu.memref_slice %arg12[%dma_wait3A_299, %dma_wait3A_300] : memref<1920x128xf32, #tpu.memory_space<vmem_shared>> -> memref<1920x128xf32, #tpu.memory_space<vmem_shared>>
    tpu.wait_indirect_dma semaphore(%arg16 : memref<!tpu.dma_semaphore, #tpu.memory_space<semaphore_mem>>) src(%dma_wait3A_301 : memref<1920x128xf32, #tpu.memory_space<vmem_shared>>) dst(%dma_wait3A_296 : memref<128x128xf32, #tpu.memory_space<vmem>>)
    %dma_start3A_302 = arith.constant 0 : i32
    %dma_start3A_303 = arith.constant 0 : i32
    %dma_start3A_304 = tpu.memref_slice %arg10[%dma_start3A_302, %dma_start3A_303] : memref<128x128xf32, #tpu.memory_space<vmem>> -> memref<128x128xf32, #tpu.memory_space<vmem>>
    %dma_start3A_305 = arith.constant 3648 : i32
    %dma_start3A_306 = tpu.memref_slice %arg8[%dma_start3A_305] : memref<9408xi32, #tpu.memory_space<vmem>> -> memref<128xi32, #tpu.memory_space<vmem>>
    %dma_start3A_307 = arith.constant 0 : i32
    %dma_start3A_308 = arith.constant 0 : i32
    %dma_start3A_309 = tpu.memref_slice %arg13[%dma_start3A_307, %dma_start3A_308] : memref<2048x128xf32, #tpu.memory_space<vmem_shared>> -> memref<2048x128xf32, #tpu.memory_space<vmem_shared>>
    tpu.enqueue_indirect_dma source(%dma_start3A_309 : memref<2048x128xf32, #tpu.memory_space<vmem_shared>>) target(%dma_start3A_304 : memref<128x128xf32, #tpu.memory_space<vmem>>) offsets(%dma_start3A_306 : memref<128xi32, #tpu.memory_space<vmem>>) semaphore(%arg16 : memref<!tpu.dma_semaphore, #tpu.memory_space<semaphore_mem>>) {add = true}
    %dma_start3A_310 = arith.constant 0 : i32
    %dma_start3A_311 = arith.constant 0 : i32
    %dma_start3A_312 = tpu.memref_slice %arg10[%dma_start3A_310, %dma_start3A_311] : memref<128x128xf32, #tpu.memory_space<vmem>> -> memref<128x128xf32, #tpu.memory_space<vmem>>
    %dma_start3A_313 = arith.constant 6784 : i32
    %dma_start3A_314 = tpu.memref_slice %arg8[%dma_start3A_313] : memref<9408xi32, #tpu.memory_space<vmem>> -> memref<128xi32, #tpu.memory_space<vmem>>
    %dma_start3A_315 = arith.constant 0 : i32
    %dma_start3A_316 = arith.constant 0 : i32
    %dma_start3A_317 = tpu.memref_slice %arg14[%dma_start3A_315, %dma_start3A_316] : memref<1408x128xf32, #tpu.memory_space<vmem_shared>> -> memref<1408x128xf32, #tpu.memory_space<vmem_shared>>
    tpu.enqueue_indirect_dma source(%dma_start3A_317 : memref<1408x128xf32, #tpu.memory_space<vmem_shared>>) target(%dma_start3A_312 : memref<128x128xf32, #tpu.memory_space<vmem>>) offsets(%dma_start3A_314 : memref<128xi32, #tpu.memory_space<vmem>>) semaphore(%arg16 : memref<!tpu.dma_semaphore, #tpu.memory_space<semaphore_mem>>) {add = true}
    %dma_wait3A_318 = arith.constant 0 : i32
    %dma_wait3A_319 = arith.constant 0 : i32
    %dma_wait3A_320 = tpu.memref_slice %arg11[%dma_wait3A_318, %dma_wait3A_319] : memref<128x128xf32, #tpu.memory_space<vmem>> -> memref<128x128xf32, #tpu.memory_space<vmem>>
    %dma_wait3A_321 = arith.constant 0 : i32
    %dma_wait3A_322 = tpu.memref_slice %arg6[%add3A_283, %dma_wait3A_321] : memref<100000x128xf32, #tpu.memory_space<hbm>> -> memref<128x128xf32, #tpu.memory_space<hbm>>
    %dma_wait3A_323 = arith.constant 0 : i32
    %dma_wait3A_324 = tpu.memref_slice %arg6[%add3A_283, %dma_wait3A_323] : memref<100000x128xf32, #tpu.memory_space<hbm>> -> memref<128x128xf32, #tpu.memory_space<hbm>>
    %dma_wait3A_325 = arith.constant 0 : i32
    %dma_wait3A_326 = arith.constant 0 : i32
    %dma_wait3A_327 = tpu.memref_slice %arg11[%dma_wait3A_325, %dma_wait3A_326] : memref<128x128xf32, #tpu.memory_space<vmem>> -> memref<128x128xf32, #tpu.memory_space<vmem>>
    tpu.wait_dma2 semaphore(%arg20 : memref<!tpu.dma_semaphore, #tpu.memory_space<semaphore_mem>>) src(%dma_wait3A_327 : memref<128x128xf32, #tpu.memory_space<vmem>>) dst(%dma_wait3A_324 : memref<128x128xf32, #tpu.memory_space<hbm>>)
    %dma_start3A_328 = arith.constant 0 : i32
    %dma_start3A_329 = arith.constant 0 : i32
    %dma_start3A_330 = tpu.memref_slice %arg11[%dma_start3A_328, %dma_start3A_329] : memref<128x128xf32, #tpu.memory_space<vmem>> -> memref<128x128xf32, #tpu.memory_space<vmem>>
    %dma_start3A_331 = arith.constant 640 : i32
    %dma_start3A_332 = tpu.memref_slice %arg8[%dma_start3A_331] : memref<9408xi32, #tpu.memory_space<vmem>> -> memref<128xi32, #tpu.memory_space<vmem>>
    %dma_start3A_333 = arith.constant 0 : i32
    %dma_start3A_334 = arith.constant 0 : i32
    %dma_start3A_335 = tpu.memref_slice %arg3[%dma_start3A_333, %dma_start3A_334] : memref<1920x128xf32, #tpu.memory_space<hbm>> -> memref<1920x128xf32, #tpu.memory_space<hbm>>
    tpu.enqueue_indirect_dma source(%dma_start3A_335 : memref<1920x128xf32, #tpu.memory_space<hbm>>) target(%dma_start3A_330 : memref<128x128xf32, #tpu.memory_space<vmem>>) offsets(%dma_start3A_332 : memref<128xi32, #tpu.memory_space<vmem>>) semaphore(%arg17 : memref<!tpu.dma_semaphore, #tpu.memory_space<semaphore_mem>>)
    %dma_wait3A_336 = arith.constant 0 : i32
    %dma_wait3A_337 = arith.constant 0 : i32
    %dma_wait3A_338 = tpu.memref_slice %arg9[%dma_wait3A_336, %dma_wait3A_337] : memref<128x128xf32, #tpu.memory_space<vmem>> -> memref<128x128xf32, #tpu.memory_space<vmem>>
    %dma_wait3A_339 = arith.constant 3520 : i32
    %dma_wait3A_340 = tpu.memref_slice %arg8[%dma_wait3A_339] : memref<9408xi32, #tpu.memory_space<vmem>> -> memref<128xi32, #tpu.memory_space<vmem>>
    %dma_wait3A_341 = arith.constant 0 : i32
    %dma_wait3A_342 = arith.constant 0 : i32
    %dma_wait3A_343 = tpu.memref_slice %arg13[%dma_wait3A_341, %dma_wait3A_342] : memref<2048x128xf32, #tpu.memory_space<vmem_shared>> -> memref<2048x128xf32, #tpu.memory_space<vmem_shared>>
    tpu.wait_indirect_dma semaphore(%arg15 : memref<!tpu.dma_semaphore, #tpu.memory_space<semaphore_mem>>) src(%dma_wait3A_343 : memref<2048x128xf32, #tpu.memory_space<vmem_shared>>) dst(%dma_wait3A_338 : memref<128x128xf32, #tpu.memory_space<vmem>>)
    %dma_wait3A_344 = arith.constant 0 : i32
    %dma_wait3A_345 = arith.constant 0 : i32
    %dma_wait3A_346 = tpu.memref_slice %arg9[%dma_wait3A_344, %dma_wait3A_345] : memref<128x128xf32, #tpu.memory_space<vmem>> -> memref<128x128xf32, #tpu.memory_space<vmem>>
    %dma_wait3A_347 = arith.constant 6656 : i32
    %dma_wait3A_348 = tpu.memref_slice %arg8[%dma_wait3A_347] : memref<9408xi32, #tpu.memory_space<vmem>> -> memref<128xi32, #tpu.memory_space<vmem>>
    %dma_wait3A_349 = arith.constant 0 : i32
    %dma_wait3A_350 = arith.constant 0 : i32
    %dma_wait3A_351 = tpu.memref_slice %arg14[%dma_wait3A_349, %dma_wait3A_350] : memref<1408x128xf32, #tpu.memory_space<vmem_shared>> -> memref<1408x128xf32, #tpu.memory_space<vmem_shared>>
    tpu.wait_indirect_dma semaphore(%arg15 : memref<!tpu.dma_semaphore, #tpu.memory_space<semaphore_mem>>) src(%dma_wait3A_351 : memref<1408x128xf32, #tpu.memory_space<vmem_shared>>) dst(%dma_wait3A_346 : memref<128x128xf32, #tpu.memory_space<vmem>>)
    %add3A_352 = arith.constant 384 : i32
    %add3A_353 = arith.addi %mul3A_2, %add3A_352 : i32
    %dma_start3A_354 = arith.constant 0 : i32
    %dma_start3A_355 = arith.constant 0 : i32
    %dma_start3A_356 = tpu.memref_slice %arg9[%dma_start3A_354, %dma_start3A_355] : memref<128x128xf32, #tpu.memory_space<vmem>> -> memref<128x128xf32, #tpu.memory_space<vmem>>
    %dma_start3A_357 = arith.constant 0 : i32
    %dma_start3A_358 = tpu.memref_slice %arg6[%add3A_353, %dma_start3A_357] : memref<100000x128xf32, #tpu.memory_space<hbm>> -> memref<128x128xf32, #tpu.memory_space<hbm>>
    %dma_start3A_359 = arith.constant 0 : i32
    %dma_start3A_360 = tpu.memref_slice %arg6[%add3A_353, %dma_start3A_359] : memref<100000x128xf32, #tpu.memory_space<hbm>> -> memref<128x128xf32, #tpu.memory_space<hbm>>
    %dma_start3A_361 = arith.constant 0 : i32
    %dma_start3A_362 = arith.constant 0 : i32
    %dma_start3A_363 = tpu.memref_slice %arg9[%dma_start3A_361, %dma_start3A_362] : memref<128x128xf32, #tpu.memory_space<vmem>> -> memref<128x128xf32, #tpu.memory_space<vmem>>
    tpu.enqueue_dma source(%dma_start3A_363 : memref<128x128xf32, #tpu.memory_space<vmem>>) target(%dma_start3A_360 : memref<128x128xf32, #tpu.memory_space<hbm>>) target_semaphore(%arg18 : memref<!tpu.dma_semaphore, #tpu.memory_space<semaphore_mem>>)
    %dma_wait3A_364 = arith.constant 0 : i32
    %dma_wait3A_365 = arith.constant 0 : i32
    %dma_wait3A_366 = tpu.memref_slice %arg11[%dma_wait3A_364, %dma_wait3A_365] : memref<128x128xf32, #tpu.memory_space<vmem>> -> memref<128x128xf32, #tpu.memory_space<vmem>>
    %dma_wait3A_367 = arith.constant 640 : i32
    %dma_wait3A_368 = tpu.memref_slice %arg8[%dma_wait3A_367] : memref<9408xi32, #tpu.memory_space<vmem>> -> memref<128xi32, #tpu.memory_space<vmem>>
    %dma_wait3A_369 = arith.constant 0 : i32
    %dma_wait3A_370 = arith.constant 0 : i32
    %dma_wait3A_371 = tpu.memref_slice %arg3[%dma_wait3A_369, %dma_wait3A_370] : memref<1920x128xf32, #tpu.memory_space<hbm>> -> memref<1920x128xf32, #tpu.memory_space<hbm>>
    tpu.wait_indirect_dma semaphore(%arg17 : memref<!tpu.dma_semaphore, #tpu.memory_space<semaphore_mem>>) src(%dma_wait3A_371 : memref<1920x128xf32, #tpu.memory_space<hbm>>) dst(%dma_wait3A_366 : memref<128x128xf32, #tpu.memory_space<vmem>>)
    %dma_start3A_372 = arith.constant 0 : i32
    %dma_start3A_373 = arith.constant 0 : i32
    %dma_start3A_374 = tpu.memref_slice %arg11[%dma_start3A_372, %dma_start3A_373] : memref<128x128xf32, #tpu.memory_space<vmem>> -> memref<128x128xf32, #tpu.memory_space<vmem>>
    %dma_start3A_375 = arith.constant 3776 : i32
    %dma_start3A_376 = tpu.memref_slice %arg8[%dma_start3A_375] : memref<9408xi32, #tpu.memory_space<vmem>> -> memref<128xi32, #tpu.memory_space<vmem>>
    %dma_start3A_377 = arith.constant 0 : i32
    %dma_start3A_378 = arith.constant 0 : i32
    %dma_start3A_379 = tpu.memref_slice %arg4[%dma_start3A_377, %dma_start3A_378] : memref<2048x128xf32, #tpu.memory_space<hbm>> -> memref<2048x128xf32, #tpu.memory_space<hbm>>
    tpu.enqueue_indirect_dma source(%dma_start3A_379 : memref<2048x128xf32, #tpu.memory_space<hbm>>) target(%dma_start3A_374 : memref<128x128xf32, #tpu.memory_space<vmem>>) offsets(%dma_start3A_376 : memref<128xi32, #tpu.memory_space<vmem>>) semaphore(%arg17 : memref<!tpu.dma_semaphore, #tpu.memory_space<semaphore_mem>>) {add = true}
    %dma_start3A_380 = arith.constant 0 : i32
    %dma_start3A_381 = arith.constant 0 : i32
    %dma_start3A_382 = tpu.memref_slice %arg11[%dma_start3A_380, %dma_start3A_381] : memref<128x128xf32, #tpu.memory_space<vmem>> -> memref<128x128xf32, #tpu.memory_space<vmem>>
    %dma_start3A_383 = arith.constant 6912 : i32
    %dma_start3A_384 = tpu.memref_slice %arg8[%dma_start3A_383] : memref<9408xi32, #tpu.memory_space<vmem>> -> memref<128xi32, #tpu.memory_space<vmem>>
    %dma_start3A_385 = arith.constant 0 : i32
    %dma_start3A_386 = arith.constant 0 : i32
    %dma_start3A_387 = tpu.memref_slice %arg5[%dma_start3A_385, %dma_start3A_386] : memref<1408x128xf32, #tpu.memory_space<hbm>> -> memref<1408x128xf32, #tpu.memory_space<hbm>>
    tpu.enqueue_indirect_dma source(%dma_start3A_387 : memref<1408x128xf32, #tpu.memory_space<hbm>>) target(%dma_start3A_382 : memref<128x128xf32, #tpu.memory_space<vmem>>) offsets(%dma_start3A_384 : memref<128xi32, #tpu.memory_space<vmem>>) semaphore(%arg17 : memref<!tpu.dma_semaphore, #tpu.memory_space<semaphore_mem>>) {add = true}
    %dma_wait3A_388 = arith.constant 0 : i32
    %dma_wait3A_389 = arith.constant 0 : i32
    %dma_wait3A_390 = tpu.memref_slice %arg9[%dma_wait3A_388, %dma_wait3A_389] : memref<128x128xf32, #tpu.memory_space<vmem>> -> memref<128x128xf32, #tpu.memory_space<vmem>>
    %dma_wait3A_391 = arith.constant 0 : i32
    %dma_wait3A_392 = tpu.memref_slice %arg6[%add3A_353, %dma_wait3A_391] : memref<100000x128xf32, #tpu.memory_space<hbm>> -> memref<128x128xf32, #tpu.memory_space<hbm>>
    %dma_wait3A_393 = arith.constant 0 : i32
    %dma_wait3A_394 = tpu.memref_slice %arg6[%add3A_353, %dma_wait3A_393] : memref<100000x128xf32, #tpu.memory_space<hbm>> -> memref<128x128xf32, #tpu.memory_space<hbm>>
    %dma_wait3A_395 = arith.constant 0 : i32
    %dma_wait3A_396 = arith.constant 0 : i32
    %dma_wait3A_397 = tpu.memref_slice %arg9[%dma_wait3A_395, %dma_wait3A_396] : memref<128x128xf32, #tpu.memory_space<vmem>> -> memref<128x128xf32, #tpu.memory_space<vmem>>
    tpu.wait_dma2 semaphore(%arg18 : memref<!tpu.dma_semaphore, #tpu.memory_space<semaphore_mem>>) src(%dma_wait3A_397 : memref<128x128xf32, #tpu.memory_space<vmem>>) dst(%dma_wait3A_394 : memref<128x128xf32, #tpu.memory_space<hbm>>)
    %dma_start3A_398 = arith.constant 0 : i32
    %dma_start3A_399 = arith.constant 0 : i32
    %dma_start3A_400 = tpu.memref_slice %arg9[%dma_start3A_398, %dma_start3A_399] : memref<128x128xf32, #tpu.memory_space<vmem>> -> memref<128x128xf32, #tpu.memory_space<vmem>>
    %dma_start3A_401 = arith.constant 768 : i32
    %dma_start3A_402 = tpu.memref_slice %arg8[%dma_start3A_401] : memref<9408xi32, #tpu.memory_space<vmem>> -> memref<128xi32, #tpu.memory_space<vmem>>
    %dma_start3A_403 = arith.constant 0 : i32
    %dma_start3A_404 = arith.constant 0 : i32
    %dma_start3A_405 = tpu.memref_slice %arg12[%dma_start3A_403, %dma_start3A_404] : memref<1920x128xf32, #tpu.memory_space<vmem_shared>> -> memref<1920x128xf32, #tpu.memory_space<vmem_shared>>
    tpu.enqueue_indirect_dma source(%dma_start3A_405 : memref<1920x128xf32, #tpu.memory_space<vmem_shared>>) target(%dma_start3A_400 : memref<128x128xf32, #tpu.memory_space<vmem>>) offsets(%dma_start3A_402 : memref<128xi32, #tpu.memory_space<vmem>>) semaphore(%arg15 : memref<!tpu.dma_semaphore, #tpu.memory_space<semaphore_mem>>)
    %dma_wait3A_406 = arith.constant 0 : i32
    %dma_wait3A_407 = arith.constant 0 : i32
    %dma_wait3A_408 = tpu.memref_slice %arg10[%dma_wait3A_406, %dma_wait3A_407] : memref<128x128xf32, #tpu.memory_space<vmem>> -> memref<128x128xf32, #tpu.memory_space<vmem>>
    %dma_wait3A_409 = arith.constant 3648 : i32
    %dma_wait3A_410 = tpu.memref_slice %arg8[%dma_wait3A_409] : memref<9408xi32, #tpu.memory_space<vmem>> -> memref<128xi32, #tpu.memory_space<vmem>>
    %dma_wait3A_411 = arith.constant 0 : i32
    %dma_wait3A_412 = arith.constant 0 : i32
    %dma_wait3A_413 = tpu.memref_slice %arg13[%dma_wait3A_411, %dma_wait3A_412] : memref<2048x128xf32, #tpu.memory_space<vmem_shared>> -> memref<2048x128xf32, #tpu.memory_space<vmem_shared>>
    tpu.wait_indirect_dma semaphore(%arg16 : memref<!tpu.dma_semaphore, #tpu.memory_space<semaphore_mem>>) src(%dma_wait3A_413 : memref<2048x128xf32, #tpu.memory_space<vmem_shared>>) dst(%dma_wait3A_408 : memref<128x128xf32, #tpu.memory_space<vmem>>)
    %dma_wait3A_414 = arith.constant 0 : i32
    %dma_wait3A_415 = arith.constant 0 : i32
    %dma_wait3A_416 = tpu.memref_slice %arg10[%dma_wait3A_414, %dma_wait3A_415] : memref<128x128xf32, #tpu.memory_space<vmem>> -> memref<128x128xf32, #tpu.memory_space<vmem>>
    %dma_wait3A_417 = arith.constant 6784 : i32
    %dma_wait3A_418 = tpu.memref_slice %arg8[%dma_wait3A_417] : memref<9408xi32, #tpu.memory_space<vmem>> -> memref<128xi32, #tpu.memory_space<vmem>>
    %dma_wait3A_419 = arith.constant 0 : i32
    %dma_wait3A_420 = arith.constant 0 : i32
    %dma_wait3A_421 = tpu.memref_slice %arg14[%dma_wait3A_419, %dma_wait3A_420] : memref<1408x128xf32, #tpu.memory_space<vmem_shared>> -> memref<1408x128xf32, #tpu.memory_space<vmem_shared>>
    tpu.wait_indirect_dma semaphore(%arg16 : memref<!tpu.dma_semaphore, #tpu.memory_space<semaphore_mem>>) src(%dma_wait3A_421 : memref<1408x128xf32, #tpu.memory_space<vmem_shared>>) dst(%dma_wait3A_416 : memref<128x128xf32, #tpu.memory_space<vmem>>)
    %add3A_422 = arith.constant 512 : i32
    %add3A_423 = arith.addi %mul3A_2, %add3A_422 : i32
    %dma_start3A_424 = arith.constant 0 : i32
    %dma_start3A_425 = arith.constant 0 : i32
    %dma_start3A_426 = tpu.memref_slice %arg10[%dma_start3A_424, %dma_start3A_425] : memref<128x128xf32, #tpu.memory_space<vmem>> -> memref<128x128xf32, #tpu.memory_space<vmem>>
    %dma_start3A_427 = arith.constant 0 : i32
    %dma_start3A_428 = tpu.memref_slice %arg6[%add3A_423, %dma_start3A_427] : memref<100000x128xf32, #tpu.memory_space<hbm>> -> memref<128x128xf32, #tpu.memory_space<hbm>>
    %dma_start3A_429 = arith.constant 0 : i32
    %dma_start3A_430 = tpu.memref_slice %arg6[%add3A_423, %dma_start3A_429] : memref<100000x128xf32, #tpu.memory_space<hbm>> -> memref<128x128xf32, #tpu.memory_space<hbm>>
    %dma_start3A_431 = arith.constant 0 : i32
    %dma_start3A_432 = arith.constant 0 : i32
    %dma_start3A_433 = tpu.memref_slice %arg10[%dma_start3A_431, %dma_start3A_432] : memref<128x128xf32, #tpu.memory_space<vmem>> -> memref<128x128xf32, #tpu.memory_space<vmem>>
    tpu.enqueue_dma source(%dma_start3A_433 : memref<128x128xf32, #tpu.memory_space<vmem>>) target(%dma_start3A_430 : memref<128x128xf32, #tpu.memory_space<hbm>>) target_semaphore(%arg19 : memref<!tpu.dma_semaphore, #tpu.memory_space<semaphore_mem>>)
    %dma_wait3A_434 = arith.constant 0 : i32
    %dma_wait3A_435 = arith.constant 0 : i32
    %dma_wait3A_436 = tpu.memref_slice %arg9[%dma_wait3A_434, %dma_wait3A_435] : memref<128x128xf32, #tpu.memory_space<vmem>> -> memref<128x128xf32, #tpu.memory_space<vmem>>
    %dma_wait3A_437 = arith.constant 768 : i32
    %dma_wait3A_438 = tpu.memref_slice %arg8[%dma_wait3A_437] : memref<9408xi32, #tpu.memory_space<vmem>> -> memref<128xi32, #tpu.memory_space<vmem>>
    %dma_wait3A_439 = arith.constant 0 : i32
    %dma_wait3A_440 = arith.constant 0 : i32
    %dma_wait3A_441 = tpu.memref_slice %arg12[%dma_wait3A_439, %dma_wait3A_440] : memref<1920x128xf32, #tpu.memory_space<vmem_shared>> -> memref<1920x128xf32, #tpu.memory_space<vmem_shared>>
    tpu.wait_indirect_dma semaphore(%arg15 : memref<!tpu.dma_semaphore, #tpu.memory_space<semaphore_mem>>) src(%dma_wait3A_441 : memref<1920x128xf32, #tpu.memory_space<vmem_shared>>) dst(%dma_wait3A_436 : memref<128x128xf32, #tpu.memory_space<vmem>>)
    %dma_start3A_442 = arith.constant 0 : i32
    %dma_start3A_443 = arith.constant 0 : i32
    %dma_start3A_444 = tpu.memref_slice %arg9[%dma_start3A_442, %dma_start3A_443] : memref<128x128xf32, #tpu.memory_space<vmem>> -> memref<128x128xf32, #tpu.memory_space<vmem>>
    %dma_start3A_445 = arith.constant 3904 : i32
    %dma_start3A_446 = tpu.memref_slice %arg8[%dma_start3A_445] : memref<9408xi32, #tpu.memory_space<vmem>> -> memref<128xi32, #tpu.memory_space<vmem>>
    %dma_start3A_447 = arith.constant 0 : i32
    %dma_start3A_448 = arith.constant 0 : i32
    %dma_start3A_449 = tpu.memref_slice %arg13[%dma_start3A_447, %dma_start3A_448] : memref<2048x128xf32, #tpu.memory_space<vmem_shared>> -> memref<2048x128xf32, #tpu.memory_space<vmem_shared>>
    tpu.enqueue_indirect_dma source(%dma_start3A_449 : memref<2048x128xf32, #tpu.memory_space<vmem_shared>>) target(%dma_start3A_444 : memref<128x128xf32, #tpu.memory_space<vmem>>) offsets(%dma_start3A_446 : memref<128xi32, #tpu.memory_space<vmem>>) semaphore(%arg15 : memref<!tpu.dma_semaphore, #tpu.memory_space<semaphore_mem>>) {add = true}
    %dma_start3A_450 = arith.constant 0 : i32
    %dma_start3A_451 = arith.constant 0 : i32
    %dma_start3A_452 = tpu.memref_slice %arg9[%dma_start3A_450, %dma_start3A_451] : memref<128x128xf32, #tpu.memory_space<vmem>> -> memref<128x128xf32, #tpu.memory_space<vmem>>
    %dma_start3A_453 = arith.constant 7040 : i32
    %dma_start3A_454 = tpu.memref_slice %arg8[%dma_start3A_453] : memref<9408xi32, #tpu.memory_space<vmem>> -> memref<128xi32, #tpu.memory_space<vmem>>
    %dma_start3A_455 = arith.constant 0 : i32
    %dma_start3A_456 = arith.constant 0 : i32
    %dma_start3A_457 = tpu.memref_slice %arg14[%dma_start3A_455, %dma_start3A_456] : memref<1408x128xf32, #tpu.memory_space<vmem_shared>> -> memref<1408x128xf32, #tpu.memory_space<vmem_shared>>
    tpu.enqueue_indirect_dma source(%dma_start3A_457 : memref<1408x128xf32, #tpu.memory_space<vmem_shared>>) target(%dma_start3A_452 : memref<128x128xf32, #tpu.memory_space<vmem>>) offsets(%dma_start3A_454 : memref<128xi32, #tpu.memory_space<vmem>>) semaphore(%arg15 : memref<!tpu.dma_semaphore, #tpu.memory_space<semaphore_mem>>) {add = true}
    %dma_wait3A_458 = arith.constant 0 : i32
    %dma_wait3A_459 = arith.constant 0 : i32
    %dma_wait3A_460 = tpu.memref_slice %arg10[%dma_wait3A_458, %dma_wait3A_459] : memref<128x128xf32, #tpu.memory_space<vmem>> -> memref<128x128xf32, #tpu.memory_space<vmem>>
    %dma_wait3A_461 = arith.constant 0 : i32
    %dma_wait3A_462 = tpu.memref_slice %arg6[%add3A_423, %dma_wait3A_461] : memref<100000x128xf32, #tpu.memory_space<hbm>> -> memref<128x128xf32, #tpu.memory_space<hbm>>
    %dma_wait3A_463 = arith.constant 0 : i32
    %dma_wait3A_464 = tpu.memref_slice %arg6[%add3A_423, %dma_wait3A_463] : memref<100000x128xf32, #tpu.memory_space<hbm>> -> memref<128x128xf32, #tpu.memory_space<hbm>>
    %dma_wait3A_465 = arith.constant 0 : i32
    %dma_wait3A_466 = arith.constant 0 : i32
    %dma_wait3A_467 = tpu.memref_slice %arg10[%dma_wait3A_465, %dma_wait3A_466] : memref<128x128xf32, #tpu.memory_space<vmem>> -> memref<128x128xf32, #tpu.memory_space<vmem>>
    tpu.wait_dma2 semaphore(%arg19 : memref<!tpu.dma_semaphore, #tpu.memory_space<semaphore_mem>>) src(%dma_wait3A_467 : memref<128x128xf32, #tpu.memory_space<vmem>>) dst(%dma_wait3A_464 : memref<128x128xf32, #tpu.memory_space<hbm>>)
    %dma_start3A_468 = arith.constant 0 : i32
    %dma_start3A_469 = arith.constant 0 : i32
    %dma_start3A_470 = tpu.memref_slice %arg10[%dma_start3A_468, %dma_start3A_469] : memref<128x128xf32, #tpu.memory_space<vmem>> -> memref<128x128xf32, #tpu.memory_space<vmem>>
    %dma_start3A_471 = arith.constant 896 : i32
    %dma_start3A_472 = tpu.memref_slice %arg8[%dma_start3A_471] : memref<9408xi32, #tpu.memory_space<vmem>> -> memref<128xi32, #tpu.memory_space<vmem>>
    %dma_start3A_473 = arith.constant 0 : i32
    %dma_start3A_474 = arith.constant 0 : i32
    %dma_start3A_475 = tpu.memref_slice %arg12[%dma_start3A_473, %dma_start3A_474] : memref<1920x128xf32, #tpu.memory_space<vmem_shared>> -> memref<1920x128xf32, #tpu.memory_space<vmem_shared>>
    tpu.enqueue_indirect_dma source(%dma_start3A_475 : memref<1920x128xf32, #tpu.memory_space<vmem_shared>>) target(%dma_start3A_470 : memref<128x128xf32, #tpu.memory_space<vmem>>) offsets(%dma_start3A_472 : memref<128xi32, #tpu.memory_space<vmem>>) semaphore(%arg16 : memref<!tpu.dma_semaphore, #tpu.memory_space<semaphore_mem>>)
    %dma_wait3A_476 = arith.constant 0 : i32
    %dma_wait3A_477 = arith.constant 0 : i32
    %dma_wait3A_478 = tpu.memref_slice %arg11[%dma_wait3A_476, %dma_wait3A_477] : memref<128x128xf32, #tpu.memory_space<vmem>> -> memref<128x128xf32, #tpu.memory_space<vmem>>
    %dma_wait3A_479 = arith.constant 3776 : i32
    %dma_wait3A_480 = tpu.memref_slice %arg8[%dma_wait3A_479] : memref<9408xi32, #tpu.memory_space<vmem>> -> memref<128xi32, #tpu.memory_space<vmem>>
    %dma_wait3A_481 = arith.constant 0 : i32
    %dma_wait3A_482 = arith.constant 0 : i32
    %dma_wait3A_483 = tpu.memref_slice %arg4[%dma_wait3A_481, %dma_wait3A_482] : memref<2048x128xf32, #tpu.memory_space<hbm>> -> memref<2048x128xf32, #tpu.memory_space<hbm>>
    tpu.wait_indirect_dma semaphore(%arg17 : memref<!tpu.dma_semaphore, #tpu.memory_space<semaphore_mem>>) src(%dma_wait3A_483 : memref<2048x128xf32, #tpu.memory_space<hbm>>) dst(%dma_wait3A_478 : memref<128x128xf32, #tpu.memory_space<vmem>>)
    %dma_wait3A_484 = arith.constant 0 : i32
    %dma_wait3A_485 = arith.constant 0 : i32
    %dma_wait3A_486 = tpu.memref_slice %arg11[%dma_wait3A_484, %dma_wait3A_485] : memref<128x128xf32, #tpu.memory_space<vmem>> -> memref<128x128xf32, #tpu.memory_space<vmem>>
    %dma_wait3A_487 = arith.constant 6912 : i32
    %dma_wait3A_488 = tpu.memref_slice %arg8[%dma_wait3A_487] : memref<9408xi32, #tpu.memory_space<vmem>> -> memref<128xi32, #tpu.memory_space<vmem>>
    %dma_wait3A_489 = arith.constant 0 : i32
    %dma_wait3A_490 = arith.constant 0 : i32
    %dma_wait3A_491 = tpu.memref_slice %arg5[%dma_wait3A_489, %dma_wait3A_490] : memref<1408x128xf32, #tpu.memory_space<hbm>> -> memref<1408x128xf32, #tpu.memory_space<hbm>>
    tpu.wait_indirect_dma semaphore(%arg17 : memref<!tpu.dma_semaphore, #tpu.memory_space<semaphore_mem>>) src(%dma_wait3A_491 : memref<1408x128xf32, #tpu.memory_space<hbm>>) dst(%dma_wait3A_486 : memref<128x128xf32, #tpu.memory_space<vmem>>)
    %add3A_492 = arith.constant 640 : i32
    %add3A_493 = arith.addi %mul3A_2, %add3A_492 : i32
    %dma_start3A_494 = arith.constant 0 : i32
    %dma_start3A_495 = arith.constant 0 : i32
    %dma_start3A_496 = tpu.memref_slice %arg11[%dma_start3A_494, %dma_start3A_495] : memref<128x128xf32, #tpu.memory_space<vmem>> -> memref<128x128xf32, #tpu.memory_space<vmem>>
    %dma_start3A_497 = arith.constant 0 : i32
    %dma_start3A_498 = tpu.memref_slice %arg6[%add3A_493, %dma_start3A_497] : memref<100000x128xf32, #tpu.memory_space<hbm>> -> memref<128x128xf32, #tpu.memory_space<hbm>>
    %dma_start3A_499 = arith.constant 0 : i32
    %dma_start3A_500 = tpu.memref_slice %arg6[%add3A_493, %dma_start3A_499] : memref<100000x128xf32, #tpu.memory_space<hbm>> -> memref<128x128xf32, #tpu.memory_space<hbm>>
    %dma_start3A_501 = arith.constant 0 : i32
    %dma_start3A_502 = arith.constant 0 : i32
    %dma_start3A_503 = tpu.memref_slice %arg11[%dma_start3A_501, %dma_start3A_502] : memref<128x128xf32, #tpu.memory_space<vmem>> -> memref<128x128xf32, #tpu.memory_space<vmem>>
    tpu.enqueue_dma source(%dma_start3A_503 : memref<128x128xf32, #tpu.memory_space<vmem>>) target(%dma_start3A_500 : memref<128x128xf32, #tpu.memory_space<hbm>>) target_semaphore(%arg20 : memref<!tpu.dma_semaphore, #tpu.memory_space<semaphore_mem>>)
    %dma_wait3A_504 = arith.constant 0 : i32
    %dma_wait3A_505 = arith.constant 0 : i32
    %dma_wait3A_506 = tpu.memref_slice %arg10[%dma_wait3A_504, %dma_wait3A_505] : memref<128x128xf32, #tpu.memory_space<vmem>> -> memref<128x128xf32, #tpu.memory_space<vmem>>
    %dma_wait3A_507 = arith.constant 896 : i32
    %dma_wait3A_508 = tpu.memref_slice %arg8[%dma_wait3A_507] : memref<9408xi32, #tpu.memory_space<vmem>> -> memref<128xi32, #tpu.memory_space<vmem>>
    %dma_wait3A_509 = arith.constant 0 : i32
    %dma_wait3A_510 = arith.constant 0 : i32
    %dma_wait3A_511 = tpu.memref_slice %arg12[%dma_wait3A_509, %dma_wait3A_510] : memref<1920x128xf32, #tpu.memory_space<vmem_shared>> -> memref<1920x128xf32, #tpu.memory_space<vmem_shared>>
    tpu.wait_indirect_dma semaphore(%arg16 : memref<!tpu.dma_semaphore, #tpu.memory_space<semaphore_mem>>) src(%dma_wait3A_511 : memref<1920x128xf32, #tpu.memory_space<vmem_shared>>) dst(%dma_wait3A_506 : memref<128x128xf32, #tpu.memory_space<vmem>>)
    %dma_start3A_512 = arith.constant 0 : i32
    %dma_start3A_513 = arith.constant 0 : i32
    %dma_start3A_514 = tpu.memref_slice %arg10[%dma_start3A_512, %dma_start3A_513] : memref<128x128xf32, #tpu.memory_space<vmem>> -> memref<128x128xf32, #tpu.memory_space<vmem>>
    %dma_start3A_515 = arith.constant 4032 : i32
    %dma_start3A_516 = tpu.memref_slice %arg8[%dma_start3A_515] : memref<9408xi32, #tpu.memory_space<vmem>> -> memref<128xi32, #tpu.memory_space<vmem>>
    %dma_start3A_517 = arith.constant 0 : i32
    %dma_start3A_518 = arith.constant 0 : i32
    %dma_start3A_519 = tpu.memref_slice %arg13[%dma_start3A_517, %dma_start3A_518] : memref<2048x128xf32, #tpu.memory_space<vmem_shared>> -> memref<2048x128xf32, #tpu.memory_space<vmem_shared>>
    tpu.enqueue_indirect_dma source(%dma_start3A_519 : memref<2048x128xf32, #tpu.memory_space<vmem_shared>>) target(%dma_start3A_514 : memref<128x128xf32, #tpu.memory_space<vmem>>) offsets(%dma_start3A_516 : memref<128xi32, #tpu.memory_space<vmem>>) semaphore(%arg16 : memref<!tpu.dma_semaphore, #tpu.memory_space<semaphore_mem>>) {add = true}
    %dma_start3A_520 = arith.constant 0 : i32
    %dma_start3A_521 = arith.constant 0 : i32
    %dma_start3A_522 = tpu.memref_slice %arg10[%dma_start3A_520, %dma_start3A_521] : memref<128x128xf32, #tpu.memory_space<vmem>> -> memref<128x128xf32, #tpu.memory_space<vmem>>
    %dma_start3A_523 = arith.constant 7168 : i32
    %dma_start3A_524 = tpu.memref_slice %arg8[%dma_start3A_523] : memref<9408xi32, #tpu.memory_space<vmem>> -> memref<128xi32, #tpu.memory_space<vmem>>
    %dma_start3A_525 = arith.constant 0 : i32
    %dma_start3A_526 = arith.constant 0 : i32
    %dma_start3A_527 = tpu.memref_slice %arg14[%dma_start3A_525, %dma_start3A_526] : memref<1408x128xf32, #tpu.memory_space<vmem_shared>> -> memref<1408x128xf32, #tpu.memory_space<vmem_shared>>
    tpu.enqueue_indirect_dma source(%dma_start3A_527 : memref<1408x128xf32, #tpu.memory_space<vmem_shared>>) target(%dma_start3A_522 : memref<128x128xf32, #tpu.memory_space<vmem>>) offsets(%dma_start3A_524 : memref<128xi32, #tpu.memory_space<vmem>>) semaphore(%arg16 : memref<!tpu.dma_semaphore, #tpu.memory_space<semaphore_mem>>) {add = true}
    %dma_wait3A_528 = arith.constant 0 : i32
    %dma_wait3A_529 = arith.constant 0 : i32
    %dma_wait3A_530 = tpu.memref_slice %arg11[%dma_wait3A_528, %dma_wait3A_529] : memref<128x128xf32, #tpu.memory_space<vmem>> -> memref<128x128xf32, #tpu.memory_space<vmem>>
    %dma_wait3A_531 = arith.constant 0 : i32
    %dma_wait3A_532 = tpu.memref_slice %arg6[%add3A_493, %dma_wait3A_531] : memref<100000x128xf32, #tpu.memory_space<hbm>> -> memref<128x128xf32, #tpu.memory_space<hbm>>
    %dma_wait3A_533 = arith.constant 0 : i32
    %dma_wait3A_534 = tpu.memref_slice %arg6[%add3A_493, %dma_wait3A_533] : memref<100000x128xf32, #tpu.memory_space<hbm>> -> memref<128x128xf32, #tpu.memory_space<hbm>>
    %dma_wait3A_535 = arith.constant 0 : i32
    %dma_wait3A_536 = arith.constant 0 : i32
    %dma_wait3A_537 = tpu.memref_slice %arg11[%dma_wait3A_535, %dma_wait3A_536] : memref<128x128xf32, #tpu.memory_space<vmem>> -> memref<128x128xf32, #tpu.memory_space<vmem>>
    tpu.wait_dma2 semaphore(%arg20 : memref<!tpu.dma_semaphore, #tpu.memory_space<semaphore_mem>>) src(%dma_wait3A_537 : memref<128x128xf32, #tpu.memory_space<vmem>>) dst(%dma_wait3A_534 : memref<128x128xf32, #tpu.memory_space<hbm>>)
    %dma_start3A_538 = arith.constant 0 : i32
    %dma_start3A_539 = arith.constant 0 : i32
    %dma_start3A_540 = tpu.memref_slice %arg11[%dma_start3A_538, %dma_start3A_539] : memref<128x128xf32, #tpu.memory_space<vmem>> -> memref<128x128xf32, #tpu.memory_space<vmem>>
    %dma_start3A_541 = arith.constant 1024 : i32
    %dma_start3A_542 = tpu.memref_slice %arg8[%dma_start3A_541] : memref<9408xi32, #tpu.memory_space<vmem>> -> memref<128xi32, #tpu.memory_space<vmem>>
    %dma_start3A_543 = arith.constant 0 : i32
    %dma_start3A_544 = arith.constant 0 : i32
    %dma_start3A_545 = tpu.memref_slice %arg3[%dma_start3A_543, %dma_start3A_544] : memref<1920x128xf32, #tpu.memory_space<hbm>> -> memref<1920x128xf32, #tpu.memory_space<hbm>>
    tpu.enqueue_indirect_dma source(%dma_start3A_545 : memref<1920x128xf32, #tpu.memory_space<hbm>>) target(%dma_start3A_540 : memref<128x128xf32, #tpu.memory_space<vmem>>) offsets(%dma_start3A_542 : memref<128xi32, #tpu.memory_space<vmem>>) semaphore(%arg17 : memref<!tpu.dma_semaphore, #tpu.memory_space<semaphore_mem>>)
    %dma_wait3A_546 = arith.constant 0 : i32
    %dma_wait3A_547 = arith.constant 0 : i32
    %dma_wait3A_548 = tpu.memref_slice %arg9[%dma_wait3A_546, %dma_wait3A_547] : memref<128x128xf32, #tpu.memory_space<vmem>> -> memref<128x128xf32, #tpu.memory_space<vmem>>
    %dma_wait3A_549 = arith.constant 3904 : i32
    %dma_wait3A_550 = tpu.memref_slice %arg8[%dma_wait3A_549] : memref<9408xi32, #tpu.memory_space<vmem>> -> memref<128xi32, #tpu.memory_space<vmem>>
    %dma_wait3A_551 = arith.constant 0 : i32
    %dma_wait3A_552 = arith.constant 0 : i32
    %dma_wait3A_553 = tpu.memref_slice %arg13[%dma_wait3A_551, %dma_wait3A_552] : memref<2048x128xf32, #tpu.memory_space<vmem_shared>> -> memref<2048x128xf32, #tpu.memory_space<vmem_shared>>
    tpu.wait_indirect_dma semaphore(%arg15 : memref<!tpu.dma_semaphore, #tpu.memory_space<semaphore_mem>>) src(%dma_wait3A_553 : memref<2048x128xf32, #tpu.memory_space<vmem_shared>>) dst(%dma_wait3A_548 : memref<128x128xf32, #tpu.memory_space<vmem>>)
    %dma_wait3A_554 = arith.constant 0 : i32
    %dma_wait3A_555 = arith.constant 0 : i32
    %dma_wait3A_556 = tpu.memref_slice %arg9[%dma_wait3A_554, %dma_wait3A_555] : memref<128x128xf32, #tpu.memory_space<vmem>> -> memref<128x128xf32, #tpu.memory_space<vmem>>
    %dma_wait3A_557 = arith.constant 7040 : i32
    %dma_wait3A_558 = tpu.memref_slice %arg8[%dma_wait3A_557] : memref<9408xi32, #tpu.memory_space<vmem>> -> memref<128xi32, #tpu.memory_space<vmem>>
    %dma_wait3A_559 = arith.constant 0 : i32
    %dma_wait3A_560 = arith.constant 0 : i32
    %dma_wait3A_561 = tpu.memref_slice %arg14[%dma_wait3A_559, %dma_wait3A_560] : memref<1408x128xf32, #tpu.memory_space<vmem_shared>> -> memref<1408x128xf32, #tpu.memory_space<vmem_shared>>
    tpu.wait_indirect_dma semaphore(%arg15 : memref<!tpu.dma_semaphore, #tpu.memory_space<semaphore_mem>>) src(%dma_wait3A_561 : memref<1408x128xf32, #tpu.memory_space<vmem_shared>>) dst(%dma_wait3A_556 : memref<128x128xf32, #tpu.memory_space<vmem>>)
    %add3A_562 = arith.constant 768 : i32
    %add3A_563 = arith.addi %mul3A_2, %add3A_562 : i32
    %dma_start3A_564 = arith.constant 0 : i32
    %dma_start3A_565 = arith.constant 0 : i32
    %dma_start3A_566 = tpu.memref_slice %arg9[%dma_start3A_564, %dma_start3A_565] : memref<128x128xf32, #tpu.memory_space<vmem>> -> memref<128x128xf32, #tpu.memory_space<vmem>>
    %dma_start3A_567 = arith.constant 0 : i32
    %dma_start3A_568 = tpu.memref_slice %arg6[%add3A_563, %dma_start3A_567] : memref<100000x128xf32, #tpu.memory_space<hbm>> -> memref<128x128xf32, #tpu.memory_space<hbm>>
    %dma_start3A_569 = arith.constant 0 : i32
    %dma_start3A_570 = tpu.memref_slice %arg6[%add3A_563, %dma_start3A_569] : memref<100000x128xf32, #tpu.memory_space<hbm>> -> memref<128x128xf32, #tpu.memory_space<hbm>>
    %dma_start3A_571 = arith.constant 0 : i32
    %dma_start3A_572 = arith.constant 0 : i32
    %dma_start3A_573 = tpu.memref_slice %arg9[%dma_start3A_571, %dma_start3A_572] : memref<128x128xf32, #tpu.memory_space<vmem>> -> memref<128x128xf32, #tpu.memory_space<vmem>>
    tpu.enqueue_dma source(%dma_start3A_573 : memref<128x128xf32, #tpu.memory_space<vmem>>) target(%dma_start3A_570 : memref<128x128xf32, #tpu.memory_space<hbm>>) target_semaphore(%arg18 : memref<!tpu.dma_semaphore, #tpu.memory_space<semaphore_mem>>)
    %dma_wait3A_574 = arith.constant 0 : i32
    %dma_wait3A_575 = arith.constant 0 : i32
    %dma_wait3A_576 = tpu.memref_slice %arg11[%dma_wait3A_574, %dma_wait3A_575] : memref<128x128xf32, #tpu.memory_space<vmem>> -> memref<128x128xf32, #tpu.memory_space<vmem>>
    %dma_wait3A_577 = arith.constant 1024 : i32
    %dma_wait3A_578 = tpu.memref_slice %arg8[%dma_wait3A_577] : memref<9408xi32, #tpu.memory_space<vmem>> -> memref<128xi32, #tpu.memory_space<vmem>>
    %dma_wait3A_579 = arith.constant 0 : i32
    %dma_wait3A_580 = arith.constant 0 : i32
    %dma_wait3A_581 = tpu.memref_slice %arg3[%dma_wait3A_579, %dma_wait3A_580] : memref<1920x128xf32, #tpu.memory_space<hbm>> -> memref<1920x128xf32, #tpu.memory_space<hbm>>
    tpu.wait_indirect_dma semaphore(%arg17 : memref<!tpu.dma_semaphore, #tpu.memory_space<semaphore_mem>>) src(%dma_wait3A_581 : memref<1920x128xf32, #tpu.memory_space<hbm>>) dst(%dma_wait3A_576 : memref<128x128xf32, #tpu.memory_space<vmem>>)
    %dma_start3A_582 = arith.constant 0 : i32
    %dma_start3A_583 = arith.constant 0 : i32
    %dma_start3A_584 = tpu.memref_slice %arg11[%dma_start3A_582, %dma_start3A_583] : memref<128x128xf32, #tpu.memory_space<vmem>> -> memref<128x128xf32, #tpu.memory_space<vmem>>
    %dma_start3A_585 = arith.constant 4160 : i32
    %dma_start3A_586 = tpu.memref_slice %arg8[%dma_start3A_585] : memref<9408xi32, #tpu.memory_space<vmem>> -> memref<128xi32, #tpu.memory_space<vmem>>
    %dma_start3A_587 = arith.constant 0 : i32
    %dma_start3A_588 = arith.constant 0 : i32
    %dma_start3A_589 = tpu.memref_slice %arg4[%dma_start3A_587, %dma_start3A_588] : memref<2048x128xf32, #tpu.memory_space<hbm>> -> memref<2048x128xf32, #tpu.memory_space<hbm>>
    tpu.enqueue_indirect_dma source(%dma_start3A_589 : memref<2048x128xf32, #tpu.memory_space<hbm>>) target(%dma_start3A_584 : memref<128x128xf32, #tpu.memory_space<vmem>>) offsets(%dma_start3A_586 : memref<128xi32, #tpu.memory_space<vmem>>) semaphore(%arg17 : memref<!tpu.dma_semaphore, #tpu.memory_space<semaphore_mem>>) {add = true}
    %dma_start3A_590 = arith.constant 0 : i32
    %dma_start3A_591 = arith.constant 0 : i32
    %dma_start3A_592 = tpu.memref_slice %arg11[%dma_start3A_590, %dma_start3A_591] : memref<128x128xf32, #tpu.memory_space<vmem>> -> memref<128x128xf32, #tpu.memory_space<vmem>>
    %dma_start3A_593 = arith.constant 7296 : i32
    %dma_start3A_594 = tpu.memref_slice %arg8[%dma_start3A_593] : memref<9408xi32, #tpu.memory_space<vmem>> -> memref<128xi32, #tpu.memory_space<vmem>>
    %dma_start3A_595 = arith.constant 0 : i32
    %dma_start3A_596 = arith.constant 0 : i32
    %dma_start3A_597 = tpu.memref_slice %arg5[%dma_start3A_595, %dma_start3A_596] : memref<1408x128xf32, #tpu.memory_space<hbm>> -> memref<1408x128xf32, #tpu.memory_space<hbm>>
    tpu.enqueue_indirect_dma source(%dma_start3A_597 : memref<1408x128xf32, #tpu.memory_space<hbm>>) target(%dma_start3A_592 : memref<128x128xf32, #tpu.memory_space<vmem>>) offsets(%dma_start3A_594 : memref<128xi32, #tpu.memory_space<vmem>>) semaphore(%arg17 : memref<!tpu.dma_semaphore, #tpu.memory_space<semaphore_mem>>) {add = true}
    %dma_wait3A_598 = arith.constant 0 : i32
    %dma_wait3A_599 = arith.constant 0 : i32
    %dma_wait3A_600 = tpu.memref_slice %arg9[%dma_wait3A_598, %dma_wait3A_599] : memref<128x128xf32, #tpu.memory_space<vmem>> -> memref<128x128xf32, #tpu.memory_space<vmem>>
    %dma_wait3A_601 = arith.constant 0 : i32
    %dma_wait3A_602 = tpu.memref_slice %arg6[%add3A_563, %dma_wait3A_601] : memref<100000x128xf32, #tpu.memory_space<hbm>> -> memref<128x128xf32, #tpu.memory_space<hbm>>
    %dma_wait3A_603 = arith.constant 0 : i32
    %dma_wait3A_604 = tpu.memref_slice %arg6[%add3A_563, %dma_wait3A_603] : memref<100000x128xf32, #tpu.memory_space<hbm>> -> memref<128x128xf32, #tpu.memory_space<hbm>>
    %dma_wait3A_605 = arith.constant 0 : i32
    %dma_wait3A_606 = arith.constant 0 : i32
    %dma_wait3A_607 = tpu.memref_slice %arg9[%dma_wait3A_605, %dma_wait3A_606] : memref<128x128xf32, #tpu.memory_space<vmem>> -> memref<128x128xf32, #tpu.memory_space<vmem>>
    tpu.wait_dma2 semaphore(%arg18 : memref<!tpu.dma_semaphore, #tpu.memory_space<semaphore_mem>>) src(%dma_wait3A_607 : memref<128x128xf32, #tpu.memory_space<vmem>>) dst(%dma_wait3A_604 : memref<128x128xf32, #tpu.memory_space<hbm>>)
    %dma_start3A_608 = arith.constant 0 : i32
    %dma_start3A_609 = arith.constant 0 : i32
    %dma_start3A_610 = tpu.memref_slice %arg9[%dma_start3A_608, %dma_start3A_609] : memref<128x128xf32, #tpu.memory_space<vmem>> -> memref<128x128xf32, #tpu.memory_space<vmem>>
    %dma_start3A_611 = arith.constant 1152 : i32
    %dma_start3A_612 = tpu.memref_slice %arg8[%dma_start3A_611] : memref<9408xi32, #tpu.memory_space<vmem>> -> memref<128xi32, #tpu.memory_space<vmem>>
    %dma_start3A_613 = arith.constant 0 : i32
    %dma_start3A_614 = arith.constant 0 : i32
    %dma_start3A_615 = tpu.memref_slice %arg12[%dma_start3A_613, %dma_start3A_614] : memref<1920x128xf32, #tpu.memory_space<vmem_shared>> -> memref<1920x128xf32, #tpu.memory_space<vmem_shared>>
    tpu.enqueue_indirect_dma source(%dma_start3A_615 : memref<1920x128xf32, #tpu.memory_space<vmem_shared>>) target(%dma_start3A_610 : memref<128x128xf32, #tpu.memory_space<vmem>>) offsets(%dma_start3A_612 : memref<128xi32, #tpu.memory_space<vmem>>) semaphore(%arg15 : memref<!tpu.dma_semaphore, #tpu.memory_space<semaphore_mem>>)
    %dma_wait3A_616 = arith.constant 0 : i32
    %dma_wait3A_617 = arith.constant 0 : i32
    %dma_wait3A_618 = tpu.memref_slice %arg10[%dma_wait3A_616, %dma_wait3A_617] : memref<128x128xf32, #tpu.memory_space<vmem>> -> memref<128x128xf32, #tpu.memory_space<vmem>>
    %dma_wait3A_619 = arith.constant 4032 : i32
    %dma_wait3A_620 = tpu.memref_slice %arg8[%dma_wait3A_619] : memref<9408xi32, #tpu.memory_space<vmem>> -> memref<128xi32, #tpu.memory_space<vmem>>
    %dma_wait3A_621 = arith.constant 0 : i32
    %dma_wait3A_622 = arith.constant 0 : i32
    %dma_wait3A_623 = tpu.memref_slice %arg13[%dma_wait3A_621, %dma_wait3A_622] : memref<2048x128xf32, #tpu.memory_space<vmem_shared>> -> memref<2048x128xf32, #tpu.memory_space<vmem_shared>>
    tpu.wait_indirect_dma semaphore(%arg16 : memref<!tpu.dma_semaphore, #tpu.memory_space<semaphore_mem>>) src(%dma_wait3A_623 : memref<2048x128xf32, #tpu.memory_space<vmem_shared>>) dst(%dma_wait3A_618 : memref<128x128xf32, #tpu.memory_space<vmem>>)
    %dma_wait3A_624 = arith.constant 0 : i32
    %dma_wait3A_625 = arith.constant 0 : i32
    %dma_wait3A_626 = tpu.memref_slice %arg10[%dma_wait3A_624, %dma_wait3A_625] : memref<128x128xf32, #tpu.memory_space<vmem>> -> memref<128x128xf32, #tpu.memory_space<vmem>>
    %dma_wait3A_627 = arith.constant 7168 : i32
    %dma_wait3A_628 = tpu.memref_slice %arg8[%dma_wait3A_627] : memref<9408xi32, #tpu.memory_space<vmem>> -> memref<128xi32, #tpu.memory_space<vmem>>
    %dma_wait3A_629 = arith.constant 0 : i32
    %dma_wait3A_630 = arith.constant 0 : i32
    %dma_wait3A_631 = tpu.memref_slice %arg14[%dma_wait3A_629, %dma_wait3A_630] : memref<1408x128xf32, #tpu.memory_space<vmem_shared>> -> memref<1408x128xf32, #tpu.memory_space<vmem_shared>>
    tpu.wait_indirect_dma semaphore(%arg16 : memref<!tpu.dma_semaphore, #tpu.memory_space<semaphore_mem>>) src(%dma_wait3A_631 : memref<1408x128xf32, #tpu.memory_space<vmem_shared>>) dst(%dma_wait3A_626 : memref<128x128xf32, #tpu.memory_space<vmem>>)
    %add3A_632 = arith.constant 896 : i32
    %add3A_633 = arith.addi %mul3A_2, %add3A_632 : i32
    %dma_start3A_634 = arith.constant 0 : i32
    %dma_start3A_635 = arith.constant 0 : i32
    %dma_start3A_636 = tpu.memref_slice %arg10[%dma_start3A_634, %dma_start3A_635] : memref<128x128xf32, #tpu.memory_space<vmem>> -> memref<128x128xf32, #tpu.memory_space<vmem>>
    %dma_start3A_637 = arith.constant 0 : i32
    %dma_start3A_638 = tpu.memref_slice %arg6[%add3A_633, %dma_start3A_637] : memref<100000x128xf32, #tpu.memory_space<hbm>> -> memref<128x128xf32, #tpu.memory_space<hbm>>
    %dma_start3A_639 = arith.constant 0 : i32
    %dma_start3A_640 = tpu.memref_slice %arg6[%add3A_633, %dma_start3A_639] : memref<100000x128xf32, #tpu.memory_space<hbm>> -> memref<128x128xf32, #tpu.memory_space<hbm>>
    %dma_start3A_641 = arith.constant 0 : i32
    %dma_start3A_642 = arith.constant 0 : i32
    %dma_start3A_643 = tpu.memref_slice %arg10[%dma_start3A_641, %dma_start3A_642] : memref<128x128xf32, #tpu.memory_space<vmem>> -> memref<128x128xf32, #tpu.memory_space<vmem>>
    tpu.enqueue_dma source(%dma_start3A_643 : memref<128x128xf32, #tpu.memory_space<vmem>>) target(%dma_start3A_640 : memref<128x128xf32, #tpu.memory_space<hbm>>) target_semaphore(%arg19 : memref<!tpu.dma_semaphore, #tpu.memory_space<semaphore_mem>>)
    %dma_wait3A_644 = arith.constant 0 : i32
    %dma_wait3A_645 = arith.constant 0 : i32
    %dma_wait3A_646 = tpu.memref_slice %arg9[%dma_wait3A_644, %dma_wait3A_645] : memref<128x128xf32, #tpu.memory_space<vmem>> -> memref<128x128xf32, #tpu.memory_space<vmem>>
    %dma_wait3A_647 = arith.constant 1152 : i32
    %dma_wait3A_648 = tpu.memref_slice %arg8[%dma_wait3A_647] : memref<9408xi32, #tpu.memory_space<vmem>> -> memref<128xi32, #tpu.memory_space<vmem>>
    %dma_wait3A_649 = arith.constant 0 : i32
    %dma_wait3A_650 = arith.constant 0 : i32
    %dma_wait3A_651 = tpu.memref_slice %arg12[%dma_wait3A_649, %dma_wait3A_650] : memref<1920x128xf32, #tpu.memory_space<vmem_shared>> -> memref<1920x128xf32, #tpu.memory_space<vmem_shared>>
    tpu.wait_indirect_dma semaphore(%arg15 : memref<!tpu.dma_semaphore, #tpu.memory_space<semaphore_mem>>) src(%dma_wait3A_651 : memref<1920x128xf32, #tpu.memory_space<vmem_shared>>) dst(%dma_wait3A_646 : memref<128x128xf32, #tpu.memory_space<vmem>>)
    %dma_start3A_652 = arith.constant 0 : i32
    %dma_start3A_653 = arith.constant 0 : i32
    %dma_start3A_654 = tpu.memref_slice %arg9[%dma_start3A_652, %dma_start3A_653] : memref<128x128xf32, #tpu.memory_space<vmem>> -> memref<128x128xf32, #tpu.memory_space<vmem>>
    %dma_start3A_655 = arith.constant 4288 : i32
    %dma_start3A_656 = tpu.memref_slice %arg8[%dma_start3A_655] : memref<9408xi32, #tpu.memory_space<vmem>> -> memref<128xi32, #tpu.memory_space<vmem>>
    %dma_start3A_657 = arith.constant 0 : i32
    %dma_start3A_658 = arith.constant 0 : i32
    %dma_start3A_659 = tpu.memref_slice %arg13[%dma_start3A_657, %dma_start3A_658] : memref<2048x128xf32, #tpu.memory_space<vmem_shared>> -> memref<2048x128xf32, #tpu.memory_space<vmem_shared>>
    tpu.enqueue_indirect_dma source(%dma_start3A_659 : memref<2048x128xf32, #tpu.memory_space<vmem_shared>>) target(%dma_start3A_654 : memref<128x128xf32, #tpu.memory_space<vmem>>) offsets(%dma_start3A_656 : memref<128xi32, #tpu.memory_space<vmem>>) semaphore(%arg15 : memref<!tpu.dma_semaphore, #tpu.memory_space<semaphore_mem>>) {add = true}
    %dma_start3A_660 = arith.constant 0 : i32
    %dma_start3A_661 = arith.constant 0 : i32
    %dma_start3A_662 = tpu.memref_slice %arg9[%dma_start3A_660, %dma_start3A_661] : memref<128x128xf32, #tpu.memory_space<vmem>> -> memref<128x128xf32, #tpu.memory_space<vmem>>
    %dma_start3A_663 = arith.constant 7424 : i32
    %dma_start3A_664 = tpu.memref_slice %arg8[%dma_start3A_663] : memref<9408xi32, #tpu.memory_space<vmem>> -> memref<128xi32, #tpu.memory_space<vmem>>
    %dma_start3A_665 = arith.constant 0 : i32
    %dma_start3A_666 = arith.constant 0 : i32
    %dma_start3A_667 = tpu.memref_slice %arg14[%dma_start3A_665, %dma_start3A_666] : memref<1408x128xf32, #tpu.memory_space<vmem_shared>> -> memref<1408x128xf32, #tpu.memory_space<vmem_shared>>
    tpu.enqueue_indirect_dma source(%dma_start3A_667 : memref<1408x128xf32, #tpu.memory_space<vmem_shared>>) target(%dma_start3A_662 : memref<128x128xf32, #tpu.memory_space<vmem>>) offsets(%dma_start3A_664 : memref<128xi32, #tpu.memory_space<vmem>>) semaphore(%arg15 : memref<!tpu.dma_semaphore, #tpu.memory_space<semaphore_mem>>) {add = true}
    %dma_wait3A_668 = arith.constant 0 : i32
    %dma_wait3A_669 = arith.constant 0 : i32
    %dma_wait3A_670 = tpu.memref_slice %arg10[%dma_wait3A_668, %dma_wait3A_669] : memref<128x128xf32, #tpu.memory_space<vmem>> -> memref<128x128xf32, #tpu.memory_space<vmem>>
    %dma_wait3A_671 = arith.constant 0 : i32
    %dma_wait3A_672 = tpu.memref_slice %arg6[%add3A_633, %dma_wait3A_671] : memref<100000x128xf32, #tpu.memory_space<hbm>> -> memref<128x128xf32, #tpu.memory_space<hbm>>
    %dma_wait3A_673 = arith.constant 0 : i32
    %dma_wait3A_674 = tpu.memref_slice %arg6[%add3A_633, %dma_wait3A_673] : memref<100000x128xf32, #tpu.memory_space<hbm>> -> memref<128x128xf32, #tpu.memory_space<hbm>>
    %dma_wait3A_675 = arith.constant 0 : i32
    %dma_wait3A_676 = arith.constant 0 : i32
    %dma_wait3A_677 = tpu.memref_slice %arg10[%dma_wait3A_675, %dma_wait3A_676] : memref<128x128xf32, #tpu.memory_space<vmem>> -> memref<128x128xf32, #tpu.memory_space<vmem>>
    tpu.wait_dma2 semaphore(%arg19 : memref<!tpu.dma_semaphore, #tpu.memory_space<semaphore_mem>>) src(%dma_wait3A_677 : memref<128x128xf32, #tpu.memory_space<vmem>>) dst(%dma_wait3A_674 : memref<128x128xf32, #tpu.memory_space<hbm>>)
    %dma_start3A_678 = arith.constant 0 : i32
    %dma_start3A_679 = arith.constant 0 : i32
    %dma_start3A_680 = tpu.memref_slice %arg10[%dma_start3A_678, %dma_start3A_679] : memref<128x128xf32, #tpu.memory_space<vmem>> -> memref<128x128xf32, #tpu.memory_space<vmem>>
    %dma_start3A_681 = arith.constant 1280 : i32
    %dma_start3A_682 = tpu.memref_slice %arg8[%dma_start3A_681] : memref<9408xi32, #tpu.memory_space<vmem>> -> memref<128xi32, #tpu.memory_space<vmem>>
    %dma_start3A_683 = arith.constant 0 : i32
    %dma_start3A_684 = arith.constant 0 : i32
    %dma_start3A_685 = tpu.memref_slice %arg12[%dma_start3A_683, %dma_start3A_684] : memref<1920x128xf32, #tpu.memory_space<vmem_shared>> -> memref<1920x128xf32, #tpu.memory_space<vmem_shared>>
    tpu.enqueue_indirect_dma source(%dma_start3A_685 : memref<1920x128xf32, #tpu.memory_space<vmem_shared>>) target(%dma_start3A_680 : memref<128x128xf32, #tpu.memory_space<vmem>>) offsets(%dma_start3A_682 : memref<128xi32, #tpu.memory_space<vmem>>) semaphore(%arg16 : memref<!tpu.dma_semaphore, #tpu.memory_space<semaphore_mem>>)
    %dma_wait3A_686 = arith.constant 0 : i32
    %dma_wait3A_687 = arith.constant 0 : i32
    %dma_wait3A_688 = tpu.memref_slice %arg11[%dma_wait3A_686, %dma_wait3A_687] : memref<128x128xf32, #tpu.memory_space<vmem>> -> memref<128x128xf32, #tpu.memory_space<vmem>>
    %dma_wait3A_689 = arith.constant 4160 : i32
    %dma_wait3A_690 = tpu.memref_slice %arg8[%dma_wait3A_689] : memref<9408xi32, #tpu.memory_space<vmem>> -> memref<128xi32, #tpu.memory_space<vmem>>
    %dma_wait3A_691 = arith.constant 0 : i32
    %dma_wait3A_692 = arith.constant 0 : i32
    %dma_wait3A_693 = tpu.memref_slice %arg4[%dma_wait3A_691, %dma_wait3A_692] : memref<2048x128xf32, #tpu.memory_space<hbm>> -> memref<2048x128xf32, #tpu.memory_space<hbm>>
    tpu.wait_indirect_dma semaphore(%arg17 : memref<!tpu.dma_semaphore, #tpu.memory_space<semaphore_mem>>) src(%dma_wait3A_693 : memref<2048x128xf32, #tpu.memory_space<hbm>>) dst(%dma_wait3A_688 : memref<128x128xf32, #tpu.memory_space<vmem>>)
    %dma_wait3A_694 = arith.constant 0 : i32
    %dma_wait3A_695 = arith.constant 0 : i32
    %dma_wait3A_696 = tpu.memref_slice %arg11[%dma_wait3A_694, %dma_wait3A_695] : memref<128x128xf32, #tpu.memory_space<vmem>> -> memref<128x128xf32, #tpu.memory_space<vmem>>
    %dma_wait3A_697 = arith.constant 7296 : i32
    %dma_wait3A_698 = tpu.memref_slice %arg8[%dma_wait3A_697] : memref<9408xi32, #tpu.memory_space<vmem>> -> memref<128xi32, #tpu.memory_space<vmem>>
    %dma_wait3A_699 = arith.constant 0 : i32
    %dma_wait3A_700 = arith.constant 0 : i32
    %dma_wait3A_701 = tpu.memref_slice %arg5[%dma_wait3A_699, %dma_wait3A_700] : memref<1408x128xf32, #tpu.memory_space<hbm>> -> memref<1408x128xf32, #tpu.memory_space<hbm>>
    tpu.wait_indirect_dma semaphore(%arg17 : memref<!tpu.dma_semaphore, #tpu.memory_space<semaphore_mem>>) src(%dma_wait3A_701 : memref<1408x128xf32, #tpu.memory_space<hbm>>) dst(%dma_wait3A_696 : memref<128x128xf32, #tpu.memory_space<vmem>>)
    %add3A_702 = arith.constant 1024 : i32
    %add3A_703 = arith.addi %mul3A_2, %add3A_702 : i32
    %dma_start3A_704 = arith.constant 0 : i32
    %dma_start3A_705 = arith.constant 0 : i32
    %dma_start3A_706 = tpu.memref_slice %arg11[%dma_start3A_704, %dma_start3A_705] : memref<128x128xf32, #tpu.memory_space<vmem>> -> memref<128x128xf32, #tpu.memory_space<vmem>>
    %dma_start3A_707 = arith.constant 0 : i32
    %dma_start3A_708 = tpu.memref_slice %arg6[%add3A_703, %dma_start3A_707] : memref<100000x128xf32, #tpu.memory_space<hbm>> -> memref<128x128xf32, #tpu.memory_space<hbm>>
    %dma_start3A_709 = arith.constant 0 : i32
    %dma_start3A_710 = tpu.memref_slice %arg6[%add3A_703, %dma_start3A_709] : memref<100000x128xf32, #tpu.memory_space<hbm>> -> memref<128x128xf32, #tpu.memory_space<hbm>>
    %dma_start3A_711 = arith.constant 0 : i32
    %dma_start3A_712 = arith.constant 0 : i32
    %dma_start3A_713 = tpu.memref_slice %arg11[%dma_start3A_711, %dma_start3A_712] : memref<128x128xf32, #tpu.memory_space<vmem>> -> memref<128x128xf32, #tpu.memory_space<vmem>>
    tpu.enqueue_dma source(%dma_start3A_713 : memref<128x128xf32, #tpu.memory_space<vmem>>) target(%dma_start3A_710 : memref<128x128xf32, #tpu.memory_space<hbm>>) target_semaphore(%arg20 : memref<!tpu.dma_semaphore, #tpu.memory_space<semaphore_mem>>)
    %dma_wait3A_714 = arith.constant 0 : i32
    %dma_wait3A_715 = arith.constant 0 : i32
    %dma_wait3A_716 = tpu.memref_slice %arg10[%dma_wait3A_714, %dma_wait3A_715] : memref<128x128xf32, #tpu.memory_space<vmem>> -> memref<128x128xf32, #tpu.memory_space<vmem>>
    %dma_wait3A_717 = arith.constant 1280 : i32
    %dma_wait3A_718 = tpu.memref_slice %arg8[%dma_wait3A_717] : memref<9408xi32, #tpu.memory_space<vmem>> -> memref<128xi32, #tpu.memory_space<vmem>>
    %dma_wait3A_719 = arith.constant 0 : i32
    %dma_wait3A_720 = arith.constant 0 : i32
    %dma_wait3A_721 = tpu.memref_slice %arg12[%dma_wait3A_719, %dma_wait3A_720] : memref<1920x128xf32, #tpu.memory_space<vmem_shared>> -> memref<1920x128xf32, #tpu.memory_space<vmem_shared>>
    tpu.wait_indirect_dma semaphore(%arg16 : memref<!tpu.dma_semaphore, #tpu.memory_space<semaphore_mem>>) src(%dma_wait3A_721 : memref<1920x128xf32, #tpu.memory_space<vmem_shared>>) dst(%dma_wait3A_716 : memref<128x128xf32, #tpu.memory_space<vmem>>)
    %dma_start3A_722 = arith.constant 0 : i32
    %dma_start3A_723 = arith.constant 0 : i32
    %dma_start3A_724 = tpu.memref_slice %arg10[%dma_start3A_722, %dma_start3A_723] : memref<128x128xf32, #tpu.memory_space<vmem>> -> memref<128x128xf32, #tpu.memory_space<vmem>>
    %dma_start3A_725 = arith.constant 4416 : i32
    %dma_start3A_726 = tpu.memref_slice %arg8[%dma_start3A_725] : memref<9408xi32, #tpu.memory_space<vmem>> -> memref<128xi32, #tpu.memory_space<vmem>>
    %dma_start3A_727 = arith.constant 0 : i32
    %dma_start3A_728 = arith.constant 0 : i32
    %dma_start3A_729 = tpu.memref_slice %arg13[%dma_start3A_727, %dma_start3A_728] : memref<2048x128xf32, #tpu.memory_space<vmem_shared>> -> memref<2048x128xf32, #tpu.memory_space<vmem_shared>>
    tpu.enqueue_indirect_dma source(%dma_start3A_729 : memref<2048x128xf32, #tpu.memory_space<vmem_shared>>) target(%dma_start3A_724 : memref<128x128xf32, #tpu.memory_space<vmem>>) offsets(%dma_start3A_726 : memref<128xi32, #tpu.memory_space<vmem>>) semaphore(%arg16 : memref<!tpu.dma_semaphore, #tpu.memory_space<semaphore_mem>>) {add = true}
    %dma_start3A_730 = arith.constant 0 : i32
    %dma_start3A_731 = arith.constant 0 : i32
    %dma_start3A_732 = tpu.memref_slice %arg10[%dma_start3A_730, %dma_start3A_731] : memref<128x128xf32, #tpu.memory_space<vmem>> -> memref<128x128xf32, #tpu.memory_space<vmem>>
    %dma_start3A_733 = arith.constant 7552 : i32
    %dma_start3A_734 = tpu.memref_slice %arg8[%dma_start3A_733] : memref<9408xi32, #tpu.memory_space<vmem>> -> memref<128xi32, #tpu.memory_space<vmem>>
    %dma_start3A_735 = arith.constant 0 : i32
    %dma_start3A_736 = arith.constant 0 : i32
    %dma_start3A_737 = tpu.memref_slice %arg14[%dma_start3A_735, %dma_start3A_736] : memref<1408x128xf32, #tpu.memory_space<vmem_shared>> -> memref<1408x128xf32, #tpu.memory_space<vmem_shared>>
    tpu.enqueue_indirect_dma source(%dma_start3A_737 : memref<1408x128xf32, #tpu.memory_space<vmem_shared>>) target(%dma_start3A_732 : memref<128x128xf32, #tpu.memory_space<vmem>>) offsets(%dma_start3A_734 : memref<128xi32, #tpu.memory_space<vmem>>) semaphore(%arg16 : memref<!tpu.dma_semaphore, #tpu.memory_space<semaphore_mem>>) {add = true}
    %dma_wait3A_738 = arith.constant 0 : i32
    %dma_wait3A_739 = arith.constant 0 : i32
    %dma_wait3A_740 = tpu.memref_slice %arg11[%dma_wait3A_738, %dma_wait3A_739] : memref<128x128xf32, #tpu.memory_space<vmem>> -> memref<128x128xf32, #tpu.memory_space<vmem>>
    %dma_wait3A_741 = arith.constant 0 : i32
    %dma_wait3A_742 = tpu.memref_slice %arg6[%add3A_703, %dma_wait3A_741] : memref<100000x128xf32, #tpu.memory_space<hbm>> -> memref<128x128xf32, #tpu.memory_space<hbm>>
    %dma_wait3A_743 = arith.constant 0 : i32
    %dma_wait3A_744 = tpu.memref_slice %arg6[%add3A_703, %dma_wait3A_743] : memref<100000x128xf32, #tpu.memory_space<hbm>> -> memref<128x128xf32, #tpu.memory_space<hbm>>
    %dma_wait3A_745 = arith.constant 0 : i32
    %dma_wait3A_746 = arith.constant 0 : i32
    %dma_wait3A_747 = tpu.memref_slice %arg11[%dma_wait3A_745, %dma_wait3A_746] : memref<128x128xf32, #tpu.memory_space<vmem>> -> memref<128x128xf32, #tpu.memory_space<vmem>>
    tpu.wait_dma2 semaphore(%arg20 : memref<!tpu.dma_semaphore, #tpu.memory_space<semaphore_mem>>) src(%dma_wait3A_747 : memref<128x128xf32, #tpu.memory_space<vmem>>) dst(%dma_wait3A_744 : memref<128x128xf32, #tpu.memory_space<hbm>>)
    %dma_start3A_748 = arith.constant 0 : i32
    %dma_start3A_749 = arith.constant 0 : i32
    %dma_start3A_750 = tpu.memref_slice %arg11[%dma_start3A_748, %dma_start3A_749] : memref<128x128xf32, #tpu.memory_space<vmem>> -> memref<128x128xf32, #tpu.memory_space<vmem>>
    %dma_start3A_751 = arith.constant 1408 : i32
    %dma_start3A_752 = tpu.memref_slice %arg8[%dma_start3A_751] : memref<9408xi32, #tpu.memory_space<vmem>> -> memref<128xi32, #tpu.memory_space<vmem>>
    %dma_start3A_753 = arith.constant 0 : i32
    %dma_start3A_754 = arith.constant 0 : i32
    %dma_start3A_755 = tpu.memref_slice %arg3[%dma_start3A_753, %dma_start3A_754] : memref<1920x128xf32, #tpu.memory_space<hbm>> -> memref<1920x128xf32, #tpu.memory_space<hbm>>
    tpu.enqueue_indirect_dma source(%dma_start3A_755 : memref<1920x128xf32, #tpu.memory_space<hbm>>) target(%dma_start3A_750 : memref<128x128xf32, #tpu.memory_space<vmem>>) offsets(%dma_start3A_752 : memref<128xi32, #tpu.memory_space<vmem>>) semaphore(%arg17 : memref<!tpu.dma_semaphore, #tpu.memory_space<semaphore_mem>>)
    %dma_wait3A_756 = arith.constant 0 : i32
    %dma_wait3A_757 = arith.constant 0 : i32
    %dma_wait3A_758 = tpu.memref_slice %arg9[%dma_wait3A_756, %dma_wait3A_757] : memref<128x128xf32, #tpu.memory_space<vmem>> -> memref<128x128xf32, #tpu.memory_space<vmem>>
    %dma_wait3A_759 = arith.constant 4288 : i32
    %dma_wait3A_760 = tpu.memref_slice %arg8[%dma_wait3A_759] : memref<9408xi32, #tpu.memory_space<vmem>> -> memref<128xi32, #tpu.memory_space<vmem>>
    %dma_wait3A_761 = arith.constant 0 : i32
    %dma_wait3A_762 = arith.constant 0 : i32
    %dma_wait3A_763 = tpu.memref_slice %arg13[%dma_wait3A_761, %dma_wait3A_762] : memref<2048x128xf32, #tpu.memory_space<vmem_shared>> -> memref<2048x128xf32, #tpu.memory_space<vmem_shared>>
    tpu.wait_indirect_dma semaphore(%arg15 : memref<!tpu.dma_semaphore, #tpu.memory_space<semaphore_mem>>) src(%dma_wait3A_763 : memref<2048x128xf32, #tpu.memory_space<vmem_shared>>) dst(%dma_wait3A_758 : memref<128x128xf32, #tpu.memory_space<vmem>>)
    %dma_wait3A_764 = arith.constant 0 : i32
    %dma_wait3A_765 = arith.constant 0 : i32
    %dma_wait3A_766 = tpu.memref_slice %arg9[%dma_wait3A_764, %dma_wait3A_765] : memref<128x128xf32, #tpu.memory_space<vmem>> -> memref<128x128xf32, #tpu.memory_space<vmem>>
    %dma_wait3A_767 = arith.constant 7424 : i32
    %dma_wait3A_768 = tpu.memref_slice %arg8[%dma_wait3A_767] : memref<9408xi32, #tpu.memory_space<vmem>> -> memref<128xi32, #tpu.memory_space<vmem>>
    %dma_wait3A_769 = arith.constant 0 : i32
    %dma_wait3A_770 = arith.constant 0 : i32
    %dma_wait3A_771 = tpu.memref_slice %arg14[%dma_wait3A_769, %dma_wait3A_770] : memref<1408x128xf32, #tpu.memory_space<vmem_shared>> -> memref<1408x128xf32, #tpu.memory_space<vmem_shared>>
    tpu.wait_indirect_dma semaphore(%arg15 : memref<!tpu.dma_semaphore, #tpu.memory_space<semaphore_mem>>) src(%dma_wait3A_771 : memref<1408x128xf32, #tpu.memory_space<vmem_shared>>) dst(%dma_wait3A_766 : memref<128x128xf32, #tpu.memory_space<vmem>>)
    %add3A_772 = arith.constant 1152 : i32
    %add3A_773 = arith.addi %mul3A_2, %add3A_772 : i32
    %dma_start3A_774 = arith.constant 0 : i32
    %dma_start3A_775 = arith.constant 0 : i32
    %dma_start3A_776 = tpu.memref_slice %arg9[%dma_start3A_774, %dma_start3A_775] : memref<128x128xf32, #tpu.memory_space<vmem>> -> memref<128x128xf32, #tpu.memory_space<vmem>>
    %dma_start3A_777 = arith.constant 0 : i32
    %dma_start3A_778 = tpu.memref_slice %arg6[%add3A_773, %dma_start3A_777] : memref<100000x128xf32, #tpu.memory_space<hbm>> -> memref<128x128xf32, #tpu.memory_space<hbm>>
    %dma_start3A_779 = arith.constant 0 : i32
    %dma_start3A_780 = tpu.memref_slice %arg6[%add3A_773, %dma_start3A_779] : memref<100000x128xf32, #tpu.memory_space<hbm>> -> memref<128x128xf32, #tpu.memory_space<hbm>>
    %dma_start3A_781 = arith.constant 0 : i32
    %dma_start3A_782 = arith.constant 0 : i32
    %dma_start3A_783 = tpu.memref_slice %arg9[%dma_start3A_781, %dma_start3A_782] : memref<128x128xf32, #tpu.memory_space<vmem>> -> memref<128x128xf32, #tpu.memory_space<vmem>>
    tpu.enqueue_dma source(%dma_start3A_783 : memref<128x128xf32, #tpu.memory_space<vmem>>) target(%dma_start3A_780 : memref<128x128xf32, #tpu.memory_space<hbm>>) target_semaphore(%arg18 : memref<!tpu.dma_semaphore, #tpu.memory_space<semaphore_mem>>)
    %dma_wait3A_784 = arith.constant 0 : i32
    %dma_wait3A_785 = arith.constant 0 : i32
    %dma_wait3A_786 = tpu.memref_slice %arg11[%dma_wait3A_784, %dma_wait3A_785] : memref<128x128xf32, #tpu.memory_space<vmem>> -> memref<128x128xf32, #tpu.memory_space<vmem>>
    %dma_wait3A_787 = arith.constant 1408 : i32
    %dma_wait3A_788 = tpu.memref_slice %arg8[%dma_wait3A_787] : memref<9408xi32, #tpu.memory_space<vmem>> -> memref<128xi32, #tpu.memory_space<vmem>>
    %dma_wait3A_789 = arith.constant 0 : i32
    %dma_wait3A_790 = arith.constant 0 : i32
    %dma_wait3A_791 = tpu.memref_slice %arg3[%dma_wait3A_789, %dma_wait3A_790] : memref<1920x128xf32, #tpu.memory_space<hbm>> -> memref<1920x128xf32, #tpu.memory_space<hbm>>
    tpu.wait_indirect_dma semaphore(%arg17 : memref<!tpu.dma_semaphore, #tpu.memory_space<semaphore_mem>>) src(%dma_wait3A_791 : memref<1920x128xf32, #tpu.memory_space<hbm>>) dst(%dma_wait3A_786 : memref<128x128xf32, #tpu.memory_space<vmem>>)
    %dma_start3A_792 = arith.constant 0 : i32
    %dma_start3A_793 = arith.constant 0 : i32
    %dma_start3A_794 = tpu.memref_slice %arg11[%dma_start3A_792, %dma_start3A_793] : memref<128x128xf32, #tpu.memory_space<vmem>> -> memref<128x128xf32, #tpu.memory_space<vmem>>
    %dma_start3A_795 = arith.constant 4544 : i32
    %dma_start3A_796 = tpu.memref_slice %arg8[%dma_start3A_795] : memref<9408xi32, #tpu.memory_space<vmem>> -> memref<128xi32, #tpu.memory_space<vmem>>
    %dma_start3A_797 = arith.constant 0 : i32
    %dma_start3A_798 = arith.constant 0 : i32
    %dma_start3A_799 = tpu.memref_slice %arg4[%dma_start3A_797, %dma_start3A_798] : memref<2048x128xf32, #tpu.memory_space<hbm>> -> memref<2048x128xf32, #tpu.memory_space<hbm>>
    tpu.enqueue_indirect_dma source(%dma_start3A_799 : memref<2048x128xf32, #tpu.memory_space<hbm>>) target(%dma_start3A_794 : memref<128x128xf32, #tpu.memory_space<vmem>>) offsets(%dma_start3A_796 : memref<128xi32, #tpu.memory_space<vmem>>) semaphore(%arg17 : memref<!tpu.dma_semaphore, #tpu.memory_space<semaphore_mem>>) {add = true}
    %dma_start3A_800 = arith.constant 0 : i32
    %dma_start3A_801 = arith.constant 0 : i32
    %dma_start3A_802 = tpu.memref_slice %arg11[%dma_start3A_800, %dma_start3A_801] : memref<128x128xf32, #tpu.memory_space<vmem>> -> memref<128x128xf32, #tpu.memory_space<vmem>>
    %dma_start3A_803 = arith.constant 7680 : i32
    %dma_start3A_804 = tpu.memref_slice %arg8[%dma_start3A_803] : memref<9408xi32, #tpu.memory_space<vmem>> -> memref<128xi32, #tpu.memory_space<vmem>>
    %dma_start3A_805 = arith.constant 0 : i32
    %dma_start3A_806 = arith.constant 0 : i32
    %dma_start3A_807 = tpu.memref_slice %arg5[%dma_start3A_805, %dma_start3A_806] : memref<1408x128xf32, #tpu.memory_space<hbm>> -> memref<1408x128xf32, #tpu.memory_space<hbm>>
    tpu.enqueue_indirect_dma source(%dma_start3A_807 : memref<1408x128xf32, #tpu.memory_space<hbm>>) target(%dma_start3A_802 : memref<128x128xf32, #tpu.memory_space<vmem>>) offsets(%dma_start3A_804 : memref<128xi32, #tpu.memory_space<vmem>>) semaphore(%arg17 : memref<!tpu.dma_semaphore, #tpu.memory_space<semaphore_mem>>) {add = true}
    %dma_wait3A_808 = arith.constant 0 : i32
    %dma_wait3A_809 = arith.constant 0 : i32
    %dma_wait3A_810 = tpu.memref_slice %arg9[%dma_wait3A_808, %dma_wait3A_809] : memref<128x128xf32, #tpu.memory_space<vmem>> -> memref<128x128xf32, #tpu.memory_space<vmem>>
    %dma_wait3A_811 = arith.constant 0 : i32
    %dma_wait3A_812 = tpu.memref_slice %arg6[%add3A_773, %dma_wait3A_811] : memref<100000x128xf32, #tpu.memory_space<hbm>> -> memref<128x128xf32, #tpu.memory_space<hbm>>
    %dma_wait3A_813 = arith.constant 0 : i32
    %dma_wait3A_814 = tpu.memref_slice %arg6[%add3A_773, %dma_wait3A_813] : memref<100000x128xf32, #tpu.memory_space<hbm>> -> memref<128x128xf32, #tpu.memory_space<hbm>>
    %dma_wait3A_815 = arith.constant 0 : i32
    %dma_wait3A_816 = arith.constant 0 : i32
    %dma_wait3A_817 = tpu.memref_slice %arg9[%dma_wait3A_815, %dma_wait3A_816] : memref<128x128xf32, #tpu.memory_space<vmem>> -> memref<128x128xf32, #tpu.memory_space<vmem>>
    tpu.wait_dma2 semaphore(%arg18 : memref<!tpu.dma_semaphore, #tpu.memory_space<semaphore_mem>>) src(%dma_wait3A_817 : memref<128x128xf32, #tpu.memory_space<vmem>>) dst(%dma_wait3A_814 : memref<128x128xf32, #tpu.memory_space<hbm>>)
    %dma_start3A_818 = arith.constant 0 : i32
    %dma_start3A_819 = arith.constant 0 : i32
    %dma_start3A_820 = tpu.memref_slice %arg9[%dma_start3A_818, %dma_start3A_819] : memref<128x128xf32, #tpu.memory_space<vmem>> -> memref<128x128xf32, #tpu.memory_space<vmem>>
    %dma_start3A_821 = arith.constant 1536 : i32
    %dma_start3A_822 = tpu.memref_slice %arg8[%dma_start3A_821] : memref<9408xi32, #tpu.memory_space<vmem>> -> memref<128xi32, #tpu.memory_space<vmem>>
    %dma_start3A_823 = arith.constant 0 : i32
    %dma_start3A_824 = arith.constant 0 : i32
    %dma_start3A_825 = tpu.memref_slice %arg12[%dma_start3A_823, %dma_start3A_824] : memref<1920x128xf32, #tpu.memory_space<vmem_shared>> -> memref<1920x128xf32, #tpu.memory_space<vmem_shared>>
    tpu.enqueue_indirect_dma source(%dma_start3A_825 : memref<1920x128xf32, #tpu.memory_space<vmem_shared>>) target(%dma_start3A_820 : memref<128x128xf32, #tpu.memory_space<vmem>>) offsets(%dma_start3A_822 : memref<128xi32, #tpu.memory_space<vmem>>) semaphore(%arg15 : memref<!tpu.dma_semaphore, #tpu.memory_space<semaphore_mem>>)
    %dma_wait3A_826 = arith.constant 0 : i32
    %dma_wait3A_827 = arith.constant 0 : i32
    %dma_wait3A_828 = tpu.memref_slice %arg10[%dma_wait3A_826, %dma_wait3A_827] : memref<128x128xf32, #tpu.memory_space<vmem>> -> memref<128x128xf32, #tpu.memory_space<vmem>>
    %dma_wait3A_829 = arith.constant 4416 : i32
    %dma_wait3A_830 = tpu.memref_slice %arg8[%dma_wait3A_829] : memref<9408xi32, #tpu.memory_space<vmem>> -> memref<128xi32, #tpu.memory_space<vmem>>
    %dma_wait3A_831 = arith.constant 0 : i32
    %dma_wait3A_832 = arith.constant 0 : i32
    %dma_wait3A_833 = tpu.memref_slice %arg13[%dma_wait3A_831, %dma_wait3A_832] : memref<2048x128xf32, #tpu.memory_space<vmem_shared>> -> memref<2048x128xf32, #tpu.memory_space<vmem_shared>>
    tpu.wait_indirect_dma semaphore(%arg16 : memref<!tpu.dma_semaphore, #tpu.memory_space<semaphore_mem>>) src(%dma_wait3A_833 : memref<2048x128xf32, #tpu.memory_space<vmem_shared>>) dst(%dma_wait3A_828 : memref<128x128xf32, #tpu.memory_space<vmem>>)
    %dma_wait3A_834 = arith.constant 0 : i32
    %dma_wait3A_835 = arith.constant 0 : i32
    %dma_wait3A_836 = tpu.memref_slice %arg10[%dma_wait3A_834, %dma_wait3A_835] : memref<128x128xf32, #tpu.memory_space<vmem>> -> memref<128x128xf32, #tpu.memory_space<vmem>>
    %dma_wait3A_837 = arith.constant 7552 : i32
    %dma_wait3A_838 = tpu.memref_slice %arg8[%dma_wait3A_837] : memref<9408xi32, #tpu.memory_space<vmem>> -> memref<128xi32, #tpu.memory_space<vmem>>
    %dma_wait3A_839 = arith.constant 0 : i32
    %dma_wait3A_840 = arith.constant 0 : i32
    %dma_wait3A_841 = tpu.memref_slice %arg14[%dma_wait3A_839, %dma_wait3A_840] : memref<1408x128xf32, #tpu.memory_space<vmem_shared>> -> memref<1408x128xf32, #tpu.memory_space<vmem_shared>>
    tpu.wait_indirect_dma semaphore(%arg16 : memref<!tpu.dma_semaphore, #tpu.memory_space<semaphore_mem>>) src(%dma_wait3A_841 : memref<1408x128xf32, #tpu.memory_space<vmem_shared>>) dst(%dma_wait3A_836 : memref<128x128xf32, #tpu.memory_space<vmem>>)
    %add3A_842 = arith.constant 1280 : i32
    %add3A_843 = arith.addi %mul3A_2, %add3A_842 : i32
    %dma_start3A_844 = arith.constant 0 : i32
    %dma_start3A_845 = arith.constant 0 : i32
    %dma_start3A_846 = tpu.memref_slice %arg10[%dma_start3A_844, %dma_start3A_845] : memref<128x128xf32, #tpu.memory_space<vmem>> -> memref<128x128xf32, #tpu.memory_space<vmem>>
    %dma_start3A_847 = arith.constant 0 : i32
    %dma_start3A_848 = tpu.memref_slice %arg6[%add3A_843, %dma_start3A_847] : memref<100000x128xf32, #tpu.memory_space<hbm>> -> memref<128x128xf32, #tpu.memory_space<hbm>>
    %dma_start3A_849 = arith.constant 0 : i32
    %dma_start3A_850 = tpu.memref_slice %arg6[%add3A_843, %dma_start3A_849] : memref<100000x128xf32, #tpu.memory_space<hbm>> -> memref<128x128xf32, #tpu.memory_space<hbm>>
    %dma_start3A_851 = arith.constant 0 : i32
    %dma_start3A_852 = arith.constant 0 : i32
    %dma_start3A_853 = tpu.memref_slice %arg10[%dma_start3A_851, %dma_start3A_852] : memref<128x128xf32, #tpu.memory_space<vmem>> -> memref<128x128xf32, #tpu.memory_space<vmem>>
    tpu.enqueue_dma source(%dma_start3A_853 : memref<128x128xf32, #tpu.memory_space<vmem>>) target(%dma_start3A_850 : memref<128x128xf32, #tpu.memory_space<hbm>>) target_semaphore(%arg19 : memref<!tpu.dma_semaphore, #tpu.memory_space<semaphore_mem>>)
    %dma_wait3A_854 = arith.constant 0 : i32
    %dma_wait3A_855 = arith.constant 0 : i32
    %dma_wait3A_856 = tpu.memref_slice %arg9[%dma_wait3A_854, %dma_wait3A_855] : memref<128x128xf32, #tpu.memory_space<vmem>> -> memref<128x128xf32, #tpu.memory_space<vmem>>
    %dma_wait3A_857 = arith.constant 1536 : i32
    %dma_wait3A_858 = tpu.memref_slice %arg8[%dma_wait3A_857] : memref<9408xi32, #tpu.memory_space<vmem>> -> memref<128xi32, #tpu.memory_space<vmem>>
    %dma_wait3A_859 = arith.constant 0 : i32
    %dma_wait3A_860 = arith.constant 0 : i32
    %dma_wait3A_861 = tpu.memref_slice %arg12[%dma_wait3A_859, %dma_wait3A_860] : memref<1920x128xf32, #tpu.memory_space<vmem_shared>> -> memref<1920x128xf32, #tpu.memory_space<vmem_shared>>
    tpu.wait_indirect_dma semaphore(%arg15 : memref<!tpu.dma_semaphore, #tpu.memory_space<semaphore_mem>>) src(%dma_wait3A_861 : memref<1920x128xf32, #tpu.memory_space<vmem_shared>>) dst(%dma_wait3A_856 : memref<128x128xf32, #tpu.memory_space<vmem>>)
    %dma_start3A_862 = arith.constant 0 : i32
    %dma_start3A_863 = arith.constant 0 : i32
    %dma_start3A_864 = tpu.memref_slice %arg9[%dma_start3A_862, %dma_start3A_863] : memref<128x128xf32, #tpu.memory_space<vmem>> -> memref<128x128xf32, #tpu.memory_space<vmem>>
    %dma_start3A_865 = arith.constant 4672 : i32
    %dma_start3A_866 = tpu.memref_slice %arg8[%dma_start3A_865] : memref<9408xi32, #tpu.memory_space<vmem>> -> memref<128xi32, #tpu.memory_space<vmem>>
    %dma_start3A_867 = arith.constant 0 : i32
    %dma_start3A_868 = arith.constant 0 : i32
    %dma_start3A_869 = tpu.memref_slice %arg13[%dma_start3A_867, %dma_start3A_868] : memref<2048x128xf32, #tpu.memory_space<vmem_shared>> -> memref<2048x128xf32, #tpu.memory_space<vmem_shared>>
    tpu.enqueue_indirect_dma source(%dma_start3A_869 : memref<2048x128xf32, #tpu.memory_space<vmem_shared>>) target(%dma_start3A_864 : memref<128x128xf32, #tpu.memory_space<vmem>>) offsets(%dma_start3A_866 : memref<128xi32, #tpu.memory_space<vmem>>) semaphore(%arg15 : memref<!tpu.dma_semaphore, #tpu.memory_space<semaphore_mem>>) {add = true}
    %dma_start3A_870 = arith.constant 0 : i32
    %dma_start3A_871 = arith.constant 0 : i32
    %dma_start3A_872 = tpu.memref_slice %arg9[%dma_start3A_870, %dma_start3A_871] : memref<128x128xf32, #tpu.memory_space<vmem>> -> memref<128x128xf32, #tpu.memory_space<vmem>>
    %dma_start3A_873 = arith.constant 7808 : i32
    %dma_start3A_874 = tpu.memref_slice %arg8[%dma_start3A_873] : memref<9408xi32, #tpu.memory_space<vmem>> -> memref<128xi32, #tpu.memory_space<vmem>>
    %dma_start3A_875 = arith.constant 0 : i32
    %dma_start3A_876 = arith.constant 0 : i32
    %dma_start3A_877 = tpu.memref_slice %arg14[%dma_start3A_875, %dma_start3A_876] : memref<1408x128xf32, #tpu.memory_space<vmem_shared>> -> memref<1408x128xf32, #tpu.memory_space<vmem_shared>>
    tpu.enqueue_indirect_dma source(%dma_start3A_877 : memref<1408x128xf32, #tpu.memory_space<vmem_shared>>) target(%dma_start3A_872 : memref<128x128xf32, #tpu.memory_space<vmem>>) offsets(%dma_start3A_874 : memref<128xi32, #tpu.memory_space<vmem>>) semaphore(%arg15 : memref<!tpu.dma_semaphore, #tpu.memory_space<semaphore_mem>>) {add = true}
    %dma_wait3A_878 = arith.constant 0 : i32
    %dma_wait3A_879 = arith.constant 0 : i32
    %dma_wait3A_880 = tpu.memref_slice %arg10[%dma_wait3A_878, %dma_wait3A_879] : memref<128x128xf32, #tpu.memory_space<vmem>> -> memref<128x128xf32, #tpu.memory_space<vmem>>
    %dma_wait3A_881 = arith.constant 0 : i32
    %dma_wait3A_882 = tpu.memref_slice %arg6[%add3A_843, %dma_wait3A_881] : memref<100000x128xf32, #tpu.memory_space<hbm>> -> memref<128x128xf32, #tpu.memory_space<hbm>>
    %dma_wait3A_883 = arith.constant 0 : i32
    %dma_wait3A_884 = tpu.memref_slice %arg6[%add3A_843, %dma_wait3A_883] : memref<100000x128xf32, #tpu.memory_space<hbm>> -> memref<128x128xf32, #tpu.memory_space<hbm>>
    %dma_wait3A_885 = arith.constant 0 : i32
    %dma_wait3A_886 = arith.constant 0 : i32
    %dma_wait3A_887 = tpu.memref_slice %arg10[%dma_wait3A_885, %dma_wait3A_886] : memref<128x128xf32, #tpu.memory_space<vmem>> -> memref<128x128xf32, #tpu.memory_space<vmem>>
    tpu.wait_dma2 semaphore(%arg19 : memref<!tpu.dma_semaphore, #tpu.memory_space<semaphore_mem>>) src(%dma_wait3A_887 : memref<128x128xf32, #tpu.memory_space<vmem>>) dst(%dma_wait3A_884 : memref<128x128xf32, #tpu.memory_space<hbm>>)
    %dma_start3A_888 = arith.constant 0 : i32
    %dma_start3A_889 = arith.constant 0 : i32
    %dma_start3A_890 = tpu.memref_slice %arg10[%dma_start3A_888, %dma_start3A_889] : memref<128x128xf32, #tpu.memory_space<vmem>> -> memref<128x128xf32, #tpu.memory_space<vmem>>
    %dma_start3A_891 = arith.constant 1664 : i32
    %dma_start3A_892 = tpu.memref_slice %arg8[%dma_start3A_891] : memref<9408xi32, #tpu.memory_space<vmem>> -> memref<128xi32, #tpu.memory_space<vmem>>
    %dma_start3A_893 = arith.constant 0 : i32
    %dma_start3A_894 = arith.constant 0 : i32
    %dma_start3A_895 = tpu.memref_slice %arg12[%dma_start3A_893, %dma_start3A_894] : memref<1920x128xf32, #tpu.memory_space<vmem_shared>> -> memref<1920x128xf32, #tpu.memory_space<vmem_shared>>
    tpu.enqueue_indirect_dma source(%dma_start3A_895 : memref<1920x128xf32, #tpu.memory_space<vmem_shared>>) target(%dma_start3A_890 : memref<128x128xf32, #tpu.memory_space<vmem>>) offsets(%dma_start3A_892 : memref<128xi32, #tpu.memory_space<vmem>>) semaphore(%arg16 : memref<!tpu.dma_semaphore, #tpu.memory_space<semaphore_mem>>)
    %dma_wait3A_896 = arith.constant 0 : i32
    %dma_wait3A_897 = arith.constant 0 : i32
    %dma_wait3A_898 = tpu.memref_slice %arg11[%dma_wait3A_896, %dma_wait3A_897] : memref<128x128xf32, #tpu.memory_space<vmem>> -> memref<128x128xf32, #tpu.memory_space<vmem>>
    %dma_wait3A_899 = arith.constant 4544 : i32
    %dma_wait3A_900 = tpu.memref_slice %arg8[%dma_wait3A_899] : memref<9408xi32, #tpu.memory_space<vmem>> -> memref<128xi32, #tpu.memory_space<vmem>>
    %dma_wait3A_901 = arith.constant 0 : i32
    %dma_wait3A_902 = arith.constant 0 : i32
    %dma_wait3A_903 = tpu.memref_slice %arg4[%dma_wait3A_901, %dma_wait3A_902] : memref<2048x128xf32, #tpu.memory_space<hbm>> -> memref<2048x128xf32, #tpu.memory_space<hbm>>
    tpu.wait_indirect_dma semaphore(%arg17 : memref<!tpu.dma_semaphore, #tpu.memory_space<semaphore_mem>>) src(%dma_wait3A_903 : memref<2048x128xf32, #tpu.memory_space<hbm>>) dst(%dma_wait3A_898 : memref<128x128xf32, #tpu.memory_space<vmem>>)
    %dma_wait3A_904 = arith.constant 0 : i32
    %dma_wait3A_905 = arith.constant 0 : i32
    %dma_wait3A_906 = tpu.memref_slice %arg11[%dma_wait3A_904, %dma_wait3A_905] : memref<128x128xf32, #tpu.memory_space<vmem>> -> memref<128x128xf32, #tpu.memory_space<vmem>>
    %dma_wait3A_907 = arith.constant 7680 : i32
    %dma_wait3A_908 = tpu.memref_slice %arg8[%dma_wait3A_907] : memref<9408xi32, #tpu.memory_space<vmem>> -> memref<128xi32, #tpu.memory_space<vmem>>
    %dma_wait3A_909 = arith.constant 0 : i32
    %dma_wait3A_910 = arith.constant 0 : i32
    %dma_wait3A_911 = tpu.memref_slice %arg5[%dma_wait3A_909, %dma_wait3A_910] : memref<1408x128xf32, #tpu.memory_space<hbm>> -> memref<1408x128xf32, #tpu.memory_space<hbm>>
    tpu.wait_indirect_dma semaphore(%arg17 : memref<!tpu.dma_semaphore, #tpu.memory_space<semaphore_mem>>) src(%dma_wait3A_911 : memref<1408x128xf32, #tpu.memory_space<hbm>>) dst(%dma_wait3A_906 : memref<128x128xf32, #tpu.memory_space<vmem>>)
    %add3A_912 = arith.constant 1408 : i32
    %add3A_913 = arith.addi %mul3A_2, %add3A_912 : i32
    %dma_start3A_914 = arith.constant 0 : i32
    %dma_start3A_915 = arith.constant 0 : i32
    %dma_start3A_916 = tpu.memref_slice %arg11[%dma_start3A_914, %dma_start3A_915] : memref<128x128xf32, #tpu.memory_space<vmem>> -> memref<128x128xf32, #tpu.memory_space<vmem>>
    %dma_start3A_917 = arith.constant 0 : i32
    %dma_start3A_918 = tpu.memref_slice %arg6[%add3A_913, %dma_start3A_917] : memref<100000x128xf32, #tpu.memory_space<hbm>> -> memref<128x128xf32, #tpu.memory_space<hbm>>
    %dma_start3A_919 = arith.constant 0 : i32
    %dma_start3A_920 = tpu.memref_slice %arg6[%add3A_913, %dma_start3A_919] : memref<100000x128xf32, #tpu.memory_space<hbm>> -> memref<128x128xf32, #tpu.memory_space<hbm>>
    %dma_start3A_921 = arith.constant 0 : i32
    %dma_start3A_922 = arith.constant 0 : i32
    %dma_start3A_923 = tpu.memref_slice %arg11[%dma_start3A_921, %dma_start3A_922] : memref<128x128xf32, #tpu.memory_space<vmem>> -> memref<128x128xf32, #tpu.memory_space<vmem>>
    tpu.enqueue_dma source(%dma_start3A_923 : memref<128x128xf32, #tpu.memory_space<vmem>>) target(%dma_start3A_920 : memref<128x128xf32, #tpu.memory_space<hbm>>) target_semaphore(%arg20 : memref<!tpu.dma_semaphore, #tpu.memory_space<semaphore_mem>>)
    %dma_wait3A_924 = arith.constant 0 : i32
    %dma_wait3A_925 = arith.constant 0 : i32
    %dma_wait3A_926 = tpu.memref_slice %arg10[%dma_wait3A_924, %dma_wait3A_925] : memref<128x128xf32, #tpu.memory_space<vmem>> -> memref<128x128xf32, #tpu.memory_space<vmem>>
    %dma_wait3A_927 = arith.constant 1664 : i32
    %dma_wait3A_928 = tpu.memref_slice %arg8[%dma_wait3A_927] : memref<9408xi32, #tpu.memory_space<vmem>> -> memref<128xi32, #tpu.memory_space<vmem>>
    %dma_wait3A_929 = arith.constant 0 : i32
    %dma_wait3A_930 = arith.constant 0 : i32
    %dma_wait3A_931 = tpu.memref_slice %arg12[%dma_wait3A_929, %dma_wait3A_930] : memref<1920x128xf32, #tpu.memory_space<vmem_shared>> -> memref<1920x128xf32, #tpu.memory_space<vmem_shared>>
    tpu.wait_indirect_dma semaphore(%arg16 : memref<!tpu.dma_semaphore, #tpu.memory_space<semaphore_mem>>) src(%dma_wait3A_931 : memref<1920x128xf32, #tpu.memory_space<vmem_shared>>) dst(%dma_wait3A_926 : memref<128x128xf32, #tpu.memory_space<vmem>>)
    %dma_start3A_932 = arith.constant 0 : i32
    %dma_start3A_933 = arith.constant 0 : i32
    %dma_start3A_934 = tpu.memref_slice %arg10[%dma_start3A_932, %dma_start3A_933] : memref<128x128xf32, #tpu.memory_space<vmem>> -> memref<128x128xf32, #tpu.memory_space<vmem>>
    %dma_start3A_935 = arith.constant 4800 : i32
    %dma_start3A_936 = tpu.memref_slice %arg8[%dma_start3A_935] : memref<9408xi32, #tpu.memory_space<vmem>> -> memref<128xi32, #tpu.memory_space<vmem>>
    %dma_start3A_937 = arith.constant 0 : i32
    %dma_start3A_938 = arith.constant 0 : i32
    %dma_start3A_939 = tpu.memref_slice %arg13[%dma_start3A_937, %dma_start3A_938] : memref<2048x128xf32, #tpu.memory_space<vmem_shared>> -> memref<2048x128xf32, #tpu.memory_space<vmem_shared>>
    tpu.enqueue_indirect_dma source(%dma_start3A_939 : memref<2048x128xf32, #tpu.memory_space<vmem_shared>>) target(%dma_start3A_934 : memref<128x128xf32, #tpu.memory_space<vmem>>) offsets(%dma_start3A_936 : memref<128xi32, #tpu.memory_space<vmem>>) semaphore(%arg16 : memref<!tpu.dma_semaphore, #tpu.memory_space<semaphore_mem>>) {add = true}
    %dma_start3A_940 = arith.constant 0 : i32
    %dma_start3A_941 = arith.constant 0 : i32
    %dma_start3A_942 = tpu.memref_slice %arg10[%dma_start3A_940, %dma_start3A_941] : memref<128x128xf32, #tpu.memory_space<vmem>> -> memref<128x128xf32, #tpu.memory_space<vmem>>
    %dma_start3A_943 = arith.constant 7936 : i32
    %dma_start3A_944 = tpu.memref_slice %arg8[%dma_start3A_943] : memref<9408xi32, #tpu.memory_space<vmem>> -> memref<128xi32, #tpu.memory_space<vmem>>
    %dma_start3A_945 = arith.constant 0 : i32
    %dma_start3A_946 = arith.constant 0 : i32
    %dma_start3A_947 = tpu.memref_slice %arg14[%dma_start3A_945, %dma_start3A_946] : memref<1408x128xf32, #tpu.memory_space<vmem_shared>> -> memref<1408x128xf32, #tpu.memory_space<vmem_shared>>
    tpu.enqueue_indirect_dma source(%dma_start3A_947 : memref<1408x128xf32, #tpu.memory_space<vmem_shared>>) target(%dma_start3A_942 : memref<128x128xf32, #tpu.memory_space<vmem>>) offsets(%dma_start3A_944 : memref<128xi32, #tpu.memory_space<vmem>>) semaphore(%arg16 : memref<!tpu.dma_semaphore, #tpu.memory_space<semaphore_mem>>) {add = true}
    %dma_wait3A_948 = arith.constant 0 : i32
    %dma_wait3A_949 = arith.constant 0 : i32
    %dma_wait3A_950 = tpu.memref_slice %arg11[%dma_wait3A_948, %dma_wait3A_949] : memref<128x128xf32, #tpu.memory_space<vmem>> -> memref<128x128xf32, #tpu.memory_space<vmem>>
    %dma_wait3A_951 = arith.constant 0 : i32
    %dma_wait3A_952 = tpu.memref_slice %arg6[%add3A_913, %dma_wait3A_951] : memref<100000x128xf32, #tpu.memory_space<hbm>> -> memref<128x128xf32, #tpu.memory_space<hbm>>
    %dma_wait3A_953 = arith.constant 0 : i32
    %dma_wait3A_954 = tpu.memref_slice %arg6[%add3A_913, %dma_wait3A_953] : memref<100000x128xf32, #tpu.memory_space<hbm>> -> memref<128x128xf32, #tpu.memory_space<hbm>>
    %dma_wait3A_955 = arith.constant 0 : i32
    %dma_wait3A_956 = arith.constant 0 : i32
    %dma_wait3A_957 = tpu.memref_slice %arg11[%dma_wait3A_955, %dma_wait3A_956] : memref<128x128xf32, #tpu.memory_space<vmem>> -> memref<128x128xf32, #tpu.memory_space<vmem>>
    tpu.wait_dma2 semaphore(%arg20 : memref<!tpu.dma_semaphore, #tpu.memory_space<semaphore_mem>>) src(%dma_wait3A_957 : memref<128x128xf32, #tpu.memory_space<vmem>>) dst(%dma_wait3A_954 : memref<128x128xf32, #tpu.memory_space<hbm>>)
    %dma_start3A_958 = arith.constant 0 : i32
    %dma_start3A_959 = arith.constant 0 : i32
    %dma_start3A_960 = tpu.memref_slice %arg11[%dma_start3A_958, %dma_start3A_959] : memref<128x128xf32, #tpu.memory_space<vmem>> -> memref<128x128xf32, #tpu.memory_space<vmem>>
    %dma_start3A_961 = arith.constant 1792 : i32
    %dma_start3A_962 = tpu.memref_slice %arg8[%dma_start3A_961] : memref<9408xi32, #tpu.memory_space<vmem>> -> memref<128xi32, #tpu.memory_space<vmem>>
    %dma_start3A_963 = arith.constant 0 : i32
    %dma_start3A_964 = arith.constant 0 : i32
    %dma_start3A_965 = tpu.memref_slice %arg3[%dma_start3A_963, %dma_start3A_964] : memref<1920x128xf32, #tpu.memory_space<hbm>> -> memref<1920x128xf32, #tpu.memory_space<hbm>>
    tpu.enqueue_indirect_dma source(%dma_start3A_965 : memref<1920x128xf32, #tpu.memory_space<hbm>>) target(%dma_start3A_960 : memref<128x128xf32, #tpu.memory_space<vmem>>) offsets(%dma_start3A_962 : memref<128xi32, #tpu.memory_space<vmem>>) semaphore(%arg17 : memref<!tpu.dma_semaphore, #tpu.memory_space<semaphore_mem>>)
    %dma_wait3A_966 = arith.constant 0 : i32
    %dma_wait3A_967 = arith.constant 0 : i32
    %dma_wait3A_968 = tpu.memref_slice %arg9[%dma_wait3A_966, %dma_wait3A_967] : memref<128x128xf32, #tpu.memory_space<vmem>> -> memref<128x128xf32, #tpu.memory_space<vmem>>
    %dma_wait3A_969 = arith.constant 4672 : i32
    %dma_wait3A_970 = tpu.memref_slice %arg8[%dma_wait3A_969] : memref<9408xi32, #tpu.memory_space<vmem>> -> memref<128xi32, #tpu.memory_space<vmem>>
    %dma_wait3A_971 = arith.constant 0 : i32
    %dma_wait3A_972 = arith.constant 0 : i32
    %dma_wait3A_973 = tpu.memref_slice %arg13[%dma_wait3A_971, %dma_wait3A_972] : memref<2048x128xf32, #tpu.memory_space<vmem_shared>> -> memref<2048x128xf32, #tpu.memory_space<vmem_shared>>
    tpu.wait_indirect_dma semaphore(%arg15 : memref<!tpu.dma_semaphore, #tpu.memory_space<semaphore_mem>>) src(%dma_wait3A_973 : memref<2048x128xf32, #tpu.memory_space<vmem_shared>>) dst(%dma_wait3A_968 : memref<128x128xf32, #tpu.memory_space<vmem>>)
    %dma_wait3A_974 = arith.constant 0 : i32
    %dma_wait3A_975 = arith.constant 0 : i32
    %dma_wait3A_976 = tpu.memref_slice %arg9[%dma_wait3A_974, %dma_wait3A_975] : memref<128x128xf32, #tpu.memory_space<vmem>> -> memref<128x128xf32, #tpu.memory_space<vmem>>
    %dma_wait3A_977 = arith.constant 7808 : i32
    %dma_wait3A_978 = tpu.memref_slice %arg8[%dma_wait3A_977] : memref<9408xi32, #tpu.memory_space<vmem>> -> memref<128xi32, #tpu.memory_space<vmem>>
    %dma_wait3A_979 = arith.constant 0 : i32
    %dma_wait3A_980 = arith.constant 0 : i32
    %dma_wait3A_981 = tpu.memref_slice %arg14[%dma_wait3A_979, %dma_wait3A_980] : memref<1408x128xf32, #tpu.memory_space<vmem_shared>> -> memref<1408x128xf32, #tpu.memory_space<vmem_shared>>
    tpu.wait_indirect_dma semaphore(%arg15 : memref<!tpu.dma_semaphore, #tpu.memory_space<semaphore_mem>>) src(%dma_wait3A_981 : memref<1408x128xf32, #tpu.memory_space<vmem_shared>>) dst(%dma_wait3A_976 : memref<128x128xf32, #tpu.memory_space<vmem>>)
    %add3A_982 = arith.constant 1536 : i32
    %add3A_983 = arith.addi %mul3A_2, %add3A_982 : i32
    %dma_start3A_984 = arith.constant 0 : i32
    %dma_start3A_985 = arith.constant 0 : i32
    %dma_start3A_986 = tpu.memref_slice %arg9[%dma_start3A_984, %dma_start3A_985] : memref<128x128xf32, #tpu.memory_space<vmem>> -> memref<128x128xf32, #tpu.memory_space<vmem>>
    %dma_start3A_987 = arith.constant 0 : i32
    %dma_start3A_988 = tpu.memref_slice %arg6[%add3A_983, %dma_start3A_987] : memref<100000x128xf32, #tpu.memory_space<hbm>> -> memref<128x128xf32, #tpu.memory_space<hbm>>
    %dma_start3A_989 = arith.constant 0 : i32
    %dma_start3A_990 = tpu.memref_slice %arg6[%add3A_983, %dma_start3A_989] : memref<100000x128xf32, #tpu.memory_space<hbm>> -> memref<128x128xf32, #tpu.memory_space<hbm>>
    %dma_start3A_991 = arith.constant 0 : i32
    %dma_start3A_992 = arith.constant 0 : i32
    %dma_start3A_993 = tpu.memref_slice %arg9[%dma_start3A_991, %dma_start3A_992] : memref<128x128xf32, #tpu.memory_space<vmem>> -> memref<128x128xf32, #tpu.memory_space<vmem>>
    tpu.enqueue_dma source(%dma_start3A_993 : memref<128x128xf32, #tpu.memory_space<vmem>>) target(%dma_start3A_990 : memref<128x128xf32, #tpu.memory_space<hbm>>) target_semaphore(%arg18 : memref<!tpu.dma_semaphore, #tpu.memory_space<semaphore_mem>>)
    %dma_wait3A_994 = arith.constant 0 : i32
    %dma_wait3A_995 = arith.constant 0 : i32
    %dma_wait3A_996 = tpu.memref_slice %arg11[%dma_wait3A_994, %dma_wait3A_995] : memref<128x128xf32, #tpu.memory_space<vmem>> -> memref<128x128xf32, #tpu.memory_space<vmem>>
    %dma_wait3A_997 = arith.constant 1792 : i32
    %dma_wait3A_998 = tpu.memref_slice %arg8[%dma_wait3A_997] : memref<9408xi32, #tpu.memory_space<vmem>> -> memref<128xi32, #tpu.memory_space<vmem>>
    %dma_wait3A_999 = arith.constant 0 : i32
    %dma_wait3A_1000 = arith.constant 0 : i32
    %dma_wait3A_1001 = tpu.memref_slice %arg3[%dma_wait3A_999, %dma_wait3A_1000] : memref<1920x128xf32, #tpu.memory_space<hbm>> -> memref<1920x128xf32, #tpu.memory_space<hbm>>
    tpu.wait_indirect_dma semaphore(%arg17 : memref<!tpu.dma_semaphore, #tpu.memory_space<semaphore_mem>>) src(%dma_wait3A_1001 : memref<1920x128xf32, #tpu.memory_space<hbm>>) dst(%dma_wait3A_996 : memref<128x128xf32, #tpu.memory_space<vmem>>)
    %dma_start3A_1002 = arith.constant 0 : i32
    %dma_start3A_1003 = arith.constant 0 : i32
    %dma_start3A_1004 = tpu.memref_slice %arg11[%dma_start3A_1002, %dma_start3A_1003] : memref<128x128xf32, #tpu.memory_space<vmem>> -> memref<128x128xf32, #tpu.memory_space<vmem>>
    %dma_start3A_1005 = arith.constant 4928 : i32
    %dma_start3A_1006 = tpu.memref_slice %arg8[%dma_start3A_1005] : memref<9408xi32, #tpu.memory_space<vmem>> -> memref<128xi32, #tpu.memory_space<vmem>>
    %dma_start3A_1007 = arith.constant 0 : i32
    %dma_start3A_1008 = arith.constant 0 : i32
    %dma_start3A_1009 = tpu.memref_slice %arg4[%dma_start3A_1007, %dma_start3A_1008] : memref<2048x128xf32, #tpu.memory_space<hbm>> -> memref<2048x128xf32, #tpu.memory_space<hbm>>
    tpu.enqueue_indirect_dma source(%dma_start3A_1009 : memref<2048x128xf32, #tpu.memory_space<hbm>>) target(%dma_start3A_1004 : memref<128x128xf32, #tpu.memory_space<vmem>>) offsets(%dma_start3A_1006 : memref<128xi32, #tpu.memory_space<vmem>>) semaphore(%arg17 : memref<!tpu.dma_semaphore, #tpu.memory_space<semaphore_mem>>) {add = true}
    %dma_start3A_1010 = arith.constant 0 : i32
    %dma_start3A_1011 = arith.constant 0 : i32
    %dma_start3A_1012 = tpu.memref_slice %arg11[%dma_start3A_1010, %dma_start3A_1011] : memref<128x128xf32, #tpu.memory_space<vmem>> -> memref<128x128xf32, #tpu.memory_space<vmem>>
    %dma_start3A_1013 = arith.constant 8064 : i32
    %dma_start3A_1014 = tpu.memref_slice %arg8[%dma_start3A_1013] : memref<9408xi32, #tpu.memory_space<vmem>> -> memref<128xi32, #tpu.memory_space<vmem>>
    %dma_start3A_1015 = arith.constant 0 : i32
    %dma_start3A_1016 = arith.constant 0 : i32
    %dma_start3A_1017 = tpu.memref_slice %arg5[%dma_start3A_1015, %dma_start3A_1016] : memref<1408x128xf32, #tpu.memory_space<hbm>> -> memref<1408x128xf32, #tpu.memory_space<hbm>>
    tpu.enqueue_indirect_dma source(%dma_start3A_1017 : memref<1408x128xf32, #tpu.memory_space<hbm>>) target(%dma_start3A_1012 : memref<128x128xf32, #tpu.memory_space<vmem>>) offsets(%dma_start3A_1014 : memref<128xi32, #tpu.memory_space<vmem>>) semaphore(%arg17 : memref<!tpu.dma_semaphore, #tpu.memory_space<semaphore_mem>>) {add = true}
    %dma_wait3A_1018 = arith.constant 0 : i32
    %dma_wait3A_1019 = arith.constant 0 : i32
    %dma_wait3A_1020 = tpu.memref_slice %arg9[%dma_wait3A_1018, %dma_wait3A_1019] : memref<128x128xf32, #tpu.memory_space<vmem>> -> memref<128x128xf32, #tpu.memory_space<vmem>>
    %dma_wait3A_1021 = arith.constant 0 : i32
    %dma_wait3A_1022 = tpu.memref_slice %arg6[%add3A_983, %dma_wait3A_1021] : memref<100000x128xf32, #tpu.memory_space<hbm>> -> memref<128x128xf32, #tpu.memory_space<hbm>>
    %dma_wait3A_1023 = arith.constant 0 : i32
    %dma_wait3A_1024 = tpu.memref_slice %arg6[%add3A_983, %dma_wait3A_1023] : memref<100000x128xf32, #tpu.memory_space<hbm>> -> memref<128x128xf32, #tpu.memory_space<hbm>>
    %dma_wait3A_1025 = arith.constant 0 : i32
    %dma_wait3A_1026 = arith.constant 0 : i32
    %dma_wait3A_1027 = tpu.memref_slice %arg9[%dma_wait3A_1025, %dma_wait3A_1026] : memref<128x128xf32, #tpu.memory_space<vmem>> -> memref<128x128xf32, #tpu.memory_space<vmem>>
    tpu.wait_dma2 semaphore(%arg18 : memref<!tpu.dma_semaphore, #tpu.memory_space<semaphore_mem>>) src(%dma_wait3A_1027 : memref<128x128xf32, #tpu.memory_space<vmem>>) dst(%dma_wait3A_1024 : memref<128x128xf32, #tpu.memory_space<hbm>>)
    %dma_start3A_1028 = arith.constant 0 : i32
    %dma_start3A_1029 = arith.constant 0 : i32
    %dma_start3A_1030 = tpu.memref_slice %arg9[%dma_start3A_1028, %dma_start3A_1029] : memref<128x128xf32, #tpu.memory_space<vmem>> -> memref<128x128xf32, #tpu.memory_space<vmem>>
    %dma_start3A_1031 = arith.constant 1920 : i32
    %dma_start3A_1032 = tpu.memref_slice %arg8[%dma_start3A_1031] : memref<9408xi32, #tpu.memory_space<vmem>> -> memref<128xi32, #tpu.memory_space<vmem>>
    %dma_start3A_1033 = arith.constant 0 : i32
    %dma_start3A_1034 = arith.constant 0 : i32
    %dma_start3A_1035 = tpu.memref_slice %arg12[%dma_start3A_1033, %dma_start3A_1034] : memref<1920x128xf32, #tpu.memory_space<vmem_shared>> -> memref<1920x128xf32, #tpu.memory_space<vmem_shared>>
    tpu.enqueue_indirect_dma source(%dma_start3A_1035 : memref<1920x128xf32, #tpu.memory_space<vmem_shared>>) target(%dma_start3A_1030 : memref<128x128xf32, #tpu.memory_space<vmem>>) offsets(%dma_start3A_1032 : memref<128xi32, #tpu.memory_space<vmem>>) semaphore(%arg15 : memref<!tpu.dma_semaphore, #tpu.memory_space<semaphore_mem>>)
    %dma_wait3A_1036 = arith.constant 0 : i32
    %dma_wait3A_1037 = arith.constant 0 : i32
    %dma_wait3A_1038 = tpu.memref_slice %arg10[%dma_wait3A_1036, %dma_wait3A_1037] : memref<128x128xf32, #tpu.memory_space<vmem>> -> memref<128x128xf32, #tpu.memory_space<vmem>>
    %dma_wait3A_1039 = arith.constant 4800 : i32
    %dma_wait3A_1040 = tpu.memref_slice %arg8[%dma_wait3A_1039] : memref<9408xi32, #tpu.memory_space<vmem>> -> memref<128xi32, #tpu.memory_space<vmem>>
    %dma_wait3A_1041 = arith.constant 0 : i32
    %dma_wait3A_1042 = arith.constant 0 : i32
    %dma_wait3A_1043 = tpu.memref_slice %arg13[%dma_wait3A_1041, %dma_wait3A_1042] : memref<2048x128xf32, #tpu.memory_space<vmem_shared>> -> memref<2048x128xf32, #tpu.memory_space<vmem_shared>>
    tpu.wait_indirect_dma semaphore(%arg16 : memref<!tpu.dma_semaphore, #tpu.memory_space<semaphore_mem>>) src(%dma_wait3A_1043 : memref<2048x128xf32, #tpu.memory_space<vmem_shared>>) dst(%dma_wait3A_1038 : memref<128x128xf32, #tpu.memory_space<vmem>>)
    %dma_wait3A_1044 = arith.constant 0 : i32
    %dma_wait3A_1045 = arith.constant 0 : i32
    %dma_wait3A_1046 = tpu.memref_slice %arg10[%dma_wait3A_1044, %dma_wait3A_1045] : memref<128x128xf32, #tpu.memory_space<vmem>> -> memref<128x128xf32, #tpu.memory_space<vmem>>
    %dma_wait3A_1047 = arith.constant 7936 : i32
    %dma_wait3A_1048 = tpu.memref_slice %arg8[%dma_wait3A_1047] : memref<9408xi32, #tpu.memory_space<vmem>> -> memref<128xi32, #tpu.memory_space<vmem>>
    %dma_wait3A_1049 = arith.constant 0 : i32
    %dma_wait3A_1050 = arith.constant 0 : i32
    %dma_wait3A_1051 = tpu.memref_slice %arg14[%dma_wait3A_1049, %dma_wait3A_1050] : memref<1408x128xf32, #tpu.memory_space<vmem_shared>> -> memref<1408x128xf32, #tpu.memory_space<vmem_shared>>
    tpu.wait_indirect_dma semaphore(%arg16 : memref<!tpu.dma_semaphore, #tpu.memory_space<semaphore_mem>>) src(%dma_wait3A_1051 : memref<1408x128xf32, #tpu.memory_space<vmem_shared>>) dst(%dma_wait3A_1046 : memref<128x128xf32, #tpu.memory_space<vmem>>)
    %add3A_1052 = arith.constant 1664 : i32
    %add3A_1053 = arith.addi %mul3A_2, %add3A_1052 : i32
    %dma_start3A_1054 = arith.constant 0 : i32
    %dma_start3A_1055 = arith.constant 0 : i32
    %dma_start3A_1056 = tpu.memref_slice %arg10[%dma_start3A_1054, %dma_start3A_1055] : memref<128x128xf32, #tpu.memory_space<vmem>> -> memref<128x128xf32, #tpu.memory_space<vmem>>
    %dma_start3A_1057 = arith.constant 0 : i32
    %dma_start3A_1058 = tpu.memref_slice %arg6[%add3A_1053, %dma_start3A_1057] : memref<100000x128xf32, #tpu.memory_space<hbm>> -> memref<128x128xf32, #tpu.memory_space<hbm>>
    %dma_start3A_1059 = arith.constant 0 : i32
    %dma_start3A_1060 = tpu.memref_slice %arg6[%add3A_1053, %dma_start3A_1059] : memref<100000x128xf32, #tpu.memory_space<hbm>> -> memref<128x128xf32, #tpu.memory_space<hbm>>
    %dma_start3A_1061 = arith.constant 0 : i32
    %dma_start3A_1062 = arith.constant 0 : i32
    %dma_start3A_1063 = tpu.memref_slice %arg10[%dma_start3A_1061, %dma_start3A_1062] : memref<128x128xf32, #tpu.memory_space<vmem>> -> memref<128x128xf32, #tpu.memory_space<vmem>>
    tpu.enqueue_dma source(%dma_start3A_1063 : memref<128x128xf32, #tpu.memory_space<vmem>>) target(%dma_start3A_1060 : memref<128x128xf32, #tpu.memory_space<hbm>>) target_semaphore(%arg19 : memref<!tpu.dma_semaphore, #tpu.memory_space<semaphore_mem>>)
    %dma_wait3A_1064 = arith.constant 0 : i32
    %dma_wait3A_1065 = arith.constant 0 : i32
    %dma_wait3A_1066 = tpu.memref_slice %arg9[%dma_wait3A_1064, %dma_wait3A_1065] : memref<128x128xf32, #tpu.memory_space<vmem>> -> memref<128x128xf32, #tpu.memory_space<vmem>>
    %dma_wait3A_1067 = arith.constant 1920 : i32
    %dma_wait3A_1068 = tpu.memref_slice %arg8[%dma_wait3A_1067] : memref<9408xi32, #tpu.memory_space<vmem>> -> memref<128xi32, #tpu.memory_space<vmem>>
    %dma_wait3A_1069 = arith.constant 0 : i32
    %dma_wait3A_1070 = arith.constant 0 : i32
    %dma_wait3A_1071 = tpu.memref_slice %arg12[%dma_wait3A_1069, %dma_wait3A_1070] : memref<1920x128xf32, #tpu.memory_space<vmem_shared>> -> memref<1920x128xf32, #tpu.memory_space<vmem_shared>>
    tpu.wait_indirect_dma semaphore(%arg15 : memref<!tpu.dma_semaphore, #tpu.memory_space<semaphore_mem>>) src(%dma_wait3A_1071 : memref<1920x128xf32, #tpu.memory_space<vmem_shared>>) dst(%dma_wait3A_1066 : memref<128x128xf32, #tpu.memory_space<vmem>>)
    %dma_start3A_1072 = arith.constant 0 : i32
    %dma_start3A_1073 = arith.constant 0 : i32
    %dma_start3A_1074 = tpu.memref_slice %arg9[%dma_start3A_1072, %dma_start3A_1073] : memref<128x128xf32, #tpu.memory_space<vmem>> -> memref<128x128xf32, #tpu.memory_space<vmem>>
    %dma_start3A_1075 = arith.constant 5056 : i32
    %dma_start3A_1076 = tpu.memref_slice %arg8[%dma_start3A_1075] : memref<9408xi32, #tpu.memory_space<vmem>> -> memref<128xi32, #tpu.memory_space<vmem>>
    %dma_start3A_1077 = arith.constant 0 : i32
    %dma_start3A_1078 = arith.constant 0 : i32
    %dma_start3A_1079 = tpu.memref_slice %arg13[%dma_start3A_1077, %dma_start3A_1078] : memref<2048x128xf32, #tpu.memory_space<vmem_shared>> -> memref<2048x128xf32, #tpu.memory_space<vmem_shared>>
    tpu.enqueue_indirect_dma source(%dma_start3A_1079 : memref<2048x128xf32, #tpu.memory_space<vmem_shared>>) target(%dma_start3A_1074 : memref<128x128xf32, #tpu.memory_space<vmem>>) offsets(%dma_start3A_1076 : memref<128xi32, #tpu.memory_space<vmem>>) semaphore(%arg15 : memref<!tpu.dma_semaphore, #tpu.memory_space<semaphore_mem>>) {add = true}
    %dma_start3A_1080 = arith.constant 0 : i32
    %dma_start3A_1081 = arith.constant 0 : i32
    %dma_start3A_1082 = tpu.memref_slice %arg9[%dma_start3A_1080, %dma_start3A_1081] : memref<128x128xf32, #tpu.memory_space<vmem>> -> memref<128x128xf32, #tpu.memory_space<vmem>>
    %dma_start3A_1083 = arith.constant 8192 : i32
    %dma_start3A_1084 = tpu.memref_slice %arg8[%dma_start3A_1083] : memref<9408xi32, #tpu.memory_space<vmem>> -> memref<128xi32, #tpu.memory_space<vmem>>
    %dma_start3A_1085 = arith.constant 0 : i32
    %dma_start3A_1086 = arith.constant 0 : i32
    %dma_start3A_1087 = tpu.memref_slice %arg14[%dma_start3A_1085, %dma_start3A_1086] : memref<1408x128xf32, #tpu.memory_space<vmem_shared>> -> memref<1408x128xf32, #tpu.memory_space<vmem_shared>>
    tpu.enqueue_indirect_dma source(%dma_start3A_1087 : memref<1408x128xf32, #tpu.memory_space<vmem_shared>>) target(%dma_start3A_1082 : memref<128x128xf32, #tpu.memory_space<vmem>>) offsets(%dma_start3A_1084 : memref<128xi32, #tpu.memory_space<vmem>>) semaphore(%arg15 : memref<!tpu.dma_semaphore, #tpu.memory_space<semaphore_mem>>) {add = true}
    %dma_wait3A_1088 = arith.constant 0 : i32
    %dma_wait3A_1089 = arith.constant 0 : i32
    %dma_wait3A_1090 = tpu.memref_slice %arg10[%dma_wait3A_1088, %dma_wait3A_1089] : memref<128x128xf32, #tpu.memory_space<vmem>> -> memref<128x128xf32, #tpu.memory_space<vmem>>
    %dma_wait3A_1091 = arith.constant 0 : i32
    %dma_wait3A_1092 = tpu.memref_slice %arg6[%add3A_1053, %dma_wait3A_1091] : memref<100000x128xf32, #tpu.memory_space<hbm>> -> memref<128x128xf32, #tpu.memory_space<hbm>>
    %dma_wait3A_1093 = arith.constant 0 : i32
    %dma_wait3A_1094 = tpu.memref_slice %arg6[%add3A_1053, %dma_wait3A_1093] : memref<100000x128xf32, #tpu.memory_space<hbm>> -> memref<128x128xf32, #tpu.memory_space<hbm>>
    %dma_wait3A_1095 = arith.constant 0 : i32
    %dma_wait3A_1096 = arith.constant 0 : i32
    %dma_wait3A_1097 = tpu.memref_slice %arg10[%dma_wait3A_1095, %dma_wait3A_1096] : memref<128x128xf32, #tpu.memory_space<vmem>> -> memref<128x128xf32, #tpu.memory_space<vmem>>
    tpu.wait_dma2 semaphore(%arg19 : memref<!tpu.dma_semaphore, #tpu.memory_space<semaphore_mem>>) src(%dma_wait3A_1097 : memref<128x128xf32, #tpu.memory_space<vmem>>) dst(%dma_wait3A_1094 : memref<128x128xf32, #tpu.memory_space<hbm>>)
    %dma_start3A_1098 = arith.constant 0 : i32
    %dma_start3A_1099 = arith.constant 0 : i32
    %dma_start3A_1100 = tpu.memref_slice %arg10[%dma_start3A_1098, %dma_start3A_1099] : memref<128x128xf32, #tpu.memory_space<vmem>> -> memref<128x128xf32, #tpu.memory_space<vmem>>
    %dma_start3A_1101 = arith.constant 2048 : i32
    %dma_start3A_1102 = tpu.memref_slice %arg8[%dma_start3A_1101] : memref<9408xi32, #tpu.memory_space<vmem>> -> memref<128xi32, #tpu.memory_space<vmem>>
    %dma_start3A_1103 = arith.constant 0 : i32
    %dma_start3A_1104 = arith.constant 0 : i32
    %dma_start3A_1105 = tpu.memref_slice %arg12[%dma_start3A_1103, %dma_start3A_1104] : memref<1920x128xf32, #tpu.memory_space<vmem_shared>> -> memref<1920x128xf32, #tpu.memory_space<vmem_shared>>
    tpu.enqueue_indirect_dma source(%dma_start3A_1105 : memref<1920x128xf32, #tpu.memory_space<vmem_shared>>) target(%dma_start3A_1100 : memref<128x128xf32, #tpu.memory_space<vmem>>) offsets(%dma_start3A_1102 : memref<128xi32, #tpu.memory_space<vmem>>) semaphore(%arg16 : memref<!tpu.dma_semaphore, #tpu.memory_space<semaphore_mem>>)
    %dma_wait3A_1106 = arith.constant 0 : i32
    %dma_wait3A_1107 = arith.constant 0 : i32
    %dma_wait3A_1108 = tpu.memref_slice %arg11[%dma_wait3A_1106, %dma_wait3A_1107] : memref<128x128xf32, #tpu.memory_space<vmem>> -> memref<128x128xf32, #tpu.memory_space<vmem>>
    %dma_wait3A_1109 = arith.constant 4928 : i32
    %dma_wait3A_1110 = tpu.memref_slice %arg8[%dma_wait3A_1109] : memref<9408xi32, #tpu.memory_space<vmem>> -> memref<128xi32, #tpu.memory_space<vmem>>
    %dma_wait3A_1111 = arith.constant 0 : i32
    %dma_wait3A_1112 = arith.constant 0 : i32
    %dma_wait3A_1113 = tpu.memref_slice %arg4[%dma_wait3A_1111, %dma_wait3A_1112] : memref<2048x128xf32, #tpu.memory_space<hbm>> -> memref<2048x128xf32, #tpu.memory_space<hbm>>
    tpu.wait_indirect_dma semaphore(%arg17 : memref<!tpu.dma_semaphore, #tpu.memory_space<semaphore_mem>>) src(%dma_wait3A_1113 : memref<2048x128xf32, #tpu.memory_space<hbm>>) dst(%dma_wait3A_1108 : memref<128x128xf32, #tpu.memory_space<vmem>>)
    %dma_wait3A_1114 = arith.constant 0 : i32
    %dma_wait3A_1115 = arith.constant 0 : i32
    %dma_wait3A_1116 = tpu.memref_slice %arg11[%dma_wait3A_1114, %dma_wait3A_1115] : memref<128x128xf32, #tpu.memory_space<vmem>> -> memref<128x128xf32, #tpu.memory_space<vmem>>
    %dma_wait3A_1117 = arith.constant 8064 : i32
    %dma_wait3A_1118 = tpu.memref_slice %arg8[%dma_wait3A_1117] : memref<9408xi32, #tpu.memory_space<vmem>> -> memref<128xi32, #tpu.memory_space<vmem>>
    %dma_wait3A_1119 = arith.constant 0 : i32
    %dma_wait3A_1120 = arith.constant 0 : i32
    %dma_wait3A_1121 = tpu.memref_slice %arg5[%dma_wait3A_1119, %dma_wait3A_1120] : memref<1408x128xf32, #tpu.memory_space<hbm>> -> memref<1408x128xf32, #tpu.memory_space<hbm>>
    tpu.wait_indirect_dma semaphore(%arg17 : memref<!tpu.dma_semaphore, #tpu.memory_space<semaphore_mem>>) src(%dma_wait3A_1121 : memref<1408x128xf32, #tpu.memory_space<hbm>>) dst(%dma_wait3A_1116 : memref<128x128xf32, #tpu.memory_space<vmem>>)
    %add3A_1122 = arith.constant 1792 : i32
    %add3A_1123 = arith.addi %mul3A_2, %add3A_1122 : i32
    %dma_start3A_1124 = arith.constant 0 : i32
    %dma_start3A_1125 = arith.constant 0 : i32
    %dma_start3A_1126 = tpu.memref_slice %arg11[%dma_start3A_1124, %dma_start3A_1125] : memref<128x128xf32, #tpu.memory_space<vmem>> -> memref<128x128xf32, #tpu.memory_space<vmem>>
    %dma_start3A_1127 = arith.constant 0 : i32
    %dma_start3A_1128 = tpu.memref_slice %arg6[%add3A_1123, %dma_start3A_1127] : memref<100000x128xf32, #tpu.memory_space<hbm>> -> memref<128x128xf32, #tpu.memory_space<hbm>>
    %dma_start3A_1129 = arith.constant 0 : i32
    %dma_start3A_1130 = tpu.memref_slice %arg6[%add3A_1123, %dma_start3A_1129] : memref<100000x128xf32, #tpu.memory_space<hbm>> -> memref<128x128xf32, #tpu.memory_space<hbm>>
    %dma_start3A_1131 = arith.constant 0 : i32
    %dma_start3A_1132 = arith.constant 0 : i32
    %dma_start3A_1133 = tpu.memref_slice %arg11[%dma_start3A_1131, %dma_start3A_1132] : memref<128x128xf32, #tpu.memory_space<vmem>> -> memref<128x128xf32, #tpu.memory_space<vmem>>
    tpu.enqueue_dma source(%dma_start3A_1133 : memref<128x128xf32, #tpu.memory_space<vmem>>) target(%dma_start3A_1130 : memref<128x128xf32, #tpu.memory_space<hbm>>) target_semaphore(%arg20 : memref<!tpu.dma_semaphore, #tpu.memory_space<semaphore_mem>>)
    %dma_wait3A_1134 = arith.constant 0 : i32
    %dma_wait3A_1135 = arith.constant 0 : i32
    %dma_wait3A_1136 = tpu.memref_slice %arg10[%dma_wait3A_1134, %dma_wait3A_1135] : memref<128x128xf32, #tpu.memory_space<vmem>> -> memref<128x128xf32, #tpu.memory_space<vmem>>
    %dma_wait3A_1137 = arith.constant 2048 : i32
    %dma_wait3A_1138 = tpu.memref_slice %arg8[%dma_wait3A_1137] : memref<9408xi32, #tpu.memory_space<vmem>> -> memref<128xi32, #tpu.memory_space<vmem>>
    %dma_wait3A_1139 = arith.constant 0 : i32
    %dma_wait3A_1140 = arith.constant 0 : i32
    %dma_wait3A_1141 = tpu.memref_slice %arg12[%dma_wait3A_1139, %dma_wait3A_1140] : memref<1920x128xf32, #tpu.memory_space<vmem_shared>> -> memref<1920x128xf32, #tpu.memory_space<vmem_shared>>
    tpu.wait_indirect_dma semaphore(%arg16 : memref<!tpu.dma_semaphore, #tpu.memory_space<semaphore_mem>>) src(%dma_wait3A_1141 : memref<1920x128xf32, #tpu.memory_space<vmem_shared>>) dst(%dma_wait3A_1136 : memref<128x128xf32, #tpu.memory_space<vmem>>)
    %dma_start3A_1142 = arith.constant 0 : i32
    %dma_start3A_1143 = arith.constant 0 : i32
    %dma_start3A_1144 = tpu.memref_slice %arg10[%dma_start3A_1142, %dma_start3A_1143] : memref<128x128xf32, #tpu.memory_space<vmem>> -> memref<128x128xf32, #tpu.memory_space<vmem>>
    %dma_start3A_1145 = arith.constant 5184 : i32
    %dma_start3A_1146 = tpu.memref_slice %arg8[%dma_start3A_1145] : memref<9408xi32, #tpu.memory_space<vmem>> -> memref<128xi32, #tpu.memory_space<vmem>>
    %dma_start3A_1147 = arith.constant 0 : i32
    %dma_start3A_1148 = arith.constant 0 : i32
    %dma_start3A_1149 = tpu.memref_slice %arg13[%dma_start3A_1147, %dma_start3A_1148] : memref<2048x128xf32, #tpu.memory_space<vmem_shared>> -> memref<2048x128xf32, #tpu.memory_space<vmem_shared>>
    tpu.enqueue_indirect_dma source(%dma_start3A_1149 : memref<2048x128xf32, #tpu.memory_space<vmem_shared>>) target(%dma_start3A_1144 : memref<128x128xf32, #tpu.memory_space<vmem>>) offsets(%dma_start3A_1146 : memref<128xi32, #tpu.memory_space<vmem>>) semaphore(%arg16 : memref<!tpu.dma_semaphore, #tpu.memory_space<semaphore_mem>>) {add = true}
    %dma_start3A_1150 = arith.constant 0 : i32
    %dma_start3A_1151 = arith.constant 0 : i32
    %dma_start3A_1152 = tpu.memref_slice %arg10[%dma_start3A_1150, %dma_start3A_1151] : memref<128x128xf32, #tpu.memory_space<vmem>> -> memref<128x128xf32, #tpu.memory_space<vmem>>
    %dma_start3A_1153 = arith.constant 8320 : i32
    %dma_start3A_1154 = tpu.memref_slice %arg8[%dma_start3A_1153] : memref<9408xi32, #tpu.memory_space<vmem>> -> memref<128xi32, #tpu.memory_space<vmem>>
    %dma_start3A_1155 = arith.constant 0 : i32
    %dma_start3A_1156 = arith.constant 0 : i32
    %dma_start3A_1157 = tpu.memref_slice %arg14[%dma_start3A_1155, %dma_start3A_1156] : memref<1408x128xf32, #tpu.memory_space<vmem_shared>> -> memref<1408x128xf32, #tpu.memory_space<vmem_shared>>
    tpu.enqueue_indirect_dma source(%dma_start3A_1157 : memref<1408x128xf32, #tpu.memory_space<vmem_shared>>) target(%dma_start3A_1152 : memref<128x128xf32, #tpu.memory_space<vmem>>) offsets(%dma_start3A_1154 : memref<128xi32, #tpu.memory_space<vmem>>) semaphore(%arg16 : memref<!tpu.dma_semaphore, #tpu.memory_space<semaphore_mem>>) {add = true}
    %dma_wait3A_1158 = arith.constant 0 : i32
    %dma_wait3A_1159 = arith.constant 0 : i32
    %dma_wait3A_1160 = tpu.memref_slice %arg11[%dma_wait3A_1158, %dma_wait3A_1159] : memref<128x128xf32, #tpu.memory_space<vmem>> -> memref<128x128xf32, #tpu.memory_space<vmem>>
    %dma_wait3A_1161 = arith.constant 0 : i32
    %dma_wait3A_1162 = tpu.memref_slice %arg6[%add3A_1123, %dma_wait3A_1161] : memref<100000x128xf32, #tpu.memory_space<hbm>> -> memref<128x128xf32, #tpu.memory_space<hbm>>
    %dma_wait3A_1163 = arith.constant 0 : i32
    %dma_wait3A_1164 = tpu.memref_slice %arg6[%add3A_1123, %dma_wait3A_1163] : memref<100000x128xf32, #tpu.memory_space<hbm>> -> memref<128x128xf32, #tpu.memory_space<hbm>>
    %dma_wait3A_1165 = arith.constant 0 : i32
    %dma_wait3A_1166 = arith.constant 0 : i32
    %dma_wait3A_1167 = tpu.memref_slice %arg11[%dma_wait3A_1165, %dma_wait3A_1166] : memref<128x128xf32, #tpu.memory_space<vmem>> -> memref<128x128xf32, #tpu.memory_space<vmem>>
    tpu.wait_dma2 semaphore(%arg20 : memref<!tpu.dma_semaphore, #tpu.memory_space<semaphore_mem>>) src(%dma_wait3A_1167 : memref<128x128xf32, #tpu.memory_space<vmem>>) dst(%dma_wait3A_1164 : memref<128x128xf32, #tpu.memory_space<hbm>>)
    %dma_start3A_1168 = arith.constant 0 : i32
    %dma_start3A_1169 = arith.constant 0 : i32
    %dma_start3A_1170 = tpu.memref_slice %arg11[%dma_start3A_1168, %dma_start3A_1169] : memref<128x128xf32, #tpu.memory_space<vmem>> -> memref<128x128xf32, #tpu.memory_space<vmem>>
    %dma_start3A_1171 = arith.constant 2176 : i32
    %dma_start3A_1172 = tpu.memref_slice %arg8[%dma_start3A_1171] : memref<9408xi32, #tpu.memory_space<vmem>> -> memref<128xi32, #tpu.memory_space<vmem>>
    %dma_start3A_1173 = arith.constant 0 : i32
    %dma_start3A_1174 = arith.constant 0 : i32
    %dma_start3A_1175 = tpu.memref_slice %arg3[%dma_start3A_1173, %dma_start3A_1174] : memref<1920x128xf32, #tpu.memory_space<hbm>> -> memref<1920x128xf32, #tpu.memory_space<hbm>>
    tpu.enqueue_indirect_dma source(%dma_start3A_1175 : memref<1920x128xf32, #tpu.memory_space<hbm>>) target(%dma_start3A_1170 : memref<128x128xf32, #tpu.memory_space<vmem>>) offsets(%dma_start3A_1172 : memref<128xi32, #tpu.memory_space<vmem>>) semaphore(%arg17 : memref<!tpu.dma_semaphore, #tpu.memory_space<semaphore_mem>>)
    %dma_wait3A_1176 = arith.constant 0 : i32
    %dma_wait3A_1177 = arith.constant 0 : i32
    %dma_wait3A_1178 = tpu.memref_slice %arg9[%dma_wait3A_1176, %dma_wait3A_1177] : memref<128x128xf32, #tpu.memory_space<vmem>> -> memref<128x128xf32, #tpu.memory_space<vmem>>
    %dma_wait3A_1179 = arith.constant 5056 : i32
    %dma_wait3A_1180 = tpu.memref_slice %arg8[%dma_wait3A_1179] : memref<9408xi32, #tpu.memory_space<vmem>> -> memref<128xi32, #tpu.memory_space<vmem>>
    %dma_wait3A_1181 = arith.constant 0 : i32
    %dma_wait3A_1182 = arith.constant 0 : i32
    %dma_wait3A_1183 = tpu.memref_slice %arg13[%dma_wait3A_1181, %dma_wait3A_1182] : memref<2048x128xf32, #tpu.memory_space<vmem_shared>> -> memref<2048x128xf32, #tpu.memory_space<vmem_shared>>
    tpu.wait_indirect_dma semaphore(%arg15 : memref<!tpu.dma_semaphore, #tpu.memory_space<semaphore_mem>>) src(%dma_wait3A_1183 : memref<2048x128xf32, #tpu.memory_space<vmem_shared>>) dst(%dma_wait3A_1178 : memref<128x128xf32, #tpu.memory_space<vmem>>)
    %dma_wait3A_1184 = arith.constant 0 : i32
    %dma_wait3A_1185 = arith.constant 0 : i32
    %dma_wait3A_1186 = tpu.memref_slice %arg9[%dma_wait3A_1184, %dma_wait3A_1185] : memref<128x128xf32, #tpu.memory_space<vmem>> -> memref<128x128xf32, #tpu.memory_space<vmem>>
    %dma_wait3A_1187 = arith.constant 8192 : i32
    %dma_wait3A_1188 = tpu.memref_slice %arg8[%dma_wait3A_1187] : memref<9408xi32, #tpu.memory_space<vmem>> -> memref<128xi32, #tpu.memory_space<vmem>>
    %dma_wait3A_1189 = arith.constant 0 : i32
    %dma_wait3A_1190 = arith.constant 0 : i32
    %dma_wait3A_1191 = tpu.memref_slice %arg14[%dma_wait3A_1189, %dma_wait3A_1190] : memref<1408x128xf32, #tpu.memory_space<vmem_shared>> -> memref<1408x128xf32, #tpu.memory_space<vmem_shared>>
    tpu.wait_indirect_dma semaphore(%arg15 : memref<!tpu.dma_semaphore, #tpu.memory_space<semaphore_mem>>) src(%dma_wait3A_1191 : memref<1408x128xf32, #tpu.memory_space<vmem_shared>>) dst(%dma_wait3A_1186 : memref<128x128xf32, #tpu.memory_space<vmem>>)
    %add3A_1192 = arith.constant 1920 : i32
    %add3A_1193 = arith.addi %mul3A_2, %add3A_1192 : i32
    %dma_start3A_1194 = arith.constant 0 : i32
    %dma_start3A_1195 = arith.constant 0 : i32
    %dma_start3A_1196 = tpu.memref_slice %arg9[%dma_start3A_1194, %dma_start3A_1195] : memref<128x128xf32, #tpu.memory_space<vmem>> -> memref<128x128xf32, #tpu.memory_space<vmem>>
    %dma_start3A_1197 = arith.constant 0 : i32
    %dma_start3A_1198 = tpu.memref_slice %arg6[%add3A_1193, %dma_start3A_1197] : memref<100000x128xf32, #tpu.memory_space<hbm>> -> memref<128x128xf32, #tpu.memory_space<hbm>>
    %dma_start3A_1199 = arith.constant 0 : i32
    %dma_start3A_1200 = tpu.memref_slice %arg6[%add3A_1193, %dma_start3A_1199] : memref<100000x128xf32, #tpu.memory_space<hbm>> -> memref<128x128xf32, #tpu.memory_space<hbm>>
    %dma_start3A_1201 = arith.constant 0 : i32
    %dma_start3A_1202 = arith.constant 0 : i32
    %dma_start3A_1203 = tpu.memref_slice %arg9[%dma_start3A_1201, %dma_start3A_1202] : memref<128x128xf32, #tpu.memory_space<vmem>> -> memref<128x128xf32, #tpu.memory_space<vmem>>
    tpu.enqueue_dma source(%dma_start3A_1203 : memref<128x128xf32, #tpu.memory_space<vmem>>) target(%dma_start3A_1200 : memref<128x128xf32, #tpu.memory_space<hbm>>) target_semaphore(%arg18 : memref<!tpu.dma_semaphore, #tpu.memory_space<semaphore_mem>>)
    %dma_wait3A_1204 = arith.constant 0 : i32
    %dma_wait3A_1205 = arith.constant 0 : i32
    %dma_wait3A_1206 = tpu.memref_slice %arg11[%dma_wait3A_1204, %dma_wait3A_1205] : memref<128x128xf32, #tpu.memory_space<vmem>> -> memref<128x128xf32, #tpu.memory_space<vmem>>
    %dma_wait3A_1207 = arith.constant 2176 : i32
    %dma_wait3A_1208 = tpu.memref_slice %arg8[%dma_wait3A_1207] : memref<9408xi32, #tpu.memory_space<vmem>> -> memref<128xi32, #tpu.memory_space<vmem>>
    %dma_wait3A_1209 = arith.constant 0 : i32
    %dma_wait3A_1210 = arith.constant 0 : i32
    %dma_wait3A_1211 = tpu.memref_slice %arg3[%dma_wait3A_1209, %dma_wait3A_1210] : memref<1920x128xf32, #tpu.memory_space<hbm>> -> memref<1920x128xf32, #tpu.memory_space<hbm>>
    tpu.wait_indirect_dma semaphore(%arg17 : memref<!tpu.dma_semaphore, #tpu.memory_space<semaphore_mem>>) src(%dma_wait3A_1211 : memref<1920x128xf32, #tpu.memory_space<hbm>>) dst(%dma_wait3A_1206 : memref<128x128xf32, #tpu.memory_space<vmem>>)
    %dma_start3A_1212 = arith.constant 0 : i32
    %dma_start3A_1213 = arith.constant 0 : i32
    %dma_start3A_1214 = tpu.memref_slice %arg11[%dma_start3A_1212, %dma_start3A_1213] : memref<128x128xf32, #tpu.memory_space<vmem>> -> memref<128x128xf32, #tpu.memory_space<vmem>>
    %dma_start3A_1215 = arith.constant 5312 : i32
    %dma_start3A_1216 = tpu.memref_slice %arg8[%dma_start3A_1215] : memref<9408xi32, #tpu.memory_space<vmem>> -> memref<128xi32, #tpu.memory_space<vmem>>
    %dma_start3A_1217 = arith.constant 0 : i32
    %dma_start3A_1218 = arith.constant 0 : i32
    %dma_start3A_1219 = tpu.memref_slice %arg4[%dma_start3A_1217, %dma_start3A_1218] : memref<2048x128xf32, #tpu.memory_space<hbm>> -> memref<2048x128xf32, #tpu.memory_space<hbm>>
    tpu.enqueue_indirect_dma source(%dma_start3A_1219 : memref<2048x128xf32, #tpu.memory_space<hbm>>) target(%dma_start3A_1214 : memref<128x128xf32, #tpu.memory_space<vmem>>) offsets(%dma_start3A_1216 : memref<128xi32, #tpu.memory_space<vmem>>) semaphore(%arg17 : memref<!tpu.dma_semaphore, #tpu.memory_space<semaphore_mem>>) {add = true}
    %dma_start3A_1220 = arith.constant 0 : i32
    %dma_start3A_1221 = arith.constant 0 : i32
    %dma_start3A_1222 = tpu.memref_slice %arg11[%dma_start3A_1220, %dma_start3A_1221] : memref<128x128xf32, #tpu.memory_space<vmem>> -> memref<128x128xf32, #tpu.memory_space<vmem>>
    %dma_start3A_1223 = arith.constant 8448 : i32
    %dma_start3A_1224 = tpu.memref_slice %arg8[%dma_start3A_1223] : memref<9408xi32, #tpu.memory_space<vmem>> -> memref<128xi32, #tpu.memory_space<vmem>>
    %dma_start3A_1225 = arith.constant 0 : i32
    %dma_start3A_1226 = arith.constant 0 : i32
    %dma_start3A_1227 = tpu.memref_slice %arg5[%dma_start3A_1225, %dma_start3A_1226] : memref<1408x128xf32, #tpu.memory_space<hbm>> -> memref<1408x128xf32, #tpu.memory_space<hbm>>
    tpu.enqueue_indirect_dma source(%dma_start3A_1227 : memref<1408x128xf32, #tpu.memory_space<hbm>>) target(%dma_start3A_1222 : memref<128x128xf32, #tpu.memory_space<vmem>>) offsets(%dma_start3A_1224 : memref<128xi32, #tpu.memory_space<vmem>>) semaphore(%arg17 : memref<!tpu.dma_semaphore, #tpu.memory_space<semaphore_mem>>) {add = true}
    %dma_wait3A_1228 = arith.constant 0 : i32
    %dma_wait3A_1229 = arith.constant 0 : i32
    %dma_wait3A_1230 = tpu.memref_slice %arg9[%dma_wait3A_1228, %dma_wait3A_1229] : memref<128x128xf32, #tpu.memory_space<vmem>> -> memref<128x128xf32, #tpu.memory_space<vmem>>
    %dma_wait3A_1231 = arith.constant 0 : i32
    %dma_wait3A_1232 = tpu.memref_slice %arg6[%add3A_1193, %dma_wait3A_1231] : memref<100000x128xf32, #tpu.memory_space<hbm>> -> memref<128x128xf32, #tpu.memory_space<hbm>>
    %dma_wait3A_1233 = arith.constant 0 : i32
    %dma_wait3A_1234 = tpu.memref_slice %arg6[%add3A_1193, %dma_wait3A_1233] : memref<100000x128xf32, #tpu.memory_space<hbm>> -> memref<128x128xf32, #tpu.memory_space<hbm>>
    %dma_wait3A_1235 = arith.constant 0 : i32
    %dma_wait3A_1236 = arith.constant 0 : i32
    %dma_wait3A_1237 = tpu.memref_slice %arg9[%dma_wait3A_1235, %dma_wait3A_1236] : memref<128x128xf32, #tpu.memory_space<vmem>> -> memref<128x128xf32, #tpu.memory_space<vmem>>
    tpu.wait_dma2 semaphore(%arg18 : memref<!tpu.dma_semaphore, #tpu.memory_space<semaphore_mem>>) src(%dma_wait3A_1237 : memref<128x128xf32, #tpu.memory_space<vmem>>) dst(%dma_wait3A_1234 : memref<128x128xf32, #tpu.memory_space<hbm>>)
    %dma_start3A_1238 = arith.constant 0 : i32
    %dma_start3A_1239 = arith.constant 0 : i32
    %dma_start3A_1240 = tpu.memref_slice %arg9[%dma_start3A_1238, %dma_start3A_1239] : memref<128x128xf32, #tpu.memory_space<vmem>> -> memref<128x128xf32, #tpu.memory_space<vmem>>
    %dma_start3A_1241 = arith.constant 2304 : i32
    %dma_start3A_1242 = tpu.memref_slice %arg8[%dma_start3A_1241] : memref<9408xi32, #tpu.memory_space<vmem>> -> memref<128xi32, #tpu.memory_space<vmem>>
    %dma_start3A_1243 = arith.constant 0 : i32
    %dma_start3A_1244 = arith.constant 0 : i32
    %dma_start3A_1245 = tpu.memref_slice %arg12[%dma_start3A_1243, %dma_start3A_1244] : memref<1920x128xf32, #tpu.memory_space<vmem_shared>> -> memref<1920x128xf32, #tpu.memory_space<vmem_shared>>
    tpu.enqueue_indirect_dma source(%dma_start3A_1245 : memref<1920x128xf32, #tpu.memory_space<vmem_shared>>) target(%dma_start3A_1240 : memref<128x128xf32, #tpu.memory_space<vmem>>) offsets(%dma_start3A_1242 : memref<128xi32, #tpu.memory_space<vmem>>) semaphore(%arg15 : memref<!tpu.dma_semaphore, #tpu.memory_space<semaphore_mem>>)
    %dma_wait3A_1246 = arith.constant 0 : i32
    %dma_wait3A_1247 = arith.constant 0 : i32
    %dma_wait3A_1248 = tpu.memref_slice %arg10[%dma_wait3A_1246, %dma_wait3A_1247] : memref<128x128xf32, #tpu.memory_space<vmem>> -> memref<128x128xf32, #tpu.memory_space<vmem>>
    %dma_wait3A_1249 = arith.constant 5184 : i32
    %dma_wait3A_1250 = tpu.memref_slice %arg8[%dma_wait3A_1249] : memref<9408xi32, #tpu.memory_space<vmem>> -> memref<128xi32, #tpu.memory_space<vmem>>
    %dma_wait3A_1251 = arith.constant 0 : i32
    %dma_wait3A_1252 = arith.constant 0 : i32
    %dma_wait3A_1253 = tpu.memref_slice %arg13[%dma_wait3A_1251, %dma_wait3A_1252] : memref<2048x128xf32, #tpu.memory_space<vmem_shared>> -> memref<2048x128xf32, #tpu.memory_space<vmem_shared>>
    tpu.wait_indirect_dma semaphore(%arg16 : memref<!tpu.dma_semaphore, #tpu.memory_space<semaphore_mem>>) src(%dma_wait3A_1253 : memref<2048x128xf32, #tpu.memory_space<vmem_shared>>) dst(%dma_wait3A_1248 : memref<128x128xf32, #tpu.memory_space<vmem>>)
    %dma_wait3A_1254 = arith.constant 0 : i32
    %dma_wait3A_1255 = arith.constant 0 : i32
    %dma_wait3A_1256 = tpu.memref_slice %arg10[%dma_wait3A_1254, %dma_wait3A_1255] : memref<128x128xf32, #tpu.memory_space<vmem>> -> memref<128x128xf32, #tpu.memory_space<vmem>>
    %dma_wait3A_1257 = arith.constant 8320 : i32
    %dma_wait3A_1258 = tpu.memref_slice %arg8[%dma_wait3A_1257] : memref<9408xi32, #tpu.memory_space<vmem>> -> memref<128xi32, #tpu.memory_space<vmem>>
    %dma_wait3A_1259 = arith.constant 0 : i32
    %dma_wait3A_1260 = arith.constant 0 : i32
    %dma_wait3A_1261 = tpu.memref_slice %arg14[%dma_wait3A_1259, %dma_wait3A_1260] : memref<1408x128xf32, #tpu.memory_space<vmem_shared>> -> memref<1408x128xf32, #tpu.memory_space<vmem_shared>>
    tpu.wait_indirect_dma semaphore(%arg16 : memref<!tpu.dma_semaphore, #tpu.memory_space<semaphore_mem>>) src(%dma_wait3A_1261 : memref<1408x128xf32, #tpu.memory_space<vmem_shared>>) dst(%dma_wait3A_1256 : memref<128x128xf32, #tpu.memory_space<vmem>>)
    %add3A_1262 = arith.constant 2048 : i32
    %add3A_1263 = arith.addi %mul3A_2, %add3A_1262 : i32
    %dma_start3A_1264 = arith.constant 0 : i32
    %dma_start3A_1265 = arith.constant 0 : i32
    %dma_start3A_1266 = tpu.memref_slice %arg10[%dma_start3A_1264, %dma_start3A_1265] : memref<128x128xf32, #tpu.memory_space<vmem>> -> memref<128x128xf32, #tpu.memory_space<vmem>>
    %dma_start3A_1267 = arith.constant 0 : i32
    %dma_start3A_1268 = tpu.memref_slice %arg6[%add3A_1263, %dma_start3A_1267] : memref<100000x128xf32, #tpu.memory_space<hbm>> -> memref<128x128xf32, #tpu.memory_space<hbm>>
    %dma_start3A_1269 = arith.constant 0 : i32
    %dma_start3A_1270 = tpu.memref_slice %arg6[%add3A_1263, %dma_start3A_1269] : memref<100000x128xf32, #tpu.memory_space<hbm>> -> memref<128x128xf32, #tpu.memory_space<hbm>>
    %dma_start3A_1271 = arith.constant 0 : i32
    %dma_start3A_1272 = arith.constant 0 : i32
    %dma_start3A_1273 = tpu.memref_slice %arg10[%dma_start3A_1271, %dma_start3A_1272] : memref<128x128xf32, #tpu.memory_space<vmem>> -> memref<128x128xf32, #tpu.memory_space<vmem>>
    tpu.enqueue_dma source(%dma_start3A_1273 : memref<128x128xf32, #tpu.memory_space<vmem>>) target(%dma_start3A_1270 : memref<128x128xf32, #tpu.memory_space<hbm>>) target_semaphore(%arg19 : memref<!tpu.dma_semaphore, #tpu.memory_space<semaphore_mem>>)
    %dma_wait3A_1274 = arith.constant 0 : i32
    %dma_wait3A_1275 = arith.constant 0 : i32
    %dma_wait3A_1276 = tpu.memref_slice %arg9[%dma_wait3A_1274, %dma_wait3A_1275] : memref<128x128xf32, #tpu.memory_space<vmem>> -> memref<128x128xf32, #tpu.memory_space<vmem>>
    %dma_wait3A_1277 = arith.constant 2304 : i32
    %dma_wait3A_1278 = tpu.memref_slice %arg8[%dma_wait3A_1277] : memref<9408xi32, #tpu.memory_space<vmem>> -> memref<128xi32, #tpu.memory_space<vmem>>
    %dma_wait3A_1279 = arith.constant 0 : i32
    %dma_wait3A_1280 = arith.constant 0 : i32
    %dma_wait3A_1281 = tpu.memref_slice %arg12[%dma_wait3A_1279, %dma_wait3A_1280] : memref<1920x128xf32, #tpu.memory_space<vmem_shared>> -> memref<1920x128xf32, #tpu.memory_space<vmem_shared>>
    tpu.wait_indirect_dma semaphore(%arg15 : memref<!tpu.dma_semaphore, #tpu.memory_space<semaphore_mem>>) src(%dma_wait3A_1281 : memref<1920x128xf32, #tpu.memory_space<vmem_shared>>) dst(%dma_wait3A_1276 : memref<128x128xf32, #tpu.memory_space<vmem>>)
    %dma_start3A_1282 = arith.constant 0 : i32
    %dma_start3A_1283 = arith.constant 0 : i32
    %dma_start3A_1284 = tpu.memref_slice %arg9[%dma_start3A_1282, %dma_start3A_1283] : memref<128x128xf32, #tpu.memory_space<vmem>> -> memref<128x128xf32, #tpu.memory_space<vmem>>
    %dma_start3A_1285 = arith.constant 5440 : i32
    %dma_start3A_1286 = tpu.memref_slice %arg8[%dma_start3A_1285] : memref<9408xi32, #tpu.memory_space<vmem>> -> memref<128xi32, #tpu.memory_space<vmem>>
    %dma_start3A_1287 = arith.constant 0 : i32
    %dma_start3A_1288 = arith.constant 0 : i32
    %dma_start3A_1289 = tpu.memref_slice %arg13[%dma_start3A_1287, %dma_start3A_1288] : memref<2048x128xf32, #tpu.memory_space<vmem_shared>> -> memref<2048x128xf32, #tpu.memory_space<vmem_shared>>
    tpu.enqueue_indirect_dma source(%dma_start3A_1289 : memref<2048x128xf32, #tpu.memory_space<vmem_shared>>) target(%dma_start3A_1284 : memref<128x128xf32, #tpu.memory_space<vmem>>) offsets(%dma_start3A_1286 : memref<128xi32, #tpu.memory_space<vmem>>) semaphore(%arg15 : memref<!tpu.dma_semaphore, #tpu.memory_space<semaphore_mem>>) {add = true}
    %dma_start3A_1290 = arith.constant 0 : i32
    %dma_start3A_1291 = arith.constant 0 : i32
    %dma_start3A_1292 = tpu.memref_slice %arg9[%dma_start3A_1290, %dma_start3A_1291] : memref<128x128xf32, #tpu.memory_space<vmem>> -> memref<128x128xf32, #tpu.memory_space<vmem>>
    %dma_start3A_1293 = arith.constant 8576 : i32
    %dma_start3A_1294 = tpu.memref_slice %arg8[%dma_start3A_1293] : memref<9408xi32, #tpu.memory_space<vmem>> -> memref<128xi32, #tpu.memory_space<vmem>>
    %dma_start3A_1295 = arith.constant 0 : i32
    %dma_start3A_1296 = arith.constant 0 : i32
    %dma_start3A_1297 = tpu.memref_slice %arg14[%dma_start3A_1295, %dma_start3A_1296] : memref<1408x128xf32, #tpu.memory_space<vmem_shared>> -> memref<1408x128xf32, #tpu.memory_space<vmem_shared>>
    tpu.enqueue_indirect_dma source(%dma_start3A_1297 : memref<1408x128xf32, #tpu.memory_space<vmem_shared>>) target(%dma_start3A_1292 : memref<128x128xf32, #tpu.memory_space<vmem>>) offsets(%dma_start3A_1294 : memref<128xi32, #tpu.memory_space<vmem>>) semaphore(%arg15 : memref<!tpu.dma_semaphore, #tpu.memory_space<semaphore_mem>>) {add = true}
    %dma_wait3A_1298 = arith.constant 0 : i32
    %dma_wait3A_1299 = arith.constant 0 : i32
    %dma_wait3A_1300 = tpu.memref_slice %arg10[%dma_wait3A_1298, %dma_wait3A_1299] : memref<128x128xf32, #tpu.memory_space<vmem>> -> memref<128x128xf32, #tpu.memory_space<vmem>>
    %dma_wait3A_1301 = arith.constant 0 : i32
    %dma_wait3A_1302 = tpu.memref_slice %arg6[%add3A_1263, %dma_wait3A_1301] : memref<100000x128xf32, #tpu.memory_space<hbm>> -> memref<128x128xf32, #tpu.memory_space<hbm>>
    %dma_wait3A_1303 = arith.constant 0 : i32
    %dma_wait3A_1304 = tpu.memref_slice %arg6[%add3A_1263, %dma_wait3A_1303] : memref<100000x128xf32, #tpu.memory_space<hbm>> -> memref<128x128xf32, #tpu.memory_space<hbm>>
    %dma_wait3A_1305 = arith.constant 0 : i32
    %dma_wait3A_1306 = arith.constant 0 : i32
    %dma_wait3A_1307 = tpu.memref_slice %arg10[%dma_wait3A_1305, %dma_wait3A_1306] : memref<128x128xf32, #tpu.memory_space<vmem>> -> memref<128x128xf32, #tpu.memory_space<vmem>>
    tpu.wait_dma2 semaphore(%arg19 : memref<!tpu.dma_semaphore, #tpu.memory_space<semaphore_mem>>) src(%dma_wait3A_1307 : memref<128x128xf32, #tpu.memory_space<vmem>>) dst(%dma_wait3A_1304 : memref<128x128xf32, #tpu.memory_space<hbm>>)
    %dma_start3A_1308 = arith.constant 0 : i32
    %dma_start3A_1309 = arith.constant 0 : i32
    %dma_start3A_1310 = tpu.memref_slice %arg10[%dma_start3A_1308, %dma_start3A_1309] : memref<128x128xf32, #tpu.memory_space<vmem>> -> memref<128x128xf32, #tpu.memory_space<vmem>>
    %dma_start3A_1311 = arith.constant 2432 : i32
    %dma_start3A_1312 = tpu.memref_slice %arg8[%dma_start3A_1311] : memref<9408xi32, #tpu.memory_space<vmem>> -> memref<128xi32, #tpu.memory_space<vmem>>
    %dma_start3A_1313 = arith.constant 0 : i32
    %dma_start3A_1314 = arith.constant 0 : i32
    %dma_start3A_1315 = tpu.memref_slice %arg12[%dma_start3A_1313, %dma_start3A_1314] : memref<1920x128xf32, #tpu.memory_space<vmem_shared>> -> memref<1920x128xf32, #tpu.memory_space<vmem_shared>>
    tpu.enqueue_indirect_dma source(%dma_start3A_1315 : memref<1920x128xf32, #tpu.memory_space<vmem_shared>>) target(%dma_start3A_1310 : memref<128x128xf32, #tpu.memory_space<vmem>>) offsets(%dma_start3A_1312 : memref<128xi32, #tpu.memory_space<vmem>>) semaphore(%arg16 : memref<!tpu.dma_semaphore, #tpu.memory_space<semaphore_mem>>)
    %dma_wait3A_1316 = arith.constant 0 : i32
    %dma_wait3A_1317 = arith.constant 0 : i32
    %dma_wait3A_1318 = tpu.memref_slice %arg11[%dma_wait3A_1316, %dma_wait3A_1317] : memref<128x128xf32, #tpu.memory_space<vmem>> -> memref<128x128xf32, #tpu.memory_space<vmem>>
    %dma_wait3A_1319 = arith.constant 5312 : i32
    %dma_wait3A_1320 = tpu.memref_slice %arg8[%dma_wait3A_1319] : memref<9408xi32, #tpu.memory_space<vmem>> -> memref<128xi32, #tpu.memory_space<vmem>>
    %dma_wait3A_1321 = arith.constant 0 : i32
    %dma_wait3A_1322 = arith.constant 0 : i32
    %dma_wait3A_1323 = tpu.memref_slice %arg4[%dma_wait3A_1321, %dma_wait3A_1322] : memref<2048x128xf32, #tpu.memory_space<hbm>> -> memref<2048x128xf32, #tpu.memory_space<hbm>>
    tpu.wait_indirect_dma semaphore(%arg17 : memref<!tpu.dma_semaphore, #tpu.memory_space<semaphore_mem>>) src(%dma_wait3A_1323 : memref<2048x128xf32, #tpu.memory_space<hbm>>) dst(%dma_wait3A_1318 : memref<128x128xf32, #tpu.memory_space<vmem>>)
    %dma_wait3A_1324 = arith.constant 0 : i32
    %dma_wait3A_1325 = arith.constant 0 : i32
    %dma_wait3A_1326 = tpu.memref_slice %arg11[%dma_wait3A_1324, %dma_wait3A_1325] : memref<128x128xf32, #tpu.memory_space<vmem>> -> memref<128x128xf32, #tpu.memory_space<vmem>>
    %dma_wait3A_1327 = arith.constant 8448 : i32
    %dma_wait3A_1328 = tpu.memref_slice %arg8[%dma_wait3A_1327] : memref<9408xi32, #tpu.memory_space<vmem>> -> memref<128xi32, #tpu.memory_space<vmem>>
    %dma_wait3A_1329 = arith.constant 0 : i32
    %dma_wait3A_1330 = arith.constant 0 : i32
    %dma_wait3A_1331 = tpu.memref_slice %arg5[%dma_wait3A_1329, %dma_wait3A_1330] : memref<1408x128xf32, #tpu.memory_space<hbm>> -> memref<1408x128xf32, #tpu.memory_space<hbm>>
    tpu.wait_indirect_dma semaphore(%arg17 : memref<!tpu.dma_semaphore, #tpu.memory_space<semaphore_mem>>) src(%dma_wait3A_1331 : memref<1408x128xf32, #tpu.memory_space<hbm>>) dst(%dma_wait3A_1326 : memref<128x128xf32, #tpu.memory_space<vmem>>)
    %add3A_1332 = arith.constant 2176 : i32
    %add3A_1333 = arith.addi %mul3A_2, %add3A_1332 : i32
    %dma_start3A_1334 = arith.constant 0 : i32
    %dma_start3A_1335 = arith.constant 0 : i32
    %dma_start3A_1336 = tpu.memref_slice %arg11[%dma_start3A_1334, %dma_start3A_1335] : memref<128x128xf32, #tpu.memory_space<vmem>> -> memref<128x128xf32, #tpu.memory_space<vmem>>
    %dma_start3A_1337 = arith.constant 0 : i32
    %dma_start3A_1338 = tpu.memref_slice %arg6[%add3A_1333, %dma_start3A_1337] : memref<100000x128xf32, #tpu.memory_space<hbm>> -> memref<128x128xf32, #tpu.memory_space<hbm>>
    %dma_start3A_1339 = arith.constant 0 : i32
    %dma_start3A_1340 = tpu.memref_slice %arg6[%add3A_1333, %dma_start3A_1339] : memref<100000x128xf32, #tpu.memory_space<hbm>> -> memref<128x128xf32, #tpu.memory_space<hbm>>
    %dma_start3A_1341 = arith.constant 0 : i32
    %dma_start3A_1342 = arith.constant 0 : i32
    %dma_start3A_1343 = tpu.memref_slice %arg11[%dma_start3A_1341, %dma_start3A_1342] : memref<128x128xf32, #tpu.memory_space<vmem>> -> memref<128x128xf32, #tpu.memory_space<vmem>>
    tpu.enqueue_dma source(%dma_start3A_1343 : memref<128x128xf32, #tpu.memory_space<vmem>>) target(%dma_start3A_1340 : memref<128x128xf32, #tpu.memory_space<hbm>>) target_semaphore(%arg20 : memref<!tpu.dma_semaphore, #tpu.memory_space<semaphore_mem>>)
    %dma_wait3A_1344 = arith.constant 0 : i32
    %dma_wait3A_1345 = arith.constant 0 : i32
    %dma_wait3A_1346 = tpu.memref_slice %arg10[%dma_wait3A_1344, %dma_wait3A_1345] : memref<128x128xf32, #tpu.memory_space<vmem>> -> memref<128x128xf32, #tpu.memory_space<vmem>>
    %dma_wait3A_1347 = arith.constant 2432 : i32
    %dma_wait3A_1348 = tpu.memref_slice %arg8[%dma_wait3A_1347] : memref<9408xi32, #tpu.memory_space<vmem>> -> memref<128xi32, #tpu.memory_space<vmem>>
    %dma_wait3A_1349 = arith.constant 0 : i32
    %dma_wait3A_1350 = arith.constant 0 : i32
    %dma_wait3A_1351 = tpu.memref_slice %arg12[%dma_wait3A_1349, %dma_wait3A_1350] : memref<1920x128xf32, #tpu.memory_space<vmem_shared>> -> memref<1920x128xf32, #tpu.memory_space<vmem_shared>>
    tpu.wait_indirect_dma semaphore(%arg16 : memref<!tpu.dma_semaphore, #tpu.memory_space<semaphore_mem>>) src(%dma_wait3A_1351 : memref<1920x128xf32, #tpu.memory_space<vmem_shared>>) dst(%dma_wait3A_1346 : memref<128x128xf32, #tpu.memory_space<vmem>>)
    %dma_start3A_1352 = arith.constant 0 : i32
    %dma_start3A_1353 = arith.constant 0 : i32
    %dma_start3A_1354 = tpu.memref_slice %arg10[%dma_start3A_1352, %dma_start3A_1353] : memref<128x128xf32, #tpu.memory_space<vmem>> -> memref<128x128xf32, #tpu.memory_space<vmem>>
    %dma_start3A_1355 = arith.constant 5568 : i32
    %dma_start3A_1356 = tpu.memref_slice %arg8[%dma_start3A_1355] : memref<9408xi32, #tpu.memory_space<vmem>> -> memref<128xi32, #tpu.memory_space<vmem>>
    %dma_start3A_1357 = arith.constant 0 : i32
    %dma_start3A_1358 = arith.constant 0 : i32
    %dma_start3A_1359 = tpu.memref_slice %arg13[%dma_start3A_1357, %dma_start3A_1358] : memref<2048x128xf32, #tpu.memory_space<vmem_shared>> -> memref<2048x128xf32, #tpu.memory_space<vmem_shared>>
    tpu.enqueue_indirect_dma source(%dma_start3A_1359 : memref<2048x128xf32, #tpu.memory_space<vmem_shared>>) target(%dma_start3A_1354 : memref<128x128xf32, #tpu.memory_space<vmem>>) offsets(%dma_start3A_1356 : memref<128xi32, #tpu.memory_space<vmem>>) semaphore(%arg16 : memref<!tpu.dma_semaphore, #tpu.memory_space<semaphore_mem>>) {add = true}
    %dma_start3A_1360 = arith.constant 0 : i32
    %dma_start3A_1361 = arith.constant 0 : i32
    %dma_start3A_1362 = tpu.memref_slice %arg10[%dma_start3A_1360, %dma_start3A_1361] : memref<128x128xf32, #tpu.memory_space<vmem>> -> memref<128x128xf32, #tpu.memory_space<vmem>>
    %dma_start3A_1363 = arith.constant 8704 : i32
    %dma_start3A_1364 = tpu.memref_slice %arg8[%dma_start3A_1363] : memref<9408xi32, #tpu.memory_space<vmem>> -> memref<128xi32, #tpu.memory_space<vmem>>
    %dma_start3A_1365 = arith.constant 0 : i32
    %dma_start3A_1366 = arith.constant 0 : i32
    %dma_start3A_1367 = tpu.memref_slice %arg14[%dma_start3A_1365, %dma_start3A_1366] : memref<1408x128xf32, #tpu.memory_space<vmem_shared>> -> memref<1408x128xf32, #tpu.memory_space<vmem_shared>>
    tpu.enqueue_indirect_dma source(%dma_start3A_1367 : memref<1408x128xf32, #tpu.memory_space<vmem_shared>>) target(%dma_start3A_1362 : memref<128x128xf32, #tpu.memory_space<vmem>>) offsets(%dma_start3A_1364 : memref<128xi32, #tpu.memory_space<vmem>>) semaphore(%arg16 : memref<!tpu.dma_semaphore, #tpu.memory_space<semaphore_mem>>) {add = true}
    %dma_wait3A_1368 = arith.constant 0 : i32
    %dma_wait3A_1369 = arith.constant 0 : i32
    %dma_wait3A_1370 = tpu.memref_slice %arg11[%dma_wait3A_1368, %dma_wait3A_1369] : memref<128x128xf32, #tpu.memory_space<vmem>> -> memref<128x128xf32, #tpu.memory_space<vmem>>
    %dma_wait3A_1371 = arith.constant 0 : i32
    %dma_wait3A_1372 = tpu.memref_slice %arg6[%add3A_1333, %dma_wait3A_1371] : memref<100000x128xf32, #tpu.memory_space<hbm>> -> memref<128x128xf32, #tpu.memory_space<hbm>>
    %dma_wait3A_1373 = arith.constant 0 : i32
    %dma_wait3A_1374 = tpu.memref_slice %arg6[%add3A_1333, %dma_wait3A_1373] : memref<100000x128xf32, #tpu.memory_space<hbm>> -> memref<128x128xf32, #tpu.memory_space<hbm>>
    %dma_wait3A_1375 = arith.constant 0 : i32
    %dma_wait3A_1376 = arith.constant 0 : i32
    %dma_wait3A_1377 = tpu.memref_slice %arg11[%dma_wait3A_1375, %dma_wait3A_1376] : memref<128x128xf32, #tpu.memory_space<vmem>> -> memref<128x128xf32, #tpu.memory_space<vmem>>
    tpu.wait_dma2 semaphore(%arg20 : memref<!tpu.dma_semaphore, #tpu.memory_space<semaphore_mem>>) src(%dma_wait3A_1377 : memref<128x128xf32, #tpu.memory_space<vmem>>) dst(%dma_wait3A_1374 : memref<128x128xf32, #tpu.memory_space<hbm>>)
    %dma_start3A_1378 = arith.constant 0 : i32
    %dma_start3A_1379 = arith.constant 0 : i32
    %dma_start3A_1380 = tpu.memref_slice %arg11[%dma_start3A_1378, %dma_start3A_1379] : memref<128x128xf32, #tpu.memory_space<vmem>> -> memref<128x128xf32, #tpu.memory_space<vmem>>
    %dma_start3A_1381 = arith.constant 2560 : i32
    %dma_start3A_1382 = tpu.memref_slice %arg8[%dma_start3A_1381] : memref<9408xi32, #tpu.memory_space<vmem>> -> memref<128xi32, #tpu.memory_space<vmem>>
    %dma_start3A_1383 = arith.constant 0 : i32
    %dma_start3A_1384 = arith.constant 0 : i32
    %dma_start3A_1385 = tpu.memref_slice %arg3[%dma_start3A_1383, %dma_start3A_1384] : memref<1920x128xf32, #tpu.memory_space<hbm>> -> memref<1920x128xf32, #tpu.memory_space<hbm>>
    tpu.enqueue_indirect_dma source(%dma_start3A_1385 : memref<1920x128xf32, #tpu.memory_space<hbm>>) target(%dma_start3A_1380 : memref<128x128xf32, #tpu.memory_space<vmem>>) offsets(%dma_start3A_1382 : memref<128xi32, #tpu.memory_space<vmem>>) semaphore(%arg17 : memref<!tpu.dma_semaphore, #tpu.memory_space<semaphore_mem>>)
    %dma_wait3A_1386 = arith.constant 0 : i32
    %dma_wait3A_1387 = arith.constant 0 : i32
    %dma_wait3A_1388 = tpu.memref_slice %arg9[%dma_wait3A_1386, %dma_wait3A_1387] : memref<128x128xf32, #tpu.memory_space<vmem>> -> memref<128x128xf32, #tpu.memory_space<vmem>>
    %dma_wait3A_1389 = arith.constant 5440 : i32
    %dma_wait3A_1390 = tpu.memref_slice %arg8[%dma_wait3A_1389] : memref<9408xi32, #tpu.memory_space<vmem>> -> memref<128xi32, #tpu.memory_space<vmem>>
    %dma_wait3A_1391 = arith.constant 0 : i32
    %dma_wait3A_1392 = arith.constant 0 : i32
    %dma_wait3A_1393 = tpu.memref_slice %arg13[%dma_wait3A_1391, %dma_wait3A_1392] : memref<2048x128xf32, #tpu.memory_space<vmem_shared>> -> memref<2048x128xf32, #tpu.memory_space<vmem_shared>>
    tpu.wait_indirect_dma semaphore(%arg15 : memref<!tpu.dma_semaphore, #tpu.memory_space<semaphore_mem>>) src(%dma_wait3A_1393 : memref<2048x128xf32, #tpu.memory_space<vmem_shared>>) dst(%dma_wait3A_1388 : memref<128x128xf32, #tpu.memory_space<vmem>>)
    %dma_wait3A_1394 = arith.constant 0 : i32
    %dma_wait3A_1395 = arith.constant 0 : i32
    %dma_wait3A_1396 = tpu.memref_slice %arg9[%dma_wait3A_1394, %dma_wait3A_1395] : memref<128x128xf32, #tpu.memory_space<vmem>> -> memref<128x128xf32, #tpu.memory_space<vmem>>
    %dma_wait3A_1397 = arith.constant 8576 : i32
    %dma_wait3A_1398 = tpu.memref_slice %arg8[%dma_wait3A_1397] : memref<9408xi32, #tpu.memory_space<vmem>> -> memref<128xi32, #tpu.memory_space<vmem>>
    %dma_wait3A_1399 = arith.constant 0 : i32
    %dma_wait3A_1400 = arith.constant 0 : i32
    %dma_wait3A_1401 = tpu.memref_slice %arg14[%dma_wait3A_1399, %dma_wait3A_1400] : memref<1408x128xf32, #tpu.memory_space<vmem_shared>> -> memref<1408x128xf32, #tpu.memory_space<vmem_shared>>
    tpu.wait_indirect_dma semaphore(%arg15 : memref<!tpu.dma_semaphore, #tpu.memory_space<semaphore_mem>>) src(%dma_wait3A_1401 : memref<1408x128xf32, #tpu.memory_space<vmem_shared>>) dst(%dma_wait3A_1396 : memref<128x128xf32, #tpu.memory_space<vmem>>)
    %add3A_1402 = arith.constant 2304 : i32
    %add3A_1403 = arith.addi %mul3A_2, %add3A_1402 : i32
    %dma_start3A_1404 = arith.constant 0 : i32
    %dma_start3A_1405 = arith.constant 0 : i32
    %dma_start3A_1406 = tpu.memref_slice %arg9[%dma_start3A_1404, %dma_start3A_1405] : memref<128x128xf32, #tpu.memory_space<vmem>> -> memref<128x128xf32, #tpu.memory_space<vmem>>
    %dma_start3A_1407 = arith.constant 0 : i32
    %dma_start3A_1408 = tpu.memref_slice %arg6[%add3A_1403, %dma_start3A_1407] : memref<100000x128xf32, #tpu.memory_space<hbm>> -> memref<128x128xf32, #tpu.memory_space<hbm>>
    %dma_start3A_1409 = arith.constant 0 : i32
    %dma_start3A_1410 = tpu.memref_slice %arg6[%add3A_1403, %dma_start3A_1409] : memref<100000x128xf32, #tpu.memory_space<hbm>> -> memref<128x128xf32, #tpu.memory_space<hbm>>
    %dma_start3A_1411 = arith.constant 0 : i32
    %dma_start3A_1412 = arith.constant 0 : i32
    %dma_start3A_1413 = tpu.memref_slice %arg9[%dma_start3A_1411, %dma_start3A_1412] : memref<128x128xf32, #tpu.memory_space<vmem>> -> memref<128x128xf32, #tpu.memory_space<vmem>>
    tpu.enqueue_dma source(%dma_start3A_1413 : memref<128x128xf32, #tpu.memory_space<vmem>>) target(%dma_start3A_1410 : memref<128x128xf32, #tpu.memory_space<hbm>>) target_semaphore(%arg18 : memref<!tpu.dma_semaphore, #tpu.memory_space<semaphore_mem>>)
    %dma_wait3A_1414 = arith.constant 0 : i32
    %dma_wait3A_1415 = arith.constant 0 : i32
    %dma_wait3A_1416 = tpu.memref_slice %arg11[%dma_wait3A_1414, %dma_wait3A_1415] : memref<128x128xf32, #tpu.memory_space<vmem>> -> memref<128x128xf32, #tpu.memory_space<vmem>>
    %dma_wait3A_1417 = arith.constant 2560 : i32
    %dma_wait3A_1418 = tpu.memref_slice %arg8[%dma_wait3A_1417] : memref<9408xi32, #tpu.memory_space<vmem>> -> memref<128xi32, #tpu.memory_space<vmem>>
    %dma_wait3A_1419 = arith.constant 0 : i32
    %dma_wait3A_1420 = arith.constant 0 : i32
    %dma_wait3A_1421 = tpu.memref_slice %arg3[%dma_wait3A_1419, %dma_wait3A_1420] : memref<1920x128xf32, #tpu.memory_space<hbm>> -> memref<1920x128xf32, #tpu.memory_space<hbm>>
    tpu.wait_indirect_dma semaphore(%arg17 : memref<!tpu.dma_semaphore, #tpu.memory_space<semaphore_mem>>) src(%dma_wait3A_1421 : memref<1920x128xf32, #tpu.memory_space<hbm>>) dst(%dma_wait3A_1416 : memref<128x128xf32, #tpu.memory_space<vmem>>)
    %dma_start3A_1422 = arith.constant 0 : i32
    %dma_start3A_1423 = arith.constant 0 : i32
    %dma_start3A_1424 = tpu.memref_slice %arg11[%dma_start3A_1422, %dma_start3A_1423] : memref<128x128xf32, #tpu.memory_space<vmem>> -> memref<128x128xf32, #tpu.memory_space<vmem>>
    %dma_start3A_1425 = arith.constant 5696 : i32
    %dma_start3A_1426 = tpu.memref_slice %arg8[%dma_start3A_1425] : memref<9408xi32, #tpu.memory_space<vmem>> -> memref<128xi32, #tpu.memory_space<vmem>>
    %dma_start3A_1427 = arith.constant 0 : i32
    %dma_start3A_1428 = arith.constant 0 : i32
    %dma_start3A_1429 = tpu.memref_slice %arg4[%dma_start3A_1427, %dma_start3A_1428] : memref<2048x128xf32, #tpu.memory_space<hbm>> -> memref<2048x128xf32, #tpu.memory_space<hbm>>
    tpu.enqueue_indirect_dma source(%dma_start3A_1429 : memref<2048x128xf32, #tpu.memory_space<hbm>>) target(%dma_start3A_1424 : memref<128x128xf32, #tpu.memory_space<vmem>>) offsets(%dma_start3A_1426 : memref<128xi32, #tpu.memory_space<vmem>>) semaphore(%arg17 : memref<!tpu.dma_semaphore, #tpu.memory_space<semaphore_mem>>) {add = true}
    %dma_start3A_1430 = arith.constant 0 : i32
    %dma_start3A_1431 = arith.constant 0 : i32
    %dma_start3A_1432 = tpu.memref_slice %arg11[%dma_start3A_1430, %dma_start3A_1431] : memref<128x128xf32, #tpu.memory_space<vmem>> -> memref<128x128xf32, #tpu.memory_space<vmem>>
    %dma_start3A_1433 = arith.constant 8832 : i32
    %dma_start3A_1434 = tpu.memref_slice %arg8[%dma_start3A_1433] : memref<9408xi32, #tpu.memory_space<vmem>> -> memref<128xi32, #tpu.memory_space<vmem>>
    %dma_start3A_1435 = arith.constant 0 : i32
    %dma_start3A_1436 = arith.constant 0 : i32
    %dma_start3A_1437 = tpu.memref_slice %arg5[%dma_start3A_1435, %dma_start3A_1436] : memref<1408x128xf32, #tpu.memory_space<hbm>> -> memref<1408x128xf32, #tpu.memory_space<hbm>>
    tpu.enqueue_indirect_dma source(%dma_start3A_1437 : memref<1408x128xf32, #tpu.memory_space<hbm>>) target(%dma_start3A_1432 : memref<128x128xf32, #tpu.memory_space<vmem>>) offsets(%dma_start3A_1434 : memref<128xi32, #tpu.memory_space<vmem>>) semaphore(%arg17 : memref<!tpu.dma_semaphore, #tpu.memory_space<semaphore_mem>>) {add = true}
    %dma_wait3A_1438 = arith.constant 0 : i32
    %dma_wait3A_1439 = arith.constant 0 : i32
    %dma_wait3A_1440 = tpu.memref_slice %arg9[%dma_wait3A_1438, %dma_wait3A_1439] : memref<128x128xf32, #tpu.memory_space<vmem>> -> memref<128x128xf32, #tpu.memory_space<vmem>>
    %dma_wait3A_1441 = arith.constant 0 : i32
    %dma_wait3A_1442 = tpu.memref_slice %arg6[%add3A_1403, %dma_wait3A_1441] : memref<100000x128xf32, #tpu.memory_space<hbm>> -> memref<128x128xf32, #tpu.memory_space<hbm>>
    %dma_wait3A_1443 = arith.constant 0 : i32
    %dma_wait3A_1444 = tpu.memref_slice %arg6[%add3A_1403, %dma_wait3A_1443] : memref<100000x128xf32, #tpu.memory_space<hbm>> -> memref<128x128xf32, #tpu.memory_space<hbm>>
    %dma_wait3A_1445 = arith.constant 0 : i32
    %dma_wait3A_1446 = arith.constant 0 : i32
    %dma_wait3A_1447 = tpu.memref_slice %arg9[%dma_wait3A_1445, %dma_wait3A_1446] : memref<128x128xf32, #tpu.memory_space<vmem>> -> memref<128x128xf32, #tpu.memory_space<vmem>>
    tpu.wait_dma2 semaphore(%arg18 : memref<!tpu.dma_semaphore, #tpu.memory_space<semaphore_mem>>) src(%dma_wait3A_1447 : memref<128x128xf32, #tpu.memory_space<vmem>>) dst(%dma_wait3A_1444 : memref<128x128xf32, #tpu.memory_space<hbm>>)
    %dma_start3A_1448 = arith.constant 0 : i32
    %dma_start3A_1449 = arith.constant 0 : i32
    %dma_start3A_1450 = tpu.memref_slice %arg9[%dma_start3A_1448, %dma_start3A_1449] : memref<128x128xf32, #tpu.memory_space<vmem>> -> memref<128x128xf32, #tpu.memory_space<vmem>>
    %dma_start3A_1451 = arith.constant 2688 : i32
    %dma_start3A_1452 = tpu.memref_slice %arg8[%dma_start3A_1451] : memref<9408xi32, #tpu.memory_space<vmem>> -> memref<128xi32, #tpu.memory_space<vmem>>
    %dma_start3A_1453 = arith.constant 0 : i32
    %dma_start3A_1454 = arith.constant 0 : i32
    %dma_start3A_1455 = tpu.memref_slice %arg12[%dma_start3A_1453, %dma_start3A_1454] : memref<1920x128xf32, #tpu.memory_space<vmem_shared>> -> memref<1920x128xf32, #tpu.memory_space<vmem_shared>>
    tpu.enqueue_indirect_dma source(%dma_start3A_1455 : memref<1920x128xf32, #tpu.memory_space<vmem_shared>>) target(%dma_start3A_1450 : memref<128x128xf32, #tpu.memory_space<vmem>>) offsets(%dma_start3A_1452 : memref<128xi32, #tpu.memory_space<vmem>>) semaphore(%arg15 : memref<!tpu.dma_semaphore, #tpu.memory_space<semaphore_mem>>)
    %dma_wait3A_1456 = arith.constant 0 : i32
    %dma_wait3A_1457 = arith.constant 0 : i32
    %dma_wait3A_1458 = tpu.memref_slice %arg10[%dma_wait3A_1456, %dma_wait3A_1457] : memref<128x128xf32, #tpu.memory_space<vmem>> -> memref<128x128xf32, #tpu.memory_space<vmem>>
    %dma_wait3A_1459 = arith.constant 5568 : i32
    %dma_wait3A_1460 = tpu.memref_slice %arg8[%dma_wait3A_1459] : memref<9408xi32, #tpu.memory_space<vmem>> -> memref<128xi32, #tpu.memory_space<vmem>>
    %dma_wait3A_1461 = arith.constant 0 : i32
    %dma_wait3A_1462 = arith.constant 0 : i32
    %dma_wait3A_1463 = tpu.memref_slice %arg13[%dma_wait3A_1461, %dma_wait3A_1462] : memref<2048x128xf32, #tpu.memory_space<vmem_shared>> -> memref<2048x128xf32, #tpu.memory_space<vmem_shared>>
    tpu.wait_indirect_dma semaphore(%arg16 : memref<!tpu.dma_semaphore, #tpu.memory_space<semaphore_mem>>) src(%dma_wait3A_1463 : memref<2048x128xf32, #tpu.memory_space<vmem_shared>>) dst(%dma_wait3A_1458 : memref<128x128xf32, #tpu.memory_space<vmem>>)
    %dma_wait3A_1464 = arith.constant 0 : i32
    %dma_wait3A_1465 = arith.constant 0 : i32
    %dma_wait3A_1466 = tpu.memref_slice %arg10[%dma_wait3A_1464, %dma_wait3A_1465] : memref<128x128xf32, #tpu.memory_space<vmem>> -> memref<128x128xf32, #tpu.memory_space<vmem>>
    %dma_wait3A_1467 = arith.constant 8704 : i32
    %dma_wait3A_1468 = tpu.memref_slice %arg8[%dma_wait3A_1467] : memref<9408xi32, #tpu.memory_space<vmem>> -> memref<128xi32, #tpu.memory_space<vmem>>
    %dma_wait3A_1469 = arith.constant 0 : i32
    %dma_wait3A_1470 = arith.constant 0 : i32
    %dma_wait3A_1471 = tpu.memref_slice %arg14[%dma_wait3A_1469, %dma_wait3A_1470] : memref<1408x128xf32, #tpu.memory_space<vmem_shared>> -> memref<1408x128xf32, #tpu.memory_space<vmem_shared>>
    tpu.wait_indirect_dma semaphore(%arg16 : memref<!tpu.dma_semaphore, #tpu.memory_space<semaphore_mem>>) src(%dma_wait3A_1471 : memref<1408x128xf32, #tpu.memory_space<vmem_shared>>) dst(%dma_wait3A_1466 : memref<128x128xf32, #tpu.memory_space<vmem>>)
    %add3A_1472 = arith.constant 2432 : i32
    %add3A_1473 = arith.addi %mul3A_2, %add3A_1472 : i32
    %dma_start3A_1474 = arith.constant 0 : i32
    %dma_start3A_1475 = arith.constant 0 : i32
    %dma_start3A_1476 = tpu.memref_slice %arg10[%dma_start3A_1474, %dma_start3A_1475] : memref<128x128xf32, #tpu.memory_space<vmem>> -> memref<128x128xf32, #tpu.memory_space<vmem>>
    %dma_start3A_1477 = arith.constant 0 : i32
    %dma_start3A_1478 = tpu.memref_slice %arg6[%add3A_1473, %dma_start3A_1477] : memref<100000x128xf32, #tpu.memory_space<hbm>> -> memref<128x128xf32, #tpu.memory_space<hbm>>
    %dma_start3A_1479 = arith.constant 0 : i32
    %dma_start3A_1480 = tpu.memref_slice %arg6[%add3A_1473, %dma_start3A_1479] : memref<100000x128xf32, #tpu.memory_space<hbm>> -> memref<128x128xf32, #tpu.memory_space<hbm>>
    %dma_start3A_1481 = arith.constant 0 : i32
    %dma_start3A_1482 = arith.constant 0 : i32
    %dma_start3A_1483 = tpu.memref_slice %arg10[%dma_start3A_1481, %dma_start3A_1482] : memref<128x128xf32, #tpu.memory_space<vmem>> -> memref<128x128xf32, #tpu.memory_space<vmem>>
    tpu.enqueue_dma source(%dma_start3A_1483 : memref<128x128xf32, #tpu.memory_space<vmem>>) target(%dma_start3A_1480 : memref<128x128xf32, #tpu.memory_space<hbm>>) target_semaphore(%arg19 : memref<!tpu.dma_semaphore, #tpu.memory_space<semaphore_mem>>)
    %dma_wait3A_1484 = arith.constant 0 : i32
    %dma_wait3A_1485 = arith.constant 0 : i32
    %dma_wait3A_1486 = tpu.memref_slice %arg9[%dma_wait3A_1484, %dma_wait3A_1485] : memref<128x128xf32, #tpu.memory_space<vmem>> -> memref<128x128xf32, #tpu.memory_space<vmem>>
    %dma_wait3A_1487 = arith.constant 2688 : i32
    %dma_wait3A_1488 = tpu.memref_slice %arg8[%dma_wait3A_1487] : memref<9408xi32, #tpu.memory_space<vmem>> -> memref<128xi32, #tpu.memory_space<vmem>>
    %dma_wait3A_1489 = arith.constant 0 : i32
    %dma_wait3A_1490 = arith.constant 0 : i32
    %dma_wait3A_1491 = tpu.memref_slice %arg12[%dma_wait3A_1489, %dma_wait3A_1490] : memref<1920x128xf32, #tpu.memory_space<vmem_shared>> -> memref<1920x128xf32, #tpu.memory_space<vmem_shared>>
    tpu.wait_indirect_dma semaphore(%arg15 : memref<!tpu.dma_semaphore, #tpu.memory_space<semaphore_mem>>) src(%dma_wait3A_1491 : memref<1920x128xf32, #tpu.memory_space<vmem_shared>>) dst(%dma_wait3A_1486 : memref<128x128xf32, #tpu.memory_space<vmem>>)
    %dma_start3A_1492 = arith.constant 0 : i32
    %dma_start3A_1493 = arith.constant 0 : i32
    %dma_start3A_1494 = tpu.memref_slice %arg9[%dma_start3A_1492, %dma_start3A_1493] : memref<128x128xf32, #tpu.memory_space<vmem>> -> memref<128x128xf32, #tpu.memory_space<vmem>>
    %dma_start3A_1495 = arith.constant 5824 : i32
    %dma_start3A_1496 = tpu.memref_slice %arg8[%dma_start3A_1495] : memref<9408xi32, #tpu.memory_space<vmem>> -> memref<128xi32, #tpu.memory_space<vmem>>
    %dma_start3A_1497 = arith.constant 0 : i32
    %dma_start3A_1498 = arith.constant 0 : i32
    %dma_start3A_1499 = tpu.memref_slice %arg13[%dma_start3A_1497, %dma_start3A_1498] : memref<2048x128xf32, #tpu.memory_space<vmem_shared>> -> memref<2048x128xf32, #tpu.memory_space<vmem_shared>>
    tpu.enqueue_indirect_dma source(%dma_start3A_1499 : memref<2048x128xf32, #tpu.memory_space<vmem_shared>>) target(%dma_start3A_1494 : memref<128x128xf32, #tpu.memory_space<vmem>>) offsets(%dma_start3A_1496 : memref<128xi32, #tpu.memory_space<vmem>>) semaphore(%arg15 : memref<!tpu.dma_semaphore, #tpu.memory_space<semaphore_mem>>) {add = true}
    %dma_start3A_1500 = arith.constant 0 : i32
    %dma_start3A_1501 = arith.constant 0 : i32
    %dma_start3A_1502 = tpu.memref_slice %arg9[%dma_start3A_1500, %dma_start3A_1501] : memref<128x128xf32, #tpu.memory_space<vmem>> -> memref<128x128xf32, #tpu.memory_space<vmem>>
    %dma_start3A_1503 = arith.constant 8960 : i32
    %dma_start3A_1504 = tpu.memref_slice %arg8[%dma_start3A_1503] : memref<9408xi32, #tpu.memory_space<vmem>> -> memref<128xi32, #tpu.memory_space<vmem>>
    %dma_start3A_1505 = arith.constant 0 : i32
    %dma_start3A_1506 = arith.constant 0 : i32
    %dma_start3A_1507 = tpu.memref_slice %arg14[%dma_start3A_1505, %dma_start3A_1506] : memref<1408x128xf32, #tpu.memory_space<vmem_shared>> -> memref<1408x128xf32, #tpu.memory_space<vmem_shared>>
    tpu.enqueue_indirect_dma source(%dma_start3A_1507 : memref<1408x128xf32, #tpu.memory_space<vmem_shared>>) target(%dma_start3A_1502 : memref<128x128xf32, #tpu.memory_space<vmem>>) offsets(%dma_start3A_1504 : memref<128xi32, #tpu.memory_space<vmem>>) semaphore(%arg15 : memref<!tpu.dma_semaphore, #tpu.memory_space<semaphore_mem>>) {add = true}
    %dma_wait3A_1508 = arith.constant 0 : i32
    %dma_wait3A_1509 = arith.constant 0 : i32
    %dma_wait3A_1510 = tpu.memref_slice %arg10[%dma_wait3A_1508, %dma_wait3A_1509] : memref<128x128xf32, #tpu.memory_space<vmem>> -> memref<128x128xf32, #tpu.memory_space<vmem>>
    %dma_wait3A_1511 = arith.constant 0 : i32
    %dma_wait3A_1512 = tpu.memref_slice %arg6[%add3A_1473, %dma_wait3A_1511] : memref<100000x128xf32, #tpu.memory_space<hbm>> -> memref<128x128xf32, #tpu.memory_space<hbm>>
    %dma_wait3A_1513 = arith.constant 0 : i32
    %dma_wait3A_1514 = tpu.memref_slice %arg6[%add3A_1473, %dma_wait3A_1513] : memref<100000x128xf32, #tpu.memory_space<hbm>> -> memref<128x128xf32, #tpu.memory_space<hbm>>
    %dma_wait3A_1515 = arith.constant 0 : i32
    %dma_wait3A_1516 = arith.constant 0 : i32
    %dma_wait3A_1517 = tpu.memref_slice %arg10[%dma_wait3A_1515, %dma_wait3A_1516] : memref<128x128xf32, #tpu.memory_space<vmem>> -> memref<128x128xf32, #tpu.memory_space<vmem>>
    tpu.wait_dma2 semaphore(%arg19 : memref<!tpu.dma_semaphore, #tpu.memory_space<semaphore_mem>>) src(%dma_wait3A_1517 : memref<128x128xf32, #tpu.memory_space<vmem>>) dst(%dma_wait3A_1514 : memref<128x128xf32, #tpu.memory_space<hbm>>)
    %dma_start3A_1518 = arith.constant 0 : i32
    %dma_start3A_1519 = arith.constant 0 : i32
    %dma_start3A_1520 = tpu.memref_slice %arg10[%dma_start3A_1518, %dma_start3A_1519] : memref<128x128xf32, #tpu.memory_space<vmem>> -> memref<128x128xf32, #tpu.memory_space<vmem>>
    %dma_start3A_1521 = arith.constant 2816 : i32
    %dma_start3A_1522 = tpu.memref_slice %arg8[%dma_start3A_1521] : memref<9408xi32, #tpu.memory_space<vmem>> -> memref<128xi32, #tpu.memory_space<vmem>>
    %dma_start3A_1523 = arith.constant 0 : i32
    %dma_start3A_1524 = arith.constant 0 : i32
    %dma_start3A_1525 = tpu.memref_slice %arg12[%dma_start3A_1523, %dma_start3A_1524] : memref<1920x128xf32, #tpu.memory_space<vmem_shared>> -> memref<1920x128xf32, #tpu.memory_space<vmem_shared>>
    tpu.enqueue_indirect_dma source(%dma_start3A_1525 : memref<1920x128xf32, #tpu.memory_space<vmem_shared>>) target(%dma_start3A_1520 : memref<128x128xf32, #tpu.memory_space<vmem>>) offsets(%dma_start3A_1522 : memref<128xi32, #tpu.memory_space<vmem>>) semaphore(%arg16 : memref<!tpu.dma_semaphore, #tpu.memory_space<semaphore_mem>>)
    %dma_wait3A_1526 = arith.constant 0 : i32
    %dma_wait3A_1527 = arith.constant 0 : i32
    %dma_wait3A_1528 = tpu.memref_slice %arg11[%dma_wait3A_1526, %dma_wait3A_1527] : memref<128x128xf32, #tpu.memory_space<vmem>> -> memref<128x128xf32, #tpu.memory_space<vmem>>
    %dma_wait3A_1529 = arith.constant 5696 : i32
    %dma_wait3A_1530 = tpu.memref_slice %arg8[%dma_wait3A_1529] : memref<9408xi32, #tpu.memory_space<vmem>> -> memref<128xi32, #tpu.memory_space<vmem>>
    %dma_wait3A_1531 = arith.constant 0 : i32
    %dma_wait3A_1532 = arith.constant 0 : i32
    %dma_wait3A_1533 = tpu.memref_slice %arg4[%dma_wait3A_1531, %dma_wait3A_1532] : memref<2048x128xf32, #tpu.memory_space<hbm>> -> memref<2048x128xf32, #tpu.memory_space<hbm>>
    tpu.wait_indirect_dma semaphore(%arg17 : memref<!tpu.dma_semaphore, #tpu.memory_space<semaphore_mem>>) src(%dma_wait3A_1533 : memref<2048x128xf32, #tpu.memory_space<hbm>>) dst(%dma_wait3A_1528 : memref<128x128xf32, #tpu.memory_space<vmem>>)
    %dma_wait3A_1534 = arith.constant 0 : i32
    %dma_wait3A_1535 = arith.constant 0 : i32
    %dma_wait3A_1536 = tpu.memref_slice %arg11[%dma_wait3A_1534, %dma_wait3A_1535] : memref<128x128xf32, #tpu.memory_space<vmem>> -> memref<128x128xf32, #tpu.memory_space<vmem>>
    %dma_wait3A_1537 = arith.constant 8832 : i32
    %dma_wait3A_1538 = tpu.memref_slice %arg8[%dma_wait3A_1537] : memref<9408xi32, #tpu.memory_space<vmem>> -> memref<128xi32, #tpu.memory_space<vmem>>
    %dma_wait3A_1539 = arith.constant 0 : i32
    %dma_wait3A_1540 = arith.constant 0 : i32
    %dma_wait3A_1541 = tpu.memref_slice %arg5[%dma_wait3A_1539, %dma_wait3A_1540] : memref<1408x128xf32, #tpu.memory_space<hbm>> -> memref<1408x128xf32, #tpu.memory_space<hbm>>
    tpu.wait_indirect_dma semaphore(%arg17 : memref<!tpu.dma_semaphore, #tpu.memory_space<semaphore_mem>>) src(%dma_wait3A_1541 : memref<1408x128xf32, #tpu.memory_space<hbm>>) dst(%dma_wait3A_1536 : memref<128x128xf32, #tpu.memory_space<vmem>>)
    %add3A_1542 = arith.constant 2560 : i32
    %add3A_1543 = arith.addi %mul3A_2, %add3A_1542 : i32
    %dma_start3A_1544 = arith.constant 0 : i32
    %dma_start3A_1545 = arith.constant 0 : i32
    %dma_start3A_1546 = tpu.memref_slice %arg11[%dma_start3A_1544, %dma_start3A_1545] : memref<128x128xf32, #tpu.memory_space<vmem>> -> memref<128x128xf32, #tpu.memory_space<vmem>>
    %dma_start3A_1547 = arith.constant 0 : i32
    %dma_start3A_1548 = tpu.memref_slice %arg6[%add3A_1543, %dma_start3A_1547] : memref<100000x128xf32, #tpu.memory_space<hbm>> -> memref<128x128xf32, #tpu.memory_space<hbm>>
    %dma_start3A_1549 = arith.constant 0 : i32
    %dma_start3A_1550 = tpu.memref_slice %arg6[%add3A_1543, %dma_start3A_1549] : memref<100000x128xf32, #tpu.memory_space<hbm>> -> memref<128x128xf32, #tpu.memory_space<hbm>>
    %dma_start3A_1551 = arith.constant 0 : i32
    %dma_start3A_1552 = arith.constant 0 : i32
    %dma_start3A_1553 = tpu.memref_slice %arg11[%dma_start3A_1551, %dma_start3A_1552] : memref<128x128xf32, #tpu.memory_space<vmem>> -> memref<128x128xf32, #tpu.memory_space<vmem>>
    tpu.enqueue_dma source(%dma_start3A_1553 : memref<128x128xf32, #tpu.memory_space<vmem>>) target(%dma_start3A_1550 : memref<128x128xf32, #tpu.memory_space<hbm>>) target_semaphore(%arg20 : memref<!tpu.dma_semaphore, #tpu.memory_space<semaphore_mem>>)
    %dma_wait3A_1554 = arith.constant 0 : i32
    %dma_wait3A_1555 = arith.constant 0 : i32
    %dma_wait3A_1556 = tpu.memref_slice %arg10[%dma_wait3A_1554, %dma_wait3A_1555] : memref<128x128xf32, #tpu.memory_space<vmem>> -> memref<128x128xf32, #tpu.memory_space<vmem>>
    %dma_wait3A_1557 = arith.constant 2816 : i32
    %dma_wait3A_1558 = tpu.memref_slice %arg8[%dma_wait3A_1557] : memref<9408xi32, #tpu.memory_space<vmem>> -> memref<128xi32, #tpu.memory_space<vmem>>
    %dma_wait3A_1559 = arith.constant 0 : i32
    %dma_wait3A_1560 = arith.constant 0 : i32
    %dma_wait3A_1561 = tpu.memref_slice %arg12[%dma_wait3A_1559, %dma_wait3A_1560] : memref<1920x128xf32, #tpu.memory_space<vmem_shared>> -> memref<1920x128xf32, #tpu.memory_space<vmem_shared>>
    tpu.wait_indirect_dma semaphore(%arg16 : memref<!tpu.dma_semaphore, #tpu.memory_space<semaphore_mem>>) src(%dma_wait3A_1561 : memref<1920x128xf32, #tpu.memory_space<vmem_shared>>) dst(%dma_wait3A_1556 : memref<128x128xf32, #tpu.memory_space<vmem>>)
    %dma_start3A_1562 = arith.constant 0 : i32
    %dma_start3A_1563 = arith.constant 0 : i32
    %dma_start3A_1564 = tpu.memref_slice %arg10[%dma_start3A_1562, %dma_start3A_1563] : memref<128x128xf32, #tpu.memory_space<vmem>> -> memref<128x128xf32, #tpu.memory_space<vmem>>
    %dma_start3A_1565 = arith.constant 5952 : i32
    %dma_start3A_1566 = tpu.memref_slice %arg8[%dma_start3A_1565] : memref<9408xi32, #tpu.memory_space<vmem>> -> memref<128xi32, #tpu.memory_space<vmem>>
    %dma_start3A_1567 = arith.constant 0 : i32
    %dma_start3A_1568 = arith.constant 0 : i32
    %dma_start3A_1569 = tpu.memref_slice %arg13[%dma_start3A_1567, %dma_start3A_1568] : memref<2048x128xf32, #tpu.memory_space<vmem_shared>> -> memref<2048x128xf32, #tpu.memory_space<vmem_shared>>
    tpu.enqueue_indirect_dma source(%dma_start3A_1569 : memref<2048x128xf32, #tpu.memory_space<vmem_shared>>) target(%dma_start3A_1564 : memref<128x128xf32, #tpu.memory_space<vmem>>) offsets(%dma_start3A_1566 : memref<128xi32, #tpu.memory_space<vmem>>) semaphore(%arg16 : memref<!tpu.dma_semaphore, #tpu.memory_space<semaphore_mem>>) {add = true}
    %dma_start3A_1570 = arith.constant 0 : i32
    %dma_start3A_1571 = arith.constant 0 : i32
    %dma_start3A_1572 = tpu.memref_slice %arg10[%dma_start3A_1570, %dma_start3A_1571] : memref<128x128xf32, #tpu.memory_space<vmem>> -> memref<128x128xf32, #tpu.memory_space<vmem>>
    %dma_start3A_1573 = arith.constant 9088 : i32
    %dma_start3A_1574 = tpu.memref_slice %arg8[%dma_start3A_1573] : memref<9408xi32, #tpu.memory_space<vmem>> -> memref<128xi32, #tpu.memory_space<vmem>>
    %dma_start3A_1575 = arith.constant 0 : i32
    %dma_start3A_1576 = arith.constant 0 : i32
    %dma_start3A_1577 = tpu.memref_slice %arg14[%dma_start3A_1575, %dma_start3A_1576] : memref<1408x128xf32, #tpu.memory_space<vmem_shared>> -> memref<1408x128xf32, #tpu.memory_space<vmem_shared>>
    tpu.enqueue_indirect_dma source(%dma_start3A_1577 : memref<1408x128xf32, #tpu.memory_space<vmem_shared>>) target(%dma_start3A_1572 : memref<128x128xf32, #tpu.memory_space<vmem>>) offsets(%dma_start3A_1574 : memref<128xi32, #tpu.memory_space<vmem>>) semaphore(%arg16 : memref<!tpu.dma_semaphore, #tpu.memory_space<semaphore_mem>>) {add = true}
    %dma_wait3A_1578 = arith.constant 0 : i32
    %dma_wait3A_1579 = arith.constant 0 : i32
    %dma_wait3A_1580 = tpu.memref_slice %arg11[%dma_wait3A_1578, %dma_wait3A_1579] : memref<128x128xf32, #tpu.memory_space<vmem>> -> memref<128x128xf32, #tpu.memory_space<vmem>>
    %dma_wait3A_1581 = arith.constant 0 : i32
    %dma_wait3A_1582 = tpu.memref_slice %arg6[%add3A_1543, %dma_wait3A_1581] : memref<100000x128xf32, #tpu.memory_space<hbm>> -> memref<128x128xf32, #tpu.memory_space<hbm>>
    %dma_wait3A_1583 = arith.constant 0 : i32
    %dma_wait3A_1584 = tpu.memref_slice %arg6[%add3A_1543, %dma_wait3A_1583] : memref<100000x128xf32, #tpu.memory_space<hbm>> -> memref<128x128xf32, #tpu.memory_space<hbm>>
    %dma_wait3A_1585 = arith.constant 0 : i32
    %dma_wait3A_1586 = arith.constant 0 : i32
    %dma_wait3A_1587 = tpu.memref_slice %arg11[%dma_wait3A_1585, %dma_wait3A_1586] : memref<128x128xf32, #tpu.memory_space<vmem>> -> memref<128x128xf32, #tpu.memory_space<vmem>>
    tpu.wait_dma2 semaphore(%arg20 : memref<!tpu.dma_semaphore, #tpu.memory_space<semaphore_mem>>) src(%dma_wait3A_1587 : memref<128x128xf32, #tpu.memory_space<vmem>>) dst(%dma_wait3A_1584 : memref<128x128xf32, #tpu.memory_space<hbm>>)
    %dma_start3A_1588 = arith.constant 0 : i32
    %dma_start3A_1589 = arith.constant 0 : i32
    %dma_start3A_1590 = tpu.memref_slice %arg11[%dma_start3A_1588, %dma_start3A_1589] : memref<128x128xf32, #tpu.memory_space<vmem>> -> memref<128x128xf32, #tpu.memory_space<vmem>>
    %dma_start3A_1591 = arith.constant 2944 : i32
    %dma_start3A_1592 = tpu.memref_slice %arg8[%dma_start3A_1591] : memref<9408xi32, #tpu.memory_space<vmem>> -> memref<128xi32, #tpu.memory_space<vmem>>
    %dma_start3A_1593 = arith.constant 0 : i32
    %dma_start3A_1594 = arith.constant 0 : i32
    %dma_start3A_1595 = tpu.memref_slice %arg3[%dma_start3A_1593, %dma_start3A_1594] : memref<1920x128xf32, #tpu.memory_space<hbm>> -> memref<1920x128xf32, #tpu.memory_space<hbm>>
    tpu.enqueue_indirect_dma source(%dma_start3A_1595 : memref<1920x128xf32, #tpu.memory_space<hbm>>) target(%dma_start3A_1590 : memref<128x128xf32, #tpu.memory_space<vmem>>) offsets(%dma_start3A_1592 : memref<128xi32, #tpu.memory_space<vmem>>) semaphore(%arg17 : memref<!tpu.dma_semaphore, #tpu.memory_space<semaphore_mem>>)
    %dma_wait3A_1596 = arith.constant 0 : i32
    %dma_wait3A_1597 = arith.constant 0 : i32
    %dma_wait3A_1598 = tpu.memref_slice %arg9[%dma_wait3A_1596, %dma_wait3A_1597] : memref<128x128xf32, #tpu.memory_space<vmem>> -> memref<128x128xf32, #tpu.memory_space<vmem>>
    %dma_wait3A_1599 = arith.constant 5824 : i32
    %dma_wait3A_1600 = tpu.memref_slice %arg8[%dma_wait3A_1599] : memref<9408xi32, #tpu.memory_space<vmem>> -> memref<128xi32, #tpu.memory_space<vmem>>
    %dma_wait3A_1601 = arith.constant 0 : i32
    %dma_wait3A_1602 = arith.constant 0 : i32
    %dma_wait3A_1603 = tpu.memref_slice %arg13[%dma_wait3A_1601, %dma_wait3A_1602] : memref<2048x128xf32, #tpu.memory_space<vmem_shared>> -> memref<2048x128xf32, #tpu.memory_space<vmem_shared>>
    tpu.wait_indirect_dma semaphore(%arg15 : memref<!tpu.dma_semaphore, #tpu.memory_space<semaphore_mem>>) src(%dma_wait3A_1603 : memref<2048x128xf32, #tpu.memory_space<vmem_shared>>) dst(%dma_wait3A_1598 : memref<128x128xf32, #tpu.memory_space<vmem>>)
    %dma_wait3A_1604 = arith.constant 0 : i32
    %dma_wait3A_1605 = arith.constant 0 : i32
    %dma_wait3A_1606 = tpu.memref_slice %arg9[%dma_wait3A_1604, %dma_wait3A_1605] : memref<128x128xf32, #tpu.memory_space<vmem>> -> memref<128x128xf32, #tpu.memory_space<vmem>>
    %dma_wait3A_1607 = arith.constant 8960 : i32
    %dma_wait3A_1608 = tpu.memref_slice %arg8[%dma_wait3A_1607] : memref<9408xi32, #tpu.memory_space<vmem>> -> memref<128xi32, #tpu.memory_space<vmem>>
    %dma_wait3A_1609 = arith.constant 0 : i32
    %dma_wait3A_1610 = arith.constant 0 : i32
    %dma_wait3A_1611 = tpu.memref_slice %arg14[%dma_wait3A_1609, %dma_wait3A_1610] : memref<1408x128xf32, #tpu.memory_space<vmem_shared>> -> memref<1408x128xf32, #tpu.memory_space<vmem_shared>>
    tpu.wait_indirect_dma semaphore(%arg15 : memref<!tpu.dma_semaphore, #tpu.memory_space<semaphore_mem>>) src(%dma_wait3A_1611 : memref<1408x128xf32, #tpu.memory_space<vmem_shared>>) dst(%dma_wait3A_1606 : memref<128x128xf32, #tpu.memory_space<vmem>>)
    %add3A_1612 = arith.constant 2688 : i32
    %add3A_1613 = arith.addi %mul3A_2, %add3A_1612 : i32
    %dma_start3A_1614 = arith.constant 0 : i32
    %dma_start3A_1615 = arith.constant 0 : i32
    %dma_start3A_1616 = tpu.memref_slice %arg9[%dma_start3A_1614, %dma_start3A_1615] : memref<128x128xf32, #tpu.memory_space<vmem>> -> memref<128x128xf32, #tpu.memory_space<vmem>>
    %dma_start3A_1617 = arith.constant 0 : i32
    %dma_start3A_1618 = tpu.memref_slice %arg6[%add3A_1613, %dma_start3A_1617] : memref<100000x128xf32, #tpu.memory_space<hbm>> -> memref<128x128xf32, #tpu.memory_space<hbm>>
    %dma_start3A_1619 = arith.constant 0 : i32
    %dma_start3A_1620 = tpu.memref_slice %arg6[%add3A_1613, %dma_start3A_1619] : memref<100000x128xf32, #tpu.memory_space<hbm>> -> memref<128x128xf32, #tpu.memory_space<hbm>>
    %dma_start3A_1621 = arith.constant 0 : i32
    %dma_start3A_1622 = arith.constant 0 : i32
    %dma_start3A_1623 = tpu.memref_slice %arg9[%dma_start3A_1621, %dma_start3A_1622] : memref<128x128xf32, #tpu.memory_space<vmem>> -> memref<128x128xf32, #tpu.memory_space<vmem>>
    tpu.enqueue_dma source(%dma_start3A_1623 : memref<128x128xf32, #tpu.memory_space<vmem>>) target(%dma_start3A_1620 : memref<128x128xf32, #tpu.memory_space<hbm>>) target_semaphore(%arg18 : memref<!tpu.dma_semaphore, #tpu.memory_space<semaphore_mem>>)
    %dma_wait3A_1624 = arith.constant 0 : i32
    %dma_wait3A_1625 = arith.constant 0 : i32
    %dma_wait3A_1626 = tpu.memref_slice %arg11[%dma_wait3A_1624, %dma_wait3A_1625] : memref<128x128xf32, #tpu.memory_space<vmem>> -> memref<128x128xf32, #tpu.memory_space<vmem>>
    %dma_wait3A_1627 = arith.constant 2944 : i32
    %dma_wait3A_1628 = tpu.memref_slice %arg8[%dma_wait3A_1627] : memref<9408xi32, #tpu.memory_space<vmem>> -> memref<128xi32, #tpu.memory_space<vmem>>
    %dma_wait3A_1629 = arith.constant 0 : i32
    %dma_wait3A_1630 = arith.constant 0 : i32
    %dma_wait3A_1631 = tpu.memref_slice %arg3[%dma_wait3A_1629, %dma_wait3A_1630] : memref<1920x128xf32, #tpu.memory_space<hbm>> -> memref<1920x128xf32, #tpu.memory_space<hbm>>
    tpu.wait_indirect_dma semaphore(%arg17 : memref<!tpu.dma_semaphore, #tpu.memory_space<semaphore_mem>>) src(%dma_wait3A_1631 : memref<1920x128xf32, #tpu.memory_space<hbm>>) dst(%dma_wait3A_1626 : memref<128x128xf32, #tpu.memory_space<vmem>>)
    %dma_start3A_1632 = arith.constant 0 : i32
    %dma_start3A_1633 = arith.constant 0 : i32
    %dma_start3A_1634 = tpu.memref_slice %arg11[%dma_start3A_1632, %dma_start3A_1633] : memref<128x128xf32, #tpu.memory_space<vmem>> -> memref<128x128xf32, #tpu.memory_space<vmem>>
    %dma_start3A_1635 = arith.constant 6080 : i32
    %dma_start3A_1636 = tpu.memref_slice %arg8[%dma_start3A_1635] : memref<9408xi32, #tpu.memory_space<vmem>> -> memref<128xi32, #tpu.memory_space<vmem>>
    %dma_start3A_1637 = arith.constant 0 : i32
    %dma_start3A_1638 = arith.constant 0 : i32
    %dma_start3A_1639 = tpu.memref_slice %arg4[%dma_start3A_1637, %dma_start3A_1638] : memref<2048x128xf32, #tpu.memory_space<hbm>> -> memref<2048x128xf32, #tpu.memory_space<hbm>>
    tpu.enqueue_indirect_dma source(%dma_start3A_1639 : memref<2048x128xf32, #tpu.memory_space<hbm>>) target(%dma_start3A_1634 : memref<128x128xf32, #tpu.memory_space<vmem>>) offsets(%dma_start3A_1636 : memref<128xi32, #tpu.memory_space<vmem>>) semaphore(%arg17 : memref<!tpu.dma_semaphore, #tpu.memory_space<semaphore_mem>>) {add = true}
    %dma_start3A_1640 = arith.constant 0 : i32
    %dma_start3A_1641 = arith.constant 0 : i32
    %dma_start3A_1642 = tpu.memref_slice %arg11[%dma_start3A_1640, %dma_start3A_1641] : memref<128x128xf32, #tpu.memory_space<vmem>> -> memref<128x128xf32, #tpu.memory_space<vmem>>
    %dma_start3A_1643 = arith.constant 9216 : i32
    %dma_start3A_1644 = tpu.memref_slice %arg8[%dma_start3A_1643] : memref<9408xi32, #tpu.memory_space<vmem>> -> memref<128xi32, #tpu.memory_space<vmem>>
    %dma_start3A_1645 = arith.constant 0 : i32
    %dma_start3A_1646 = arith.constant 0 : i32
    %dma_start3A_1647 = tpu.memref_slice %arg5[%dma_start3A_1645, %dma_start3A_1646] : memref<1408x128xf32, #tpu.memory_space<hbm>> -> memref<1408x128xf32, #tpu.memory_space<hbm>>
    tpu.enqueue_indirect_dma source(%dma_start3A_1647 : memref<1408x128xf32, #tpu.memory_space<hbm>>) target(%dma_start3A_1642 : memref<128x128xf32, #tpu.memory_space<vmem>>) offsets(%dma_start3A_1644 : memref<128xi32, #tpu.memory_space<vmem>>) semaphore(%arg17 : memref<!tpu.dma_semaphore, #tpu.memory_space<semaphore_mem>>) {add = true}
    %dma_wait3A_1648 = arith.constant 0 : i32
    %dma_wait3A_1649 = arith.constant 0 : i32
    %dma_wait3A_1650 = tpu.memref_slice %arg9[%dma_wait3A_1648, %dma_wait3A_1649] : memref<128x128xf32, #tpu.memory_space<vmem>> -> memref<128x128xf32, #tpu.memory_space<vmem>>
    %dma_wait3A_1651 = arith.constant 0 : i32
    %dma_wait3A_1652 = tpu.memref_slice %arg6[%add3A_1613, %dma_wait3A_1651] : memref<100000x128xf32, #tpu.memory_space<hbm>> -> memref<128x128xf32, #tpu.memory_space<hbm>>
    %dma_wait3A_1653 = arith.constant 0 : i32
    %dma_wait3A_1654 = tpu.memref_slice %arg6[%add3A_1613, %dma_wait3A_1653] : memref<100000x128xf32, #tpu.memory_space<hbm>> -> memref<128x128xf32, #tpu.memory_space<hbm>>
    %dma_wait3A_1655 = arith.constant 0 : i32
    %dma_wait3A_1656 = arith.constant 0 : i32
    %dma_wait3A_1657 = tpu.memref_slice %arg9[%dma_wait3A_1655, %dma_wait3A_1656] : memref<128x128xf32, #tpu.memory_space<vmem>> -> memref<128x128xf32, #tpu.memory_space<vmem>>
    tpu.wait_dma2 semaphore(%arg18 : memref<!tpu.dma_semaphore, #tpu.memory_space<semaphore_mem>>) src(%dma_wait3A_1657 : memref<128x128xf32, #tpu.memory_space<vmem>>) dst(%dma_wait3A_1654 : memref<128x128xf32, #tpu.memory_space<hbm>>)
    %dma_start3A_1658 = arith.constant 0 : i32
    %dma_start3A_1659 = arith.constant 0 : i32
    %dma_start3A_1660 = tpu.memref_slice %arg9[%dma_start3A_1658, %dma_start3A_1659] : memref<128x128xf32, #tpu.memory_space<vmem>> -> memref<53x128xf32, #tpu.memory_space<vmem>>
    %dma_start3A_1661 = arith.constant 3072 : i32
    %dma_start3A_1662 = tpu.memref_slice %arg8[%dma_start3A_1661] : memref<9408xi32, #tpu.memory_space<vmem>> -> memref<53xi32, #tpu.memory_space<vmem>>
    %dma_start3A_1663 = arith.constant 0 : i32
    %dma_start3A_1664 = arith.constant 0 : i32
    %dma_start3A_1665 = tpu.memref_slice %arg12[%dma_start3A_1663, %dma_start3A_1664] : memref<1920x128xf32, #tpu.memory_space<vmem_shared>> -> memref<1920x128xf32, #tpu.memory_space<vmem_shared>>
    tpu.enqueue_indirect_dma source(%dma_start3A_1665 : memref<1920x128xf32, #tpu.memory_space<vmem_shared>>) target(%dma_start3A_1660 : memref<53x128xf32, #tpu.memory_space<vmem>>) offsets(%dma_start3A_1662 : memref<53xi32, #tpu.memory_space<vmem>>) semaphore(%arg15 : memref<!tpu.dma_semaphore, #tpu.memory_space<semaphore_mem>>)
    %dma_wait3A_1666 = arith.constant 0 : i32
    %dma_wait3A_1667 = arith.constant 0 : i32
    %dma_wait3A_1668 = tpu.memref_slice %arg10[%dma_wait3A_1666, %dma_wait3A_1667] : memref<128x128xf32, #tpu.memory_space<vmem>> -> memref<128x128xf32, #tpu.memory_space<vmem>>
    %dma_wait3A_1669 = arith.constant 5952 : i32
    %dma_wait3A_1670 = tpu.memref_slice %arg8[%dma_wait3A_1669] : memref<9408xi32, #tpu.memory_space<vmem>> -> memref<128xi32, #tpu.memory_space<vmem>>
    %dma_wait3A_1671 = arith.constant 0 : i32
    %dma_wait3A_1672 = arith.constant 0 : i32
    %dma_wait3A_1673 = tpu.memref_slice %arg13[%dma_wait3A_1671, %dma_wait3A_1672] : memref<2048x128xf32, #tpu.memory_space<vmem_shared>> -> memref<2048x128xf32, #tpu.memory_space<vmem_shared>>
    tpu.wait_indirect_dma semaphore(%arg16 : memref<!tpu.dma_semaphore, #tpu.memory_space<semaphore_mem>>) src(%dma_wait3A_1673 : memref<2048x128xf32, #tpu.memory_space<vmem_shared>>) dst(%dma_wait3A_1668 : memref<128x128xf32, #tpu.memory_space<vmem>>)
    %dma_wait3A_1674 = arith.constant 0 : i32
    %dma_wait3A_1675 = arith.constant 0 : i32
    %dma_wait3A_1676 = tpu.memref_slice %arg10[%dma_wait3A_1674, %dma_wait3A_1675] : memref<128x128xf32, #tpu.memory_space<vmem>> -> memref<128x128xf32, #tpu.memory_space<vmem>>
    %dma_wait3A_1677 = arith.constant 9088 : i32
    %dma_wait3A_1678 = tpu.memref_slice %arg8[%dma_wait3A_1677] : memref<9408xi32, #tpu.memory_space<vmem>> -> memref<128xi32, #tpu.memory_space<vmem>>
    %dma_wait3A_1679 = arith.constant 0 : i32
    %dma_wait3A_1680 = arith.constant 0 : i32
    %dma_wait3A_1681 = tpu.memref_slice %arg14[%dma_wait3A_1679, %dma_wait3A_1680] : memref<1408x128xf32, #tpu.memory_space<vmem_shared>> -> memref<1408x128xf32, #tpu.memory_space<vmem_shared>>
    tpu.wait_indirect_dma semaphore(%arg16 : memref<!tpu.dma_semaphore, #tpu.memory_space<semaphore_mem>>) src(%dma_wait3A_1681 : memref<1408x128xf32, #tpu.memory_space<vmem_shared>>) dst(%dma_wait3A_1676 : memref<128x128xf32, #tpu.memory_space<vmem>>)
    %add3A_1682 = arith.constant 2816 : i32
    %add3A_1683 = arith.addi %mul3A_2, %add3A_1682 : i32
    %dma_start3A_1684 = arith.constant 0 : i32
    %dma_start3A_1685 = arith.constant 0 : i32
    %dma_start3A_1686 = tpu.memref_slice %arg10[%dma_start3A_1684, %dma_start3A_1685] : memref<128x128xf32, #tpu.memory_space<vmem>> -> memref<128x128xf32, #tpu.memory_space<vmem>>
    %dma_start3A_1687 = arith.constant 0 : i32
    %dma_start3A_1688 = tpu.memref_slice %arg6[%add3A_1683, %dma_start3A_1687] : memref<100000x128xf32, #tpu.memory_space<hbm>> -> memref<128x128xf32, #tpu.memory_space<hbm>>
    %dma_start3A_1689 = arith.constant 0 : i32
    %dma_start3A_1690 = tpu.memref_slice %arg6[%add3A_1683, %dma_start3A_1689] : memref<100000x128xf32, #tpu.memory_space<hbm>> -> memref<128x128xf32, #tpu.memory_space<hbm>>
    %dma_start3A_1691 = arith.constant 0 : i32
    %dma_start3A_1692 = arith.constant 0 : i32
    %dma_start3A_1693 = tpu.memref_slice %arg10[%dma_start3A_1691, %dma_start3A_1692] : memref<128x128xf32, #tpu.memory_space<vmem>> -> memref<128x128xf32, #tpu.memory_space<vmem>>
    tpu.enqueue_dma source(%dma_start3A_1693 : memref<128x128xf32, #tpu.memory_space<vmem>>) target(%dma_start3A_1690 : memref<128x128xf32, #tpu.memory_space<hbm>>) target_semaphore(%arg19 : memref<!tpu.dma_semaphore, #tpu.memory_space<semaphore_mem>>)
    %dma_wait3A_1694 = arith.constant 0 : i32
    %dma_wait3A_1695 = arith.constant 0 : i32
    %dma_wait3A_1696 = tpu.memref_slice %arg9[%dma_wait3A_1694, %dma_wait3A_1695] : memref<128x128xf32, #tpu.memory_space<vmem>> -> memref<53x128xf32, #tpu.memory_space<vmem>>
    %dma_wait3A_1697 = arith.constant 3072 : i32
    %dma_wait3A_1698 = tpu.memref_slice %arg8[%dma_wait3A_1697] : memref<9408xi32, #tpu.memory_space<vmem>> -> memref<53xi32, #tpu.memory_space<vmem>>
    %dma_wait3A_1699 = arith.constant 0 : i32
    %dma_wait3A_1700 = arith.constant 0 : i32
    %dma_wait3A_1701 = tpu.memref_slice %arg12[%dma_wait3A_1699, %dma_wait3A_1700] : memref<1920x128xf32, #tpu.memory_space<vmem_shared>> -> memref<1920x128xf32, #tpu.memory_space<vmem_shared>>
    tpu.wait_indirect_dma semaphore(%arg15 : memref<!tpu.dma_semaphore, #tpu.memory_space<semaphore_mem>>) src(%dma_wait3A_1701 : memref<1920x128xf32, #tpu.memory_space<vmem_shared>>) dst(%dma_wait3A_1696 : memref<53x128xf32, #tpu.memory_space<vmem>>)
    %dma_start3A_1702 = arith.constant 0 : i32
    %dma_start3A_1703 = arith.constant 0 : i32
    %dma_start3A_1704 = tpu.memref_slice %arg9[%dma_start3A_1702, %dma_start3A_1703] : memref<128x128xf32, #tpu.memory_space<vmem>> -> memref<53x128xf32, #tpu.memory_space<vmem>>
    %dma_start3A_1705 = arith.constant 6208 : i32
    %dma_start3A_1706 = tpu.memref_slice %arg8[%dma_start3A_1705] : memref<9408xi32, #tpu.memory_space<vmem>> -> memref<53xi32, #tpu.memory_space<vmem>>
    %dma_start3A_1707 = arith.constant 0 : i32
    %dma_start3A_1708 = arith.constant 0 : i32
    %dma_start3A_1709 = tpu.memref_slice %arg13[%dma_start3A_1707, %dma_start3A_1708] : memref<2048x128xf32, #tpu.memory_space<vmem_shared>> -> memref<2048x128xf32, #tpu.memory_space<vmem_shared>>
    tpu.enqueue_indirect_dma source(%dma_start3A_1709 : memref<2048x128xf32, #tpu.memory_space<vmem_shared>>) target(%dma_start3A_1704 : memref<53x128xf32, #tpu.memory_space<vmem>>) offsets(%dma_start3A_1706 : memref<53xi32, #tpu.memory_space<vmem>>) semaphore(%arg15 : memref<!tpu.dma_semaphore, #tpu.memory_space<semaphore_mem>>) {add = true}
    %dma_start3A_1710 = arith.constant 0 : i32
    %dma_start3A_1711 = arith.constant 0 : i32
    %dma_start3A_1712 = tpu.memref_slice %arg9[%dma_start3A_1710, %dma_start3A_1711] : memref<128x128xf32, #tpu.memory_space<vmem>> -> memref<53x128xf32, #tpu.memory_space<vmem>>
    %dma_start3A_1713 = arith.constant 9344 : i32
    %dma_start3A_1714 = tpu.memref_slice %arg8[%dma_start3A_1713] : memref<9408xi32, #tpu.memory_space<vmem>> -> memref<53xi32, #tpu.memory_space<vmem>>
    %dma_start3A_1715 = arith.constant 0 : i32
    %dma_start3A_1716 = arith.constant 0 : i32
    %dma_start3A_1717 = tpu.memref_slice %arg14[%dma_start3A_1715, %dma_start3A_1716] : memref<1408x128xf32, #tpu.memory_space<vmem_shared>> -> memref<1408x128xf32, #tpu.memory_space<vmem_shared>>
    tpu.enqueue_indirect_dma source(%dma_start3A_1717 : memref<1408x128xf32, #tpu.memory_space<vmem_shared>>) target(%dma_start3A_1712 : memref<53x128xf32, #tpu.memory_space<vmem>>) offsets(%dma_start3A_1714 : memref<53xi32, #tpu.memory_space<vmem>>) semaphore(%arg15 : memref<!tpu.dma_semaphore, #tpu.memory_space<semaphore_mem>>) {add = true}
    %dma_wait3A_1718 = arith.constant 0 : i32
    %dma_wait3A_1719 = arith.constant 0 : i32
    %dma_wait3A_1720 = tpu.memref_slice %arg11[%dma_wait3A_1718, %dma_wait3A_1719] : memref<128x128xf32, #tpu.memory_space<vmem>> -> memref<128x128xf32, #tpu.memory_space<vmem>>
    %dma_wait3A_1721 = arith.constant 6080 : i32
    %dma_wait3A_1722 = tpu.memref_slice %arg8[%dma_wait3A_1721] : memref<9408xi32, #tpu.memory_space<vmem>> -> memref<128xi32, #tpu.memory_space<vmem>>
    %dma_wait3A_1723 = arith.constant 0 : i32
    %dma_wait3A_1724 = arith.constant 0 : i32
    %dma_wait3A_1725 = tpu.memref_slice %arg4[%dma_wait3A_1723, %dma_wait3A_1724] : memref<2048x128xf32, #tpu.memory_space<hbm>> -> memref<2048x128xf32, #tpu.memory_space<hbm>>
    tpu.wait_indirect_dma semaphore(%arg17 : memref<!tpu.dma_semaphore, #tpu.memory_space<semaphore_mem>>) src(%dma_wait3A_1725 : memref<2048x128xf32, #tpu.memory_space<hbm>>) dst(%dma_wait3A_1720 : memref<128x128xf32, #tpu.memory_space<vmem>>)
    %dma_wait3A_1726 = arith.constant 0 : i32
    %dma_wait3A_1727 = arith.constant 0 : i32
    %dma_wait3A_1728 = tpu.memref_slice %arg11[%dma_wait3A_1726, %dma_wait3A_1727] : memref<128x128xf32, #tpu.memory_space<vmem>> -> memref<128x128xf32, #tpu.memory_space<vmem>>
    %dma_wait3A_1729 = arith.constant 9216 : i32
    %dma_wait3A_1730 = tpu.memref_slice %arg8[%dma_wait3A_1729] : memref<9408xi32, #tpu.memory_space<vmem>> -> memref<128xi32, #tpu.memory_space<vmem>>
    %dma_wait3A_1731 = arith.constant 0 : i32
    %dma_wait3A_1732 = arith.constant 0 : i32
    %dma_wait3A_1733 = tpu.memref_slice %arg5[%dma_wait3A_1731, %dma_wait3A_1732] : memref<1408x128xf32, #tpu.memory_space<hbm>> -> memref<1408x128xf32, #tpu.memory_space<hbm>>
    tpu.wait_indirect_dma semaphore(%arg17 : memref<!tpu.dma_semaphore, #tpu.memory_space<semaphore_mem>>) src(%dma_wait3A_1733 : memref<1408x128xf32, #tpu.memory_space<hbm>>) dst(%dma_wait3A_1728 : memref<128x128xf32, #tpu.memory_space<vmem>>)
    %add3A_1734 = arith.constant 2944 : i32
    %add3A_1735 = arith.addi %mul3A_2, %add3A_1734 : i32
    %dma_start3A_1736 = arith.constant 0 : i32
    %dma_start3A_1737 = arith.constant 0 : i32
    %dma_start3A_1738 = tpu.memref_slice %arg11[%dma_start3A_1736, %dma_start3A_1737] : memref<128x128xf32, #tpu.memory_space<vmem>> -> memref<128x128xf32, #tpu.memory_space<vmem>>
    %dma_start3A_1739 = arith.constant 0 : i32
    %dma_start3A_1740 = tpu.memref_slice %arg6[%add3A_1735, %dma_start3A_1739] : memref<100000x128xf32, #tpu.memory_space<hbm>> -> memref<128x128xf32, #tpu.memory_space<hbm>>
    %dma_start3A_1741 = arith.constant 0 : i32
    %dma_start3A_1742 = tpu.memref_slice %arg6[%add3A_1735, %dma_start3A_1741] : memref<100000x128xf32, #tpu.memory_space<hbm>> -> memref<128x128xf32, #tpu.memory_space<hbm>>
    %dma_start3A_1743 = arith.constant 0 : i32
    %dma_start3A_1744 = arith.constant 0 : i32
    %dma_start3A_1745 = tpu.memref_slice %arg11[%dma_start3A_1743, %dma_start3A_1744] : memref<128x128xf32, #tpu.memory_space<vmem>> -> memref<128x128xf32, #tpu.memory_space<vmem>>
    tpu.enqueue_dma source(%dma_start3A_1745 : memref<128x128xf32, #tpu.memory_space<vmem>>) target(%dma_start3A_1742 : memref<128x128xf32, #tpu.memory_space<hbm>>) target_semaphore(%arg20 : memref<!tpu.dma_semaphore, #tpu.memory_space<semaphore_mem>>)
    %dma_wait3A_1746 = arith.constant 0 : i32
    %dma_wait3A_1747 = arith.constant 0 : i32
    %dma_wait3A_1748 = tpu.memref_slice %arg9[%dma_wait3A_1746, %dma_wait3A_1747] : memref<128x128xf32, #tpu.memory_space<vmem>> -> memref<53x128xf32, #tpu.memory_space<vmem>>
    %dma_wait3A_1749 = arith.constant 6208 : i32
    %dma_wait3A_1750 = tpu.memref_slice %arg8[%dma_wait3A_1749] : memref<9408xi32, #tpu.memory_space<vmem>> -> memref<53xi32, #tpu.memory_space<vmem>>
    %dma_wait3A_1751 = arith.constant 0 : i32
    %dma_wait3A_1752 = arith.constant 0 : i32
    %dma_wait3A_1753 = tpu.memref_slice %arg13[%dma_wait3A_1751, %dma_wait3A_1752] : memref<2048x128xf32, #tpu.memory_space<vmem_shared>> -> memref<2048x128xf32, #tpu.memory_space<vmem_shared>>
    tpu.wait_indirect_dma semaphore(%arg15 : memref<!tpu.dma_semaphore, #tpu.memory_space<semaphore_mem>>) src(%dma_wait3A_1753 : memref<2048x128xf32, #tpu.memory_space<vmem_shared>>) dst(%dma_wait3A_1748 : memref<53x128xf32, #tpu.memory_space<vmem>>)
    %dma_wait3A_1754 = arith.constant 0 : i32
    %dma_wait3A_1755 = arith.constant 0 : i32
    %dma_wait3A_1756 = tpu.memref_slice %arg9[%dma_wait3A_1754, %dma_wait3A_1755] : memref<128x128xf32, #tpu.memory_space<vmem>> -> memref<53x128xf32, #tpu.memory_space<vmem>>
    %dma_wait3A_1757 = arith.constant 9344 : i32
    %dma_wait3A_1758 = tpu.memref_slice %arg8[%dma_wait3A_1757] : memref<9408xi32, #tpu.memory_space<vmem>> -> memref<53xi32, #tpu.memory_space<vmem>>
    %dma_wait3A_1759 = arith.constant 0 : i32
    %dma_wait3A_1760 = arith.constant 0 : i32
    %dma_wait3A_1761 = tpu.memref_slice %arg14[%dma_wait3A_1759, %dma_wait3A_1760] : memref<1408x128xf32, #tpu.memory_space<vmem_shared>> -> memref<1408x128xf32, #tpu.memory_space<vmem_shared>>
    tpu.wait_indirect_dma semaphore(%arg15 : memref<!tpu.dma_semaphore, #tpu.memory_space<semaphore_mem>>) src(%dma_wait3A_1761 : memref<1408x128xf32, #tpu.memory_space<vmem_shared>>) dst(%dma_wait3A_1756 : memref<53x128xf32, #tpu.memory_space<vmem>>)
    %add3A_1762 = arith.constant 3072 : i32
    %add3A_1763 = arith.addi %mul3A_2, %add3A_1762 : i32
    %dma_start3A_1764 = arith.constant 0 : i32
    %dma_start3A_1765 = arith.constant 0 : i32
    %dma_start3A_1766 = tpu.memref_slice %arg9[%dma_start3A_1764, %dma_start3A_1765] : memref<128x128xf32, #tpu.memory_space<vmem>> -> memref<53x128xf32, #tpu.memory_space<vmem>>
    %dma_start3A_1767 = arith.constant 0 : i32
    %dma_start3A_1768 = tpu.memref_slice %arg6[%add3A_1763, %dma_start3A_1767] : memref<100000x128xf32, #tpu.memory_space<hbm>> -> memref<53x128xf32, #tpu.memory_space<hbm>>
    %dma_start3A_1769 = arith.constant 0 : i32
    %dma_start3A_1770 = tpu.memref_slice %arg6[%add3A_1763, %dma_start3A_1769] : memref<100000x128xf32, #tpu.memory_space<hbm>> -> memref<53x128xf32, #tpu.memory_space<hbm>>
    %dma_start3A_1771 = arith.constant 0 : i32
    %dma_start3A_1772 = arith.constant 0 : i32
    %dma_start3A_1773 = tpu.memref_slice %arg9[%dma_start3A_1771, %dma_start3A_1772] : memref<128x128xf32, #tpu.memory_space<vmem>> -> memref<53x128xf32, #tpu.memory_space<vmem>>
    tpu.enqueue_dma source(%dma_start3A_1773 : memref<53x128xf32, #tpu.memory_space<vmem>>) target(%dma_start3A_1770 : memref<53x128xf32, #tpu.memory_space<hbm>>) target_semaphore(%arg18 : memref<!tpu.dma_semaphore, #tpu.memory_space<semaphore_mem>>)
    %dma_wait3A_1774 = arith.constant 0 : i32
    %dma_wait3A_1775 = arith.constant 0 : i32
    %dma_wait3A_1776 = tpu.memref_slice %arg9[%dma_wait3A_1774, %dma_wait3A_1775] : memref<128x128xf32, #tpu.memory_space<vmem>> -> memref<53x128xf32, #tpu.memory_space<vmem>>
    %dma_wait3A_1777 = arith.constant 0 : i32
    %dma_wait3A_1778 = tpu.memref_slice %arg6[%add3A_1763, %dma_wait3A_1777] : memref<100000x128xf32, #tpu.memory_space<hbm>> -> memref<53x128xf32, #tpu.memory_space<hbm>>
    %dma_wait3A_1779 = arith.constant 0 : i32
    %dma_wait3A_1780 = tpu.memref_slice %arg6[%add3A_1763, %dma_wait3A_1779] : memref<100000x128xf32, #tpu.memory_space<hbm>> -> memref<53x128xf32, #tpu.memory_space<hbm>>
    %dma_wait3A_1781 = arith.constant 0 : i32
    %dma_wait3A_1782 = arith.constant 0 : i32
    %dma_wait3A_1783 = tpu.memref_slice %arg9[%dma_wait3A_1781, %dma_wait3A_1782] : memref<128x128xf32, #tpu.memory_space<vmem>> -> memref<53x128xf32, #tpu.memory_space<vmem>>
    tpu.wait_dma2 semaphore(%arg18 : memref<!tpu.dma_semaphore, #tpu.memory_space<semaphore_mem>>) src(%dma_wait3A_1783 : memref<53x128xf32, #tpu.memory_space<vmem>>) dst(%dma_wait3A_1780 : memref<53x128xf32, #tpu.memory_space<hbm>>)
    %dma_wait3A_1784 = arith.constant 0 : i32
    %dma_wait3A_1785 = arith.constant 0 : i32
    %dma_wait3A_1786 = tpu.memref_slice %arg10[%dma_wait3A_1784, %dma_wait3A_1785] : memref<128x128xf32, #tpu.memory_space<vmem>> -> memref<128x128xf32, #tpu.memory_space<vmem>>
    %dma_wait3A_1787 = arith.constant 0 : i32
    %dma_wait3A_1788 = tpu.memref_slice %arg6[%add3A_1683, %dma_wait3A_1787] : memref<100000x128xf32, #tpu.memory_space<hbm>> -> memref<128x128xf32, #tpu.memory_space<hbm>>
    %dma_wait3A_1789 = arith.constant 0 : i32
    %dma_wait3A_1790 = tpu.memref_slice %arg6[%add3A_1683, %dma_wait3A_1789] : memref<100000x128xf32, #tpu.memory_space<hbm>> -> memref<128x128xf32, #tpu.memory_space<hbm>>
    %dma_wait3A_1791 = arith.constant 0 : i32
    %dma_wait3A_1792 = arith.constant 0 : i32
    %dma_wait3A_1793 = tpu.memref_slice %arg10[%dma_wait3A_1791, %dma_wait3A_1792] : memref<128x128xf32, #tpu.memory_space<vmem>> -> memref<128x128xf32, #tpu.memory_space<vmem>>
    tpu.wait_dma2 semaphore(%arg19 : memref<!tpu.dma_semaphore, #tpu.memory_space<semaphore_mem>>) src(%dma_wait3A_1793 : memref<128x128xf32, #tpu.memory_space<vmem>>) dst(%dma_wait3A_1790 : memref<128x128xf32, #tpu.memory_space<hbm>>)
    %dma_wait3A_1794 = arith.constant 0 : i32
    %dma_wait3A_1795 = arith.constant 0 : i32
    %dma_wait3A_1796 = tpu.memref_slice %arg11[%dma_wait3A_1794, %dma_wait3A_1795] : memref<128x128xf32, #tpu.memory_space<vmem>> -> memref<128x128xf32, #tpu.memory_space<vmem>>
    %dma_wait3A_1797 = arith.constant 0 : i32
    %dma_wait3A_1798 = tpu.memref_slice %arg6[%add3A_1735, %dma_wait3A_1797] : memref<100000x128xf32, #tpu.memory_space<hbm>> -> memref<128x128xf32, #tpu.memory_space<hbm>>
    %dma_wait3A_1799 = arith.constant 0 : i32
    %dma_wait3A_1800 = tpu.memref_slice %arg6[%add3A_1735, %dma_wait3A_1799] : memref<100000x128xf32, #tpu.memory_space<hbm>> -> memref<128x128xf32, #tpu.memory_space<hbm>>
    %dma_wait3A_1801 = arith.constant 0 : i32
    %dma_wait3A_1802 = arith.constant 0 : i32
    %dma_wait3A_1803 = tpu.memref_slice %arg11[%dma_wait3A_1801, %dma_wait3A_1802] : memref<128x128xf32, #tpu.memory_space<vmem>> -> memref<128x128xf32, #tpu.memory_space<vmem>>
    tpu.wait_dma2 semaphore(%arg20 : memref<!tpu.dma_semaphore, #tpu.memory_space<semaphore_mem>>) src(%dma_wait3A_1803 : memref<128x128xf32, #tpu.memory_space<vmem>>) dst(%dma_wait3A_1800 : memref<128x128xf32, #tpu.memory_space<hbm>>)
    return
  }
}

module attributes {stable_mosaic.version = 14 : i64} {
  func.func @_build_body(%arg0: memref<119x128xf32, #tpu.memory_space<vmem>>, %arg1: memref<16x128xf32, #tpu.memory_space<vmem>>, %arg2: memref<16x128xf32, #tpu.memory_space<vmem>>, %arg3: memref<16x128xf32, #tpu.memory_space<vmem>>, %arg4: memref<8x128xf32, #tpu.memory_space<vmem>>, %arg5: memref<13x128xf32, #tpu.memory_space<vmem>>, %arg6: memref<16x128xf32, #tpu.memory_space<vmem>>, %arg7: memref<4x128xf32, #tpu.memory_space<vmem>>, %arg8: memref<2x128xf32, #tpu.memory_space<vmem>>, %arg9: memref<1920x128xf32, #tpu.memory_space<vmem>>, %arg10: memref<2048x128xf32, #tpu.memory_space<vmem>>, %arg11: memref<1408x128xf32, #tpu.memory_space<vmem>>) attributes {dimension_semantics = [], scalar_prefetch = 0 : i64, scratch_operands = 0 : i64, tpu.core_type = #tpu.core_type<tc>} {
    %get3A = arith.constant 0 : index
    %get3A_0 = arith.constant 0 : index
    %get3A_1 = vector.load %arg1[%get3A, %get3A_0] : memref<16x128xf32, #tpu.memory_space<vmem>>, vector<16x128xf32>
    %get3A_2 = arith.constant 0 : index
    %get3A_3 = arith.constant 0 : index
    %get3A_4 = vector.load %arg0[%get3A_2, %get3A_3] : memref<119x128xf32, #tpu.memory_space<vmem>>, vector<1x128xf32>
    %add3A = vector.broadcast %get3A_4 : vector<1x128xf32> to vector<16x128xf32>
    %add3A_5 = arith.addf %add3A, %get3A_1 : vector<16x128xf32>
    %get3A_6 = arith.constant 1 : index
    %get3A_7 = arith.constant 0 : index
    %get3A_8 = vector.load %arg0[%get3A_6, %get3A_7] : memref<119x128xf32, #tpu.memory_space<vmem>>, vector<1x128xf32>
    %add3A_9 = vector.broadcast %get3A_8 : vector<1x128xf32> to vector<16x128xf32>
    %add3A_10 = arith.addf %add3A_9, %get3A_1 : vector<16x128xf32>
    %get3A_11 = arith.constant 2 : index
    %get3A_12 = arith.constant 0 : index
    %get3A_13 = vector.load %arg0[%get3A_11, %get3A_12] : memref<119x128xf32, #tpu.memory_space<vmem>>, vector<1x128xf32>
    %add3A_14 = vector.broadcast %get3A_13 : vector<1x128xf32> to vector<16x128xf32>
    %add3A_15 = arith.addf %add3A_14, %get3A_1 : vector<16x128xf32>
    %get3A_16 = arith.constant 3 : index
    %get3A_17 = arith.constant 0 : index
    %get3A_18 = vector.load %arg0[%get3A_16, %get3A_17] : memref<119x128xf32, #tpu.memory_space<vmem>>, vector<1x128xf32>
    %add3A_19 = vector.broadcast %get3A_18 : vector<1x128xf32> to vector<16x128xf32>
    %add3A_20 = arith.addf %add3A_19, %get3A_1 : vector<16x128xf32>
    %get3A_21 = arith.constant 4 : index
    %get3A_22 = arith.constant 0 : index
    %get3A_23 = vector.load %arg0[%get3A_21, %get3A_22] : memref<119x128xf32, #tpu.memory_space<vmem>>, vector<1x128xf32>
    %add3A_24 = vector.broadcast %get3A_23 : vector<1x128xf32> to vector<16x128xf32>
    %add3A_25 = arith.addf %add3A_24, %get3A_1 : vector<16x128xf32>
    %get3A_26 = arith.constant 5 : index
    %get3A_27 = arith.constant 0 : index
    %get3A_28 = vector.load %arg0[%get3A_26, %get3A_27] : memref<119x128xf32, #tpu.memory_space<vmem>>, vector<1x128xf32>
    %add3A_29 = vector.broadcast %get3A_28 : vector<1x128xf32> to vector<16x128xf32>
    %add3A_30 = arith.addf %add3A_29, %get3A_1 : vector<16x128xf32>
    %get3A_31 = arith.constant 6 : index
    %get3A_32 = arith.constant 0 : index
    %get3A_33 = vector.load %arg0[%get3A_31, %get3A_32] : memref<119x128xf32, #tpu.memory_space<vmem>>, vector<1x128xf32>
    %add3A_34 = vector.broadcast %get3A_33 : vector<1x128xf32> to vector<16x128xf32>
    %add3A_35 = arith.addf %add3A_34, %get3A_1 : vector<16x128xf32>
    %get3A_36 = arith.constant 7 : index
    %get3A_37 = arith.constant 0 : index
    %get3A_38 = vector.load %arg0[%get3A_36, %get3A_37] : memref<119x128xf32, #tpu.memory_space<vmem>>, vector<1x128xf32>
    %add3A_39 = vector.broadcast %get3A_38 : vector<1x128xf32> to vector<16x128xf32>
    %add3A_40 = arith.addf %add3A_39, %get3A_1 : vector<16x128xf32>
    %get3A_41 = arith.constant 8 : index
    %get3A_42 = arith.constant 0 : index
    %get3A_43 = vector.load %arg0[%get3A_41, %get3A_42] : memref<119x128xf32, #tpu.memory_space<vmem>>, vector<1x128xf32>
    %add3A_44 = vector.broadcast %get3A_43 : vector<1x128xf32> to vector<16x128xf32>
    %add3A_45 = arith.addf %add3A_44, %get3A_1 : vector<16x128xf32>
    %get3A_46 = arith.constant 9 : index
    %get3A_47 = arith.constant 0 : index
    %get3A_48 = vector.load %arg0[%get3A_46, %get3A_47] : memref<119x128xf32, #tpu.memory_space<vmem>>, vector<1x128xf32>
    %add3A_49 = vector.broadcast %get3A_48 : vector<1x128xf32> to vector<16x128xf32>
    %add3A_50 = arith.addf %add3A_49, %get3A_1 : vector<16x128xf32>
    %get3A_51 = arith.constant 10 : index
    %get3A_52 = arith.constant 0 : index
    %get3A_53 = vector.load %arg0[%get3A_51, %get3A_52] : memref<119x128xf32, #tpu.memory_space<vmem>>, vector<1x128xf32>
    %add3A_54 = vector.broadcast %get3A_53 : vector<1x128xf32> to vector<16x128xf32>
    %add3A_55 = arith.addf %add3A_54, %get3A_1 : vector<16x128xf32>
    %get3A_56 = arith.constant 11 : index
    %get3A_57 = arith.constant 0 : index
    %get3A_58 = vector.load %arg0[%get3A_56, %get3A_57] : memref<119x128xf32, #tpu.memory_space<vmem>>, vector<1x128xf32>
    %add3A_59 = vector.broadcast %get3A_58 : vector<1x128xf32> to vector<16x128xf32>
    %add3A_60 = arith.addf %add3A_59, %get3A_1 : vector<16x128xf32>
    %get3A_61 = arith.constant 12 : index
    %get3A_62 = arith.constant 0 : index
    %get3A_63 = vector.load %arg0[%get3A_61, %get3A_62] : memref<119x128xf32, #tpu.memory_space<vmem>>, vector<1x128xf32>
    %add3A_64 = vector.broadcast %get3A_63 : vector<1x128xf32> to vector<16x128xf32>
    %add3A_65 = arith.addf %add3A_64, %get3A_1 : vector<16x128xf32>
    %get3A_66 = arith.constant 13 : index
    %get3A_67 = arith.constant 0 : index
    %get3A_68 = vector.load %arg0[%get3A_66, %get3A_67] : memref<119x128xf32, #tpu.memory_space<vmem>>, vector<1x128xf32>
    %add3A_69 = vector.broadcast %get3A_68 : vector<1x128xf32> to vector<16x128xf32>
    %add3A_70 = arith.addf %add3A_69, %get3A_1 : vector<16x128xf32>
    %get3A_71 = arith.constant 14 : index
    %get3A_72 = arith.constant 0 : index
    %get3A_73 = vector.load %arg0[%get3A_71, %get3A_72] : memref<119x128xf32, #tpu.memory_space<vmem>>, vector<1x128xf32>
    %add3A_74 = vector.broadcast %get3A_73 : vector<1x128xf32> to vector<16x128xf32>
    %add3A_75 = arith.addf %add3A_74, %get3A_1 : vector<16x128xf32>
    %get3A_76 = arith.constant 15 : index
    %get3A_77 = arith.constant 0 : index
    %get3A_78 = vector.load %arg0[%get3A_76, %get3A_77] : memref<119x128xf32, #tpu.memory_space<vmem>>, vector<1x128xf32>
    %add3A_79 = vector.broadcast %get3A_78 : vector<1x128xf32> to vector<16x128xf32>
    %add3A_80 = arith.addf %add3A_79, %get3A_1 : vector<16x128xf32>
    %get3A_81 = arith.constant 16 : index
    %get3A_82 = arith.constant 0 : index
    %get3A_83 = vector.load %arg0[%get3A_81, %get3A_82] : memref<119x128xf32, #tpu.memory_space<vmem>>, vector<1x128xf32>
    %add3A_84 = vector.broadcast %get3A_83 : vector<1x128xf32> to vector<16x128xf32>
    %add3A_85 = arith.addf %add3A_84, %get3A_1 : vector<16x128xf32>
    %get3A_86 = arith.constant 17 : index
    %get3A_87 = arith.constant 0 : index
    %get3A_88 = vector.load %arg0[%get3A_86, %get3A_87] : memref<119x128xf32, #tpu.memory_space<vmem>>, vector<1x128xf32>
    %add3A_89 = vector.broadcast %get3A_88 : vector<1x128xf32> to vector<16x128xf32>
    %add3A_90 = arith.addf %add3A_89, %get3A_1 : vector<16x128xf32>
    %get3A_91 = arith.constant 18 : index
    %get3A_92 = arith.constant 0 : index
    %get3A_93 = vector.load %arg0[%get3A_91, %get3A_92] : memref<119x128xf32, #tpu.memory_space<vmem>>, vector<1x128xf32>
    %add3A_94 = vector.broadcast %get3A_93 : vector<1x128xf32> to vector<16x128xf32>
    %add3A_95 = arith.addf %add3A_94, %get3A_1 : vector<16x128xf32>
    %get3A_96 = arith.constant 19 : index
    %get3A_97 = arith.constant 0 : index
    %get3A_98 = vector.load %arg0[%get3A_96, %get3A_97] : memref<119x128xf32, #tpu.memory_space<vmem>>, vector<1x128xf32>
    %add3A_99 = vector.broadcast %get3A_98 : vector<1x128xf32> to vector<16x128xf32>
    %add3A_100 = arith.addf %add3A_99, %get3A_1 : vector<16x128xf32>
    %get3A_101 = arith.constant 20 : index
    %get3A_102 = arith.constant 0 : index
    %get3A_103 = vector.load %arg0[%get3A_101, %get3A_102] : memref<119x128xf32, #tpu.memory_space<vmem>>, vector<1x128xf32>
    %add3A_104 = vector.broadcast %get3A_103 : vector<1x128xf32> to vector<16x128xf32>
    %add3A_105 = arith.addf %add3A_104, %get3A_1 : vector<16x128xf32>
    %get3A_106 = arith.constant 21 : index
    %get3A_107 = arith.constant 0 : index
    %get3A_108 = vector.load %arg0[%get3A_106, %get3A_107] : memref<119x128xf32, #tpu.memory_space<vmem>>, vector<1x128xf32>
    %add3A_109 = vector.broadcast %get3A_108 : vector<1x128xf32> to vector<16x128xf32>
    %add3A_110 = arith.addf %add3A_109, %get3A_1 : vector<16x128xf32>
    %get3A_111 = arith.constant 22 : index
    %get3A_112 = arith.constant 0 : index
    %get3A_113 = vector.load %arg0[%get3A_111, %get3A_112] : memref<119x128xf32, #tpu.memory_space<vmem>>, vector<1x128xf32>
    %add3A_114 = vector.broadcast %get3A_113 : vector<1x128xf32> to vector<16x128xf32>
    %add3A_115 = arith.addf %add3A_114, %get3A_1 : vector<16x128xf32>
    %get3A_116 = arith.constant 23 : index
    %get3A_117 = arith.constant 0 : index
    %get3A_118 = vector.load %arg0[%get3A_116, %get3A_117] : memref<119x128xf32, #tpu.memory_space<vmem>>, vector<1x128xf32>
    %add3A_119 = vector.broadcast %get3A_118 : vector<1x128xf32> to vector<16x128xf32>
    %add3A_120 = arith.addf %add3A_119, %get3A_1 : vector<16x128xf32>
    %get3A_121 = arith.constant 24 : index
    %get3A_122 = arith.constant 0 : index
    %get3A_123 = vector.load %arg0[%get3A_121, %get3A_122] : memref<119x128xf32, #tpu.memory_space<vmem>>, vector<1x128xf32>
    %add3A_124 = vector.broadcast %get3A_123 : vector<1x128xf32> to vector<16x128xf32>
    %add3A_125 = arith.addf %add3A_124, %get3A_1 : vector<16x128xf32>
    %get3A_126 = arith.constant 25 : index
    %get3A_127 = arith.constant 0 : index
    %get3A_128 = vector.load %arg0[%get3A_126, %get3A_127] : memref<119x128xf32, #tpu.memory_space<vmem>>, vector<1x128xf32>
    %add3A_129 = vector.broadcast %get3A_128 : vector<1x128xf32> to vector<16x128xf32>
    %add3A_130 = arith.addf %add3A_129, %get3A_1 : vector<16x128xf32>
    %get3A_131 = arith.constant 26 : index
    %get3A_132 = arith.constant 0 : index
    %get3A_133 = vector.load %arg0[%get3A_131, %get3A_132] : memref<119x128xf32, #tpu.memory_space<vmem>>, vector<1x128xf32>
    %add3A_134 = vector.broadcast %get3A_133 : vector<1x128xf32> to vector<16x128xf32>
    %add3A_135 = arith.addf %add3A_134, %get3A_1 : vector<16x128xf32>
    %get3A_136 = arith.constant 27 : index
    %get3A_137 = arith.constant 0 : index
    %get3A_138 = vector.load %arg0[%get3A_136, %get3A_137] : memref<119x128xf32, #tpu.memory_space<vmem>>, vector<1x128xf32>
    %add3A_139 = vector.broadcast %get3A_138 : vector<1x128xf32> to vector<16x128xf32>
    %add3A_140 = arith.addf %add3A_139, %get3A_1 : vector<16x128xf32>
    %get3A_141 = arith.constant 28 : index
    %get3A_142 = arith.constant 0 : index
    %get3A_143 = vector.load %arg0[%get3A_141, %get3A_142] : memref<119x128xf32, #tpu.memory_space<vmem>>, vector<1x128xf32>
    %add3A_144 = vector.broadcast %get3A_143 : vector<1x128xf32> to vector<16x128xf32>
    %add3A_145 = arith.addf %add3A_144, %get3A_1 : vector<16x128xf32>
    %get3A_146 = arith.constant 29 : index
    %get3A_147 = arith.constant 0 : index
    %get3A_148 = vector.load %arg0[%get3A_146, %get3A_147] : memref<119x128xf32, #tpu.memory_space<vmem>>, vector<1x128xf32>
    %add3A_149 = vector.broadcast %get3A_148 : vector<1x128xf32> to vector<16x128xf32>
    %add3A_150 = arith.addf %add3A_149, %get3A_1 : vector<16x128xf32>
    %get3A_151 = arith.constant 30 : index
    %get3A_152 = arith.constant 0 : index
    %get3A_153 = vector.load %arg0[%get3A_151, %get3A_152] : memref<119x128xf32, #tpu.memory_space<vmem>>, vector<1x128xf32>
    %add3A_154 = vector.broadcast %get3A_153 : vector<1x128xf32> to vector<16x128xf32>
    %add3A_155 = arith.addf %add3A_154, %get3A_1 : vector<16x128xf32>
    %get3A_156 = arith.constant 31 : index
    %get3A_157 = arith.constant 0 : index
    %get3A_158 = vector.load %arg0[%get3A_156, %get3A_157] : memref<119x128xf32, #tpu.memory_space<vmem>>, vector<1x128xf32>
    %add3A_159 = vector.broadcast %get3A_158 : vector<1x128xf32> to vector<16x128xf32>
    %add3A_160 = arith.addf %add3A_159, %get3A_1 : vector<16x128xf32>
    %get3A_161 = arith.constant 32 : index
    %get3A_162 = arith.constant 0 : index
    %get3A_163 = vector.load %arg0[%get3A_161, %get3A_162] : memref<119x128xf32, #tpu.memory_space<vmem>>, vector<1x128xf32>
    %add3A_164 = vector.broadcast %get3A_163 : vector<1x128xf32> to vector<16x128xf32>
    %add3A_165 = arith.addf %add3A_164, %get3A_1 : vector<16x128xf32>
    %get3A_166 = arith.constant 33 : index
    %get3A_167 = arith.constant 0 : index
    %get3A_168 = vector.load %arg0[%get3A_166, %get3A_167] : memref<119x128xf32, #tpu.memory_space<vmem>>, vector<1x128xf32>
    %add3A_169 = vector.broadcast %get3A_168 : vector<1x128xf32> to vector<16x128xf32>
    %add3A_170 = arith.addf %add3A_169, %get3A_1 : vector<16x128xf32>
    %get3A_171 = arith.constant 34 : index
    %get3A_172 = arith.constant 0 : index
    %get3A_173 = vector.load %arg0[%get3A_171, %get3A_172] : memref<119x128xf32, #tpu.memory_space<vmem>>, vector<1x128xf32>
    %add3A_174 = vector.broadcast %get3A_173 : vector<1x128xf32> to vector<16x128xf32>
    %add3A_175 = arith.addf %add3A_174, %get3A_1 : vector<16x128xf32>
    %get3A_176 = arith.constant 35 : index
    %get3A_177 = arith.constant 0 : index
    %get3A_178 = vector.load %arg0[%get3A_176, %get3A_177] : memref<119x128xf32, #tpu.memory_space<vmem>>, vector<1x128xf32>
    %add3A_179 = vector.broadcast %get3A_178 : vector<1x128xf32> to vector<16x128xf32>
    %add3A_180 = arith.addf %add3A_179, %get3A_1 : vector<16x128xf32>
    %get3A_181 = arith.constant 36 : index
    %get3A_182 = arith.constant 0 : index
    %get3A_183 = vector.load %arg0[%get3A_181, %get3A_182] : memref<119x128xf32, #tpu.memory_space<vmem>>, vector<1x128xf32>
    %add3A_184 = vector.broadcast %get3A_183 : vector<1x128xf32> to vector<16x128xf32>
    %add3A_185 = arith.addf %add3A_184, %get3A_1 : vector<16x128xf32>
    %get3A_186 = arith.constant 37 : index
    %get3A_187 = arith.constant 0 : index
    %get3A_188 = vector.load %arg0[%get3A_186, %get3A_187] : memref<119x128xf32, #tpu.memory_space<vmem>>, vector<1x128xf32>
    %add3A_189 = vector.broadcast %get3A_188 : vector<1x128xf32> to vector<16x128xf32>
    %add3A_190 = arith.addf %add3A_189, %get3A_1 : vector<16x128xf32>
    %get3A_191 = arith.constant 38 : index
    %get3A_192 = arith.constant 0 : index
    %get3A_193 = vector.load %arg0[%get3A_191, %get3A_192] : memref<119x128xf32, #tpu.memory_space<vmem>>, vector<1x128xf32>
    %add3A_194 = vector.broadcast %get3A_193 : vector<1x128xf32> to vector<16x128xf32>
    %add3A_195 = arith.addf %add3A_194, %get3A_1 : vector<16x128xf32>
    %get3A_196 = arith.constant 39 : index
    %get3A_197 = arith.constant 0 : index
    %get3A_198 = vector.load %arg0[%get3A_196, %get3A_197] : memref<119x128xf32, #tpu.memory_space<vmem>>, vector<1x128xf32>
    %add3A_199 = vector.broadcast %get3A_198 : vector<1x128xf32> to vector<16x128xf32>
    %add3A_200 = arith.addf %add3A_199, %get3A_1 : vector<16x128xf32>
    %get3A_201 = arith.constant 40 : index
    %get3A_202 = arith.constant 0 : index
    %get3A_203 = vector.load %arg0[%get3A_201, %get3A_202] : memref<119x128xf32, #tpu.memory_space<vmem>>, vector<1x128xf32>
    %add3A_204 = vector.broadcast %get3A_203 : vector<1x128xf32> to vector<16x128xf32>
    %add3A_205 = arith.addf %add3A_204, %get3A_1 : vector<16x128xf32>
    %get3A_206 = arith.constant 41 : index
    %get3A_207 = arith.constant 0 : index
    %get3A_208 = vector.load %arg0[%get3A_206, %get3A_207] : memref<119x128xf32, #tpu.memory_space<vmem>>, vector<1x128xf32>
    %add3A_209 = vector.broadcast %get3A_208 : vector<1x128xf32> to vector<16x128xf32>
    %add3A_210 = arith.addf %add3A_209, %get3A_1 : vector<16x128xf32>
    %get3A_211 = arith.constant 42 : index
    %get3A_212 = arith.constant 0 : index
    %get3A_213 = vector.load %arg0[%get3A_211, %get3A_212] : memref<119x128xf32, #tpu.memory_space<vmem>>, vector<1x128xf32>
    %add3A_214 = vector.broadcast %get3A_213 : vector<1x128xf32> to vector<16x128xf32>
    %add3A_215 = arith.addf %add3A_214, %get3A_1 : vector<16x128xf32>
    %get3A_216 = arith.constant 43 : index
    %get3A_217 = arith.constant 0 : index
    %get3A_218 = vector.load %arg0[%get3A_216, %get3A_217] : memref<119x128xf32, #tpu.memory_space<vmem>>, vector<1x128xf32>
    %add3A_219 = vector.broadcast %get3A_218 : vector<1x128xf32> to vector<16x128xf32>
    %add3A_220 = arith.addf %add3A_219, %get3A_1 : vector<16x128xf32>
    %get3A_221 = arith.constant 44 : index
    %get3A_222 = arith.constant 0 : index
    %get3A_223 = vector.load %arg0[%get3A_221, %get3A_222] : memref<119x128xf32, #tpu.memory_space<vmem>>, vector<1x128xf32>
    %add3A_224 = vector.broadcast %get3A_223 : vector<1x128xf32> to vector<16x128xf32>
    %add3A_225 = arith.addf %add3A_224, %get3A_1 : vector<16x128xf32>
    %get3A_226 = arith.constant 45 : index
    %get3A_227 = arith.constant 0 : index
    %get3A_228 = vector.load %arg0[%get3A_226, %get3A_227] : memref<119x128xf32, #tpu.memory_space<vmem>>, vector<1x128xf32>
    %add3A_229 = vector.broadcast %get3A_228 : vector<1x128xf32> to vector<16x128xf32>
    %add3A_230 = arith.addf %add3A_229, %get3A_1 : vector<16x128xf32>
    %get3A_231 = arith.constant 46 : index
    %get3A_232 = arith.constant 0 : index
    %get3A_233 = vector.load %arg0[%get3A_231, %get3A_232] : memref<119x128xf32, #tpu.memory_space<vmem>>, vector<1x128xf32>
    %add3A_234 = vector.broadcast %get3A_233 : vector<1x128xf32> to vector<16x128xf32>
    %add3A_235 = arith.addf %add3A_234, %get3A_1 : vector<16x128xf32>
    %get3A_236 = arith.constant 47 : index
    %get3A_237 = arith.constant 0 : index
    %get3A_238 = vector.load %arg0[%get3A_236, %get3A_237] : memref<119x128xf32, #tpu.memory_space<vmem>>, vector<1x128xf32>
    %add3A_239 = vector.broadcast %get3A_238 : vector<1x128xf32> to vector<16x128xf32>
    %add3A_240 = arith.addf %add3A_239, %get3A_1 : vector<16x128xf32>
    %get3A_241 = arith.constant 48 : index
    %get3A_242 = arith.constant 0 : index
    %get3A_243 = vector.load %arg0[%get3A_241, %get3A_242] : memref<119x128xf32, #tpu.memory_space<vmem>>, vector<1x128xf32>
    %add3A_244 = vector.broadcast %get3A_243 : vector<1x128xf32> to vector<16x128xf32>
    %add3A_245 = arith.addf %add3A_244, %get3A_1 : vector<16x128xf32>
    %get3A_246 = arith.constant 49 : index
    %get3A_247 = arith.constant 0 : index
    %get3A_248 = vector.load %arg0[%get3A_246, %get3A_247] : memref<119x128xf32, #tpu.memory_space<vmem>>, vector<1x128xf32>
    %add3A_249 = vector.broadcast %get3A_248 : vector<1x128xf32> to vector<16x128xf32>
    %add3A_250 = arith.addf %add3A_249, %get3A_1 : vector<16x128xf32>
    %get3A_251 = arith.constant 50 : index
    %get3A_252 = arith.constant 0 : index
    %get3A_253 = vector.load %arg0[%get3A_251, %get3A_252] : memref<119x128xf32, #tpu.memory_space<vmem>>, vector<1x128xf32>
    %add3A_254 = vector.broadcast %get3A_253 : vector<1x128xf32> to vector<16x128xf32>
    %add3A_255 = arith.addf %add3A_254, %get3A_1 : vector<16x128xf32>
    %get3A_256 = arith.constant 51 : index
    %get3A_257 = arith.constant 0 : index
    %get3A_258 = vector.load %arg0[%get3A_256, %get3A_257] : memref<119x128xf32, #tpu.memory_space<vmem>>, vector<1x128xf32>
    %add3A_259 = vector.broadcast %get3A_258 : vector<1x128xf32> to vector<16x128xf32>
    %add3A_260 = arith.addf %add3A_259, %get3A_1 : vector<16x128xf32>
    %get3A_261 = arith.constant 52 : index
    %get3A_262 = arith.constant 0 : index
    %get3A_263 = vector.load %arg0[%get3A_261, %get3A_262] : memref<119x128xf32, #tpu.memory_space<vmem>>, vector<1x128xf32>
    %add3A_264 = vector.broadcast %get3A_263 : vector<1x128xf32> to vector<16x128xf32>
    %add3A_265 = arith.addf %add3A_264, %get3A_1 : vector<16x128xf32>
    %get3A_266 = arith.constant 53 : index
    %get3A_267 = arith.constant 0 : index
    %get3A_268 = vector.load %arg0[%get3A_266, %get3A_267] : memref<119x128xf32, #tpu.memory_space<vmem>>, vector<1x128xf32>
    %add3A_269 = vector.broadcast %get3A_268 : vector<1x128xf32> to vector<16x128xf32>
    %add3A_270 = arith.addf %add3A_269, %get3A_1 : vector<16x128xf32>
    %get3A_271 = arith.constant 54 : index
    %get3A_272 = arith.constant 0 : index
    %get3A_273 = vector.load %arg0[%get3A_271, %get3A_272] : memref<119x128xf32, #tpu.memory_space<vmem>>, vector<1x128xf32>
    %add3A_274 = vector.broadcast %get3A_273 : vector<1x128xf32> to vector<16x128xf32>
    %add3A_275 = arith.addf %add3A_274, %get3A_1 : vector<16x128xf32>
    %get3A_276 = arith.constant 55 : index
    %get3A_277 = arith.constant 0 : index
    %get3A_278 = vector.load %arg0[%get3A_276, %get3A_277] : memref<119x128xf32, #tpu.memory_space<vmem>>, vector<1x128xf32>
    %add3A_279 = vector.broadcast %get3A_278 : vector<1x128xf32> to vector<16x128xf32>
    %add3A_280 = arith.addf %add3A_279, %get3A_1 : vector<16x128xf32>
    %get3A_281 = arith.constant 56 : index
    %get3A_282 = arith.constant 0 : index
    %get3A_283 = vector.load %arg0[%get3A_281, %get3A_282] : memref<119x128xf32, #tpu.memory_space<vmem>>, vector<1x128xf32>
    %add3A_284 = vector.broadcast %get3A_283 : vector<1x128xf32> to vector<16x128xf32>
    %add3A_285 = arith.addf %add3A_284, %get3A_1 : vector<16x128xf32>
    %get3A_286 = arith.constant 57 : index
    %get3A_287 = arith.constant 0 : index
    %get3A_288 = vector.load %arg0[%get3A_286, %get3A_287] : memref<119x128xf32, #tpu.memory_space<vmem>>, vector<1x128xf32>
    %add3A_289 = vector.broadcast %get3A_288 : vector<1x128xf32> to vector<16x128xf32>
    %add3A_290 = arith.addf %add3A_289, %get3A_1 : vector<16x128xf32>
    %get3A_291 = arith.constant 58 : index
    %get3A_292 = arith.constant 0 : index
    %get3A_293 = vector.load %arg0[%get3A_291, %get3A_292] : memref<119x128xf32, #tpu.memory_space<vmem>>, vector<1x128xf32>
    %add3A_294 = vector.broadcast %get3A_293 : vector<1x128xf32> to vector<16x128xf32>
    %add3A_295 = arith.addf %add3A_294, %get3A_1 : vector<16x128xf32>
    %get3A_296 = arith.constant 59 : index
    %get3A_297 = arith.constant 0 : index
    %get3A_298 = vector.load %arg0[%get3A_296, %get3A_297] : memref<119x128xf32, #tpu.memory_space<vmem>>, vector<1x128xf32>
    %add3A_299 = vector.broadcast %get3A_298 : vector<1x128xf32> to vector<16x128xf32>
    %add3A_300 = arith.addf %add3A_299, %get3A_1 : vector<16x128xf32>
    %get3A_301 = arith.constant 60 : index
    %get3A_302 = arith.constant 0 : index
    %get3A_303 = vector.load %arg0[%get3A_301, %get3A_302] : memref<119x128xf32, #tpu.memory_space<vmem>>, vector<1x128xf32>
    %add3A_304 = vector.broadcast %get3A_303 : vector<1x128xf32> to vector<16x128xf32>
    %add3A_305 = arith.addf %add3A_304, %get3A_1 : vector<16x128xf32>
    %get3A_306 = arith.constant 61 : index
    %get3A_307 = arith.constant 0 : index
    %get3A_308 = vector.load %arg0[%get3A_306, %get3A_307] : memref<119x128xf32, #tpu.memory_space<vmem>>, vector<1x128xf32>
    %add3A_309 = vector.broadcast %get3A_308 : vector<1x128xf32> to vector<16x128xf32>
    %add3A_310 = arith.addf %add3A_309, %get3A_1 : vector<16x128xf32>
    %get3A_311 = arith.constant 62 : index
    %get3A_312 = arith.constant 0 : index
    %get3A_313 = vector.load %arg0[%get3A_311, %get3A_312] : memref<119x128xf32, #tpu.memory_space<vmem>>, vector<1x128xf32>
    %add3A_314 = vector.broadcast %get3A_313 : vector<1x128xf32> to vector<16x128xf32>
    %add3A_315 = arith.addf %add3A_314, %get3A_1 : vector<16x128xf32>
    %get3A_316 = arith.constant 63 : index
    %get3A_317 = arith.constant 0 : index
    %get3A_318 = vector.load %arg0[%get3A_316, %get3A_317] : memref<119x128xf32, #tpu.memory_space<vmem>>, vector<1x128xf32>
    %add3A_319 = vector.broadcast %get3A_318 : vector<1x128xf32> to vector<16x128xf32>
    %add3A_320 = arith.addf %add3A_319, %get3A_1 : vector<16x128xf32>
    %get3A_321 = arith.constant 64 : index
    %get3A_322 = arith.constant 0 : index
    %get3A_323 = vector.load %arg0[%get3A_321, %get3A_322] : memref<119x128xf32, #tpu.memory_space<vmem>>, vector<1x128xf32>
    %add3A_324 = vector.broadcast %get3A_323 : vector<1x128xf32> to vector<16x128xf32>
    %add3A_325 = arith.addf %add3A_324, %get3A_1 : vector<16x128xf32>
    %get3A_326 = arith.constant 65 : index
    %get3A_327 = arith.constant 0 : index
    %get3A_328 = vector.load %arg0[%get3A_326, %get3A_327] : memref<119x128xf32, #tpu.memory_space<vmem>>, vector<1x128xf32>
    %add3A_329 = vector.broadcast %get3A_328 : vector<1x128xf32> to vector<16x128xf32>
    %add3A_330 = arith.addf %add3A_329, %get3A_1 : vector<16x128xf32>
    %get3A_331 = arith.constant 66 : index
    %get3A_332 = arith.constant 0 : index
    %get3A_333 = vector.load %arg0[%get3A_331, %get3A_332] : memref<119x128xf32, #tpu.memory_space<vmem>>, vector<1x128xf32>
    %add3A_334 = vector.broadcast %get3A_333 : vector<1x128xf32> to vector<16x128xf32>
    %add3A_335 = arith.addf %add3A_334, %get3A_1 : vector<16x128xf32>
    %get3A_336 = arith.constant 67 : index
    %get3A_337 = arith.constant 0 : index
    %get3A_338 = vector.load %arg0[%get3A_336, %get3A_337] : memref<119x128xf32, #tpu.memory_space<vmem>>, vector<1x128xf32>
    %add3A_339 = vector.broadcast %get3A_338 : vector<1x128xf32> to vector<16x128xf32>
    %add3A_340 = arith.addf %add3A_339, %get3A_1 : vector<16x128xf32>
    %get3A_341 = arith.constant 68 : index
    %get3A_342 = arith.constant 0 : index
    %get3A_343 = vector.load %arg0[%get3A_341, %get3A_342] : memref<119x128xf32, #tpu.memory_space<vmem>>, vector<1x128xf32>
    %add3A_344 = vector.broadcast %get3A_343 : vector<1x128xf32> to vector<16x128xf32>
    %add3A_345 = arith.addf %add3A_344, %get3A_1 : vector<16x128xf32>
    %get3A_346 = arith.constant 69 : index
    %get3A_347 = arith.constant 0 : index
    %get3A_348 = vector.load %arg0[%get3A_346, %get3A_347] : memref<119x128xf32, #tpu.memory_space<vmem>>, vector<1x128xf32>
    %add3A_349 = vector.broadcast %get3A_348 : vector<1x128xf32> to vector<16x128xf32>
    %add3A_350 = arith.addf %add3A_349, %get3A_1 : vector<16x128xf32>
    %get3A_351 = arith.constant 70 : index
    %get3A_352 = arith.constant 0 : index
    %get3A_353 = vector.load %arg0[%get3A_351, %get3A_352] : memref<119x128xf32, #tpu.memory_space<vmem>>, vector<1x128xf32>
    %add3A_354 = vector.broadcast %get3A_353 : vector<1x128xf32> to vector<16x128xf32>
    %add3A_355 = arith.addf %add3A_354, %get3A_1 : vector<16x128xf32>
    %get3A_356 = arith.constant 71 : index
    %get3A_357 = arith.constant 0 : index
    %get3A_358 = vector.load %arg0[%get3A_356, %get3A_357] : memref<119x128xf32, #tpu.memory_space<vmem>>, vector<1x128xf32>
    %add3A_359 = vector.broadcast %get3A_358 : vector<1x128xf32> to vector<16x128xf32>
    %add3A_360 = arith.addf %add3A_359, %get3A_1 : vector<16x128xf32>
    %get3A_361 = arith.constant 72 : index
    %get3A_362 = arith.constant 0 : index
    %get3A_363 = vector.load %arg0[%get3A_361, %get3A_362] : memref<119x128xf32, #tpu.memory_space<vmem>>, vector<1x128xf32>
    %add3A_364 = vector.broadcast %get3A_363 : vector<1x128xf32> to vector<16x128xf32>
    %add3A_365 = arith.addf %add3A_364, %get3A_1 : vector<16x128xf32>
    %get3A_366 = arith.constant 73 : index
    %get3A_367 = arith.constant 0 : index
    %get3A_368 = vector.load %arg0[%get3A_366, %get3A_367] : memref<119x128xf32, #tpu.memory_space<vmem>>, vector<1x128xf32>
    %add3A_369 = vector.broadcast %get3A_368 : vector<1x128xf32> to vector<16x128xf32>
    %add3A_370 = arith.addf %add3A_369, %get3A_1 : vector<16x128xf32>
    %get3A_371 = arith.constant 74 : index
    %get3A_372 = arith.constant 0 : index
    %get3A_373 = vector.load %arg0[%get3A_371, %get3A_372] : memref<119x128xf32, #tpu.memory_space<vmem>>, vector<1x128xf32>
    %add3A_374 = vector.broadcast %get3A_373 : vector<1x128xf32> to vector<16x128xf32>
    %add3A_375 = arith.addf %add3A_374, %get3A_1 : vector<16x128xf32>
    %get3A_376 = arith.constant 75 : index
    %get3A_377 = arith.constant 0 : index
    %get3A_378 = vector.load %arg0[%get3A_376, %get3A_377] : memref<119x128xf32, #tpu.memory_space<vmem>>, vector<1x128xf32>
    %add3A_379 = vector.broadcast %get3A_378 : vector<1x128xf32> to vector<16x128xf32>
    %add3A_380 = arith.addf %add3A_379, %get3A_1 : vector<16x128xf32>
    %get3A_381 = arith.constant 76 : index
    %get3A_382 = arith.constant 0 : index
    %get3A_383 = vector.load %arg0[%get3A_381, %get3A_382] : memref<119x128xf32, #tpu.memory_space<vmem>>, vector<1x128xf32>
    %add3A_384 = vector.broadcast %get3A_383 : vector<1x128xf32> to vector<16x128xf32>
    %add3A_385 = arith.addf %add3A_384, %get3A_1 : vector<16x128xf32>
    %get3A_386 = arith.constant 77 : index
    %get3A_387 = arith.constant 0 : index
    %get3A_388 = vector.load %arg0[%get3A_386, %get3A_387] : memref<119x128xf32, #tpu.memory_space<vmem>>, vector<1x128xf32>
    %add3A_389 = vector.broadcast %get3A_388 : vector<1x128xf32> to vector<16x128xf32>
    %add3A_390 = arith.addf %add3A_389, %get3A_1 : vector<16x128xf32>
    %get3A_391 = arith.constant 78 : index
    %get3A_392 = arith.constant 0 : index
    %get3A_393 = vector.load %arg0[%get3A_391, %get3A_392] : memref<119x128xf32, #tpu.memory_space<vmem>>, vector<1x128xf32>
    %add3A_394 = vector.broadcast %get3A_393 : vector<1x128xf32> to vector<16x128xf32>
    %add3A_395 = arith.addf %add3A_394, %get3A_1 : vector<16x128xf32>
    %get3A_396 = arith.constant 79 : index
    %get3A_397 = arith.constant 0 : index
    %get3A_398 = vector.load %arg0[%get3A_396, %get3A_397] : memref<119x128xf32, #tpu.memory_space<vmem>>, vector<1x128xf32>
    %add3A_399 = vector.broadcast %get3A_398 : vector<1x128xf32> to vector<16x128xf32>
    %add3A_400 = arith.addf %add3A_399, %get3A_1 : vector<16x128xf32>
    %get3A_401 = arith.constant 80 : index
    %get3A_402 = arith.constant 0 : index
    %get3A_403 = vector.load %arg0[%get3A_401, %get3A_402] : memref<119x128xf32, #tpu.memory_space<vmem>>, vector<1x128xf32>
    %add3A_404 = vector.broadcast %get3A_403 : vector<1x128xf32> to vector<16x128xf32>
    %add3A_405 = arith.addf %add3A_404, %get3A_1 : vector<16x128xf32>
    %get3A_406 = arith.constant 81 : index
    %get3A_407 = arith.constant 0 : index
    %get3A_408 = vector.load %arg0[%get3A_406, %get3A_407] : memref<119x128xf32, #tpu.memory_space<vmem>>, vector<1x128xf32>
    %add3A_409 = vector.broadcast %get3A_408 : vector<1x128xf32> to vector<16x128xf32>
    %add3A_410 = arith.addf %add3A_409, %get3A_1 : vector<16x128xf32>
    %get3A_411 = arith.constant 82 : index
    %get3A_412 = arith.constant 0 : index
    %get3A_413 = vector.load %arg0[%get3A_411, %get3A_412] : memref<119x128xf32, #tpu.memory_space<vmem>>, vector<1x128xf32>
    %add3A_414 = vector.broadcast %get3A_413 : vector<1x128xf32> to vector<16x128xf32>
    %add3A_415 = arith.addf %add3A_414, %get3A_1 : vector<16x128xf32>
    %get3A_416 = arith.constant 83 : index
    %get3A_417 = arith.constant 0 : index
    %get3A_418 = vector.load %arg0[%get3A_416, %get3A_417] : memref<119x128xf32, #tpu.memory_space<vmem>>, vector<1x128xf32>
    %add3A_419 = vector.broadcast %get3A_418 : vector<1x128xf32> to vector<16x128xf32>
    %add3A_420 = arith.addf %add3A_419, %get3A_1 : vector<16x128xf32>
    %get3A_421 = arith.constant 84 : index
    %get3A_422 = arith.constant 0 : index
    %get3A_423 = vector.load %arg0[%get3A_421, %get3A_422] : memref<119x128xf32, #tpu.memory_space<vmem>>, vector<1x128xf32>
    %add3A_424 = vector.broadcast %get3A_423 : vector<1x128xf32> to vector<16x128xf32>
    %add3A_425 = arith.addf %add3A_424, %get3A_1 : vector<16x128xf32>
    %get3A_426 = arith.constant 85 : index
    %get3A_427 = arith.constant 0 : index
    %get3A_428 = vector.load %arg0[%get3A_426, %get3A_427] : memref<119x128xf32, #tpu.memory_space<vmem>>, vector<1x128xf32>
    %add3A_429 = vector.broadcast %get3A_428 : vector<1x128xf32> to vector<16x128xf32>
    %add3A_430 = arith.addf %add3A_429, %get3A_1 : vector<16x128xf32>
    %get3A_431 = arith.constant 86 : index
    %get3A_432 = arith.constant 0 : index
    %get3A_433 = vector.load %arg0[%get3A_431, %get3A_432] : memref<119x128xf32, #tpu.memory_space<vmem>>, vector<1x128xf32>
    %add3A_434 = vector.broadcast %get3A_433 : vector<1x128xf32> to vector<16x128xf32>
    %add3A_435 = arith.addf %add3A_434, %get3A_1 : vector<16x128xf32>
    %get3A_436 = arith.constant 87 : index
    %get3A_437 = arith.constant 0 : index
    %get3A_438 = vector.load %arg0[%get3A_436, %get3A_437] : memref<119x128xf32, #tpu.memory_space<vmem>>, vector<1x128xf32>
    %add3A_439 = vector.broadcast %get3A_438 : vector<1x128xf32> to vector<16x128xf32>
    %add3A_440 = arith.addf %add3A_439, %get3A_1 : vector<16x128xf32>
    %get3A_441 = arith.constant 88 : index
    %get3A_442 = arith.constant 0 : index
    %get3A_443 = vector.load %arg0[%get3A_441, %get3A_442] : memref<119x128xf32, #tpu.memory_space<vmem>>, vector<1x128xf32>
    %add3A_444 = vector.broadcast %get3A_443 : vector<1x128xf32> to vector<16x128xf32>
    %add3A_445 = arith.addf %add3A_444, %get3A_1 : vector<16x128xf32>
    %get3A_446 = arith.constant 89 : index
    %get3A_447 = arith.constant 0 : index
    %get3A_448 = vector.load %arg0[%get3A_446, %get3A_447] : memref<119x128xf32, #tpu.memory_space<vmem>>, vector<1x128xf32>
    %add3A_449 = vector.broadcast %get3A_448 : vector<1x128xf32> to vector<16x128xf32>
    %add3A_450 = arith.addf %add3A_449, %get3A_1 : vector<16x128xf32>
    %get3A_451 = arith.constant 90 : index
    %get3A_452 = arith.constant 0 : index
    %get3A_453 = vector.load %arg0[%get3A_451, %get3A_452] : memref<119x128xf32, #tpu.memory_space<vmem>>, vector<1x128xf32>
    %add3A_454 = vector.broadcast %get3A_453 : vector<1x128xf32> to vector<16x128xf32>
    %add3A_455 = arith.addf %add3A_454, %get3A_1 : vector<16x128xf32>
    %get3A_456 = arith.constant 91 : index
    %get3A_457 = arith.constant 0 : index
    %get3A_458 = vector.load %arg0[%get3A_456, %get3A_457] : memref<119x128xf32, #tpu.memory_space<vmem>>, vector<1x128xf32>
    %add3A_459 = vector.broadcast %get3A_458 : vector<1x128xf32> to vector<16x128xf32>
    %add3A_460 = arith.addf %add3A_459, %get3A_1 : vector<16x128xf32>
    %get3A_461 = arith.constant 92 : index
    %get3A_462 = arith.constant 0 : index
    %get3A_463 = vector.load %arg0[%get3A_461, %get3A_462] : memref<119x128xf32, #tpu.memory_space<vmem>>, vector<1x128xf32>
    %add3A_464 = vector.broadcast %get3A_463 : vector<1x128xf32> to vector<16x128xf32>
    %add3A_465 = arith.addf %add3A_464, %get3A_1 : vector<16x128xf32>
    %get3A_466 = arith.constant 93 : index
    %get3A_467 = arith.constant 0 : index
    %get3A_468 = vector.load %arg0[%get3A_466, %get3A_467] : memref<119x128xf32, #tpu.memory_space<vmem>>, vector<1x128xf32>
    %add3A_469 = vector.broadcast %get3A_468 : vector<1x128xf32> to vector<16x128xf32>
    %add3A_470 = arith.addf %add3A_469, %get3A_1 : vector<16x128xf32>
    %get3A_471 = arith.constant 94 : index
    %get3A_472 = arith.constant 0 : index
    %get3A_473 = vector.load %arg0[%get3A_471, %get3A_472] : memref<119x128xf32, #tpu.memory_space<vmem>>, vector<1x128xf32>
    %add3A_474 = vector.broadcast %get3A_473 : vector<1x128xf32> to vector<16x128xf32>
    %add3A_475 = arith.addf %add3A_474, %get3A_1 : vector<16x128xf32>
    %get3A_476 = arith.constant 95 : index
    %get3A_477 = arith.constant 0 : index
    %get3A_478 = vector.load %arg0[%get3A_476, %get3A_477] : memref<119x128xf32, #tpu.memory_space<vmem>>, vector<1x128xf32>
    %add3A_479 = vector.broadcast %get3A_478 : vector<1x128xf32> to vector<16x128xf32>
    %add3A_480 = arith.addf %add3A_479, %get3A_1 : vector<16x128xf32>
    %get3A_481 = arith.constant 96 : index
    %get3A_482 = arith.constant 0 : index
    %get3A_483 = vector.load %arg0[%get3A_481, %get3A_482] : memref<119x128xf32, #tpu.memory_space<vmem>>, vector<1x128xf32>
    %add3A_484 = vector.broadcast %get3A_483 : vector<1x128xf32> to vector<16x128xf32>
    %add3A_485 = arith.addf %add3A_484, %get3A_1 : vector<16x128xf32>
    %get3A_486 = arith.constant 97 : index
    %get3A_487 = arith.constant 0 : index
    %get3A_488 = vector.load %arg0[%get3A_486, %get3A_487] : memref<119x128xf32, #tpu.memory_space<vmem>>, vector<1x128xf32>
    %add3A_489 = vector.broadcast %get3A_488 : vector<1x128xf32> to vector<16x128xf32>
    %add3A_490 = arith.addf %add3A_489, %get3A_1 : vector<16x128xf32>
    %get3A_491 = arith.constant 98 : index
    %get3A_492 = arith.constant 0 : index
    %get3A_493 = vector.load %arg0[%get3A_491, %get3A_492] : memref<119x128xf32, #tpu.memory_space<vmem>>, vector<1x128xf32>
    %add3A_494 = vector.broadcast %get3A_493 : vector<1x128xf32> to vector<16x128xf32>
    %add3A_495 = arith.addf %add3A_494, %get3A_1 : vector<16x128xf32>
    %get3A_496 = arith.constant 99 : index
    %get3A_497 = arith.constant 0 : index
    %get3A_498 = vector.load %arg0[%get3A_496, %get3A_497] : memref<119x128xf32, #tpu.memory_space<vmem>>, vector<1x128xf32>
    %add3A_499 = vector.broadcast %get3A_498 : vector<1x128xf32> to vector<16x128xf32>
    %add3A_500 = arith.addf %add3A_499, %get3A_1 : vector<16x128xf32>
    %get3A_501 = arith.constant 100 : index
    %get3A_502 = arith.constant 0 : index
    %get3A_503 = vector.load %arg0[%get3A_501, %get3A_502] : memref<119x128xf32, #tpu.memory_space<vmem>>, vector<1x128xf32>
    %add3A_504 = vector.broadcast %get3A_503 : vector<1x128xf32> to vector<16x128xf32>
    %add3A_505 = arith.addf %add3A_504, %get3A_1 : vector<16x128xf32>
    %get3A_506 = arith.constant 101 : index
    %get3A_507 = arith.constant 0 : index
    %get3A_508 = vector.load %arg0[%get3A_506, %get3A_507] : memref<119x128xf32, #tpu.memory_space<vmem>>, vector<1x128xf32>
    %add3A_509 = vector.broadcast %get3A_508 : vector<1x128xf32> to vector<16x128xf32>
    %add3A_510 = arith.addf %add3A_509, %get3A_1 : vector<16x128xf32>
    %get3A_511 = arith.constant 102 : index
    %get3A_512 = arith.constant 0 : index
    %get3A_513 = vector.load %arg0[%get3A_511, %get3A_512] : memref<119x128xf32, #tpu.memory_space<vmem>>, vector<1x128xf32>
    %add3A_514 = vector.broadcast %get3A_513 : vector<1x128xf32> to vector<16x128xf32>
    %add3A_515 = arith.addf %add3A_514, %get3A_1 : vector<16x128xf32>
    %get3A_516 = arith.constant 103 : index
    %get3A_517 = arith.constant 0 : index
    %get3A_518 = vector.load %arg0[%get3A_516, %get3A_517] : memref<119x128xf32, #tpu.memory_space<vmem>>, vector<1x128xf32>
    %add3A_519 = vector.broadcast %get3A_518 : vector<1x128xf32> to vector<16x128xf32>
    %add3A_520 = arith.addf %add3A_519, %get3A_1 : vector<16x128xf32>
    %get3A_521 = arith.constant 104 : index
    %get3A_522 = arith.constant 0 : index
    %get3A_523 = vector.load %arg0[%get3A_521, %get3A_522] : memref<119x128xf32, #tpu.memory_space<vmem>>, vector<1x128xf32>
    %add3A_524 = vector.broadcast %get3A_523 : vector<1x128xf32> to vector<16x128xf32>
    %add3A_525 = arith.addf %add3A_524, %get3A_1 : vector<16x128xf32>
    %get3A_526 = arith.constant 105 : index
    %get3A_527 = arith.constant 0 : index
    %get3A_528 = vector.load %arg0[%get3A_526, %get3A_527] : memref<119x128xf32, #tpu.memory_space<vmem>>, vector<1x128xf32>
    %add3A_529 = vector.broadcast %get3A_528 : vector<1x128xf32> to vector<16x128xf32>
    %add3A_530 = arith.addf %add3A_529, %get3A_1 : vector<16x128xf32>
    %get3A_531 = arith.constant 106 : index
    %get3A_532 = arith.constant 0 : index
    %get3A_533 = vector.load %arg0[%get3A_531, %get3A_532] : memref<119x128xf32, #tpu.memory_space<vmem>>, vector<1x128xf32>
    %add3A_534 = vector.broadcast %get3A_533 : vector<1x128xf32> to vector<16x128xf32>
    %add3A_535 = arith.addf %add3A_534, %get3A_1 : vector<16x128xf32>
    %get3A_536 = arith.constant 107 : index
    %get3A_537 = arith.constant 0 : index
    %get3A_538 = vector.load %arg0[%get3A_536, %get3A_537] : memref<119x128xf32, #tpu.memory_space<vmem>>, vector<1x128xf32>
    %add3A_539 = vector.broadcast %get3A_538 : vector<1x128xf32> to vector<16x128xf32>
    %add3A_540 = arith.addf %add3A_539, %get3A_1 : vector<16x128xf32>
    %get3A_541 = arith.constant 108 : index
    %get3A_542 = arith.constant 0 : index
    %get3A_543 = vector.load %arg0[%get3A_541, %get3A_542] : memref<119x128xf32, #tpu.memory_space<vmem>>, vector<1x128xf32>
    %add3A_544 = vector.broadcast %get3A_543 : vector<1x128xf32> to vector<16x128xf32>
    %add3A_545 = arith.addf %add3A_544, %get3A_1 : vector<16x128xf32>
    %get3A_546 = arith.constant 109 : index
    %get3A_547 = arith.constant 0 : index
    %get3A_548 = vector.load %arg0[%get3A_546, %get3A_547] : memref<119x128xf32, #tpu.memory_space<vmem>>, vector<1x128xf32>
    %add3A_549 = vector.broadcast %get3A_548 : vector<1x128xf32> to vector<16x128xf32>
    %add3A_550 = arith.addf %add3A_549, %get3A_1 : vector<16x128xf32>
    %get3A_551 = arith.constant 110 : index
    %get3A_552 = arith.constant 0 : index
    %get3A_553 = vector.load %arg0[%get3A_551, %get3A_552] : memref<119x128xf32, #tpu.memory_space<vmem>>, vector<1x128xf32>
    %add3A_554 = vector.broadcast %get3A_553 : vector<1x128xf32> to vector<16x128xf32>
    %add3A_555 = arith.addf %add3A_554, %get3A_1 : vector<16x128xf32>
    %get3A_556 = arith.constant 111 : index
    %get3A_557 = arith.constant 0 : index
    %get3A_558 = vector.load %arg0[%get3A_556, %get3A_557] : memref<119x128xf32, #tpu.memory_space<vmem>>, vector<1x128xf32>
    %add3A_559 = vector.broadcast %get3A_558 : vector<1x128xf32> to vector<16x128xf32>
    %add3A_560 = arith.addf %add3A_559, %get3A_1 : vector<16x128xf32>
    %get3A_561 = arith.constant 112 : index
    %get3A_562 = arith.constant 0 : index
    %get3A_563 = vector.load %arg0[%get3A_561, %get3A_562] : memref<119x128xf32, #tpu.memory_space<vmem>>, vector<1x128xf32>
    %add3A_564 = vector.broadcast %get3A_563 : vector<1x128xf32> to vector<16x128xf32>
    %add3A_565 = arith.addf %add3A_564, %get3A_1 : vector<16x128xf32>
    %get3A_566 = arith.constant 113 : index
    %get3A_567 = arith.constant 0 : index
    %get3A_568 = vector.load %arg0[%get3A_566, %get3A_567] : memref<119x128xf32, #tpu.memory_space<vmem>>, vector<1x128xf32>
    %add3A_569 = vector.broadcast %get3A_568 : vector<1x128xf32> to vector<16x128xf32>
    %add3A_570 = arith.addf %add3A_569, %get3A_1 : vector<16x128xf32>
    %get3A_571 = arith.constant 114 : index
    %get3A_572 = arith.constant 0 : index
    %get3A_573 = vector.load %arg0[%get3A_571, %get3A_572] : memref<119x128xf32, #tpu.memory_space<vmem>>, vector<1x128xf32>
    %add3A_574 = vector.broadcast %get3A_573 : vector<1x128xf32> to vector<16x128xf32>
    %add3A_575 = arith.addf %add3A_574, %get3A_1 : vector<16x128xf32>
    %get3A_576 = arith.constant 115 : index
    %get3A_577 = arith.constant 0 : index
    %get3A_578 = vector.load %arg0[%get3A_576, %get3A_577] : memref<119x128xf32, #tpu.memory_space<vmem>>, vector<1x128xf32>
    %add3A_579 = vector.broadcast %get3A_578 : vector<1x128xf32> to vector<16x128xf32>
    %add3A_580 = arith.addf %add3A_579, %get3A_1 : vector<16x128xf32>
    %get3A_581 = arith.constant 116 : index
    %get3A_582 = arith.constant 0 : index
    %get3A_583 = vector.load %arg0[%get3A_581, %get3A_582] : memref<119x128xf32, #tpu.memory_space<vmem>>, vector<1x128xf32>
    %add3A_584 = vector.broadcast %get3A_583 : vector<1x128xf32> to vector<16x128xf32>
    %add3A_585 = arith.addf %add3A_584, %get3A_1 : vector<16x128xf32>
    %get3A_586 = arith.constant 117 : index
    %get3A_587 = arith.constant 0 : index
    %get3A_588 = vector.load %arg0[%get3A_586, %get3A_587] : memref<119x128xf32, #tpu.memory_space<vmem>>, vector<1x128xf32>
    %add3A_589 = vector.broadcast %get3A_588 : vector<1x128xf32> to vector<16x128xf32>
    %add3A_590 = arith.addf %add3A_589, %get3A_1 : vector<16x128xf32>
    %get3A_591 = arith.constant 118 : index
    %get3A_592 = arith.constant 0 : index
    %get3A_593 = vector.load %arg0[%get3A_591, %get3A_592] : memref<119x128xf32, #tpu.memory_space<vmem>>, vector<1x128xf32>
    %add3A_594 = vector.broadcast %get3A_593 : vector<1x128xf32> to vector<16x128xf32>
    %add3A_595 = arith.addf %add3A_594, %get3A_1 : vector<16x128xf32>
    %get3A_596 = arith.constant 118 : index
    %get3A_597 = arith.constant 0 : index
    %get3A_598 = vector.load %arg0[%get3A_596, %get3A_597] : memref<119x128xf32, #tpu.memory_space<vmem>>, vector<1x128xf32>
    %add3A_599 = vector.broadcast %get3A_598 : vector<1x128xf32> to vector<16x128xf32>
    %add3A_600 = arith.addf %add3A_599, %get3A_1 : vector<16x128xf32>
    %concatenate3A = tpu.concatenate %add3A_5, %add3A_10, %add3A_15, %add3A_20, %add3A_25, %add3A_30, %add3A_35, %add3A_40, %add3A_45, %add3A_50, %add3A_55, %add3A_60, %add3A_65, %add3A_70, %add3A_75, %add3A_80, %add3A_85, %add3A_90, %add3A_95, %add3A_100, %add3A_105, %add3A_110, %add3A_115, %add3A_120, %add3A_125, %add3A_130, %add3A_135, %add3A_140, %add3A_145, %add3A_150, %add3A_155, %add3A_160, %add3A_165, %add3A_170, %add3A_175, %add3A_180, %add3A_185, %add3A_190, %add3A_195, %add3A_200, %add3A_205, %add3A_210, %add3A_215, %add3A_220, %add3A_225, %add3A_230, %add3A_235, %add3A_240, %add3A_245, %add3A_250, %add3A_255, %add3A_260, %add3A_265, %add3A_270, %add3A_275, %add3A_280, %add3A_285, %add3A_290, %add3A_295, %add3A_300, %add3A_305, %add3A_310, %add3A_315, %add3A_320, %add3A_325, %add3A_330, %add3A_335, %add3A_340, %add3A_345, %add3A_350, %add3A_355, %add3A_360, %add3A_365, %add3A_370, %add3A_375, %add3A_380, %add3A_385, %add3A_390, %add3A_395, %add3A_400, %add3A_405, %add3A_410, %add3A_415, %add3A_420, %add3A_425, %add3A_430, %add3A_435, %add3A_440, %add3A_445, %add3A_450, %add3A_455, %add3A_460, %add3A_465, %add3A_470, %add3A_475, %add3A_480, %add3A_485, %add3A_490, %add3A_495, %add3A_500, %add3A_505, %add3A_510, %add3A_515, %add3A_520, %add3A_525, %add3A_530, %add3A_535, %add3A_540, %add3A_545, %add3A_550, %add3A_555, %add3A_560, %add3A_565, %add3A_570, %add3A_575, %add3A_580, %add3A_585, %add3A_590, %add3A_595, %add3A_600 in 0 : vector<16x128xf32>, vector<16x128xf32>, vector<16x128xf32>, vector<16x128xf32>, vector<16x128xf32>, vector<16x128xf32>, vector<16x128xf32>, vector<16x128xf32>, vector<16x128xf32>, vector<16x128xf32>, vector<16x128xf32>, vector<16x128xf32>, vector<16x128xf32>, vector<16x128xf32>, vector<16x128xf32>, vector<16x128xf32>, vector<16x128xf32>, vector<16x128xf32>, vector<16x128xf32>, vector<16x128xf32>, vector<16x128xf32>, vector<16x128xf32>, vector<16x128xf32>, vector<16x128xf32>, vector<16x128xf32>, vector<16x128xf32>, vector<16x128xf32>, vector<16x128xf32>, vector<16x128xf32>, vector<16x128xf32>, vector<16x128xf32>, vector<16x128xf32>, vector<16x128xf32>, vector<16x128xf32>, vector<16x128xf32>, vector<16x128xf32>, vector<16x128xf32>, vector<16x128xf32>, vector<16x128xf32>, vector<16x128xf32>, vector<16x128xf32>, vector<16x128xf32>, vector<16x128xf32>, vector<16x128xf32>, vector<16x128xf32>, vector<16x128xf32>, vector<16x128xf32>, vector<16x128xf32>, vector<16x128xf32>, vector<16x128xf32>, vector<16x128xf32>, vector<16x128xf32>, vector<16x128xf32>, vector<16x128xf32>, vector<16x128xf32>, vector<16x128xf32>, vector<16x128xf32>, vector<16x128xf32>, vector<16x128xf32>, vector<16x128xf32>, vector<16x128xf32>, vector<16x128xf32>, vector<16x128xf32>, vector<16x128xf32>, vector<16x128xf32>, vector<16x128xf32>, vector<16x128xf32>, vector<16x128xf32>, vector<16x128xf32>, vector<16x128xf32>, vector<16x128xf32>, vector<16x128xf32>, vector<16x128xf32>, vector<16x128xf32>, vector<16x128xf32>, vector<16x128xf32>, vector<16x128xf32>, vector<16x128xf32>, vector<16x128xf32>, vector<16x128xf32>, vector<16x128xf32>, vector<16x128xf32>, vector<16x128xf32>, vector<16x128xf32>, vector<16x128xf32>, vector<16x128xf32>, vector<16x128xf32>, vector<16x128xf32>, vector<16x128xf32>, vector<16x128xf32>, vector<16x128xf32>, vector<16x128xf32>, vector<16x128xf32>, vector<16x128xf32>, vector<16x128xf32>, vector<16x128xf32>, vector<16x128xf32>, vector<16x128xf32>, vector<16x128xf32>, vector<16x128xf32>, vector<16x128xf32>, vector<16x128xf32>, vector<16x128xf32>, vector<16x128xf32>, vector<16x128xf32>, vector<16x128xf32>, vector<16x128xf32>, vector<16x128xf32>, vector<16x128xf32>, vector<16x128xf32>, vector<16x128xf32>, vector<16x128xf32>, vector<16x128xf32>, vector<16x128xf32>, vector<16x128xf32>, vector<16x128xf32>, vector<16x128xf32>, vector<16x128xf32>, vector<16x128xf32>, vector<16x128xf32> -> vector<1920x128xf32>
    %swap3A = arith.constant 0 : index
    %swap3A_601 = arith.constant 0 : index
    %swap3A_602 = vector.load %arg9[%swap3A, %swap3A_601] : memref<1920x128xf32, #tpu.memory_space<vmem>>, vector<1920x128xf32>
    tpu.vector_store %arg9[%swap3A, %swap3A_601], %concatenate3A {strides = array<i32>} : memref<1920x128xf32, #tpu.memory_space<vmem>>, vector<1920x128xf32>,
    %get3A_603 = arith.constant 0 : index
    %get3A_604 = arith.constant 0 : index
    %get3A_605 = vector.load %arg4[%get3A_603, %get3A_604] : memref<8x128xf32, #tpu.memory_space<vmem>>, vector<8x128xf32>
    %get3A_606 = arith.constant 0 : index
    %get3A_607 = arith.constant 0 : index
    %get3A_608 = vector.load %arg3[%get3A_606, %get3A_607] : memref<16x128xf32, #tpu.memory_space<vmem>>, vector<1x128xf32>
    %add3A_609 = vector.broadcast %get3A_608 : vector<1x128xf32> to vector<8x128xf32>
    %add3A_610 = arith.addf %add3A_609, %get3A_605 : vector<8x128xf32>
    %get3A_611 = arith.constant 1 : index
    %get3A_612 = arith.constant 0 : index
    %get3A_613 = vector.load %arg3[%get3A_611, %get3A_612] : memref<16x128xf32, #tpu.memory_space<vmem>>, vector<1x128xf32>
    %add3A_614 = vector.broadcast %get3A_613 : vector<1x128xf32> to vector<8x128xf32>
    %add3A_615 = arith.addf %add3A_614, %get3A_605 : vector<8x128xf32>
    %get3A_616 = arith.constant 2 : index
    %get3A_617 = arith.constant 0 : index
    %get3A_618 = vector.load %arg3[%get3A_616, %get3A_617] : memref<16x128xf32, #tpu.memory_space<vmem>>, vector<1x128xf32>
    %add3A_619 = vector.broadcast %get3A_618 : vector<1x128xf32> to vector<8x128xf32>
    %add3A_620 = arith.addf %add3A_619, %get3A_605 : vector<8x128xf32>
    %get3A_621 = arith.constant 3 : index
    %get3A_622 = arith.constant 0 : index
    %get3A_623 = vector.load %arg3[%get3A_621, %get3A_622] : memref<16x128xf32, #tpu.memory_space<vmem>>, vector<1x128xf32>
    %add3A_624 = vector.broadcast %get3A_623 : vector<1x128xf32> to vector<8x128xf32>
    %add3A_625 = arith.addf %add3A_624, %get3A_605 : vector<8x128xf32>
    %get3A_626 = arith.constant 4 : index
    %get3A_627 = arith.constant 0 : index
    %get3A_628 = vector.load %arg3[%get3A_626, %get3A_627] : memref<16x128xf32, #tpu.memory_space<vmem>>, vector<1x128xf32>
    %add3A_629 = vector.broadcast %get3A_628 : vector<1x128xf32> to vector<8x128xf32>
    %add3A_630 = arith.addf %add3A_629, %get3A_605 : vector<8x128xf32>
    %get3A_631 = arith.constant 5 : index
    %get3A_632 = arith.constant 0 : index
    %get3A_633 = vector.load %arg3[%get3A_631, %get3A_632] : memref<16x128xf32, #tpu.memory_space<vmem>>, vector<1x128xf32>
    %add3A_634 = vector.broadcast %get3A_633 : vector<1x128xf32> to vector<8x128xf32>
    %add3A_635 = arith.addf %add3A_634, %get3A_605 : vector<8x128xf32>
    %get3A_636 = arith.constant 6 : index
    %get3A_637 = arith.constant 0 : index
    %get3A_638 = vector.load %arg3[%get3A_636, %get3A_637] : memref<16x128xf32, #tpu.memory_space<vmem>>, vector<1x128xf32>
    %add3A_639 = vector.broadcast %get3A_638 : vector<1x128xf32> to vector<8x128xf32>
    %add3A_640 = arith.addf %add3A_639, %get3A_605 : vector<8x128xf32>
    %get3A_641 = arith.constant 7 : index
    %get3A_642 = arith.constant 0 : index
    %get3A_643 = vector.load %arg3[%get3A_641, %get3A_642] : memref<16x128xf32, #tpu.memory_space<vmem>>, vector<1x128xf32>
    %add3A_644 = vector.broadcast %get3A_643 : vector<1x128xf32> to vector<8x128xf32>
    %add3A_645 = arith.addf %add3A_644, %get3A_605 : vector<8x128xf32>
    %get3A_646 = arith.constant 8 : index
    %get3A_647 = arith.constant 0 : index
    %get3A_648 = vector.load %arg3[%get3A_646, %get3A_647] : memref<16x128xf32, #tpu.memory_space<vmem>>, vector<1x128xf32>
    %add3A_649 = vector.broadcast %get3A_648 : vector<1x128xf32> to vector<8x128xf32>
    %add3A_650 = arith.addf %add3A_649, %get3A_605 : vector<8x128xf32>
    %get3A_651 = arith.constant 9 : index
    %get3A_652 = arith.constant 0 : index
    %get3A_653 = vector.load %arg3[%get3A_651, %get3A_652] : memref<16x128xf32, #tpu.memory_space<vmem>>, vector<1x128xf32>
    %add3A_654 = vector.broadcast %get3A_653 : vector<1x128xf32> to vector<8x128xf32>
    %add3A_655 = arith.addf %add3A_654, %get3A_605 : vector<8x128xf32>
    %get3A_656 = arith.constant 10 : index
    %get3A_657 = arith.constant 0 : index
    %get3A_658 = vector.load %arg3[%get3A_656, %get3A_657] : memref<16x128xf32, #tpu.memory_space<vmem>>, vector<1x128xf32>
    %add3A_659 = vector.broadcast %get3A_658 : vector<1x128xf32> to vector<8x128xf32>
    %add3A_660 = arith.addf %add3A_659, %get3A_605 : vector<8x128xf32>
    %get3A_661 = arith.constant 11 : index
    %get3A_662 = arith.constant 0 : index
    %get3A_663 = vector.load %arg3[%get3A_661, %get3A_662] : memref<16x128xf32, #tpu.memory_space<vmem>>, vector<1x128xf32>
    %add3A_664 = vector.broadcast %get3A_663 : vector<1x128xf32> to vector<8x128xf32>
    %add3A_665 = arith.addf %add3A_664, %get3A_605 : vector<8x128xf32>
    %get3A_666 = arith.constant 12 : index
    %get3A_667 = arith.constant 0 : index
    %get3A_668 = vector.load %arg3[%get3A_666, %get3A_667] : memref<16x128xf32, #tpu.memory_space<vmem>>, vector<1x128xf32>
    %add3A_669 = vector.broadcast %get3A_668 : vector<1x128xf32> to vector<8x128xf32>
    %add3A_670 = arith.addf %add3A_669, %get3A_605 : vector<8x128xf32>
    %get3A_671 = arith.constant 13 : index
    %get3A_672 = arith.constant 0 : index
    %get3A_673 = vector.load %arg3[%get3A_671, %get3A_672] : memref<16x128xf32, #tpu.memory_space<vmem>>, vector<1x128xf32>
    %add3A_674 = vector.broadcast %get3A_673 : vector<1x128xf32> to vector<8x128xf32>
    %add3A_675 = arith.addf %add3A_674, %get3A_605 : vector<8x128xf32>
    %get3A_676 = arith.constant 14 : index
    %get3A_677 = arith.constant 0 : index
    %get3A_678 = vector.load %arg3[%get3A_676, %get3A_677] : memref<16x128xf32, #tpu.memory_space<vmem>>, vector<1x128xf32>
    %add3A_679 = vector.broadcast %get3A_678 : vector<1x128xf32> to vector<8x128xf32>
    %add3A_680 = arith.addf %add3A_679, %get3A_605 : vector<8x128xf32>
    %get3A_681 = arith.constant 15 : index
    %get3A_682 = arith.constant 0 : index
    %get3A_683 = vector.load %arg3[%get3A_681, %get3A_682] : memref<16x128xf32, #tpu.memory_space<vmem>>, vector<1x128xf32>
    %add3A_684 = vector.broadcast %get3A_683 : vector<1x128xf32> to vector<8x128xf32>
    %add3A_685 = arith.addf %add3A_684, %get3A_605 : vector<8x128xf32>
    %concatenate3A_686 = tpu.concatenate %add3A_610, %add3A_615, %add3A_620, %add3A_625, %add3A_630, %add3A_635, %add3A_640, %add3A_645, %add3A_650, %add3A_655, %add3A_660, %add3A_665, %add3A_670, %add3A_675, %add3A_680, %add3A_685 in 0 : vector<8x128xf32>, vector<8x128xf32>, vector<8x128xf32>, vector<8x128xf32>, vector<8x128xf32>, vector<8x128xf32>, vector<8x128xf32>, vector<8x128xf32>, vector<8x128xf32>, vector<8x128xf32>, vector<8x128xf32>, vector<8x128xf32>, vector<8x128xf32>, vector<8x128xf32>, vector<8x128xf32>, vector<8x128xf32> -> vector<128x128xf32>
    %get3A_687 = arith.constant 0 : index
    %get3A_688 = arith.constant 0 : index
    %get3A_689 = vector.load %arg2[%get3A_687, %get3A_688] : memref<16x128xf32, #tpu.memory_space<vmem>>, vector<1x128xf32>
    %add3A_690 = vector.broadcast %get3A_689 : vector<1x128xf32> to vector<128x128xf32>
    %add3A_691 = arith.addf %add3A_690, %concatenate3A_686 : vector<128x128xf32>
    %get3A_692 = arith.constant 1 : index
    %get3A_693 = arith.constant 0 : index
    %get3A_694 = vector.load %arg2[%get3A_692, %get3A_693] : memref<16x128xf32, #tpu.memory_space<vmem>>, vector<1x128xf32>
    %add3A_695 = vector.broadcast %get3A_694 : vector<1x128xf32> to vector<128x128xf32>
    %add3A_696 = arith.addf %add3A_695, %concatenate3A_686 : vector<128x128xf32>
    %get3A_697 = arith.constant 2 : index
    %get3A_698 = arith.constant 0 : index
    %get3A_699 = vector.load %arg2[%get3A_697, %get3A_698] : memref<16x128xf32, #tpu.memory_space<vmem>>, vector<1x128xf32>
    %add3A_700 = vector.broadcast %get3A_699 : vector<1x128xf32> to vector<128x128xf32>
    %add3A_701 = arith.addf %add3A_700, %concatenate3A_686 : vector<128x128xf32>
    %get3A_702 = arith.constant 3 : index
    %get3A_703 = arith.constant 0 : index
    %get3A_704 = vector.load %arg2[%get3A_702, %get3A_703] : memref<16x128xf32, #tpu.memory_space<vmem>>, vector<1x128xf32>
    %add3A_705 = vector.broadcast %get3A_704 : vector<1x128xf32> to vector<128x128xf32>
    %add3A_706 = arith.addf %add3A_705, %concatenate3A_686 : vector<128x128xf32>
    %get3A_707 = arith.constant 4 : index
    %get3A_708 = arith.constant 0 : index
    %get3A_709 = vector.load %arg2[%get3A_707, %get3A_708] : memref<16x128xf32, #tpu.memory_space<vmem>>, vector<1x128xf32>
    %add3A_710 = vector.broadcast %get3A_709 : vector<1x128xf32> to vector<128x128xf32>
    %add3A_711 = arith.addf %add3A_710, %concatenate3A_686 : vector<128x128xf32>
    %get3A_712 = arith.constant 5 : index
    %get3A_713 = arith.constant 0 : index
    %get3A_714 = vector.load %arg2[%get3A_712, %get3A_713] : memref<16x128xf32, #tpu.memory_space<vmem>>, vector<1x128xf32>
    %add3A_715 = vector.broadcast %get3A_714 : vector<1x128xf32> to vector<128x128xf32>
    %add3A_716 = arith.addf %add3A_715, %concatenate3A_686 : vector<128x128xf32>
    %get3A_717 = arith.constant 6 : index
    %get3A_718 = arith.constant 0 : index
    %get3A_719 = vector.load %arg2[%get3A_717, %get3A_718] : memref<16x128xf32, #tpu.memory_space<vmem>>, vector<1x128xf32>
    %add3A_720 = vector.broadcast %get3A_719 : vector<1x128xf32> to vector<128x128xf32>
    %add3A_721 = arith.addf %add3A_720, %concatenate3A_686 : vector<128x128xf32>
    %get3A_722 = arith.constant 7 : index
    %get3A_723 = arith.constant 0 : index
    %get3A_724 = vector.load %arg2[%get3A_722, %get3A_723] : memref<16x128xf32, #tpu.memory_space<vmem>>, vector<1x128xf32>
    %add3A_725 = vector.broadcast %get3A_724 : vector<1x128xf32> to vector<128x128xf32>
    %add3A_726 = arith.addf %add3A_725, %concatenate3A_686 : vector<128x128xf32>
    %get3A_727 = arith.constant 8 : index
    %get3A_728 = arith.constant 0 : index
    %get3A_729 = vector.load %arg2[%get3A_727, %get3A_728] : memref<16x128xf32, #tpu.memory_space<vmem>>, vector<1x128xf32>
    %add3A_730 = vector.broadcast %get3A_729 : vector<1x128xf32> to vector<128x128xf32>
    %add3A_731 = arith.addf %add3A_730, %concatenate3A_686 : vector<128x128xf32>
    %get3A_732 = arith.constant 9 : index
    %get3A_733 = arith.constant 0 : index
    %get3A_734 = vector.load %arg2[%get3A_732, %get3A_733] : memref<16x128xf32, #tpu.memory_space<vmem>>, vector<1x128xf32>
    %add3A_735 = vector.broadcast %get3A_734 : vector<1x128xf32> to vector<128x128xf32>
    %add3A_736 = arith.addf %add3A_735, %concatenate3A_686 : vector<128x128xf32>
    %get3A_737 = arith.constant 10 : index
    %get3A_738 = arith.constant 0 : index
    %get3A_739 = vector.load %arg2[%get3A_737, %get3A_738] : memref<16x128xf32, #tpu.memory_space<vmem>>, vector<1x128xf32>
    %add3A_740 = vector.broadcast %get3A_739 : vector<1x128xf32> to vector<128x128xf32>
    %add3A_741 = arith.addf %add3A_740, %concatenate3A_686 : vector<128x128xf32>
    %get3A_742 = arith.constant 11 : index
    %get3A_743 = arith.constant 0 : index
    %get3A_744 = vector.load %arg2[%get3A_742, %get3A_743] : memref<16x128xf32, #tpu.memory_space<vmem>>, vector<1x128xf32>
    %add3A_745 = vector.broadcast %get3A_744 : vector<1x128xf32> to vector<128x128xf32>
    %add3A_746 = arith.addf %add3A_745, %concatenate3A_686 : vector<128x128xf32>
    %get3A_747 = arith.constant 12 : index
    %get3A_748 = arith.constant 0 : index
    %get3A_749 = vector.load %arg2[%get3A_747, %get3A_748] : memref<16x128xf32, #tpu.memory_space<vmem>>, vector<1x128xf32>
    %add3A_750 = vector.broadcast %get3A_749 : vector<1x128xf32> to vector<128x128xf32>
    %add3A_751 = arith.addf %add3A_750, %concatenate3A_686 : vector<128x128xf32>
    %get3A_752 = arith.constant 13 : index
    %get3A_753 = arith.constant 0 : index
    %get3A_754 = vector.load %arg2[%get3A_752, %get3A_753] : memref<16x128xf32, #tpu.memory_space<vmem>>, vector<1x128xf32>
    %add3A_755 = vector.broadcast %get3A_754 : vector<1x128xf32> to vector<128x128xf32>
    %add3A_756 = arith.addf %add3A_755, %concatenate3A_686 : vector<128x128xf32>
    %get3A_757 = arith.constant 14 : index
    %get3A_758 = arith.constant 0 : index
    %get3A_759 = vector.load %arg2[%get3A_757, %get3A_758] : memref<16x128xf32, #tpu.memory_space<vmem>>, vector<1x128xf32>
    %add3A_760 = vector.broadcast %get3A_759 : vector<1x128xf32> to vector<128x128xf32>
    %add3A_761 = arith.addf %add3A_760, %concatenate3A_686 : vector<128x128xf32>
    %get3A_762 = arith.constant 15 : index
    %get3A_763 = arith.constant 0 : index
    %get3A_764 = vector.load %arg2[%get3A_762, %get3A_763] : memref<16x128xf32, #tpu.memory_space<vmem>>, vector<1x128xf32>
    %add3A_765 = vector.broadcast %get3A_764 : vector<1x128xf32> to vector<128x128xf32>
    %add3A_766 = arith.addf %add3A_765, %concatenate3A_686 : vector<128x128xf32>
    %concatenate3A_767 = tpu.concatenate %add3A_691, %add3A_696, %add3A_701, %add3A_706, %add3A_711, %add3A_716, %add3A_721, %add3A_726, %add3A_731, %add3A_736, %add3A_741, %add3A_746, %add3A_751, %add3A_756, %add3A_761, %add3A_766 in 0 : vector<128x128xf32>, vector<128x128xf32>, vector<128x128xf32>, vector<128x128xf32>, vector<128x128xf32>, vector<128x128xf32>, vector<128x128xf32>, vector<128x128xf32>, vector<128x128xf32>, vector<128x128xf32>, vector<128x128xf32>, vector<128x128xf32>, vector<128x128xf32>, vector<128x128xf32>, vector<128x128xf32>, vector<128x128xf32> -> vector<2048x128xf32>
    %swap3A_768 = arith.constant 0 : index
    %swap3A_769 = arith.constant 0 : index
    %swap3A_770 = vector.load %arg10[%swap3A_768, %swap3A_769] : memref<2048x128xf32, #tpu.memory_space<vmem>>, vector<2048x128xf32>
    tpu.vector_store %arg10[%swap3A_768, %swap3A_769], %concatenate3A_767 {strides = array<i32>} : memref<2048x128xf32, #tpu.memory_space<vmem>>, vector<2048x128xf32>,
    %get3A_771 = arith.constant 0 : index
    %get3A_772 = arith.constant 0 : index
    %get3A_773 = vector.load %arg7[%get3A_771, %get3A_772] : memref<4x128xf32, #tpu.memory_space<vmem>>, vector<1x128xf32>
    %get3A_774 = arith.constant 0 : index
    %get3A_775 = arith.constant 0 : index
    %get3A_776 = vector.load %arg8[%get3A_774, %get3A_775] : memref<2x128xf32, #tpu.memory_space<vmem>>, vector<1x128xf32>
    %add3A_777 = arith.addf %get3A_773, %get3A_776 : vector<1x128xf32>
    %get3A_778 = arith.constant 0 : index
    %get3A_779 = arith.constant 0 : index
    %get3A_780 = vector.load %arg7[%get3A_778, %get3A_779] : memref<4x128xf32, #tpu.memory_space<vmem>>, vector<1x128xf32>
    %get3A_781 = arith.constant 1 : index
    %get3A_782 = arith.constant 0 : index
    %get3A_783 = vector.load %arg8[%get3A_781, %get3A_782] : memref<2x128xf32, #tpu.memory_space<vmem>>, vector<1x128xf32>
    %add3A_784 = arith.addf %get3A_780, %get3A_783 : vector<1x128xf32>
    %get3A_785 = arith.constant 1 : index
    %get3A_786 = arith.constant 0 : index
    %get3A_787 = vector.load %arg7[%get3A_785, %get3A_786] : memref<4x128xf32, #tpu.memory_space<vmem>>, vector<1x128xf32>
    %get3A_788 = arith.constant 0 : index
    %get3A_789 = arith.constant 0 : index
    %get3A_790 = vector.load %arg8[%get3A_788, %get3A_789] : memref<2x128xf32, #tpu.memory_space<vmem>>, vector<1x128xf32>
    %add3A_791 = arith.addf %get3A_787, %get3A_790 : vector<1x128xf32>
    %get3A_792 = arith.constant 1 : index
    %get3A_793 = arith.constant 0 : index
    %get3A_794 = vector.load %arg7[%get3A_792, %get3A_793] : memref<4x128xf32, #tpu.memory_space<vmem>>, vector<1x128xf32>
    %get3A_795 = arith.constant 1 : index
    %get3A_796 = arith.constant 0 : index
    %get3A_797 = vector.load %arg8[%get3A_795, %get3A_796] : memref<2x128xf32, #tpu.memory_space<vmem>>, vector<1x128xf32>
    %add3A_798 = arith.addf %get3A_794, %get3A_797 : vector<1x128xf32>
    %get3A_799 = arith.constant 2 : index
    %get3A_800 = arith.constant 0 : index
    %get3A_801 = vector.load %arg7[%get3A_799, %get3A_800] : memref<4x128xf32, #tpu.memory_space<vmem>>, vector<1x128xf32>
    %get3A_802 = arith.constant 0 : index
    %get3A_803 = arith.constant 0 : index
    %get3A_804 = vector.load %arg8[%get3A_802, %get3A_803] : memref<2x128xf32, #tpu.memory_space<vmem>>, vector<1x128xf32>
    %add3A_805 = arith.addf %get3A_801, %get3A_804 : vector<1x128xf32>
    %get3A_806 = arith.constant 2 : index
    %get3A_807 = arith.constant 0 : index
    %get3A_808 = vector.load %arg7[%get3A_806, %get3A_807] : memref<4x128xf32, #tpu.memory_space<vmem>>, vector<1x128xf32>
    %get3A_809 = arith.constant 1 : index
    %get3A_810 = arith.constant 0 : index
    %get3A_811 = vector.load %arg8[%get3A_809, %get3A_810] : memref<2x128xf32, #tpu.memory_space<vmem>>, vector<1x128xf32>
    %add3A_812 = arith.addf %get3A_808, %get3A_811 : vector<1x128xf32>
    %get3A_813 = arith.constant 3 : index
    %get3A_814 = arith.constant 0 : index
    %get3A_815 = vector.load %arg7[%get3A_813, %get3A_814] : memref<4x128xf32, #tpu.memory_space<vmem>>, vector<1x128xf32>
    %get3A_816 = arith.constant 0 : index
    %get3A_817 = arith.constant 0 : index
    %get3A_818 = vector.load %arg8[%get3A_816, %get3A_817] : memref<2x128xf32, #tpu.memory_space<vmem>>, vector<1x128xf32>
    %add3A_819 = arith.addf %get3A_815, %get3A_818 : vector<1x128xf32>
    %get3A_820 = arith.constant 3 : index
    %get3A_821 = arith.constant 0 : index
    %get3A_822 = vector.load %arg7[%get3A_820, %get3A_821] : memref<4x128xf32, #tpu.memory_space<vmem>>, vector<1x128xf32>
    %get3A_823 = arith.constant 1 : index
    %get3A_824 = arith.constant 0 : index
    %get3A_825 = vector.load %arg8[%get3A_823, %get3A_824] : memref<2x128xf32, #tpu.memory_space<vmem>>, vector<1x128xf32>
    %add3A_826 = arith.addf %get3A_822, %get3A_825 : vector<1x128xf32>
    %concatenate3A_827 = tpu.concatenate %add3A_777, %add3A_784, %add3A_791, %add3A_798, %add3A_805, %add3A_812, %add3A_819, %add3A_826 in 0 : vector<1x128xf32>, vector<1x128xf32>, vector<1x128xf32>, vector<1x128xf32>, vector<1x128xf32>, vector<1x128xf32>, vector<1x128xf32>, vector<1x128xf32> -> vector<8x128xf32>
    %get3A_828 = arith.constant 0 : index
    %get3A_829 = arith.constant 0 : index
    %get3A_830 = vector.load %arg6[%get3A_828, %get3A_829] : memref<16x128xf32, #tpu.memory_space<vmem>>, vector<1x128xf32>
    %add3A_831 = vector.broadcast %get3A_830 : vector<1x128xf32> to vector<8x128xf32>
    %add3A_832 = arith.addf %add3A_831, %concatenate3A_827 : vector<8x128xf32>
    %get3A_833 = arith.constant 1 : index
    %get3A_834 = arith.constant 0 : index
    %get3A_835 = vector.load %arg6[%get3A_833, %get3A_834] : memref<16x128xf32, #tpu.memory_space<vmem>>, vector<1x128xf32>
    %add3A_836 = vector.broadcast %get3A_835 : vector<1x128xf32> to vector<8x128xf32>
    %add3A_837 = arith.addf %add3A_836, %concatenate3A_827 : vector<8x128xf32>
    %get3A_838 = arith.constant 2 : index
    %get3A_839 = arith.constant 0 : index
    %get3A_840 = vector.load %arg6[%get3A_838, %get3A_839] : memref<16x128xf32, #tpu.memory_space<vmem>>, vector<1x128xf32>
    %add3A_841 = vector.broadcast %get3A_840 : vector<1x128xf32> to vector<8x128xf32>
    %add3A_842 = arith.addf %add3A_841, %concatenate3A_827 : vector<8x128xf32>
    %get3A_843 = arith.constant 3 : index
    %get3A_844 = arith.constant 0 : index
    %get3A_845 = vector.load %arg6[%get3A_843, %get3A_844] : memref<16x128xf32, #tpu.memory_space<vmem>>, vector<1x128xf32>
    %add3A_846 = vector.broadcast %get3A_845 : vector<1x128xf32> to vector<8x128xf32>
    %add3A_847 = arith.addf %add3A_846, %concatenate3A_827 : vector<8x128xf32>
    %get3A_848 = arith.constant 4 : index
    %get3A_849 = arith.constant 0 : index
    %get3A_850 = vector.load %arg6[%get3A_848, %get3A_849] : memref<16x128xf32, #tpu.memory_space<vmem>>, vector<1x128xf32>
    %add3A_851 = vector.broadcast %get3A_850 : vector<1x128xf32> to vector<8x128xf32>
    %add3A_852 = arith.addf %add3A_851, %concatenate3A_827 : vector<8x128xf32>
    %get3A_853 = arith.constant 5 : index
    %get3A_854 = arith.constant 0 : index
    %get3A_855 = vector.load %arg6[%get3A_853, %get3A_854] : memref<16x128xf32, #tpu.memory_space<vmem>>, vector<1x128xf32>
    %add3A_856 = vector.broadcast %get3A_855 : vector<1x128xf32> to vector<8x128xf32>
    %add3A_857 = arith.addf %add3A_856, %concatenate3A_827 : vector<8x128xf32>
    %get3A_858 = arith.constant 6 : index
    %get3A_859 = arith.constant 0 : index
    %get3A_860 = vector.load %arg6[%get3A_858, %get3A_859] : memref<16x128xf32, #tpu.memory_space<vmem>>, vector<1x128xf32>
    %add3A_861 = vector.broadcast %get3A_860 : vector<1x128xf32> to vector<8x128xf32>
    %add3A_862 = arith.addf %add3A_861, %concatenate3A_827 : vector<8x128xf32>
    %get3A_863 = arith.constant 7 : index
    %get3A_864 = arith.constant 0 : index
    %get3A_865 = vector.load %arg6[%get3A_863, %get3A_864] : memref<16x128xf32, #tpu.memory_space<vmem>>, vector<1x128xf32>
    %add3A_866 = vector.broadcast %get3A_865 : vector<1x128xf32> to vector<8x128xf32>
    %add3A_867 = arith.addf %add3A_866, %concatenate3A_827 : vector<8x128xf32>
    %get3A_868 = arith.constant 8 : index
    %get3A_869 = arith.constant 0 : index
    %get3A_870 = vector.load %arg6[%get3A_868, %get3A_869] : memref<16x128xf32, #tpu.memory_space<vmem>>, vector<1x128xf32>
    %add3A_871 = vector.broadcast %get3A_870 : vector<1x128xf32> to vector<8x128xf32>
    %add3A_872 = arith.addf %add3A_871, %concatenate3A_827 : vector<8x128xf32>
    %get3A_873 = arith.constant 9 : index
    %get3A_874 = arith.constant 0 : index
    %get3A_875 = vector.load %arg6[%get3A_873, %get3A_874] : memref<16x128xf32, #tpu.memory_space<vmem>>, vector<1x128xf32>
    %add3A_876 = vector.broadcast %get3A_875 : vector<1x128xf32> to vector<8x128xf32>
    %add3A_877 = arith.addf %add3A_876, %concatenate3A_827 : vector<8x128xf32>
    %get3A_878 = arith.constant 10 : index
    %get3A_879 = arith.constant 0 : index
    %get3A_880 = vector.load %arg6[%get3A_878, %get3A_879] : memref<16x128xf32, #tpu.memory_space<vmem>>, vector<1x128xf32>
    %add3A_881 = vector.broadcast %get3A_880 : vector<1x128xf32> to vector<8x128xf32>
    %add3A_882 = arith.addf %add3A_881, %concatenate3A_827 : vector<8x128xf32>
    %get3A_883 = arith.constant 11 : index
    %get3A_884 = arith.constant 0 : index
    %get3A_885 = vector.load %arg6[%get3A_883, %get3A_884] : memref<16x128xf32, #tpu.memory_space<vmem>>, vector<1x128xf32>
    %add3A_886 = vector.broadcast %get3A_885 : vector<1x128xf32> to vector<8x128xf32>
    %add3A_887 = arith.addf %add3A_886, %concatenate3A_827 : vector<8x128xf32>
    %get3A_888 = arith.constant 12 : index
    %get3A_889 = arith.constant 0 : index
    %get3A_890 = vector.load %arg6[%get3A_888, %get3A_889] : memref<16x128xf32, #tpu.memory_space<vmem>>, vector<1x128xf32>
    %add3A_891 = vector.broadcast %get3A_890 : vector<1x128xf32> to vector<8x128xf32>
    %add3A_892 = arith.addf %add3A_891, %concatenate3A_827 : vector<8x128xf32>
    %concatenate3A_893 = tpu.concatenate %add3A_832, %add3A_837, %add3A_842, %add3A_847, %add3A_852, %add3A_857, %add3A_862, %add3A_867, %add3A_872, %add3A_877, %add3A_882, %add3A_887, %add3A_892 in 0 : vector<8x128xf32>, vector<8x128xf32>, vector<8x128xf32>, vector<8x128xf32>, vector<8x128xf32>, vector<8x128xf32>, vector<8x128xf32>, vector<8x128xf32>, vector<8x128xf32>, vector<8x128xf32>, vector<8x128xf32>, vector<8x128xf32>, vector<8x128xf32> -> vector<104x128xf32>
    %get3A_894 = arith.constant 0 : index
    %get3A_895 = arith.constant 0 : index
    %get3A_896 = vector.load %arg5[%get3A_894, %get3A_895] : memref<13x128xf32, #tpu.memory_space<vmem>>, vector<1x128xf32>
    %add3A_897 = vector.broadcast %get3A_896 : vector<1x128xf32> to vector<104x128xf32>
    %add3A_898 = arith.addf %add3A_897, %concatenate3A_893 : vector<104x128xf32>
    %get3A_899 = arith.constant 1 : index
    %get3A_900 = arith.constant 0 : index
    %get3A_901 = vector.load %arg5[%get3A_899, %get3A_900] : memref<13x128xf32, #tpu.memory_space<vmem>>, vector<1x128xf32>
    %add3A_902 = vector.broadcast %get3A_901 : vector<1x128xf32> to vector<104x128xf32>
    %add3A_903 = arith.addf %add3A_902, %concatenate3A_893 : vector<104x128xf32>
    %get3A_904 = arith.constant 2 : index
    %get3A_905 = arith.constant 0 : index
    %get3A_906 = vector.load %arg5[%get3A_904, %get3A_905] : memref<13x128xf32, #tpu.memory_space<vmem>>, vector<1x128xf32>
    %add3A_907 = vector.broadcast %get3A_906 : vector<1x128xf32> to vector<104x128xf32>
    %add3A_908 = arith.addf %add3A_907, %concatenate3A_893 : vector<104x128xf32>
    %get3A_909 = arith.constant 3 : index
    %get3A_910 = arith.constant 0 : index
    %get3A_911 = vector.load %arg5[%get3A_909, %get3A_910] : memref<13x128xf32, #tpu.memory_space<vmem>>, vector<1x128xf32>
    %add3A_912 = vector.broadcast %get3A_911 : vector<1x128xf32> to vector<104x128xf32>
    %add3A_913 = arith.addf %add3A_912, %concatenate3A_893 : vector<104x128xf32>
    %get3A_914 = arith.constant 4 : index
    %get3A_915 = arith.constant 0 : index
    %get3A_916 = vector.load %arg5[%get3A_914, %get3A_915] : memref<13x128xf32, #tpu.memory_space<vmem>>, vector<1x128xf32>
    %add3A_917 = vector.broadcast %get3A_916 : vector<1x128xf32> to vector<104x128xf32>
    %add3A_918 = arith.addf %add3A_917, %concatenate3A_893 : vector<104x128xf32>
    %get3A_919 = arith.constant 5 : index
    %get3A_920 = arith.constant 0 : index
    %get3A_921 = vector.load %arg5[%get3A_919, %get3A_920] : memref<13x128xf32, #tpu.memory_space<vmem>>, vector<1x128xf32>
    %add3A_922 = vector.broadcast %get3A_921 : vector<1x128xf32> to vector<104x128xf32>
    %add3A_923 = arith.addf %add3A_922, %concatenate3A_893 : vector<104x128xf32>
    %get3A_924 = arith.constant 6 : index
    %get3A_925 = arith.constant 0 : index
    %get3A_926 = vector.load %arg5[%get3A_924, %get3A_925] : memref<13x128xf32, #tpu.memory_space<vmem>>, vector<1x128xf32>
    %add3A_927 = vector.broadcast %get3A_926 : vector<1x128xf32> to vector<104x128xf32>
    %add3A_928 = arith.addf %add3A_927, %concatenate3A_893 : vector<104x128xf32>
    %get3A_929 = arith.constant 7 : index
    %get3A_930 = arith.constant 0 : index
    %get3A_931 = vector.load %arg5[%get3A_929, %get3A_930] : memref<13x128xf32, #tpu.memory_space<vmem>>, vector<1x128xf32>
    %add3A_932 = vector.broadcast %get3A_931 : vector<1x128xf32> to vector<104x128xf32>
    %add3A_933 = arith.addf %add3A_932, %concatenate3A_893 : vector<104x128xf32>
    %get3A_934 = arith.constant 8 : index
    %get3A_935 = arith.constant 0 : index
    %get3A_936 = vector.load %arg5[%get3A_934, %get3A_935] : memref<13x128xf32, #tpu.memory_space<vmem>>, vector<1x128xf32>
    %add3A_937 = vector.broadcast %get3A_936 : vector<1x128xf32> to vector<104x128xf32>
    %add3A_938 = arith.addf %add3A_937, %concatenate3A_893 : vector<104x128xf32>
    %get3A_939 = arith.constant 9 : index
    %get3A_940 = arith.constant 0 : index
    %get3A_941 = vector.load %arg5[%get3A_939, %get3A_940] : memref<13x128xf32, #tpu.memory_space<vmem>>, vector<1x128xf32>
    %add3A_942 = vector.broadcast %get3A_941 : vector<1x128xf32> to vector<104x128xf32>
    %add3A_943 = arith.addf %add3A_942, %concatenate3A_893 : vector<104x128xf32>
    %get3A_944 = arith.constant 10 : index
    %get3A_945 = arith.constant 0 : index
    %get3A_946 = vector.load %arg5[%get3A_944, %get3A_945] : memref<13x128xf32, #tpu.memory_space<vmem>>, vector<1x128xf32>
    %add3A_947 = vector.broadcast %get3A_946 : vector<1x128xf32> to vector<104x128xf32>
    %add3A_948 = arith.addf %add3A_947, %concatenate3A_893 : vector<104x128xf32>
    %get3A_949 = arith.constant 11 : index
    %get3A_950 = arith.constant 0 : index
    %get3A_951 = vector.load %arg5[%get3A_949, %get3A_950] : memref<13x128xf32, #tpu.memory_space<vmem>>, vector<1x128xf32>
    %add3A_952 = vector.broadcast %get3A_951 : vector<1x128xf32> to vector<104x128xf32>
    %add3A_953 = arith.addf %add3A_952, %concatenate3A_893 : vector<104x128xf32>
    %get3A_954 = arith.constant 12 : index
    %get3A_955 = arith.constant 0 : index
    %get3A_956 = vector.load %arg5[%get3A_954, %get3A_955] : memref<13x128xf32, #tpu.memory_space<vmem>>, vector<1x128xf32>
    %add3A_957 = vector.broadcast %get3A_956 : vector<1x128xf32> to vector<104x128xf32>
    %add3A_958 = arith.addf %add3A_957, %concatenate3A_893 : vector<104x128xf32>
    %broadcast_in_dim3A = arith.constant 0.000000e+00 : f32
    %broadcast_in_dim3A_959 = vector.broadcast %broadcast_in_dim3A : f32 to vector<56x128xf32>
    %concatenate3A_960 = tpu.concatenate %add3A_898, %add3A_903, %add3A_908, %add3A_913, %add3A_918, %add3A_923, %add3A_928, %add3A_933, %add3A_938, %add3A_943, %add3A_948, %add3A_953, %add3A_958, %broadcast_in_dim3A_959 in 0 : vector<104x128xf32>, vector<104x128xf32>, vector<104x128xf32>, vector<104x128xf32>, vector<104x128xf32>, vector<104x128xf32>, vector<104x128xf32>, vector<104x128xf32>, vector<104x128xf32>, vector<104x128xf32>, vector<104x128xf32>, vector<104x128xf32>, vector<104x128xf32>, vector<56x128xf32> -> vector<1408x128xf32>
    %swap3A_961 = arith.constant 0 : index
    %swap3A_962 = arith.constant 0 : index
    %swap3A_963 = vector.load %arg11[%swap3A_961, %swap3A_962] : memref<1408x128xf32, #tpu.memory_space<vmem>>, vector<1408x128xf32>
    tpu.vector_store %arg11[%swap3A_961, %swap3A_962], %concatenate3A_960 {strides = array<i32>} : memref<1408x128xf32, #tpu.memory_space<vmem>>, vector<1408x128xf32>,
    return
  }
}

</mosaic_0001>

<sc_bundles>
// kernel: kernel.4.cloned.1.call-start
scs
__scs_entry_jumppad:
0x0: {  	(pc) =	sbr.rel $0x88, $3  }
0x1: {  	(tag) =	ssettag $0x0;
	lr =	simm.s32 $0x1  }
0x2: {  	[smem:$0x3F8F] =	sst lr;
	_ =	strace $0xD0000000  }
0x3: {  	_ = 	snop  }
0x4: {  	_ = 	snop  }
0x5: {  	_ = 	snop  }
0x6: {  	_ = 	snop  }
0x7: {  	_ = 	snop  }
__scs_overlays_trampoline_lowered:
0x8: {  	[smem:$0x3F9E] =	sst s0  }
0x9: {  	[smem:$0x3F9F] =	sst s1  }
0xa: {  	[smem:$0x3FA0] =	sst s2  }
0xb: {  	[smem:$0x3FA1] =	sst s3  }
0xc: {  	[smem:$0x3FA2] =	sst s4  }
0xd: {  	[smem:$0x3FA3] =	sst s5  }
0xe: {  	[smem:$0x3FA4] =	sst s6  }
0xf: {  	[smem:$0x3FA5] =	sst s7  }
0x10: {  	[smem:$0x3FA6] =	sst s8  }
0x11: {  	[smem:$0x3FA7] =	sst s9;
	s0 =	simm.s32 @!p0 $0x0  }
0x12: {  	s1 =	sld [smem:$0x3F8D];
	s0 =	simm.s32 @p0 $0x1  }
0x13: {  	[smem:$0x3FA8] =	sst s0;
	s0 =	simm.s32 @!p1 $0x0  }
0x14: {  	s2 =	sld [smem:$0x3F8C];
	s0 =	simm.s32 @p1 $0x1  }
0x15: {  	[smem:$0x3FA9] =	sst s0;
	s0 =	simm.s32 @!p2 $0x0  }
0x16: {  	s3 =	sld [smem:$0x3FDB];
	s0 =	simm.s32 @p2 $0x1  }
0x17: {  	s4 =	simm.s32 $0x1BF5;
	[smem:$0x3FAB] =	sst s0  }
0x18: {  	s0 =	sld [smem:$0x3F8E];
	_ =	swait.ge [sflag:s4], $0x0  }
0x19: {  	s7 =	sld [smem:$0x3F8F]  }
0x1a: {  	s8 =	sadd.s32 $0xFFFFE003, lr  }
0x1b: {  	s9 =	sadd.s32 $0xFFFFFEF7, lr;
	s5 =	simm.s32 $0xFFFFFFFF;
	p2 =	slt.u32 s8, $0xFFFFF086  }
0x1c: {  	p1 =	slt.u32 s9, $0xF7A;
	s5 =	simm.s32 @!p2 $0x0  }
0x1d: {  	s5 =	simm.s32 @p1 $0x1;
	p0 =	seq.s32 s7, s2  }
0x1e: {  	s7 =	smul.u32 @!p0 $0xF7A, s2;
	p2 =	seq.s32 @!p0 s5, $0x0  }
0x1f: {  	s9 =	smul.u32 $0xF7A, s1;
	s8 =	simm.s32 @!p0 $0x1BF5;
	p2 =	por !p2, p0  }
0x20: {  	[sflag:s8] =	ssyncset.s32 @!p0 $0xFFFFF086;
	s6 =	sadd.s32 @!p0 s3, s7;
	s7 =	simm.s32 @!p0 $0x108  }
0x21: {  	s3 =	sadd.s32 s3, s9;
	s6 =	sadd.s32 @!p0 $0x88, s6;
	s7 =	simm.s32 @p2 $0x1082  }
0x22: {  	[simem:s7], [sflag:s8] =	dma.local @!p0 [hbm:s6], $0xF7A  }
0x23: {  	s9 =	sor.u32 $0xD0000000, s2;
	s6 =	simm.s32 $0x108;
	_ =	swait.ge @!p0 [sflag:s8], $0x0  }
0x24: {  	s3 =	sadd.s32 $0x88, s3;
	s6 =	simm.s32 @!p1 $0x1082;
	[sflag:s4] =	ssyncset.s32 $0xFFFFF086  }
0x25: {  	[simem:s6], [sflag:s4] =	dma.local [hbm:s3], $0xF7A  }
0x26: {  	[smem:$0x3F8F] =	sst s1;
	(tag) =	ssettag s2;
	_ =	strace s9  }
0x27: {  	s1 =	sld [smem:$0x3F9F]  }
0x28: {  	s2 =	sld [smem:$0x3FA0]  }
0x29: {  	s4 =	sld [smem:$0x3FA2]  }
0x2a: {  	p0 =	seq.s32 s5, $0x0;
	s5 =	sld [smem:$0x3FA3]  }
0x2b: {  	s6 =	sld [smem:$0x3FA4]  }
0x2c: {  	s7 =	sld [smem:$0x3FA5]  }
0x2d: {  	s3 =	simm.s32 $0x108;
	s8 =	sld [smem:$0x3FA6]  }
0x2e: {  	s3 =	simm.s32 @!p0 $0x1082;
	s9 =	sld [smem:$0x3FA7]  }
0x2f: {  	lr =	sadd.s32 s0, s3;
	s0 =	sld [smem:$0x3F9E]  }
0x30: {  	s3 =	sld [smem:$0x3FA1]  }
0x31: {  	[smem:$0x3FAA] =	sst s10  }
0x32: {  	s10 =	sld [smem:$0x3FA8];
	_ =	sdelay $0x3  }
0x33: {  	p0 =	seq.s32 s10, $0x1;
	s10 =	sld [smem:$0x3FAA];
	_ =	sdelay $0x3  }
0x34: {  	[smem:$0x3FAA] =	sst s10  }
0x35: {  	s10 =	sld [smem:$0x3FA9];
	_ =	sdelay $0x3  }
0x36: {  	p1 =	seq.s32 s10, $0x1;
	s10 =	sld [smem:$0x3FAA];
	_ =	sdelay $0x3  }
0x37: {  	[smem:$0x3FAA] =	sst s10  }
0x38: {  	s10 =	sld [smem:$0x3FAB]  }
0x39: {  	_ = 	snop;
	(pc) =	sbr.ind lr, $3  }
0x3a: {  	_ = 	snop  }
0x3b: {  	_ = 	snop  }
0x3c: {  	p2 =	seq.s32 s10, $0x1;
	s10 =	sld [smem:$0x3FAA]  }
0x3d: {  	_ =	shalt  }
0x3e: {  	_ =	shalt  }
0x3f: {  	_ =	shalt  }
0x40: {  	_ =	shalt  }
0x41: {  	_ =	shalt  }
0x42: {  	_ =	shalt  }
0x43: {  	_ =	shalt  }
0x44: {  	_ =	shalt  }
0x45: {  	_ =	shalt  }
0x46: {  	_ =	shalt  }
0x47: {  	_ =	shalt  }
0x48: {  	_ =	shalt  }
0x49: {  	_ =	shalt  }
0x4a: {  	_ =	shalt  }
0x4b: {  	_ =	shalt  }
0x4c: {  	_ =	shalt  }
0x4d: {  	_ =	shalt  }
0x4e: {  	_ =	shalt  }
0x4f: {  	_ =	shalt  }
0x50: {  	_ =	shalt  }
0x51: {  	_ =	shalt  }
0x52: {  	_ =	shalt  }
0x53: {  	_ =	shalt  }
0x54: {  	_ =	shalt  }
0x55: {  	_ =	shalt  }
0x56: {  	_ =	shalt  }
0x57: {  	_ =	shalt  }
0x58: {  	_ =	shalt  }
0x59: {  	_ =	shalt  }
0x5a: {  	_ =	shalt  }
0x5b: {  	_ =	shalt  }
0x5c: {  	_ =	shalt  }
0x5d: {  	_ =	shalt  }
0x5e: {  	_ =	shalt  }
0x5f: {  	_ =	shalt  }
0x60: {  	_ =	shalt  }
0x61: {  	_ =	shalt  }
0x62: {  	_ =	shalt  }
0x63: {  	_ =	shalt  }
0x64: {  	_ =	shalt  }
0x65: {  	_ =	shalt  }
0x66: {  	_ =	shalt  }
0x67: {  	_ =	shalt  }
0x68: {  	_ =	shalt  }
0x69: {  	_ =	shalt  }
0x6a: {  	_ =	shalt  }
0x6b: {  	_ =	shalt  }
0x6c: {  	_ =	shalt  }
0x6d: {  	_ =	shalt  }
0x6e: {  	_ =	shalt  }
0x6f: {  	_ =	shalt  }
0x70: {  	_ =	shalt  }
0x71: {  	_ =	shalt  }
0x72: {  	_ =	shalt  }
0x73: {  	_ =	shalt  }
0x74: {  	_ =	shalt  }
0x75: {  	_ =	shalt  }
0x76: {  	_ =	shalt  }
0x77: {  	_ =	shalt  }
0x78: {  	_ =	shalt  }
0x79: {  	_ =	shalt  }
0x7a: {  	_ =	shalt  }
0x7b: {  	_ =	shalt  }
0x7c: {  	_ =	shalt  }
0x7d: {  	_ =	shalt  }
0x7e: {  	_ =	shalt  }
0x7f: {  	_ =	shalt  }
0x80: {  	_ =	shalt  }
0x81: {  	_ =	shalt  }
0x82: {  	_ =	shalt  }
0x83: {  	_ =	shalt  }
0x84: {  	_ =	shalt  }
0x85: {  	_ =	shalt  }
0x86: {  	_ =	shalt  }
0x87: {  	_ =	shalt  }
.Lfunc_end0:
.L_simem_size_0:
called_computation_lowered:
.L_overlay_start_0:
0x88: {  	s2 =	sld [smem:$0x3FD9]  }
0x89: {  	s3 =	sld [smem:$0x3FFE];
	_ =	sdelay $0x1  }
0x8a: {  	s1 =	srdreg.scid  }
0x8b: {  	s0 =	sand.u32 $0x1, s1  }
0x8c: {  	s17 =	sshll.u32 s0, $0xA;
	s2 =	sadd.s32 s3, s2  }
0x8d: {  	s2 =	sadd.s32 s2, s17  }
0x8e: {  	[smem:$0x3FB6] =	sst s2  }
0x8f: {  	_ = 	snop  }
0x90: {  	s2 =	sld [smem:$0x3FD0];
	(tm) =	ssettm $0x1  }
0x91: {  	s18 =	sld [smem:$0x3FFB];
	_ =	sdelay $0x3  }
0x92: {  	_ =	strace s18  }
0x93: {  	s3 =	sld [smem:$0x3FFC];
	_ =	sdelay $0x3  }
0x94: {  	_ =	strace s3  }
0x95: {  	s3 =	sld [smem:$0x3FFD];
	_ =	sdelay $0x3  }
0x96: {  	_ =	strace s3  }
0x97: {  	_ =	strace $0x8FFFFFFF  }
0x98: {  	s19 =	sld [smem:$0x3FDB];
	_ =	sdelay $0x1  }
0x99: {  	s4 =	simm.s32 $_scs_section_size  }
0x9a: {  	s5 =	simm.s32 $_size__tile_overlayer_lowered;
	s6 =	simm.s32 $_tile_overlayer_lowered  }
0x9b: {  	s22 =	simm.s32 $0x1BFF;
	s21 =	sshll.u32 s6, $0x1;
	s3 =	sadd.s32 s4, s19  }
0x9c: {  	s7 =	simm.s32 $0x0;
	s20 =	sshll.u32 s5, $0x1;
	s5 =	sadd.s32 s21, s3  }
0x9d: {  	[timem:s7], [sflag:s22] =	dma.local [hbm:s5], s20  }
0x9e: {  	_ =	swait.ge [sflag:s22], s20  }
0x9f: {  	s4 =	ssub.s32 $0x0, s20;
	[sflag:s22] =	ssyncset.done $0x0  }
0xa0: {  	[sflag:s22] =	ssyncadd.s32 s4;
	_ =	sdelay $0x1  }
0xa1: {  	s23 =	simm.s32 $0x1B8B  }
0xa2: {  	_ =	swait.ge [sflag:s23], $0x1  }
0xa3: {  	[sflag:s23] =	ssyncset.done $0x0  }
0xa4: {  	s25 =	simm.s32 $0x1B8E;
	s24 =	sld [smem:$0x3FFE];
	[sflag:s23] =	ssyncadd.s32 $0xFFFFFFFF  }
0xa5: {  	s26 =	simm.s32 $execute0_lowered;
	[smem:$0x3FD2] =	sst s25  }
0xa6: {  	s5 =	sshll.u32 s26, $0x1;
	_ =	strace $0x80000046;
	[dreg:$0x1] =	wrdreg $0xFFFFFFFF  }
0xa7: {  	s28 =	simm.s32 $_size_execute0_lowered;
	s3 =	sadd.s32 s3, s5;
	[dreg:$0x0] =	wrdreg $0x0  }
0xa8: {  	s5 =	sshll.u32 s28, $0x1;
	[dreg:$0x2] =	wrdreg s3  }
0xa9: {  	[dreg:$0x3] =	wrdreg s5  }
0xaa: {  	[dreg:$0x4] =	wrdreg $0xC0  }
0xab: {  	_ =	task [dreg:s7], $0x5FFFF  }
0xac: {  	[dreg:$0x1] =	wrdreg $0xFFFFFFFF  }
0xad: {  	[dreg:$0x0] =	wrdreg $0x60  }
0xae: {  	[dreg:$0x2] =	wrdreg s24  }
0xaf: {  	[dreg:$0x3] =	wrdreg s2  }
0xb0: {  	[dreg:$0x4] =	wrdreg $0x153000  }
0xb1: {  	[dreg:$0x5] =	wrdreg $0x18F000  }
0xb2: {  	[dreg:$0x6] =	wrdreg $0x1CF000  }
0xb3: {  	[dreg:$0x7] =	wrdreg $0x9  }
0xb4: {  	_ =	task.clear_ibuf [dreg:s7], $0x8FFFF;
	_ =	strace $0x90000046  }
0xb5: {  	s29 =	simm.s32 $0x9;
	_ =	strace $0x80000048  }
0xb6: {  	_ =	swait.ge [sflag:s29], $0x1  }
0xb7: {  	[sflag:s29] =	ssyncadd.s32 $0xFFFFFFFF  }
0xb8: {  	_ =	strace $0x90000048  }
0xb9: {  	_ =	sfence  }
0xba: {  	s30 =	sld [smem:$0x0];
	_ =	sdelay $0x2  }
0xbb: {  	s31 =	sshll.u32 s1, $0xD;
	s1 =	sshrl.u32 s1, $0x2  }
0xbc: {  	s3 =	sand.u32 $0x4000, s31;
	s1 =	sadd.s32 s1, s30  }
0xbd: {  	s0 =	sor.u32 s3, s0;
	s1 =	sshll.u32 s1, $0x11  }
0xbe: {  	s0 =	sor.u32 s1, s0  }
0xbf: {  	s0 =	sadd.s32 $0x8F2B, s0  }
0xc0: {  	[sflag:s0] =	ssyncadd.remote.s32 $0x1  }
0xc1: {  	_ =	sfence.sel $0xFFFF  }
0xc2: {  	[dreg:$0x0] =	wrdreg $0xFFFFFFFF;
	(pc) =	sbr.abs _section_cstart, $3  }
0xc3: {  	[dreg:$0x1] =	wrdreg $0xFFFFFFFF  }
0xc4: {  	_ =	task.clear_ibuf [dreg:s7], $0x2FFFF;
	_ =	strace $0x9FFFFFFF  }
0xc5: {  	(tm) =	ssettm $0x7FFFFFFF  }
tec
execute0_lowered:
.L_overlay_start_1:
0x0: {  	(tag) =	ssettag $0x1  }
0x1: {  	s0 =	rddreg [dreg:$0x0]  }
0x2: {  	s2 =	rddreg [dreg:$0x1]  }
0x3: {  	s1 =	rddreg [dreg:$0x2]  }
0x4: {  	s4 =	srdreg.scid;
	s15 =	stileid.u32  }
0x5: {  	s3 =	rddreg [dreg:$0x3];
	s6 =	sand.u32 $0x1, s4;
	s5 =	sshll.u32 s15, $0x1  }
0x6: {  	s4 =	rddreg [dreg:$0x4];
	s12 =	smul.u32 $0x3C00, s15;
	s8 =	sadd.s32 $0x2DA00, s0  }
0x7: {  	s14 =	sshll.u32 s15, $0xB;
	s9 =	sor.u32 s6, s5;
	s5 =	simm.s32 $0x0  }
0x8: {  	s10 =	ssub.s32 $0x2, s6;
	s6 =	sadd.s32 $0x26200, s0;
	s7 =	smul.u32 $0xC40, s9  }
0x9: {  	[smem:$0x7FF] =	sst s5;
	s13 =	sshrl.u32 s10, $0x1;
	s16 =	smul.u32 $0xC350, s9  }
0xa: {  	s18 =	sshrl.u32 s12, $0x3;
	_ =	strace $0x80000047;
	s7 =	sshrl.u32 s7, $0x3  }
0xb: {  	s26 =	sadd.s32 s2, s16;
	s11 =	sadd.s32 s7, s0;
	s7 =	sadd.s32 $0x1E200, s0  }
0xc: {  	s0 =	ssub.s32 s10, s13;
	s10 =	sadd.s32 s6, s18;
	[dreg:$0xe] =	wrdreg s26  }
0xd: {  	[dreg:$0x6] =	wrdreg s10;
	s14 =	sadd.s32 s7, s14  }
0xe: {  	s21 =	sadd.s32 $0x2800, s11;
	[dreg:$0x7] =	wrdreg s14  }
0xf: {  	s22 =	sadd.s32 $0x5900, s11;
	[dreg:$0x9] =	wrdreg s21  }
0x10: {  	s23 =	sadd.s32 $0x8A00, s11;
	[dreg:$0xa] =	wrdreg s22  }
0x11: {  	s19 =	sshll.u32 s15, $0x6;
	s24 =	sadd.s32 $0xBB00, s11;
	[dreg:$0xb] =	wrdreg s23  }
0x12: {  	s9 =	smul.u32 $0x61A80, s9;
	s25 =	sadd.s32 $0xEC00, s11;
	[dreg:$0xc] =	wrdreg s24  }
0x13: {  	s20 =	sshll.u32 s15, $0xE;
	s16 =	sadd.s32 $0x14E00, s11;
	[dreg:$0xd] =	wrdreg s25  }
0x14: {  	s9 =	sshrl.u32 s9, $0x3;
	s17 =	sadd.s32 $0x17F00, s11;
	[dreg:$0x10] =	wrdreg s16  }
0x15: {  	s2 =	sadd.s32 s2, s9;
	s18 =	sadd.s32 $0x1B000, s11;
	[dreg:$0x11] =	wrdreg s17  }
0x16: {  	s10 =	sor.u32 $0x1C07, s19;
	s19 =	sadd.s32 $0x800, s2;
	[dreg:$0x12] =	wrdreg s18  }
0x17: {  	s13 =	sadd.s32 s20, s3;
	s20 =	sadd.s32 $0x1000, s2;
	[dreg:$0x13] =	wrdreg s19  }
0x18: {  	s26 =	sadd.s32 $0x4000, s2;
	[dreg:$0x14] =	wrdreg s20  }
0x19: {  	s21 =	sadd.s32 $0x1800, s2;
	[dreg:$0x1a] =	wrdreg s26  }
0x1a: {  	s29 =	simm.s32 $0x7;
	s22 =	sadd.s32 $0x2000, s2;
	[dreg:$0x15] =	wrdreg s21  }
0x1b: {  	s30 =	simm.s32 $0x80;
	s23 =	sadd.s32 $0x2800, s2;
	[dreg:$0x16] =	wrdreg s22  }
0x1c: {  	s31 =	simm.s32 $0x9300;
	s24 =	sadd.s32 $0x3000, s2;
	[dreg:$0x17] =	wrdreg s23  }
0x1d: {  	s15 =	smul.u32 $0x2C00, s15;
	s25 =	sadd.s32 $0x3800, s2;
	[dreg:$0x18] =	wrdreg s24  }
0x1e: {  	s12 =	sadd.s32 s12, s1;
	s16 =	sadd.s32 $0x5800, s2;
	[dreg:$0x19] =	wrdreg s25  }
0x1f: {  	s9 =	simm.s32 $0x2;
	s17 =	sadd.s32 $0x6000, s2;
	[dreg:$0x1d] =	wrdreg s16  }
0x20: {  	s14 =	sadd.s32 s15, s4;
	s18 =	sadd.s32 $0x6800, s2;
	[dreg:$0x1e] =	wrdreg s17  }
0x21: {  	s15 =	sshrl.u32 s15, $0x3;
	s19 =	sadd.s32 $0x7000, s2;
	[dreg:$0x1f] =	wrdreg s18  }
0x22: {  	s20 =	sadd.s32 $0x7800, s2;
	s26 =	sadd.s32 $0xA800, s2;
	[smem:$0x7F6] =	sst s19  }
0x23: {  	s15 =	sadd.s32 s8, s15;
	[smem:$0x7F7] =	sst s20;
	s21 =	sadd.s32 $0x8000, s2  }
0x24: {  	s22 =	sadd.s32 $0x8800, s2;
	s23 =	sadd.s32 $0x9000, s2;
	[smem:$0x7FD] =	sst s26  }
0x25: {  	s24 =	sadd.s32 $0x9800, s2;
	s25 =	sadd.s32 $0xA000, s2;
	[dreg:$0x8] =	wrdreg s15  }
0x26: {  	s26 =	sshrl.u32 s13, $0x3;
	s28 =	sshrl.u32 s14, $0x3;
	[smem:$0x7F8] =	sst s21  }
0x27: {  	s13 =	simm.s32 $0x4;
	s14 =	simm.s32 $0x5;
	[smem:$0x7F9] =	sst s22  }
0x28: {  	s16 =	simm.s32 $0x35;
	s17 =	simm.s32 $0x0;
	[smem:$0x7FA] =	sst s23  }
0x29: {  	s15 =	sadd.s32 $0x11D00, s11;
	s11 =	sadd.s32 $0x4800, s2;
	[smem:$0x7FB] =	sst s24  }
0x2a: {  	[smem:$0x7FC] =	sst s25;
	s21 =	sadd.s32 $0xB000, s2;
	s22 =	sadd.s32 $0xB800, s2  }
0x2b: {  	s23 =	sadd.s32 $0xC000, s2;
	s24 =	smax.u32 s0, $0x1;
	s25 =	sshrl.u32 s12, $0x3  }
0x2c: {  	s0 =	simm.s32 $0xD300;
	s12 =	simm.s32 $0x3;
	[dreg:$0xf] =	wrdreg s15  }
0x2d: {  	[dreg:$0x1b] =	wrdreg s11;
	s15 =	sadd.s32 $0x5000, s2;
	s2 =	simm.s32 $0x1  }
0x2e: {  	s11 =	simm.s32 $0x11300;
	[dreg:$0x1c] =	wrdreg s15;
	s15 =	simm.s32 $0x6  }
.LBB2_1:
0x2f: {  	s18 =	rddreg [dreg:$0x6]  }
0x30: {  	[spmem:s25], [sflag:s10] =	dma.local [hbm:s18], $0x780  }
0x31: {  	_ =	swait.ge [sflag:s29], $0x780  }
0x32: {  	[sflag:s29] =	ssyncset.done $0x0  }
0x33: {  	s19 =	rddreg [dreg:$0x7];
	[sflag:s29] =	ssyncadd.s32 $0xFFFFF880  }
0x34: {  	[spmem:s26], [sflag:s10] =	dma.local [hbm:s19], $0x800  }
0x35: {  	_ =	swait.ge [sflag:s29], $0x800  }
0x36: {  	[sflag:s29] =	ssyncset.done $0x0  }
0x37: {  	s20 =	rddreg [dreg:$0x8];
	[sflag:s29] =	ssyncadd.s32 $0xFFFFF800  }
0x38: {  	[spmem:s28], [sflag:s10] =	dma.local [hbm:s20], $0x580  }
0x39: {  	_ =	swait.ge [sflag:s29], $0x580  }
0x3a: {  	[sflag:s29] =	ssyncset.done $0x0  }
0x3b: {  	s19 =	rddreg [dreg:$0x9];
	[sflag:s29] =	ssyncadd.s32 $0xFFFFFA80  }
0x3c: {  	[tilespmem:s5], [sflag:$0x7] =	stream.linear.gather [hbm4b:s19+s5], $0xC40, $0x38;
	[tilespmem:$0x1FB00] =	vst v63  }
0x3d: {  	_ =	swait.ge [sflag:s29], $0xC40  }
0x3e: {  	[sflag:s29] =	ssyncset.done $0x0  }
0x3f: {  	s19 =	simm.s32 $0xC40;
	s20 =	rddreg [dreg:$0xa];
	[sflag:s29] =	ssyncadd.s32 $0xFFFFF3C0  }
0x40: {  	[tilespmem:s19], [sflag:$0x7] =	stream.linear.gather [hbm4b:s20+s5], $0xC40, $0x38;
	[tilespmem:$0x1FB00] =	vst v63  }
0x41: {  	_ =	swait.ge [sflag:s29], $0xC40  }
0x42: {  	[sflag:s29] =	ssyncset.done $0x0  }
0x43: {  	s20 =	simm.s32 $0x1880;
	s19 =	rddreg [dreg:$0xb];
	[sflag:s29] =	ssyncadd.s32 $0xFFFFF3C0  }
0x44: {  	[tilespmem:s20], [sflag:$0x7] =	stream.linear.gather [hbm4b:s19+s5], $0xC40, $0x38;
	[tilespmem:$0x1FB00] =	vst v63  }
0x45: {  	_ =	swait.ge [sflag:s29], $0xC40  }
0x46: {  	[sflag:s29] =	ssyncset.done $0x0  }
0x47: {  	s20 =	simm.s32 $0x24C0;
	s19 =	rddreg [dreg:$0xc];
	[sflag:s29] =	ssyncadd.s32 $0xFFFFF3C0  }
0x48: {  	[tilespmem:s20], [sflag:$0x7] =	stream.linear.gather [hbm4b:s19+s5], $0xC40, $0x38;
	[tilespmem:$0x1FB00] =	vst v63  }
0x49: {  	_ =	swait.ge [sflag:s29], $0xC40  }
0x4a: {  	[sflag:s29] =	ssyncset.done $0x0  }
0x4b: {  	s20 =	simm.s32 $0x3100;
	s19 =	rddreg [dreg:$0xd];
	[sflag:s29] =	ssyncadd.s32 $0xFFFFF3C0  }
0x4c: {  	[tilespmem:s20], [sflag:$0x7] =	stream.linear.gather [hbm4b:s19+s5], $0xC40, $0x38;
	[tilespmem:$0x1FB00] =	vst v63  }
0x4d: {  	_ =	swait.ge [sflag:s29], $0xC40  }
0x4e: {  	[sflag:s29] =	ssyncset.done $0x0  }
0x4f: {  	s20 =	simm.s32 $0x3D40;
	s19 =	rddreg [dreg:$0xf];
	[sflag:s29] =	ssyncadd.s32 $0xFFFFF3C0  }
0x50: {  	[tilespmem:s20], [sflag:$0x7] =	stream.linear.gather [hbm4b:s19+s5], $0xC40, $0x38;
	[tilespmem:$0x1FB00] =	vst v63  }
0x51: {  	_ =	swait.ge [sflag:s29], $0xC40  }
0x52: {  	[sflag:s29] =	ssyncset.done $0x0  }
0x53: {  	s20 =	simm.s32 $0x4980;
	s19 =	rddreg [dreg:$0x10];
	[sflag:s29] =	ssyncadd.s32 $0xFFFFF3C0  }
0x54: {  	[tilespmem:s20], [sflag:$0x7] =	stream.linear.gather [hbm4b:s19+s5], $0xC40, $0x38;
	[tilespmem:$0x1FB00] =	vst v63  }
0x55: {  	_ =	swait.ge [sflag:s29], $0xC40  }
0x56: {  	[sflag:s29] =	ssyncset.done $0x0  }
0x57: {  	s20 =	simm.s32 $0x55C0;
	s19 =	rddreg [dreg:$0x11];
	[sflag:s29] =	ssyncadd.s32 $0xFFFFF3C0  }
0x58: {  	[tilespmem:s20], [sflag:$0x7] =	stream.linear.gather [hbm4b:s19+s5], $0xC40, $0x38;
	[tilespmem:$0x1FB00] =	vst v63  }
0x59: {  	_ =	swait.ge [sflag:s29], $0xC40  }
0x5a: {  	[sflag:s29] =	ssyncset.done $0x0  }
0x5b: {  	s20 =	simm.s32 $0x6200;
	s19 =	rddreg [dreg:$0x12];
	[sflag:s29] =	ssyncadd.s32 $0xFFFFF3C0  }
0x5c: {  	[tilespmem:s20], [sflag:$0x7] =	stream.linear.gather [hbm4b:s19+s5], $0xC40, $0x38;
	[tilespmem:$0x1FB00] =	vst v63  }
0x5d: {  	_ =	swait.ge [sflag:s29], $0xC40  }
0x5e: {  	[sflag:s29] =	ssyncset.done $0x0  }
0x5f: {  	[sflag:s29] =	ssyncadd.s32 $0xFFFFF3C0  }
0x60: {  	s18 =	simm.s32 $0x0;
	[bflag:$0x0] =	sbarrier.arrive $0xFFFF  }
0x61: {  	v1 =	vld [tilespmem:s18+$0x55C0]  }
0x62: {  	v4 =	vld [tilespmem:s18+$0x6200]  }
0x63: {  	v5 =	vld [tilespmem:s18+$0xC40]  }
0x64: {  	v6 =	vld [tilespmem:s18+$0x24C0]  }
0x65: {  	v2 =	vld [tilespmem:s18+$0x3D40]  }
0x66: {  	v0 =	vld [tilespmem:s18+$0x4980];
	v7 =	vmul.u32 $0x68, v1  }
0x67: {  	v3 =	vld [tilespmem:s18+$0x0];
	v4 =	vshll.u32 v4, $0x3  }
0x68: {  	v1 =	vld [tilespmem:s18+$0x1880];
	v8 =	vshll.u32 v5, $0x1;
	v7 =	vadd.s32 v7, v4  }
0x69: {  	s19 =	simm.s32 $0x10;
	s20 =	simm.s32 $0x80;
	v5 =	vshll.u32 v6, $0x7;
	v4 =	vld [tilespmem:s18+$0x3100];
	v6 =	vadd.s32 v8, v7  }
.LBB2_2:
0x6a: {  	p0 =	sne.s32 s20, $0x30C0;
	v7 =	vld [tilespmem:s19+$0x55C0];
	v2 =	vadd.s32 v2, v6  }
0x6b: {  	v6 =	vld [tilespmem:s19+$0x6200];
	v0 =	vshll.u32 v0, $0x3;
	[tilespmem:s18+$0x86C0] =	vst v2  }
0x6c: {  	v8 =	vld [tilespmem:s19+$0xC40];
	v2 =	vshll.u32 v3, $0x4;
	v0 =	vadd.s32 v5, v0  }
0x6d: {  	v5 =	vld [tilespmem:s19+$0x24C0];
	v1 =	vadd.s32 v1, v2  }
.Ltmp0:
0x6e: {  	v2 =	vld [tilespmem:s19+$0x3D40];
	[tilespmem:s18+$0x6E40] =	vst v1;
	v1 =	vadd.s32 v4, v0;
	(pc) =	sbr.rel @p0 .LBB2_2-.Ltmp0, $4  }
0x6f: {  	v0 =	vld [tilespmem:s19+$0x4980];
	v4 =	vmul.u32 $0x68, v7;
	[tilespmem:s18+$0x7A80] =	vst v1;
	s18 =	smov.u32 s19  }
0x70: {  	v3 =	vld [tilespmem:s18+$0x0];
	v6 =	vshll.u32 v6, $0x3  }
0x71: {  	v1 =	vld [tilespmem:s18+$0x1880];
	v6 =	vadd.s32 v4, v6;
	v7 =	vshll.u32 v8, $0x1  }
0x72: {  	s19 =	sshra.s32 s20, $0x2;
	s20 =	sadd.s32 $0x40, s20;
	v4 =	vld [tilespmem:s18+$0x3100];
	v5 =	vshll.u32 v5, $0x7;
	v6 =	vadd.s32 v7, v6  }
0x73: {  	v7 =	vld [tilespmem:s19+$0x55C0];
	v2 =	vadd.s32 v2, v6  }
0x74: {  	v57 =	vld [tilespmem:s19+$0x6200];
	[tilespmem:s18+$0x86C0] =	vst v2  }
0x75: {  	v0 =	vshll.u32 v0, $0x3;
	v2 =	vld [tilespmem:s19+$0xC40];
	v3 =	vshll.u32 v3, $0x4  }
0x76: {  	v8 =	vld [tilespmem:s19+$0x24C0];
	v0 =	vadd.s32 v5, v0;
	v1 =	vadd.s32 v1, v3  }
0x77: {  	v58 =	vld [tilespmem:s19+$0x3D40];
	[tilespmem:s18+$0x6E40] =	vst v1;
	v0 =	vadd.s32 v4, v0  }
0x78: {  	v1 =	vld [tilespmem:s19+$0x4980];
	[tilespmem:s18+$0x7A80] =	vst v0  }
0x79: {  	v0 =	vld [tilespmem:s19+$0x0]  }
0x7a: {  	v59 =	vmul.u32 $0x68, v7;
	v60 =	vld [tilespmem:s19+$0x1880]  }
0x7b: {  	v6 =	vshll.u32 v57, $0x3;
	v61 =	vld [tilespmem:s19+$0x3100]  }
0x7c: {  	v4 =	vadd.s32 v59, v6;
	v2 =	vshll.u32 v2, $0x1  }
0x7d: {  	v62 =	vshll.u32 v8, $0x7;
	v2 =	vadd.s32 v2, v4  }
0x7e: {  	v2 =	vadd.s32 v58, v2;
	v1 =	vshll.u32 v1, $0x3;
	v0 =	vshll.u32 v0, $0x4  }
0x7f: {  	[tilespmem:s19+$0x86C0] =	vst v2;
	v1 =	vadd.s32 v62, v1;
	v0 =	vadd.s32 v60, v0  }
0x80: {  	v63 =	vadd.s32 v61, v1;
	[tilespmem:s19+$0x6E40] =	vst v0  }
0x81: {  	s20 =	simm.s32 $0x6E40;
	[tilespmem:s19+$0x7A80] =	vst v63  }
0x82: {  	[tilespmem:s31], [sflag:$0x1] =	stream.indirect.gather [spmem:s1], $0x80, s20, s30, $0xb8;
	[tilespmem:$0x1FB00] =	vst v63  }
0x83: {  	_ =	swait.ge [sflag:s2], $0x4000  }
0x84: {  	[sflag:s2] =	ssyncset.done $0x0  }
0x85: {  	s19 =	simm.s32 $0x7A80;
	[sflag:s2] =	ssyncadd.s32 $0xFFFFC000  }
0x86: {  	[tilespmem:s31], [sflag:$0x1] =	stream.indirect.gather.add.f32 [spmem:s3], $0x80, s19, s30, $0xb8;
	[tilespmem:$0x1FB00] =	vst v63  }
0x87: {  	s20 =	simm.s32 $0x86C0  }
0x88: {  	[tilespmem:s31], [sflag:$0x1] =	stream.indirect.gather.add.f32 [spmem:s4], $0x80, s20, s30, $0xb8;
	[tilespmem:$0x1FB00] =	vst v63  }
0x89: {  	s19 =	simm.s32 $0x6EC0  }
0x8a: {  	[tilespmem:s0], [sflag:$0x2] =	stream.indirect.gather [spmem:s1], $0x80, s19, s30, $0xb8;
	[tilespmem:$0x1FB00] =	vst v63  }
0x8b: {  	_ =	swait.ge [sflag:s9], $0x4000  }
0x8c: {  	[sflag:s9] =	ssyncset.done $0x0  }
0x8d: {  	s20 =	simm.s32 $0x7B00;
	[sflag:s9] =	ssyncadd.s32 $0xFFFFC000  }
0x8e: {  	[tilespmem:s0], [sflag:$0x2] =	stream.indirect.gather.add.f32 [spmem:s3], $0x80, s20, s30, $0xb8;
	[tilespmem:$0x1FB00] =	vst v63  }
0x8f: {  	s19 =	simm.s32 $0x8740  }
0x90: {  	[tilespmem:s0], [sflag:$0x2] =	stream.indirect.gather.add.f32 [spmem:s4], $0x80, s19, s30, $0xb8;
	[tilespmem:$0x1FB00] =	vst v63  }
0x91: {  	s20 =	simm.s32 $0x6F40  }
0x92: {  	[tilespmem:s11], [sflag:$0x3] =	stream.indirect.gather [hbm4b:s6+s30], $0x80, s20, s30, $0xb8;
	[tilespmem:$0x1FB00] =	vst v63  }
0x93: {  	_ =	swait.ge [sflag:s2], $0x4000  }
0x94: {  	[sflag:s2] =	ssyncset.done $0x0  }
0x95: {  	[sflag:s2] =	ssyncadd.s32 $0xFFFFC000  }
0x96: {  	_ =	swait.ge [sflag:s2], $0x4000  }
0x97: {  	[sflag:s2] =	ssyncset.done $0x0  }
0x98: {  	s19 =	rddreg [dreg:$0xe];
	[sflag:s2] =	ssyncadd.s32 $0xFFFFC000  }
0x99: {  	[hbm4b:s19+s5] =	stream.linear.scatter [tilespmem:s31], [sflag:$0x4], $0x4000, $0x38;
	[tilespmem:$0x1FB00] =	vst v63  }
0x9a: {  	_ =	swait.ge [sflag:s12], $0x4000  }
0x9b: {  	[sflag:s12] =	ssyncset.done $0x0  }
0x9c: {  	s20 =	simm.s32 $0x7B80;
	[sflag:s12] =	ssyncadd.s32 $0xFFFFC000  }
0x9d: {  	[tilespmem:s11], [sflag:$0x3] =	stream.indirect.gather.add.f32 [hbm:s7], $0x80, s20, s30, $0xb8;
	[tilespmem:$0x1FB00] =	vst v63  }
0x9e: {  	s19 =	simm.s32 $0x87C0  }
0x9f: {  	[tilespmem:s11], [sflag:$0x3] =	stream.indirect.gather.add.f32 [hbm:s8], $0x80, s19, s30, $0xb8;
	[tilespmem:$0x1FB00] =	vst v63  }
0xa0: {  	_ =	swait.ge [sflag:s13], $0x4000  }
0xa1: {  	[sflag:s13] =	ssyncset.done $0x0  }
0xa2: {  	s20 =	simm.s32 $0x6FC0;
	[sflag:s13] =	ssyncadd.s32 $0xFFFFC000  }
0xa3: {  	[tilespmem:s31], [sflag:$0x1] =	stream.indirect.gather [spmem:s1], $0x80, s20, s30, $0xb8;
	[tilespmem:$0x1FB00] =	vst v63  }
0xa4: {  	_ =	swait.ge [sflag:s9], $0x4000  }
0xa5: {  	[sflag:s9] =	ssyncset.done $0x0  }
0xa6: {  	[sflag:s9] =	ssyncadd.s32 $0xFFFFC000  }
0xa7: {  	_ =	swait.ge [sflag:s9], $0x4000  }
0xa8: {  	[sflag:s9] =	ssyncset.done $0x0  }
0xa9: {  	s19 =	rddreg [dreg:$0x13];
	[sflag:s9] =	ssyncadd.s32 $0xFFFFC000  }
0xaa: {  	[hbm4b:s19+s5] =	stream.linear.scatter [tilespmem:s0], [sflag:$0x5], $0x4000, $0x38;
	[tilespmem:$0x1FB00] =	vst v63  }
0xab: {  	_ =	swait.ge [sflag:s2], $0x4000  }
0xac: {  	[sflag:s2] =	ssyncset.done $0x0  }
0xad: {  	s20 =	simm.s32 $0x7C00;
	[sflag:s2] =	ssyncadd.s32 $0xFFFFC000  }
0xae: {  	[tilespmem:s31], [sflag:$0x1] =	stream.indirect.gather.add.f32 [spmem:s3], $0x80, s20, s30, $0xb8;
	[tilespmem:$0x1FB00] =	vst v63  }
0xaf: {  	s19 =	simm.s32 $0x8840  }
0xb0: {  	[tilespmem:s31], [sflag:$0x1] =	stream.indirect.gather.add.f32 [spmem:s4], $0x80, s19, s30, $0xb8;
	[tilespmem:$0x1FB00] =	vst v63  }
0xb1: {  	_ =	swait.ge [sflag:s14], $0x4000  }
0xb2: {  	[sflag:s14] =	ssyncset.done $0x0  }
0xb3: {  	s20 =	simm.s32 $0x7040;
	[sflag:s14] =	ssyncadd.s32 $0xFFFFC000  }
0xb4: {  	[tilespmem:s0], [sflag:$0x2] =	stream.indirect.gather [spmem:s1], $0x80, s20, s30, $0xb8;
	[tilespmem:$0x1FB00] =	vst v63  }
0xb5: {  	_ =	swait.ge [sflag:s12], $0x4000  }
0xb6: {  	[sflag:s12] =	ssyncset.done $0x0  }
0xb7: {  	[sflag:s12] =	ssyncadd.s32 $0xFFFFC000  }
0xb8: {  	_ =	swait.ge [sflag:s12], $0x4000  }
0xb9: {  	[sflag:s12] =	ssyncset.done $0x0  }
0xba: {  	s19 =	rddreg [dreg:$0x14];
	[sflag:s12] =	ssyncadd.s32 $0xFFFFC000  }
0xbb: {  	[hbm4b:s19+s5] =	stream.linear.scatter [tilespmem:s11], [sflag:$0x6], $0x4000, $0x38;
	[tilespmem:$0x1FB00] =	vst v63  }
0xbc: {  	_ =	swait.ge [sflag:s9], $0x4000  }
0xbd: {  	[sflag:s9] =	ssyncset.done $0x0  }
0xbe: {  	s20 =	simm.s32 $0x7C80;
	[sflag:s9] =	ssyncadd.s32 $0xFFFFC000  }
0xbf: {  	[tilespmem:s0], [sflag:$0x2] =	stream.indirect.gather.add.f32 [spmem:s3], $0x80, s20, s30, $0xb8;
	[tilespmem:$0x1FB00] =	vst v63  }
0xc0: {  	s19 =	simm.s32 $0x88C0  }
0xc1: {  	[tilespmem:s0], [sflag:$0x2] =	stream.indirect.gather.add.f32 [spmem:s4], $0x80, s19, s30, $0xb8;
	[tilespmem:$0x1FB00] =	vst v63  }
0xc2: {  	_ =	swait.ge [sflag:s15], $0x4000  }
0xc3: {  	[sflag:s15] =	ssyncset.done $0x0  }
0xc4: {  	s20 =	simm.s32 $0x70C0;
	[sflag:s15] =	ssyncadd.s32 $0xFFFFC000  }
0xc5: {  	[tilespmem:s11], [sflag:$0x3] =	stream.indirect.gather [hbm4b:s6+s30], $0x80, s20, s30, $0xb8;
	[tilespmem:$0x1FB00] =	vst v63  }
0xc6: {  	_ =	swait.ge [sflag:s2], $0x4000  }
0xc7: {  	[sflag:s2] =	ssyncset.done $0x0  }
0xc8: {  	[sflag:s2] =	ssyncadd.s32 $0xFFFFC000  }
0xc9: {  	_ =	swait.ge [sflag:s2], $0x4000  }
0xca: {  	[sflag:s2] =	ssyncset.done $0x0  }
0xcb: {  	s19 =	rddreg [dreg:$0x15];
	[sflag:s2] =	ssyncadd.s32 $0xFFFFC000  }
0xcc: {  	[hbm4b:s19+s5] =	stream.linear.scatter [tilespmem:s31], [sflag:$0x4], $0x4000, $0x38;
	[tilespmem:$0x1FB00] =	vst v63  }
0xcd: {  	_ =	swait.ge [sflag:s12], $0x4000  }
0xce: {  	[sflag:s12] =	ssyncset.done $0x0  }
0xcf: {  	s20 =	simm.s32 $0x7D00;
	[sflag:s12] =	ssyncadd.s32 $0xFFFFC000  }
0xd0: {  	[tilespmem:s11], [sflag:$0x3] =	stream.indirect.gather.add.f32 [hbm:s7], $0x80, s20, s30, $0xb8;
	[tilespmem:$0x1FB00] =	vst v63  }
0xd1: {  	s19 =	simm.s32 $0x8940  }
0xd2: {  	[tilespmem:s11], [sflag:$0x3] =	stream.indirect.gather.add.f32 [hbm:s8], $0x80, s19, s30, $0xb8;
	[tilespmem:$0x1FB00] =	vst v63  }
0xd3: {  	_ =	swait.ge [sflag:s13], $0x4000  }
0xd4: {  	[sflag:s13] =	ssyncset.done $0x0  }
0xd5: {  	s20 =	simm.s32 $0x7140;
	[sflag:s13] =	ssyncadd.s32 $0xFFFFC000  }
0xd6: {  	[tilespmem:s31], [sflag:$0x1] =	stream.indirect.gather [spmem:s1], $0x80, s20, s30, $0xb8;
	[tilespmem:$0x1FB00] =	vst v63  }
0xd7: {  	_ =	swait.ge [sflag:s9], $0x4000  }
0xd8: {  	[sflag:s9] =	ssyncset.done $0x0  }
0xd9: {  	[sflag:s9] =	ssyncadd.s32 $0xFFFFC000  }
0xda: {  	_ =	swait.ge [sflag:s9], $0x4000  }
0xdb: {  	[sflag:s9] =	ssyncset.done $0x0  }
0xdc: {  	s19 =	rddreg [dreg:$0x16];
	[sflag:s9] =	ssyncadd.s32 $0xFFFFC000  }
0xdd: {  	[hbm4b:s19+s5] =	stream.linear.scatter [tilespmem:s0], [sflag:$0x5], $0x4000, $0x38;
	[tilespmem:$0x1FB00] =	vst v63  }
0xde: {  	_ =	swait.ge [sflag:s2], $0x4000  }
0xdf: {  	[sflag:s2] =	ssyncset.done $0x0  }
0xe0: {  	s20 =	simm.s32 $0x7D80;
	[sflag:s2] =	ssyncadd.s32 $0xFFFFC000  }
0xe1: {  	[tilespmem:s31], [sflag:$0x1] =	stream.indirect.gather.add.f32 [spmem:s3], $0x80, s20, s30, $0xb8;
	[tilespmem:$0x1FB00] =	vst v63  }
0xe2: {  	s19 =	simm.s32 $0x89C0  }
0xe3: {  	[tilespmem:s31], [sflag:$0x1] =	stream.indirect.gather.add.f32 [spmem:s4], $0x80, s19, s30, $0xb8;
	[tilespmem:$0x1FB00] =	vst v63  }
0xe4: {  	_ =	swait.ge [sflag:s14], $0x4000  }
0xe5: {  	[sflag:s14] =	ssyncset.done $0x0  }
0xe6: {  	s20 =	simm.s32 $0x71C0;
	[sflag:s14] =	ssyncadd.s32 $0xFFFFC000  }
0xe7: {  	[tilespmem:s0], [sflag:$0x2] =	stream.indirect.gather [spmem:s1], $0x80, s20, s30, $0xb8;
	[tilespmem:$0x1FB00] =	vst v63  }
0xe8: {  	_ =	swait.ge [sflag:s12], $0x4000  }
0xe9: {  	[sflag:s12] =	ssyncset.done $0x0  }
0xea: {  	[sflag:s12] =	ssyncadd.s32 $0xFFFFC000  }
0xeb: {  	_ =	swait.ge [sflag:s12], $0x4000  }
0xec: {  	[sflag:s12] =	ssyncset.done $0x0  }
0xed: {  	s19 =	rddreg [dreg:$0x17];
	[sflag:s12] =	ssyncadd.s32 $0xFFFFC000  }
0xee: {  	[hbm4b:s19+s5] =	stream.linear.scatter [tilespmem:s11], [sflag:$0x6], $0x4000, $0x38;
	[tilespmem:$0x1FB00] =	vst v63  }
0xef: {  	_ =	swait.ge [sflag:s9], $0x4000  }
0xf0: {  	[sflag:s9] =	ssyncset.done $0x0  }
0xf1: {  	s20 =	simm.s32 $0x7E00;
	[sflag:s9] =	ssyncadd.s32 $0xFFFFC000  }
0xf2: {  	[tilespmem:s0], [sflag:$0x2] =	stream.indirect.gather.add.f32 [spmem:s3], $0x80, s20, s30, $0xb8;
	[tilespmem:$0x1FB00] =	vst v63  }
0xf3: {  	s19 =	simm.s32 $0x8A40  }
0xf4: {  	[tilespmem:s0], [sflag:$0x2] =	stream.indirect.gather.add.f32 [spmem:s4], $0x80, s19, s30, $0xb8;
	[tilespmem:$0x1FB00] =	vst v63  }
0xf5: {  	_ =	swait.ge [sflag:s15], $0x4000  }
0xf6: {  	[sflag:s15] =	ssyncset.done $0x0  }
0xf7: {  	s20 =	simm.s32 $0x7240;
	[sflag:s15] =	ssyncadd.s32 $0xFFFFC000  }
0xf8: {  	[tilespmem:s11], [sflag:$0x3] =	stream.indirect.gather [hbm4b:s6+s30], $0x80, s20, s30, $0xb8;
	[tilespmem:$0x1FB00] =	vst v63  }
0xf9: {  	_ =	swait.ge [sflag:s2], $0x4000  }
0xfa: {  	[sflag:s2] =	ssyncset.done $0x0  }
0xfb: {  	[sflag:s2] =	ssyncadd.s32 $0xFFFFC000  }
0xfc: {  	_ =	swait.ge [sflag:s2], $0x4000  }
0xfd: {  	[sflag:s2] =	ssyncset.done $0x0  }
0xfe: {  	s19 =	rddreg [dreg:$0x18];
	[sflag:s2] =	ssyncadd.s32 $0xFFFFC000  }
0xff: {  	[hbm4b:s19+s5] =	stream.linear.scatter [tilespmem:s31], [sflag:$0x4], $0x4000, $0x38;
	[tilespmem:$0x1FB00] =	vst v63  }
0x100: {  	_ =	swait.ge [sflag:s12], $0x4000  }
0x101: {  	[sflag:s12] =	ssyncset.done $0x0  }
0x102: {  	s20 =	simm.s32 $0x7E80;
	[sflag:s12] =	ssyncadd.s32 $0xFFFFC000  }
0x103: {  	[tilespmem:s11], [sflag:$0x3] =	stream.indirect.gather.add.f32 [hbm:s7], $0x80, s20, s30, $0xb8;
	[tilespmem:$0x1FB00] =	vst v63  }
0x104: {  	s19 =	simm.s32 $0x8AC0  }
0x105: {  	[tilespmem:s11], [sflag:$0x3] =	stream.indirect.gather.add.f32 [hbm:s8], $0x80, s19, s30, $0xb8;
	[tilespmem:$0x1FB00] =	vst v63  }
0x106: {  	_ =	swait.ge [sflag:s13], $0x4000  }
0x107: {  	[sflag:s13] =	ssyncset.done $0x0  }
0x108: {  	s20 =	simm.s32 $0x72C0;
	[sflag:s13] =	ssyncadd.s32 $0xFFFFC000  }
0x109: {  	[tilespmem:s31], [sflag:$0x1] =	stream.indirect.gather [spmem:s1], $0x80, s20, s30, $0xb8;
	[tilespmem:$0x1FB00] =	vst v63  }
0x10a: {  	_ =	swait.ge [sflag:s9], $0x4000  }
0x10b: {  	[sflag:s9] =	ssyncset.done $0x0  }
0x10c: {  	[sflag:s9] =	ssyncadd.s32 $0xFFFFC000  }
0x10d: {  	_ =	swait.ge [sflag:s9], $0x4000  }
0x10e: {  	[sflag:s9] =	ssyncset.done $0x0  }
0x10f: {  	s19 =	rddreg [dreg:$0x19];
	[sflag:s9] =	ssyncadd.s32 $0xFFFFC000  }
0x110: {  	[hbm4b:s19+s5] =	stream.linear.scatter [tilespmem:s0], [sflag:$0x5], $0x4000, $0x38;
	[tilespmem:$0x1FB00] =	vst v63  }
0x111: {  	_ =	swait.ge [sflag:s2], $0x4000  }
0x112: {  	[sflag:s2] =	ssyncset.done $0x0  }
0x113: {  	s20 =	simm.s32 $0x7F00;
	[sflag:s2] =	ssyncadd.s32 $0xFFFFC000  }
0x114: {  	[tilespmem:s31], [sflag:$0x1] =	stream.indirect.gather.add.f32 [spmem:s3], $0x80, s20, s30, $0xb8;
	[tilespmem:$0x1FB00] =	vst v63  }
0x115: {  	s19 =	simm.s32 $0x8B40  }
0x116: {  	[tilespmem:s31], [sflag:$0x1] =	stream.indirect.gather.add.f32 [spmem:s4], $0x80, s19, s30, $0xb8;
	[tilespmem:$0x1FB00] =	vst v63  }
0x117: {  	_ =	swait.ge [sflag:s14], $0x4000  }
0x118: {  	[sflag:s14] =	ssyncset.done $0x0  }
0x119: {  	s20 =	simm.s32 $0x7340;
	[sflag:s14] =	ssyncadd.s32 $0xFFFFC000  }
0x11a: {  	[tilespmem:s0], [sflag:$0x2] =	stream.indirect.gather [spmem:s1], $0x80, s20, s30, $0xb8;
	[tilespmem:$0x1FB00] =	vst v63  }
0x11b: {  	_ =	swait.ge [sflag:s12], $0x4000  }
0x11c: {  	[sflag:s12] =	ssyncset.done $0x0  }
0x11d: {  	[sflag:s12] =	ssyncadd.s32 $0xFFFFC000  }
0x11e: {  	_ =	swait.ge [sflag:s12], $0x4000  }
0x11f: {  	[sflag:s12] =	ssyncset.done $0x0  }
0x120: {  	s19 =	rddreg [dreg:$0x1a];
	[sflag:s12] =	ssyncadd.s32 $0xFFFFC000  }
0x121: {  	[hbm4b:s19+s5] =	stream.linear.scatter [tilespmem:s11], [sflag:$0x6], $0x4000, $0x38;
	[tilespmem:$0x1FB00] =	vst v63  }
0x122: {  	_ =	swait.ge [sflag:s9], $0x4000  }
0x123: {  	[sflag:s9] =	ssyncset.done $0x0  }
0x124: {  	s20 =	simm.s32 $0x7F80;
	[sflag:s9] =	ssyncadd.s32 $0xFFFFC000  }
0x125: {  	[tilespmem:s0], [sflag:$0x2] =	stream.indirect.gather.add.f32 [spmem:s3], $0x80, s20, s30, $0xb8;
	[tilespmem:$0x1FB00] =	vst v63  }
0x126: {  	s19 =	simm.s32 $0x8BC0  }
0x127: {  	[tilespmem:s0], [sflag:$0x2] =	stream.indirect.gather.add.f32 [spmem:s4], $0x80, s19, s30, $0xb8;
	[tilespmem:$0x1FB00] =	vst v63  }
0x128: {  	_ =	swait.ge [sflag:s15], $0x4000  }
0x129: {  	[sflag:s15] =	ssyncset.done $0x0  }
0x12a: {  	s20 =	simm.s32 $0x73C0;
	[sflag:s15] =	ssyncadd.s32 $0xFFFFC000  }
0x12b: {  	[tilespmem:s11], [sflag:$0x3] =	stream.indirect.gather [hbm4b:s6+s30], $0x80, s20, s30, $0xb8;
	[tilespmem:$0x1FB00] =	vst v63  }
0x12c: {  	_ =	swait.ge [sflag:s2], $0x4000  }
0x12d: {  	[sflag:s2] =	ssyncset.done $0x0  }
0x12e: {  	[sflag:s2] =	ssyncadd.s32 $0xFFFFC000  }
0x12f: {  	_ =	swait.ge [sflag:s2], $0x4000  }
0x130: {  	[sflag:s2] =	ssyncset.done $0x0  }
0x131: {  	s19 =	rddreg [dreg:$0x1b];
	[sflag:s2] =	ssyncadd.s32 $0xFFFFC000  }
0x132: {  	[hbm4b:s19+s5] =	stream.linear.scatter [tilespmem:s31], [sflag:$0x4], $0x4000, $0x38;
	[tilespmem:$0x1FB00] =	vst v63  }
0x133: {  	_ =	swait.ge [sflag:s12], $0x4000  }
0x134: {  	[sflag:s12] =	ssyncset.done $0x0  }
0x135: {  	s20 =	simm.s32 $0x8000;
	[sflag:s12] =	ssyncadd.s32 $0xFFFFC000  }
0x136: {  	[tilespmem:s11], [sflag:$0x3] =	stream.indirect.gather.add.f32 [hbm:s7], $0x80, s20, s30, $0xb8;
	[tilespmem:$0x1FB00] =	vst v63  }
0x137: {  	s19 =	simm.s32 $0x8C40  }
0x138: {  	[tilespmem:s11], [sflag:$0x3] =	stream.indirect.gather.add.f32 [hbm:s8], $0x80, s19, s30, $0xb8;
	[tilespmem:$0x1FB00] =	vst v63  }
0x139: {  	_ =	swait.ge [sflag:s13], $0x4000  }
0x13a: {  	[sflag:s13] =	ssyncset.done $0x0  }
0x13b: {  	s20 =	simm.s32 $0x7440;
	[sflag:s13] =	ssyncadd.s32 $0xFFFFC000  }
0x13c: {  	[tilespmem:s31], [sflag:$0x1] =	stream.indirect.gather [spmem:s1], $0x80, s20, s30, $0xb8;
	[tilespmem:$0x1FB00] =	vst v63  }
0x13d: {  	_ =	swait.ge [sflag:s9], $0x4000  }
0x13e: {  	[sflag:s9] =	ssyncset.done $0x0  }
0x13f: {  	[sflag:s9] =	ssyncadd.s32 $0xFFFFC000  }
0x140: {  	_ =	swait.ge [sflag:s9], $0x4000  }
0x141: {  	[sflag:s9] =	ssyncset.done $0x0  }
0x142: {  	s19 =	rddreg [dreg:$0x1c];
	[sflag:s9] =	ssyncadd.s32 $0xFFFFC000  }
0x143: {  	[hbm4b:s19+s5] =	stream.linear.scatter [tilespmem:s0], [sflag:$0x5], $0x4000, $0x38;
	[tilespmem:$0x1FB00] =	vst v63  }
0x144: {  	_ =	swait.ge [sflag:s2], $0x4000  }
0x145: {  	[sflag:s2] =	ssyncset.done $0x0  }
0x146: {  	s20 =	simm.s32 $0x8080;
	[sflag:s2] =	ssyncadd.s32 $0xFFFFC000  }
0x147: {  	[tilespmem:s31], [sflag:$0x1] =	stream.indirect.gather.add.f32 [spmem:s3], $0x80, s20, s30, $0xb8;
	[tilespmem:$0x1FB00] =	vst v63  }
0x148: {  	s19 =	simm.s32 $0x8CC0  }
0x149: {  	[tilespmem:s31], [sflag:$0x1] =	stream.indirect.gather.add.f32 [spmem:s4], $0x80, s19, s30, $0xb8;
	[tilespmem:$0x1FB00] =	vst v63  }
0x14a: {  	_ =	swait.ge [sflag:s14], $0x4000  }
0x14b: {  	[sflag:s14] =	ssyncset.done $0x0  }
0x14c: {  	s20 =	simm.s32 $0x74C0;
	[sflag:s14] =	ssyncadd.s32 $0xFFFFC000  }
0x14d: {  	[tilespmem:s0], [sflag:$0x2] =	stream.indirect.gather [spmem:s1], $0x80, s20, s30, $0xb8;
	[tilespmem:$0x1FB00] =	vst v63  }
0x14e: {  	_ =	swait.ge [sflag:s12], $0x4000  }
0x14f: {  	[sflag:s12] =	ssyncset.done $0x0  }
0x150: {  	[sflag:s12] =	ssyncadd.s32 $0xFFFFC000  }
0x151: {  	_ =	swait.ge [sflag:s12], $0x4000  }
0x152: {  	[sflag:s12] =	ssyncset.done $0x0  }
0x153: {  	s19 =	rddreg [dreg:$0x1d];
	[sflag:s12] =	ssyncadd.s32 $0xFFFFC000  }
0x154: {  	[hbm4b:s19+s5] =	stream.linear.scatter [tilespmem:s11], [sflag:$0x6], $0x4000, $0x38;
	[tilespmem:$0x1FB00] =	vst v63  }
0x155: {  	_ =	swait.ge [sflag:s9], $0x4000  }
0x156: {  	[sflag:s9] =	ssyncset.done $0x0  }
0x157: {  	s20 =	simm.s32 $0x8100;
	[sflag:s9] =	ssyncadd.s32 $0xFFFFC000  }
0x158: {  	[tilespmem:s0], [sflag:$0x2] =	stream.indirect.gather.add.f32 [spmem:s3], $0x80, s20, s30, $0xb8;
	[tilespmem:$0x1FB00] =	vst v63  }
0x159: {  	s19 =	simm.s32 $0x8D40  }
0x15a: {  	[tilespmem:s0], [sflag:$0x2] =	stream.indirect.gather.add.f32 [spmem:s4], $0x80, s19, s30, $0xb8;
	[tilespmem:$0x1FB00] =	vst v63  }
0x15b: {  	_ =	swait.ge [sflag:s15], $0x4000  }
0x15c: {  	[sflag:s15] =	ssyncset.done $0x0  }
0x15d: {  	s20 =	simm.s32 $0x7540;
	[sflag:s15] =	ssyncadd.s32 $0xFFFFC000  }
0x15e: {  	[tilespmem:s11], [sflag:$0x3] =	stream.indirect.gather [hbm4b:s6+s30], $0x80, s20, s30, $0xb8;
	[tilespmem:$0x1FB00] =	vst v63  }
0x15f: {  	_ =	swait.ge [sflag:s2], $0x4000  }
0x160: {  	[sflag:s2] =	ssyncset.done $0x0  }
0x161: {  	[sflag:s2] =	ssyncadd.s32 $0xFFFFC000  }
0x162: {  	_ =	swait.ge [sflag:s2], $0x4000  }
0x163: {  	[sflag:s2] =	ssyncset.done $0x0  }
0x164: {  	s19 =	rddreg [dreg:$0x1e];
	[sflag:s2] =	ssyncadd.s32 $0xFFFFC000  }
0x165: {  	[hbm4b:s19+s5] =	stream.linear.scatter [tilespmem:s31], [sflag:$0x4], $0x4000, $0x38;
	[tilespmem:$0x1FB00] =	vst v63  }
0x166: {  	_ =	swait.ge [sflag:s12], $0x4000  }
0x167: {  	[sflag:s12] =	ssyncset.done $0x0  }
0x168: {  	s20 =	simm.s32 $0x8180;
	[sflag:s12] =	ssyncadd.s32 $0xFFFFC000  }
0x169: {  	[tilespmem:s11], [sflag:$0x3] =	stream.indirect.gather.add.f32 [hbm:s7], $0x80, s20, s30, $0xb8;
	[tilespmem:$0x1FB00] =	vst v63  }
0x16a: {  	s19 =	simm.s32 $0x8DC0  }
0x16b: {  	[tilespmem:s11], [sflag:$0x3] =	stream.indirect.gather.add.f32 [hbm:s8], $0x80, s19, s30, $0xb8;
	[tilespmem:$0x1FB00] =	vst v63  }
0x16c: {  	_ =	swait.ge [sflag:s13], $0x4000  }
0x16d: {  	[sflag:s13] =	ssyncset.done $0x0  }
0x16e: {  	s20 =	simm.s32 $0x75C0;
	[sflag:s13] =	ssyncadd.s32 $0xFFFFC000  }
0x16f: {  	[tilespmem:s31], [sflag:$0x1] =	stream.indirect.gather [spmem:s1], $0x80, s20, s30, $0xb8;
	[tilespmem:$0x1FB00] =	vst v63  }
0x170: {  	_ =	swait.ge [sflag:s9], $0x4000  }
0x171: {  	[sflag:s9] =	ssyncset.done $0x0  }
0x172: {  	[sflag:s9] =	ssyncadd.s32 $0xFFFFC000  }
0x173: {  	_ =	swait.ge [sflag:s9], $0x4000  }
0x174: {  	[sflag:s9] =	ssyncset.done $0x0  }
0x175: {  	s19 =	rddreg [dreg:$0x1f];
	[sflag:s9] =	ssyncadd.s32 $0xFFFFC000  }
0x176: {  	[hbm4b:s19+s5] =	stream.linear.scatter [tilespmem:s0], [sflag:$0x5], $0x4000, $0x38;
	[tilespmem:$0x1FB00] =	vst v63  }
0x177: {  	_ =	swait.ge [sflag:s2], $0x4000  }
0x178: {  	[sflag:s2] =	ssyncset.done $0x0  }
0x179: {  	s20 =	simm.s32 $0x8200;
	[sflag:s2] =	ssyncadd.s32 $0xFFFFC000  }
0x17a: {  	[tilespmem:s31], [sflag:$0x1] =	stream.indirect.gather.add.f32 [spmem:s3], $0x80, s20, s30, $0xb8;
	[tilespmem:$0x1FB00] =	vst v63  }
0x17b: {  	s19 =	simm.s32 $0x8E40  }
0x17c: {  	[tilespmem:s31], [sflag:$0x1] =	stream.indirect.gather.add.f32 [spmem:s4], $0x80, s19, s30, $0xb8;
	[tilespmem:$0x1FB00] =	vst v63  }
0x17d: {  	_ =	swait.ge [sflag:s14], $0x4000  }
0x17e: {  	[sflag:s14] =	ssyncset.done $0x0  }
0x17f: {  	s20 =	simm.s32 $0x7640;
	[sflag:s14] =	ssyncadd.s32 $0xFFFFC000  }
0x180: {  	[tilespmem:s0], [sflag:$0x2] =	stream.indirect.gather [spmem:s1], $0x80, s20, s30, $0xb8;
	[tilespmem:$0x1FB00] =	vst v63  }
0x181: {  	_ =	swait.ge [sflag:s12], $0x4000  }
0x182: {  	[sflag:s12] =	ssyncset.done $0x0  }
0x183: {  	[sflag:s12] =	ssyncadd.s32 $0xFFFFC000  }
0x184: {  	_ =	swait.ge [sflag:s12], $0x4000  }
0x185: {  	s19 =	sld [smem:$0x7F6]  }
0x186: {  	[sflag:s12] =	ssyncset.done $0x0  }
0x187: {  	[sflag:s12] =	ssyncadd.s32 $0xFFFFC000  }
0x188: {  	[hbm4b:s19+s5] =	stream.linear.scatter [tilespmem:s11], [sflag:$0x6], $0x4000, $0x38;
	[tilespmem:$0x1FB00] =	vst v63  }
0x189: {  	_ =	swait.ge [sflag:s9], $0x4000  }
0x18a: {  	[sflag:s9] =	ssyncset.done $0x0  }
0x18b: {  	s20 =	simm.s32 $0x8280;
	[sflag:s9] =	ssyncadd.s32 $0xFFFFC000  }
0x18c: {  	[tilespmem:s0], [sflag:$0x2] =	stream.indirect.gather.add.f32 [spmem:s3], $0x80, s20, s30, $0xb8;
	[tilespmem:$0x1FB00] =	vst v63  }
0x18d: {  	s19 =	simm.s32 $0x8EC0  }
0x18e: {  	[tilespmem:s0], [sflag:$0x2] =	stream.indirect.gather.add.f32 [spmem:s4], $0x80, s19, s30, $0xb8;
	[tilespmem:$0x1FB00] =	vst v63  }
0x18f: {  	_ =	swait.ge [sflag:s15], $0x4000  }
0x190: {  	[sflag:s15] =	ssyncset.done $0x0  }
0x191: {  	s20 =	simm.s32 $0x76C0;
	[sflag:s15] =	ssyncadd.s32 $0xFFFFC000  }
0x192: {  	[tilespmem:s11], [sflag:$0x3] =	stream.indirect.gather [hbm4b:s6+s30], $0x80, s20, s30, $0xb8;
	[tilespmem:$0x1FB00] =	vst v63  }
0x193: {  	_ =	swait.ge [sflag:s2], $0x4000  }
0x194: {  	[sflag:s2] =	ssyncset.done $0x0  }
0x195: {  	[sflag:s2] =	ssyncadd.s32 $0xFFFFC000  }
0x196: {  	_ =	swait.ge [sflag:s2], $0x4000  }
0x197: {  	s19 =	sld [smem:$0x7F7]  }
0x198: {  	[sflag:s2] =	ssyncset.done $0x0  }
0x199: {  	[sflag:s2] =	ssyncadd.s32 $0xFFFFC000  }
0x19a: {  	[hbm4b:s19+s5] =	stream.linear.scatter [tilespmem:s31], [sflag:$0x4], $0x4000, $0x38;
	[tilespmem:$0x1FB00] =	vst v63  }
0x19b: {  	_ =	swait.ge [sflag:s12], $0x4000  }
0x19c: {  	[sflag:s12] =	ssyncset.done $0x0  }
0x19d: {  	s20 =	simm.s32 $0x8300;
	[sflag:s12] =	ssyncadd.s32 $0xFFFFC000  }
0x19e: {  	[tilespmem:s11], [sflag:$0x3] =	stream.indirect.gather.add.f32 [hbm:s7], $0x80, s20, s30, $0xb8;
	[tilespmem:$0x1FB00] =	vst v63  }
0x19f: {  	s19 =	simm.s32 $0x8F40  }
0x1a0: {  	[tilespmem:s11], [sflag:$0x3] =	stream.indirect.gather.add.f32 [hbm:s8], $0x80, s19, s30, $0xb8;
	[tilespmem:$0x1FB00] =	vst v63  }
0x1a1: {  	_ =	swait.ge [sflag:s13], $0x4000  }
0x1a2: {  	[sflag:s13] =	ssyncset.done $0x0  }
0x1a3: {  	s20 =	simm.s32 $0x7740;
	[sflag:s13] =	ssyncadd.s32 $0xFFFFC000  }
0x1a4: {  	[tilespmem:s31], [sflag:$0x1] =	stream.indirect.gather [spmem:s1], $0x80, s20, s30, $0xb8;
	[tilespmem:$0x1FB00] =	vst v63  }
0x1a5: {  	_ =	swait.ge [sflag:s9], $0x4000  }
0x1a6: {  	[sflag:s9] =	ssyncset.done $0x0  }
0x1a7: {  	[sflag:s9] =	ssyncadd.s32 $0xFFFFC000  }
0x1a8: {  	_ =	swait.ge [sflag:s9], $0x4000  }
0x1a9: {  	s19 =	sld [smem:$0x7F8]  }
0x1aa: {  	[sflag:s9] =	ssyncset.done $0x0  }
0x1ab: {  	[sflag:s9] =	ssyncadd.s32 $0xFFFFC000  }
0x1ac: {  	[hbm4b:s19+s5] =	stream.linear.scatter [tilespmem:s0], [sflag:$0x5], $0x4000, $0x38;
	[tilespmem:$0x1FB00] =	vst v63  }
0x1ad: {  	_ =	swait.ge [sflag:s2], $0x4000  }
0x1ae: {  	[sflag:s2] =	ssyncset.done $0x0  }
0x1af: {  	s20 =	simm.s32 $0x8380;
	[sflag:s2] =	ssyncadd.s32 $0xFFFFC000  }
0x1b0: {  	[tilespmem:s31], [sflag:$0x1] =	stream.indirect.gather.add.f32 [spmem:s3], $0x80, s20, s30, $0xb8;
	[tilespmem:$0x1FB00] =	vst v63  }
0x1b1: {  	s19 =	simm.s32 $0x8FC0  }
0x1b2: {  	[tilespmem:s31], [sflag:$0x1] =	stream.indirect.gather.add.f32 [spmem:s4], $0x80, s19, s30, $0xb8;
	[tilespmem:$0x1FB00] =	vst v63  }
0x1b3: {  	_ =	swait.ge [sflag:s14], $0x4000  }
0x1b4: {  	[sflag:s14] =	ssyncset.done $0x0  }
0x1b5: {  	s20 =	simm.s32 $0x77C0;
	[sflag:s14] =	ssyncadd.s32 $0xFFFFC000  }
0x1b6: {  	[tilespmem:s0], [sflag:$0x2] =	stream.indirect.gather [spmem:s1], $0x80, s20, s30, $0xb8;
	[tilespmem:$0x1FB00] =	vst v63  }
0x1b7: {  	_ =	swait.ge [sflag:s12], $0x4000  }
0x1b8: {  	[sflag:s12] =	ssyncset.done $0x0  }
0x1b9: {  	[sflag:s12] =	ssyncadd.s32 $0xFFFFC000  }
0x1ba: {  	_ =	swait.ge [sflag:s12], $0x4000  }
0x1bb: {  	s19 =	sld [smem:$0x7F9]  }
0x1bc: {  	[sflag:s12] =	ssyncset.done $0x0  }
0x1bd: {  	[sflag:s12] =	ssyncadd.s32 $0xFFFFC000  }
0x1be: {  	[hbm4b:s19+s5] =	stream.linear.scatter [tilespmem:s11], [sflag:$0x6], $0x4000, $0x38;
	[tilespmem:$0x1FB00] =	vst v63  }
0x1bf: {  	_ =	swait.ge [sflag:s9], $0x4000  }
0x1c0: {  	[sflag:s9] =	ssyncset.done $0x0  }
0x1c1: {  	s20 =	simm.s32 $0x8400;
	[sflag:s9] =	ssyncadd.s32 $0xFFFFC000  }
0x1c2: {  	[tilespmem:s0], [sflag:$0x2] =	stream.indirect.gather.add.f32 [spmem:s3], $0x80, s20, s30, $0xb8;
	[tilespmem:$0x1FB00] =	vst v63  }
0x1c3: {  	s19 =	simm.s32 $0x9040  }
0x1c4: {  	[tilespmem:s0], [sflag:$0x2] =	stream.indirect.gather.add.f32 [spmem:s4], $0x80, s19, s30, $0xb8;
	[tilespmem:$0x1FB00] =	vst v63  }
0x1c5: {  	_ =	swait.ge [sflag:s15], $0x4000  }
0x1c6: {  	[sflag:s15] =	ssyncset.done $0x0  }
0x1c7: {  	s20 =	simm.s32 $0x7840;
	[sflag:s15] =	ssyncadd.s32 $0xFFFFC000  }
0x1c8: {  	[tilespmem:s11], [sflag:$0x3] =	stream.indirect.gather [hbm4b:s6+s30], $0x80, s20, s30, $0xb8;
	[tilespmem:$0x1FB00] =	vst v63  }
0x1c9: {  	_ =	swait.ge [sflag:s2], $0x4000  }
0x1ca: {  	[sflag:s2] =	ssyncset.done $0x0  }
0x1cb: {  	[sflag:s2] =	ssyncadd.s32 $0xFFFFC000  }
0x1cc: {  	_ =	swait.ge [sflag:s2], $0x4000  }
0x1cd: {  	s19 =	sld [smem:$0x7FA]  }
0x1ce: {  	[sflag:s2] =	ssyncset.done $0x0  }
0x1cf: {  	[sflag:s2] =	ssyncadd.s32 $0xFFFFC000  }
0x1d0: {  	[hbm4b:s19+s5] =	stream.linear.scatter [tilespmem:s31], [sflag:$0x4], $0x4000, $0x38;
	[tilespmem:$0x1FB00] =	vst v63  }
0x1d1: {  	_ =	swait.ge [sflag:s12], $0x4000  }
0x1d2: {  	[sflag:s12] =	ssyncset.done $0x0  }
0x1d3: {  	s20 =	simm.s32 $0x8480;
	[sflag:s12] =	ssyncadd.s32 $0xFFFFC000  }
0x1d4: {  	[tilespmem:s11], [sflag:$0x3] =	stream.indirect.gather.add.f32 [hbm:s7], $0x80, s20, s30, $0xb8;
	[tilespmem:$0x1FB00] =	vst v63  }
0x1d5: {  	s19 =	simm.s32 $0x90C0  }
0x1d6: {  	[tilespmem:s11], [sflag:$0x3] =	stream.indirect.gather.add.f32 [hbm:s8], $0x80, s19, s30, $0xb8;
	[tilespmem:$0x1FB00] =	vst v63  }
0x1d7: {  	_ =	swait.ge [sflag:s13], $0x4000  }
0x1d8: {  	[sflag:s13] =	ssyncset.done $0x0  }
0x1d9: {  	s20 =	simm.s32 $0x78C0;
	[sflag:s13] =	ssyncadd.s32 $0xFFFFC000  }
0x1da: {  	[tilespmem:s31], [sflag:$0x1] =	stream.indirect.gather [spmem:s1], $0x80, s20, s30, $0xb8;
	[tilespmem:$0x1FB00] =	vst v63  }
0x1db: {  	_ =	swait.ge [sflag:s9], $0x4000  }
0x1dc: {  	[sflag:s9] =	ssyncset.done $0x0  }
0x1dd: {  	[sflag:s9] =	ssyncadd.s32 $0xFFFFC000  }
0x1de: {  	_ =	swait.ge [sflag:s9], $0x4000  }
0x1df: {  	s19 =	sld [smem:$0x7FB]  }
0x1e0: {  	[sflag:s9] =	ssyncset.done $0x0  }
0x1e1: {  	[sflag:s9] =	ssyncadd.s32 $0xFFFFC000  }
0x1e2: {  	[hbm4b:s19+s5] =	stream.linear.scatter [tilespmem:s0], [sflag:$0x5], $0x4000, $0x38;
	[tilespmem:$0x1FB00] =	vst v63  }
0x1e3: {  	_ =	swait.ge [sflag:s2], $0x4000  }
0x1e4: {  	[sflag:s2] =	ssyncset.done $0x0  }
0x1e5: {  	s20 =	simm.s32 $0x8500;
	[sflag:s2] =	ssyncadd.s32 $0xFFFFC000  }
0x1e6: {  	[tilespmem:s31], [sflag:$0x1] =	stream.indirect.gather.add.f32 [spmem:s3], $0x80, s20, s30, $0xb8;
	[tilespmem:$0x1FB00] =	vst v63  }
0x1e7: {  	s19 =	simm.s32 $0x9140  }
0x1e8: {  	[tilespmem:s31], [sflag:$0x1] =	stream.indirect.gather.add.f32 [spmem:s4], $0x80, s19, s30, $0xb8;
	[tilespmem:$0x1FB00] =	vst v63  }
0x1e9: {  	_ =	swait.ge [sflag:s14], $0x4000  }
0x1ea: {  	[sflag:s14] =	ssyncset.done $0x0  }
0x1eb: {  	s20 =	simm.s32 $0x7940;
	[sflag:s14] =	ssyncadd.s32 $0xFFFFC000  }
0x1ec: {  	[tilespmem:s0], [sflag:$0x2] =	stream.indirect.gather [spmem:s1], $0x80, s20, s30, $0xb8;
	[tilespmem:$0x1FB00] =	vst v63  }
0x1ed: {  	_ =	swait.ge [sflag:s12], $0x4000  }
0x1ee: {  	[sflag:s12] =	ssyncset.done $0x0  }
0x1ef: {  	[sflag:s12] =	ssyncadd.s32 $0xFFFFC000  }
0x1f0: {  	_ =	swait.ge [sflag:s12], $0x4000  }
0x1f1: {  	s19 =	sld [smem:$0x7FC]  }
0x1f2: {  	[sflag:s12] =	ssyncset.done $0x0  }
0x1f3: {  	[sflag:s12] =	ssyncadd.s32 $0xFFFFC000  }
0x1f4: {  	[hbm4b:s19+s5] =	stream.linear.scatter [tilespmem:s11], [sflag:$0x6], $0x4000, $0x38;
	[tilespmem:$0x1FB00] =	vst v63  }
0x1f5: {  	_ =	swait.ge [sflag:s9], $0x4000  }
0x1f6: {  	[sflag:s9] =	ssyncset.done $0x0  }
0x1f7: {  	s20 =	simm.s32 $0x8580;
	[sflag:s9] =	ssyncadd.s32 $0xFFFFC000  }
0x1f8: {  	[tilespmem:s0], [sflag:$0x2] =	stream.indirect.gather.add.f32 [spmem:s3], $0x80, s20, s30, $0xb8;
	[tilespmem:$0x1FB00] =	vst v63  }
0x1f9: {  	s19 =	simm.s32 $0x91C0  }
0x1fa: {  	[tilespmem:s0], [sflag:$0x2] =	stream.indirect.gather.add.f32 [spmem:s4], $0x80, s19, s30, $0xb8;
	[tilespmem:$0x1FB00] =	vst v63  }
0x1fb: {  	_ =	swait.ge [sflag:s15], $0x4000  }
0x1fc: {  	[sflag:s15] =	ssyncset.done $0x0  }
0x1fd: {  	s20 =	simm.s32 $0x79C0;
	[sflag:s15] =	ssyncadd.s32 $0xFFFFC000  }
0x1fe: {  	[tilespmem:s11], [sflag:$0x3] =	stream.indirect.gather [hbm4b:s6+s30], $0x80, s20, s30, $0xb8;
	[tilespmem:$0x1FB00] =	vst v63  }
0x1ff: {  	_ =	swait.ge [sflag:s2], $0x4000  }
0x200: {  	[sflag:s2] =	ssyncset.done $0x0  }
0x201: {  	[sflag:s2] =	ssyncadd.s32 $0xFFFFC000  }
0x202: {  	_ =	swait.ge [sflag:s2], $0x4000  }
0x203: {  	s19 =	sld [smem:$0x7FD]  }
0x204: {  	[sflag:s2] =	ssyncset.done $0x0  }
0x205: {  	[sflag:s2] =	ssyncadd.s32 $0xFFFFC000  }
0x206: {  	[hbm4b:s19+s5] =	stream.linear.scatter [tilespmem:s31], [sflag:$0x4], $0x4000, $0x38;
	[tilespmem:$0x1FB00] =	vst v63  }
0x207: {  	_ =	swait.ge [sflag:s12], $0x4000  }
0x208: {  	[sflag:s12] =	ssyncset.done $0x0  }
0x209: {  	s20 =	simm.s32 $0x8600;
	[sflag:s12] =	ssyncadd.s32 $0xFFFFC000  }
0x20a: {  	[tilespmem:s11], [sflag:$0x3] =	stream.indirect.gather.add.f32 [hbm:s7], $0x80, s20, s30, $0xb8;
	[tilespmem:$0x1FB00] =	vst v63  }
0x20b: {  	s19 =	simm.s32 $0x9240  }
0x20c: {  	[tilespmem:s11], [sflag:$0x3] =	stream.indirect.gather.add.f32 [hbm:s8], $0x80, s19, s30, $0xb8;
	[tilespmem:$0x1FB00] =	vst v63  }
0x20d: {  	_ =	swait.ge [sflag:s13], $0x4000  }
0x20e: {  	[sflag:s13] =	ssyncset.done $0x0  }
0x20f: {  	s20 =	simm.s32 $0x7A40;
	[sflag:s13] =	ssyncadd.s32 $0xFFFFC000  }
0x210: {  	[tilespmem:s31], [sflag:$0x1] =	stream.indirect.gather [spmem:s1], $0x80, s20, s16, $0xb8;
	[tilespmem:$0x1FB00] =	vst v63  }
0x211: {  	_ =	swait.ge [sflag:s9], $0x4000  }
0x212: {  	[sflag:s9] =	ssyncset.done $0x0  }
0x213: {  	[sflag:s9] =	ssyncadd.s32 $0xFFFFC000  }
0x214: {  	_ =	swait.ge [sflag:s9], $0x4000  }
0x215: {  	[sflag:s9] =	ssyncset.done $0x0  }
0x216: {  	[sflag:s9] =	ssyncadd.s32 $0xFFFFC000  }
0x217: {  	[hbm4b:s21+s5] =	stream.linear.scatter [tilespmem:s0], [sflag:$0x5], $0x4000, $0x38;
	[tilespmem:$0x1FB00] =	vst v63  }
0x218: {  	_ =	swait.ge [sflag:s2], $0x1A80  }
0x219: {  	[sflag:s2] =	ssyncset.done $0x0  }
0x21a: {  	s19 =	simm.s32 $0x8680;
	[sflag:s2] =	ssyncadd.s32 $0xFFFFE580  }
0x21b: {  	[tilespmem:s31], [sflag:$0x1] =	stream.indirect.gather.add.f32 [spmem:s3], $0x80, s19, s16, $0xb8;
	[tilespmem:$0x1FB00] =	vst v63  }
0x21c: {  	s20 =	simm.s32 $0x92C0  }
0x21d: {  	[tilespmem:s31], [sflag:$0x1] =	stream.indirect.gather.add.f32 [spmem:s4], $0x80, s20, s16, $0xb8;
	[tilespmem:$0x1FB00] =	vst v63  }
0x21e: {  	_ =	swait.ge [sflag:s12], $0x4000  }
0x21f: {  	[sflag:s12] =	ssyncset.done $0x0  }
0x220: {  	[sflag:s12] =	ssyncadd.s32 $0xFFFFC000  }
0x221: {  	_ =	swait.ge [sflag:s12], $0x4000  }
0x222: {  	[sflag:s12] =	ssyncset.done $0x0  }
0x223: {  	[sflag:s12] =	ssyncadd.s32 $0xFFFFC000  }
0x224: {  	[hbm4b:s22+s5] =	stream.linear.scatter [tilespmem:s11], [sflag:$0x6], $0x4000, $0x38;
	[tilespmem:$0x1FB00] =	vst v63  }
0x225: {  	_ =	swait.ge [sflag:s2], $0x1A80  }
0x226: {  	[sflag:s2] =	ssyncset.done $0x0  }
0x227: {  	[sflag:s2] =	ssyncadd.s32 $0xFFFFE580  }
0x228: {  	_ =	swait.ge [sflag:s2], $0x1A80  }
0x229: {  	[sflag:s2] =	ssyncset.done $0x0  }
0x22a: {  	[sflag:s2] =	ssyncadd.s32 $0xFFFFE580  }
0x22b: {  	[hbm4b:s23+s5] =	stream.linear.scatter [tilespmem:s31], [sflag:$0x4], $0x1A80, $0x38;
	[tilespmem:$0x1FB00] =	vst v63  }
0x22c: {  	_ =	swait.ge [sflag:s13], $0x1A80  }
0x22d: {  	[sflag:s13] =	ssyncset.done $0x0  }
0x22e: {  	s17 =	sadd.s32 $0x1, s17;
	[sflag:s13] =	ssyncadd.s32 $0xFFFFE580  }
0x22f: {  	p0 =	sne.s32 s17, s24;
	_ =	swait.ge [sflag:s14], $0x4000  }
.Ltmp1:
0x230: {  	[sflag:s14] =	ssyncset.done $0x0;
	(pc) =	sbr.rel @p0 .LBB2_1-.Ltmp1, $4  }
0x231: {  	[sflag:s14] =	ssyncadd.s32 $0xFFFFC000  }
0x232: {  	_ =	swait.ge [sflag:s15], $0x4000  }
0x233: {  	[sflag:s15] =	ssyncset.done $0x0  }
0x234: {  	[sflag:s15] =	ssyncadd.s32 $0xFFFFC000  }
0x235: {  	_ =	sfence.sel $0x180000  }
0x236: {  	[bflag:$0x0] =	sbarrier.arrive $0xFFFF  }
0x237: {  	_ =	strace $0x90000047  }
0x238: {  	s0 =	stileid.u32;
	[bflag:$0x2] =	sbarrier.arrive $0xFFFF  }
0x239: {  	p0 =	sne.s32 s0, $0x0;
	s0 =	rddreg [dreg:$0x5]  }
0x23a: {  	s0 =	sadd.s32 @!p0 $0x100000, s0  }
0x23b: {  	[sflag:s0] =	ssyncadd.tile.s32 @!p0 $0x1;
	_ =	shalt  }
.Lfunc_end2:
_tile_overlayer_lowered:
.L_overlay_start_2:
0x23c: {  	(tag) =	ssettag $0x2  }
0x23d: {  	s0 =	rddreg [dreg:$0x0];
	s2 =	stileid.u32  }
0x23e: {  	s1 =	rddreg [dreg:$0x1];
	p0 =	sne.s32 s2, $0x0  }
0x23f: {  	s3 =	rddreg [dreg:$0x2];
	[bflag:$0x3] =	sbarrier.arrive $0xFFFF;
	s2 =	simm.s32 @!p0 $0x1C07  }
0x240: {  	[timem:s3], [sflag:s2] =	dma.local @!p0 [hbm:s0], s1  }
0x241: {  	s0 =	simm.s32 @!p0 $0x7  }
0x242: {  	_ =	swait.ge @!p0 [sflag:s0], s1  }
0x243: {  	s1 =	ssub.s32 @!p0 $0x0, s1;
	[sflag:s0] =	ssyncset.done @!p0 $0x0  }
0x244: {  	[sflag:s0] =	ssyncadd.s32 @!p0 s1  }
0x245: {  	[bflag:$0x3] =	sbarrier.arrive $0xFFFF  }
0x246: {  	_ =	shalt  }

</sc_bundles>
